<compile_context>
chip_gen: v7x
topology: tpu7x:2x2x1
jax: 0.10.2.dev20260603
libtpu: 0.0.44.dev20260713+nightly
codegen_flags: <defaults>
</compile_context>

<pallas_src>
import functools

import jax
import jax.numpy as jnp
from jax import lax
from jax.experimental import pallas as pl
from jax.experimental.pallas import tpu as pltpu
from jax.experimental.pallas import tpu_sc as plsc

N = 10000
E = 320000
D = 128
DH = D // 2
NC = 2
NS = 16
LANES = 16
EPT = E // NS
K = 80
CH = EPT // K
NB = 3
RB = 624
ZR = 208
TAIL = N - NS * RB


def _sc_body(x_hbm, col_hbm, row_hbm, vals_hbm, out_hbm,
             col_buf, row_buf, vals_buf, zbuf, accum,
             g0, g1, g2,
             sg0, sg1, sg2,
             ss0, ss1, ss2):
    cid = lax.axis_index("c")
    sid = lax.axis_index("s")
    bufs = (g0, g1, g2)
    sems_g = (sg0, sg1, sg2)
    sems_s = (ss0, ss1, ss2)

    def zrow(r, _):
        for f in range(DH // LANES):
            zbuf[r, pl.ds(f * LANES, LANES)] = jnp.zeros((LANES,), jnp.float32)
        return 0
    lax.fori_loop(0, ZR, zrow, 0)
    for z in range(RB // ZR):
        pltpu.sync_copy(zbuf, accum.at[pl.ds(sid * RB + z * ZR, ZR)])

    @pl.when(sid == NS - 1)
    def _zero_tail():
        pltpu.sync_copy(zbuf.at[pl.ds(0, TAIL)], accum.at[pl.ds(NS * RB, TAIL)])
    plsc.subcore_barrier()

    pltpu.sync_copy(col_hbm.at[sid], col_buf)
    pltpu.sync_copy(row_hbm.at[sid], row_buf)
    pltpu.sync_copy(vals_hbm.at[sid], vals_buf)

    def adj(r, _):
        for f in range(K // LANES):
            sl = pl.ds(f * LANES, LANES)
            col_buf[r, sl] = col_buf[r, sl] * 2 + cid
        return 0
    lax.fori_loop(0, CH, adj, 0)

    def issue_gather(j, b):
        pltpu.async_copy(x_hbm.at[col_buf.at[j]], bufs[b], sems_g[b])

    def wait_gather(b):
        pltpu.make_async_copy(x_hbm.at[col_buf.at[0]], bufs[b],
                              sems_g[b]).wait()

    def issue_scatter(j, b):
        pltpu.async_copy(bufs[b], accum.at[row_buf.at[j]], sems_s[b], add=True)

    def wait_scatter(b):
        pltpu.make_async_copy(bufs[b], accum.at[row_buf.at[0]],
                              sems_s[b]).wait()

    def scale(j, b):
        gb = bufs[b]

        def body(g, _):
            vv = vals_buf[j, pl.ds(g * LANES, LANES)]
            for i in range(LANES):
                v = vv[i]
                e = g * LANES + i
                for f in range(DH // LANES):
                    sl = pl.ds(f * LANES, LANES)
                    gb[e, sl] = gb[e, sl] * v
            return 0
        lax.fori_loop(0, K // LANES, body, 0)

    issue_gather(0, 0)
    issue_gather(1, 1)
    for b in range(NB):
        j = b
        wait_gather(b)
        scale(j, b)
        issue_scatter(j, b)
        if j >= 1:
            wait_scatter((b - 1) % NB)
        issue_gather(j + NB - 1, (b + NB - 1) % NB)

    def outer(p, _):
        for b in range(NB):
            j = p * NB + b
            wait_gather(b)

            @pl.when(j + NB - 1 < CH)
            def _():
                issue_gather(j + NB - 1, (b + NB - 1) % NB)
        return 0
    lax.fori_loop(1, 1 + (CH - NB) // NB, outer, 0)

    for jl in range(NB + NB * ((CH - NB) // NB), CH):
        bl = jl % NB
        wait_gather(bl)
        scale(jl, bl)
        issue_scatter(jl, bl)
        wait_scatter((bl - 1) % NB)
    wait_scatter((CH - 1) % NB)

    plsc.subcore_barrier()
    pltpu.sync_copy(accum.at[pl.ds(sid * RB, RB)],
                    out_hbm.at[pl.ds(sid * RB, RB), pl.ds(cid * DH, DH)])

    @pl.when(sid == NS - 1)
    def _flush_tail():
        pltpu.sync_copy(accum.at[pl.ds(NS * RB, TAIL)],
                        out_hbm.at[pl.ds(NS * RB, TAIL), pl.ds(cid * DH, DH)])


_spmm_sc = functools.partial(
    pl.kernel,
    out_type=jax.ShapeDtypeStruct((N, D), jnp.float32),
    mesh=plsc.VectorSubcoreMesh(core_axis_name="c", subcore_axis_name="s"),
    compiler_params=pltpu.CompilerParams(use_tc_tiling_on_sc=False),
    scratch_types=(
        [
            pltpu.VMEM((CH, K), jnp.int32),
            pltpu.VMEM((CH, K), jnp.int32),
            pltpu.VMEM((CH, K), jnp.float32),
            pltpu.VMEM((ZR, DH), jnp.float32),
            pltpu.VMEM_SHARED((N, DH), jnp.float32),
        ]
        + [pltpu.VMEM((K, DH), jnp.float32) for _ in range(NB)]
        + [pltpu.SemaphoreType.DMA for _ in range(2 * NB)]
    ),
)(_sc_body)


def kernel(x, edge_index, edge_vals):
    xcat = x.reshape(2 * N, DH)
    col_r = edge_index[1].reshape(NS, CH, K)
    row_r = edge_index[0].reshape(NS, CH, K)
    vals_r = edge_vals.reshape(NS, CH, K)
    return _spmm_sc(xcat, col_r, row_r, vals_r)

# --- scband reference (transcript-rebuilt; emitter-appended) ---
"""Pipeline reference for scband-global-item-conv-26096221290894 (READ-ONLY COPY).

The authoritative reference and input builder live on the scoring server;
editing this copy changes nothing except your own understanding.
"""

import jax, jax.numpy as jnp
import numpy as np

N = 10000
E = 320000
D = 128
LAYERS = 1


def setup_inputs(seed: int = 0) -> dict:
    key = jax.random.key(seed)
    k1, k2, k3 = jax.random.split(key, 3)
    x = jax.random.normal(k1, (N, D), dtype=jnp.float32)
    edge_index = jax.random.randint(k2, (2, E), 0, N, dtype=jnp.int32)
    edge_vals = jax.random.uniform(k3, (E,), dtype=jnp.float32)
    return {"x": x, "edge_index": edge_index, "edge_vals": edge_vals}


def _spmm(edge_index, edge_vals, h):
    # sparse adj (COO: row=dst, col=src, val) times dense h
    row = edge_index[0]
    col = edge_index[1]
    msgs = jnp.take(h, col, axis=0) * edge_vals[:, None]   # gather
    return jax.ops.segment_sum(msgs, row, num_segments=N)  # scatter-add


def reference(x, edge_index, edge_vals):
    # GlobalItemConv.forward(x, adj) with feat_drop=0 (identity at eval)
    h = x
    final = [x]
    for _ in range(LAYERS):
        h = _spmm(edge_index, edge_vals, h)
        final.append(h)
    if LAYERS > 1:
        h = jnp.sum(jnp.stack(final), axis=0) / (LAYERS + 1)
    return h

if __name__ == "__main__":
    import jax
    _d = setup_inputs()
    print(jax.jit(kernel)(*tuple(_d.values())))

</pallas_src>

<mosaic_0001>
#map = affine_map<(d0, d1) -> (0, 0)>
#map1 = affine_map<(d0, d1) -> (0, 0, 0)>
module attributes {stable_mosaic.version = 14 : i64} {
  func.func @_sc_body(%arg0: i32, %arg1: i32, %arg2: memref<20000x64xf32, #tpu.memory_space<hbm>>, %arg3: memref<16x250x80xi32, #tpu.memory_space<hbm>>, %arg4: memref<16x250x80xi32, #tpu.memory_space<hbm>>, %arg5: memref<16x250x80xf32, #tpu.memory_space<hbm>>, %arg6: memref<10000x128xf32, #tpu.memory_space<hbm>>, %arg7: memref<250x80xi32, #tpu.memory_space<vmem>>, %arg8: memref<250x80xi32, #tpu.memory_space<vmem>>, %arg9: memref<250x80xf32, #tpu.memory_space<vmem>>, %arg10: memref<208x64xf32, #tpu.memory_space<vmem>>, %arg11: memref<10000x64xf32, #tpu.memory_space<vmem_shared>>, %arg12: memref<80x64xf32, #tpu.memory_space<vmem>>, %arg13: memref<80x64xf32, #tpu.memory_space<vmem>>, %arg14: memref<80x64xf32, #tpu.memory_space<vmem>>, %arg15: memref<!tpu.dma_semaphore, #tpu.memory_space<semaphore_mem>>, %arg16: memref<!tpu.dma_semaphore, #tpu.memory_space<semaphore_mem>>, %arg17: memref<!tpu.dma_semaphore, #tpu.memory_space<semaphore_mem>>, %arg18: memref<!tpu.dma_semaphore, #tpu.memory_space<semaphore_mem>>, %arg19: memref<!tpu.dma_semaphore, #tpu.memory_space<semaphore_mem>>, %arg20: memref<!tpu.dma_semaphore, #tpu.memory_space<semaphore_mem>>) attributes {dimension_semantics = [#tpu.dimension_semantics<core_parallel>, #tpu.dimension_semantics<subcore_parallel>], iteration_bounds = array<i64: 2, 16>, scalar_prefetch = 0 : i64, scratch_operands = 14 : i64, tpu.core_type = #tpu.core_type<sc_vector_subcore>, window_params = [{transform_indices = #map}, {transform_indices = #map1}, {transform_indices = #map1}, {transform_indices = #map1}, {transform_indices = #map}]} {
    %scan3A = arith.constant 0 : i32
    %scan3A_0 = arith.constant 0 : i32
    %scan3A_1 = arith.constant 208 : i32
    %scan3A_2 = arith.addi %scan3A_0, %scan3A_1 : i32
    %scan3A_3 = arith.constant 1 : i32
    %scan3A_4 = scf.for %scan3A_189 = %scan3A_0 to %scan3A_2 step %scan3A_3 iter_args(%scan3A_190 = %scan3A) -> (i32)  : i32 {
      %broadcast_in_dim3A = arith.constant 0.000000e+00 : f32
      %broadcast_in_dim3A_191 = vector.broadcast %broadcast_in_dim3A : f32 to vector<16xf32>
      %swap3A = arith.index_cast %scan3A_189 : i32 to index
      %swap3A_192 = arith.constant 0 : index
      %swap3A_193 = tpu.vector_load %arg10[%swap3A, %swap3A_192] {strides = array<i32>} : memref<208x64xf32, #tpu.memory_space<vmem>>, vector<1x16xf32>,
      %swap3A_194 = vector.shape_cast %swap3A_193 : vector<1x16xf32> to vector<16xf32>
      %swap3A_195 = vector.shape_cast %broadcast_in_dim3A_191 : vector<16xf32> to vector<1x16xf32>
      tpu.vector_store %arg10[%swap3A, %swap3A_192], %swap3A_195 {strides = array<i32>} : memref<208x64xf32, #tpu.memory_space<vmem>>, vector<1x16xf32>,
      %broadcast_in_dim3A_196 = arith.constant 0.000000e+00 : f32
      %broadcast_in_dim3A_197 = vector.broadcast %broadcast_in_dim3A_196 : f32 to vector<16xf32>
      %swap3A_198 = arith.index_cast %scan3A_189 : i32 to index
      %swap3A_199 = arith.constant 16 : index
      %swap3A_200 = tpu.vector_load %arg10[%swap3A_198, %swap3A_199] {strides = array<i32>} : memref<208x64xf32, #tpu.memory_space<vmem>>, vector<1x16xf32>,
      %swap3A_201 = vector.shape_cast %swap3A_200 : vector<1x16xf32> to vector<16xf32>
      %swap3A_202 = vector.shape_cast %broadcast_in_dim3A_197 : vector<16xf32> to vector<1x16xf32>
      tpu.vector_store %arg10[%swap3A_198, %swap3A_199], %swap3A_202 {strides = array<i32>} : memref<208x64xf32, #tpu.memory_space<vmem>>, vector<1x16xf32>,
      %broadcast_in_dim3A_203 = arith.constant 0.000000e+00 : f32
      %broadcast_in_dim3A_204 = vector.broadcast %broadcast_in_dim3A_203 : f32 to vector<16xf32>
      %swap3A_205 = arith.index_cast %scan3A_189 : i32 to index
      %swap3A_206 = arith.constant 32 : index
      %swap3A_207 = tpu.vector_load %arg10[%swap3A_205, %swap3A_206] {strides = array<i32>} : memref<208x64xf32, #tpu.memory_space<vmem>>, vector<1x16xf32>,
      %swap3A_208 = vector.shape_cast %swap3A_207 : vector<1x16xf32> to vector<16xf32>
      %swap3A_209 = vector.shape_cast %broadcast_in_dim3A_204 : vector<16xf32> to vector<1x16xf32>
      tpu.vector_store %arg10[%swap3A_205, %swap3A_206], %swap3A_209 {strides = array<i32>} : memref<208x64xf32, #tpu.memory_space<vmem>>, vector<1x16xf32>,
      %broadcast_in_dim3A_210 = arith.constant 0.000000e+00 : f32
      %broadcast_in_dim3A_211 = vector.broadcast %broadcast_in_dim3A_210 : f32 to vector<16xf32>
      %swap3A_212 = arith.index_cast %scan3A_189 : i32 to index
      %swap3A_213 = arith.constant 48 : index
      %swap3A_214 = tpu.vector_load %arg10[%swap3A_212, %swap3A_213] {strides = array<i32>} : memref<208x64xf32, #tpu.memory_space<vmem>>, vector<1x16xf32>,
      %swap3A_215 = vector.shape_cast %swap3A_214 : vector<1x16xf32> to vector<16xf32>
      %swap3A_216 = vector.shape_cast %broadcast_in_dim3A_211 : vector<16xf32> to vector<1x16xf32>
      tpu.vector_store %arg10[%swap3A_212, %swap3A_213], %swap3A_216 {strides = array<i32>} : memref<208x64xf32, #tpu.memory_space<vmem>>, vector<1x16xf32>,
      %scan3A_217 = arith.constant 0 : i32
      scf.yield %scan3A_217 : i32
    }
    %scan3A_5 = arith.constant 208 : i32
    %mul3A = arith.constant 624 : i32
    %mul3A_6 = arith.muli %arg1, %mul3A : i32
    %add3A = arith.constant 0 : i32
    %add3A_7 = arith.addi %mul3A_6, %add3A : i32
    "tpu.region"() ({
      %run_scoped3A = tpu.sem_alloc : memref<!tpu.dma_semaphore, #tpu.memory_space<semaphore_mem>>
      %dma_start3A_189 = arith.constant 0 : i32
      %dma_start3A_190 = tpu.memref_slice %arg11[%add3A_7, %dma_start3A_189] : memref<10000x64xf32, #tpu.memory_space<vmem_shared>> -> memref<208x64xf32, #tpu.memory_space<vmem_shared>>
      %dma_start3A_191 = arith.constant 0 : i32
      %dma_start3A_192 = tpu.memref_slice %arg11[%add3A_7, %dma_start3A_191] : memref<10000x64xf32, #tpu.memory_space<vmem_shared>> -> memref<208x64xf32, #tpu.memory_space<vmem_shared>>
      tpu.enqueue_dma source(%arg10 : memref<208x64xf32, #tpu.memory_space<vmem>>) target(%dma_start3A_192 : memref<208x64xf32, #tpu.memory_space<vmem_shared>>) target_semaphore(%run_scoped3A : memref<!tpu.dma_semaphore, #tpu.memory_space<semaphore_mem>>)
      %dma_wait3A_193 = arith.constant 0 : i32
      %dma_wait3A_194 = tpu.memref_slice %arg11[%add3A_7, %dma_wait3A_193] : memref<10000x64xf32, #tpu.memory_space<vmem_shared>> -> memref<208x64xf32, #tpu.memory_space<vmem_shared>>
      %dma_wait3A_195 = arith.constant 0 : i32
      %dma_wait3A_196 = tpu.memref_slice %arg11[%add3A_7, %dma_wait3A_195] : memref<10000x64xf32, #tpu.memory_space<vmem_shared>> -> memref<208x64xf32, #tpu.memory_space<vmem_shared>>
      tpu.wait_dma2 semaphore(%run_scoped3A : memref<!tpu.dma_semaphore, #tpu.memory_space<semaphore_mem>>) src(%arg10 : memref<208x64xf32, #tpu.memory_space<vmem>>) dst(%dma_wait3A_196 : memref<208x64xf32, #tpu.memory_space<vmem_shared>>)
      tpu.yield
    }) : () -> ()
    %mul3A_8 = arith.constant 624 : i32
    %mul3A_9 = arith.muli %arg1, %mul3A_8 : i32
    %add3A_10 = arith.constant 208 : i32
    %add3A_11 = arith.addi %mul3A_9, %add3A_10 : i32
    "tpu.region"() ({
      %run_scoped3A = tpu.sem_alloc : memref<!tpu.dma_semaphore, #tpu.memory_space<semaphore_mem>>
      %dma_start3A_189 = arith.constant 0 : i32
      %dma_start3A_190 = tpu.memref_slice %arg11[%add3A_11, %dma_start3A_189] : memref<10000x64xf32, #tpu.memory_space<vmem_shared>> -> memref<208x64xf32, #tpu.memory_space<vmem_shared>>
      %dma_start3A_191 = arith.constant 0 : i32
      %dma_start3A_192 = tpu.memref_slice %arg11[%add3A_11, %dma_start3A_191] : memref<10000x64xf32, #tpu.memory_space<vmem_shared>> -> memref<208x64xf32, #tpu.memory_space<vmem_shared>>
      tpu.enqueue_dma source(%arg10 : memref<208x64xf32, #tpu.memory_space<vmem>>) target(%dma_start3A_192 : memref<208x64xf32, #tpu.memory_space<vmem_shared>>) target_semaphore(%run_scoped3A : memref<!tpu.dma_semaphore, #tpu.memory_space<semaphore_mem>>)
      %dma_wait3A_193 = arith.constant 0 : i32
      %dma_wait3A_194 = tpu.memref_slice %arg11[%add3A_11, %dma_wait3A_193] : memref<10000x64xf32, #tpu.memory_space<vmem_shared>> -> memref<208x64xf32, #tpu.memory_space<vmem_shared>>
      %dma_wait3A_195 = arith.constant 0 : i32
      %dma_wait3A_196 = tpu.memref_slice %arg11[%add3A_11, %dma_wait3A_195] : memref<10000x64xf32, #tpu.memory_space<vmem_shared>> -> memref<208x64xf32, #tpu.memory_space<vmem_shared>>
      tpu.wait_dma2 semaphore(%run_scoped3A : memref<!tpu.dma_semaphore, #tpu.memory_space<semaphore_mem>>) src(%arg10 : memref<208x64xf32, #tpu.memory_space<vmem>>) dst(%dma_wait3A_196 : memref<208x64xf32, #tpu.memory_space<vmem_shared>>)
      tpu.yield
    }) : () -> ()
    %mul3A_12 = arith.constant 624 : i32
    %mul3A_13 = arith.muli %arg1, %mul3A_12 : i32
    %add3A_14 = arith.constant 416 : i32
    %add3A_15 = arith.addi %mul3A_13, %add3A_14 : i32
    "tpu.region"() ({
      %run_scoped3A = tpu.sem_alloc : memref<!tpu.dma_semaphore, #tpu.memory_space<semaphore_mem>>
      %dma_start3A_189 = arith.constant 0 : i32
      %dma_start3A_190 = tpu.memref_slice %arg11[%add3A_15, %dma_start3A_189] : memref<10000x64xf32, #tpu.memory_space<vmem_shared>> -> memref<208x64xf32, #tpu.memory_space<vmem_shared>>
      %dma_start3A_191 = arith.constant 0 : i32
      %dma_start3A_192 = tpu.memref_slice %arg11[%add3A_15, %dma_start3A_191] : memref<10000x64xf32, #tpu.memory_space<vmem_shared>> -> memref<208x64xf32, #tpu.memory_space<vmem_shared>>
      tpu.enqueue_dma source(%arg10 : memref<208x64xf32, #tpu.memory_space<vmem>>) target(%dma_start3A_192 : memref<208x64xf32, #tpu.memory_space<vmem_shared>>) target_semaphore(%run_scoped3A : memref<!tpu.dma_semaphore, #tpu.memory_space<semaphore_mem>>)
      %dma_wait3A_193 = arith.constant 0 : i32
      %dma_wait3A_194 = tpu.memref_slice %arg11[%add3A_15, %dma_wait3A_193] : memref<10000x64xf32, #tpu.memory_space<vmem_shared>> -> memref<208x64xf32, #tpu.memory_space<vmem_shared>>
      %dma_wait3A_195 = arith.constant 0 : i32
      %dma_wait3A_196 = tpu.memref_slice %arg11[%add3A_15, %dma_wait3A_195] : memref<10000x64xf32, #tpu.memory_space<vmem_shared>> -> memref<208x64xf32, #tpu.memory_space<vmem_shared>>
      tpu.wait_dma2 semaphore(%run_scoped3A : memref<!tpu.dma_semaphore, #tpu.memory_space<semaphore_mem>>) src(%arg10 : memref<208x64xf32, #tpu.memory_space<vmem>>) dst(%dma_wait3A_196 : memref<208x64xf32, #tpu.memory_space<vmem_shared>>)
      tpu.yield
    }) : () -> ()
    %eq3A = arith.constant 15 : i32
    %eq3A_16 = arith.cmpi eq, %arg1, %eq3A : i32
    %convert_element_type3A = arith.extui %eq3A_16 : i1 to i32
    %cond3A = arith.constant 0 : i32
    %cond3A_17 = arith.cmpi ne, %convert_element_type3A, %cond3A : i32
    scf.if %cond3A_17 {
      "tpu.region"() ({
        %run_scoped3A = tpu.sem_alloc : memref<!tpu.dma_semaphore, #tpu.memory_space<semaphore_mem>>
        %dma_start3A_189 = arith.constant 0 : i32
        %dma_start3A_190 = arith.constant 0 : i32
        %dma_start3A_191 = tpu.memref_slice %arg10[%dma_start3A_189, %dma_start3A_190] : memref<208x64xf32, #tpu.memory_space<vmem>> -> memref<16x64xf32, #tpu.memory_space<vmem>>
        %dma_start3A_192 = arith.constant 9984 : i32
        %dma_start3A_193 = arith.constant 0 : i32
        %dma_start3A_194 = tpu.memref_slice %arg11[%dma_start3A_192, %dma_start3A_193] : memref<10000x64xf32, #tpu.memory_space<vmem_shared>> -> memref<16x64xf32, #tpu.memory_space<vmem_shared>>
        %dma_start3A_195 = arith.constant 9984 : i32
        %dma_start3A_196 = arith.constant 0 : i32
        %dma_start3A_197 = tpu.memref_slice %arg11[%dma_start3A_195, %dma_start3A_196] : memref<10000x64xf32, #tpu.memory_space<vmem_shared>> -> memref<16x64xf32, #tpu.memory_space<vmem_shared>>
        %dma_start3A_198 = arith.constant 0 : i32
        %dma_start3A_199 = arith.constant 0 : i32
        %dma_start3A_200 = tpu.memref_slice %arg10[%dma_start3A_198, %dma_start3A_199] : memref<208x64xf32, #tpu.memory_space<vmem>> -> memref<16x64xf32, #tpu.memory_space<vmem>>
        tpu.enqueue_dma source(%dma_start3A_200 : memref<16x64xf32, #tpu.memory_space<vmem>>) target(%dma_start3A_197 : memref<16x64xf32, #tpu.memory_space<vmem_shared>>) target_semaphore(%run_scoped3A : memref<!tpu.dma_semaphore, #tpu.memory_space<semaphore_mem>>)
        %dma_wait3A_201 = arith.constant 0 : i32
        %dma_wait3A_202 = arith.constant 0 : i32
        %dma_wait3A_203 = tpu.memref_slice %arg10[%dma_wait3A_201, %dma_wait3A_202] : memref<208x64xf32, #tpu.memory_space<vmem>> -> memref<16x64xf32, #tpu.memory_space<vmem>>
        %dma_wait3A_204 = arith.constant 9984 : i32
        %dma_wait3A_205 = arith.constant 0 : i32
        %dma_wait3A_206 = tpu.memref_slice %arg11[%dma_wait3A_204, %dma_wait3A_205] : memref<10000x64xf32, #tpu.memory_space<vmem_shared>> -> memref<16x64xf32, #tpu.memory_space<vmem_shared>>
        %dma_wait3A_207 = arith.constant 9984 : i32
        %dma_wait3A_208 = arith.constant 0 : i32
        %dma_wait3A_209 = tpu.memref_slice %arg11[%dma_wait3A_207, %dma_wait3A_208] : memref<10000x64xf32, #tpu.memory_space<vmem_shared>> -> memref<16x64xf32, #tpu.memory_space<vmem_shared>>
        %dma_wait3A_210 = arith.constant 0 : i32
        %dma_wait3A_211 = arith.constant 0 : i32
        %dma_wait3A_212 = tpu.memref_slice %arg10[%dma_wait3A_210, %dma_wait3A_211] : memref<208x64xf32, #tpu.memory_space<vmem>> -> memref<16x64xf32, #tpu.memory_space<vmem>>
        tpu.wait_dma2 semaphore(%run_scoped3A : memref<!tpu.dma_semaphore, #tpu.memory_space<semaphore_mem>>) src(%dma_wait3A_212 : memref<16x64xf32, #tpu.memory_space<vmem>>) dst(%dma_wait3A_209 : memref<16x64xf32, #tpu.memory_space<vmem_shared>>)
        tpu.yield
      }) : () -> ()
    } else {
    }
    %barrier3A = arith.constant 0 : index
    tpu.barrier barrier_id(%barrier3A)
    "tpu.region"() ({
      %run_scoped3A = tpu.sem_alloc : memref<!tpu.dma_semaphore, #tpu.memory_space<semaphore_mem>>
      %dma_start3A_189 = arith.constant 0 : i32
      %dma_start3A_190 = arith.constant 0 : i32
      %dma_start3A_191 = tpu.memref_slice %arg3[%arg1, %dma_start3A_189, %dma_start3A_190] : memref<16x250x80xi32, #tpu.memory_space<hbm>> -> memref<1x250x80xi32, #tpu.memory_space<hbm>>
      %dma_start3A_192 = tpu.memref_squeeze %dma_start3A_191 : memref<1x250x80xi32, #tpu.memory_space<hbm>> -> memref<250x80xi32, #tpu.memory_space<hbm>>
      %dma_start3A_193 = arith.constant 0 : i32
      %dma_start3A_194 = arith.constant 0 : i32
      %dma_start3A_195 = tpu.memref_slice %arg3[%arg1, %dma_start3A_193, %dma_start3A_194] : memref<16x250x80xi32, #tpu.memory_space<hbm>> -> memref<1x250x80xi32, #tpu.memory_space<hbm>>
      %dma_start3A_196 = tpu.memref_squeeze %dma_start3A_195 : memref<1x250x80xi32, #tpu.memory_space<hbm>> -> memref<250x80xi32, #tpu.memory_space<hbm>>
      tpu.enqueue_dma source(%dma_start3A_196 : memref<250x80xi32, #tpu.memory_space<hbm>>) target(%arg7 : memref<250x80xi32, #tpu.memory_space<vmem>>) target_semaphore(%run_scoped3A : memref<!tpu.dma_semaphore, #tpu.memory_space<semaphore_mem>>)
      %dma_wait3A_197 = arith.constant 0 : i32
      %dma_wait3A_198 = arith.constant 0 : i32
      %dma_wait3A_199 = tpu.memref_slice %arg3[%arg1, %dma_wait3A_197, %dma_wait3A_198] : memref<16x250x80xi32, #tpu.memory_space<hbm>> -> memref<1x250x80xi32, #tpu.memory_space<hbm>>
      %dma_wait3A_200 = tpu.memref_squeeze %dma_wait3A_199 : memref<1x250x80xi32, #tpu.memory_space<hbm>> -> memref<250x80xi32, #tpu.memory_space<hbm>>
      %dma_wait3A_201 = arith.constant 0 : i32
      %dma_wait3A_202 = arith.constant 0 : i32
      %dma_wait3A_203 = tpu.memref_slice %arg3[%arg1, %dma_wait3A_201, %dma_wait3A_202] : memref<16x250x80xi32, #tpu.memory_space<hbm>> -> memref<1x250x80xi32, #tpu.memory_space<hbm>>
      %dma_wait3A_204 = tpu.memref_squeeze %dma_wait3A_203 : memref<1x250x80xi32, #tpu.memory_space<hbm>> -> memref<250x80xi32, #tpu.memory_space<hbm>>
      tpu.wait_dma2 semaphore(%run_scoped3A : memref<!tpu.dma_semaphore, #tpu.memory_space<semaphore_mem>>) src(%dma_wait3A_204 : memref<250x80xi32, #tpu.memory_space<hbm>>) dst(%arg7 : memref<250x80xi32, #tpu.memory_space<vmem>>)
      tpu.yield
    }) : () -> ()
    "tpu.region"() ({
      %run_scoped3A = tpu.sem_alloc : memref<!tpu.dma_semaphore, #tpu.memory_space<semaphore_mem>>
      %dma_start3A_189 = arith.constant 0 : i32
      %dma_start3A_190 = arith.constant 0 : i32
      %dma_start3A_191 = tpu.memref_slice %arg4[%arg1, %dma_start3A_189, %dma_start3A_190] : memref<16x250x80xi32, #tpu.memory_space<hbm>> -> memref<1x250x80xi32, #tpu.memory_space<hbm>>
      %dma_start3A_192 = tpu.memref_squeeze %dma_start3A_191 : memref<1x250x80xi32, #tpu.memory_space<hbm>> -> memref<250x80xi32, #tpu.memory_space<hbm>>
      %dma_start3A_193 = arith.constant 0 : i32
      %dma_start3A_194 = arith.constant 0 : i32
      %dma_start3A_195 = tpu.memref_slice %arg4[%arg1, %dma_start3A_193, %dma_start3A_194] : memref<16x250x80xi32, #tpu.memory_space<hbm>> -> memref<1x250x80xi32, #tpu.memory_space<hbm>>
      %dma_start3A_196 = tpu.memref_squeeze %dma_start3A_195 : memref<1x250x80xi32, #tpu.memory_space<hbm>> -> memref<250x80xi32, #tpu.memory_space<hbm>>
      tpu.enqueue_dma source(%dma_start3A_196 : memref<250x80xi32, #tpu.memory_space<hbm>>) target(%arg8 : memref<250x80xi32, #tpu.memory_space<vmem>>) target_semaphore(%run_scoped3A : memref<!tpu.dma_semaphore, #tpu.memory_space<semaphore_mem>>)
      %dma_wait3A_197 = arith.constant 0 : i32
      %dma_wait3A_198 = arith.constant 0 : i32
      %dma_wait3A_199 = tpu.memref_slice %arg4[%arg1, %dma_wait3A_197, %dma_wait3A_198] : memref<16x250x80xi32, #tpu.memory_space<hbm>> -> memref<1x250x80xi32, #tpu.memory_space<hbm>>
      %dma_wait3A_200 = tpu.memref_squeeze %dma_wait3A_199 : memref<1x250x80xi32, #tpu.memory_space<hbm>> -> memref<250x80xi32, #tpu.memory_space<hbm>>
      %dma_wait3A_201 = arith.constant 0 : i32
      %dma_wait3A_202 = arith.constant 0 : i32
      %dma_wait3A_203 = tpu.memref_slice %arg4[%arg1, %dma_wait3A_201, %dma_wait3A_202] : memref<16x250x80xi32, #tpu.memory_space<hbm>> -> memref<1x250x80xi32, #tpu.memory_space<hbm>>
      %dma_wait3A_204 = tpu.memref_squeeze %dma_wait3A_203 : memref<1x250x80xi32, #tpu.memory_space<hbm>> -> memref<250x80xi32, #tpu.memory_space<hbm>>
      tpu.wait_dma2 semaphore(%run_scoped3A : memref<!tpu.dma_semaphore, #tpu.memory_space<semaphore_mem>>) src(%dma_wait3A_204 : memref<250x80xi32, #tpu.memory_space<hbm>>) dst(%arg8 : memref<250x80xi32, #tpu.memory_space<vmem>>)
      tpu.yield
    }) : () -> ()
    "tpu.region"() ({
      %run_scoped3A = tpu.sem_alloc : memref<!tpu.dma_semaphore, #tpu.memory_space<semaphore_mem>>
      %dma_start3A_189 = arith.constant 0 : i32
      %dma_start3A_190 = arith.constant 0 : i32
      %dma_start3A_191 = tpu.memref_slice %arg5[%arg1, %dma_start3A_189, %dma_start3A_190] : memref<16x250x80xf32, #tpu.memory_space<hbm>> -> memref<1x250x80xf32, #tpu.memory_space<hbm>>
      %dma_start3A_192 = tpu.memref_squeeze %dma_start3A_191 : memref<1x250x80xf32, #tpu.memory_space<hbm>> -> memref<250x80xf32, #tpu.memory_space<hbm>>
      %dma_start3A_193 = arith.constant 0 : i32
      %dma_start3A_194 = arith.constant 0 : i32
      %dma_start3A_195 = tpu.memref_slice %arg5[%arg1, %dma_start3A_193, %dma_start3A_194] : memref<16x250x80xf32, #tpu.memory_space<hbm>> -> memref<1x250x80xf32, #tpu.memory_space<hbm>>
      %dma_start3A_196 = tpu.memref_squeeze %dma_start3A_195 : memref<1x250x80xf32, #tpu.memory_space<hbm>> -> memref<250x80xf32, #tpu.memory_space<hbm>>
      tpu.enqueue_dma source(%dma_start3A_196 : memref<250x80xf32, #tpu.memory_space<hbm>>) target(%arg9 : memref<250x80xf32, #tpu.memory_space<vmem>>) target_semaphore(%run_scoped3A : memref<!tpu.dma_semaphore, #tpu.memory_space<semaphore_mem>>)
      %dma_wait3A_197 = arith.constant 0 : i32
      %dma_wait3A_198 = arith.constant 0 : i32
      %dma_wait3A_199 = tpu.memref_slice %arg5[%arg1, %dma_wait3A_197, %dma_wait3A_198] : memref<16x250x80xf32, #tpu.memory_space<hbm>> -> memref<1x250x80xf32, #tpu.memory_space<hbm>>
      %dma_wait3A_200 = tpu.memref_squeeze %dma_wait3A_199 : memref<1x250x80xf32, #tpu.memory_space<hbm>> -> memref<250x80xf32, #tpu.memory_space<hbm>>
      %dma_wait3A_201 = arith.constant 0 : i32
      %dma_wait3A_202 = arith.constant 0 : i32
      %dma_wait3A_203 = tpu.memref_slice %arg5[%arg1, %dma_wait3A_201, %dma_wait3A_202] : memref<16x250x80xf32, #tpu.memory_space<hbm>> -> memref<1x250x80xf32, #tpu.memory_space<hbm>>
      %dma_wait3A_204 = tpu.memref_squeeze %dma_wait3A_203 : memref<1x250x80xf32, #tpu.memory_space<hbm>> -> memref<250x80xf32, #tpu.memory_space<hbm>>
      tpu.wait_dma2 semaphore(%run_scoped3A : memref<!tpu.dma_semaphore, #tpu.memory_space<semaphore_mem>>) src(%dma_wait3A_204 : memref<250x80xf32, #tpu.memory_space<hbm>>) dst(%arg9 : memref<250x80xf32, #tpu.memory_space<vmem>>)
      tpu.yield
    }) : () -> ()
    %scan3A_18 = arith.constant 0 : i32
    %scan3A_19 = arith.constant 0 : i32
    %scan3A_20 = arith.constant 250 : i32
    %scan3A_21 = arith.addi %scan3A_19, %scan3A_20 : i32
    %scan3A_22 = arith.constant 1 : i32
    %scan3A_23 = scf.for %scan3A_189 = %scan3A_19 to %scan3A_21 step %scan3A_22 iter_args(%scan3A_190 = %scan3A_18) -> (i32)  : i32 {
      %get3A = arith.index_cast %scan3A_189 : i32 to index
      %get3A_191 = arith.constant 0 : index
      %get3A_192 = tpu.vector_load %arg7[%get3A, %get3A_191] {strides = array<i32>} : memref<250x80xi32, #tpu.memory_space<vmem>>, vector<1x16xi32>,
      %get3A_193 = vector.shape_cast %get3A_192 : vector<1x16xi32> to vector<16xi32>
      %mul3A_194 = arith.constant 2 : i32
      %mul3A_195 = vector.broadcast %mul3A_194 : i32 to vector<16xi32>
      %mul3A_196 = arith.muli %get3A_193, %mul3A_195 : vector<16xi32>
      %add3A_197 = vector.broadcast %arg0 : i32 to vector<16xi32>
      %add3A_198 = arith.addi %mul3A_196, %add3A_197 : vector<16xi32>
      %swap3A = arith.index_cast %scan3A_189 : i32 to index
      %swap3A_199 = arith.constant 0 : index
      %swap3A_200 = tpu.vector_load %arg7[%swap3A, %swap3A_199] {strides = array<i32>} : memref<250x80xi32, #tpu.memory_space<vmem>>, vector<1x16xi32>,
      %swap3A_201 = vector.shape_cast %swap3A_200 : vector<1x16xi32> to vector<16xi32>
      %swap3A_202 = vector.shape_cast %add3A_198 : vector<16xi32> to vector<1x16xi32>
      tpu.vector_store %arg7[%swap3A, %swap3A_199], %swap3A_202 {strides = array<i32>} : memref<250x80xi32, #tpu.memory_space<vmem>>, vector<1x16xi32>,
      %get3A_203 = arith.index_cast %scan3A_189 : i32 to index
      %get3A_204 = arith.constant 16 : index
      %get3A_205 = tpu.vector_load %arg7[%get3A_203, %get3A_204] {strides = array<i32>} : memref<250x80xi32, #tpu.memory_space<vmem>>, vector<1x16xi32>,
      %get3A_206 = vector.shape_cast %get3A_205 : vector<1x16xi32> to vector<16xi32>
      %mul3A_207 = arith.constant 2 : i32
      %mul3A_208 = vector.broadcast %mul3A_207 : i32 to vector<16xi32>
      %mul3A_209 = arith.muli %get3A_206, %mul3A_208 : vector<16xi32>
      %add3A_210 = vector.broadcast %arg0 : i32 to vector<16xi32>
      %add3A_211 = arith.addi %mul3A_209, %add3A_210 : vector<16xi32>
      %swap3A_212 = arith.index_cast %scan3A_189 : i32 to index
      %swap3A_213 = arith.constant 16 : index
      %swap3A_214 = tpu.vector_load %arg7[%swap3A_212, %swap3A_213] {strides = array<i32>} : memref<250x80xi32, #tpu.memory_space<vmem>>, vector<1x16xi32>,
      %swap3A_215 = vector.shape_cast %swap3A_214 : vector<1x16xi32> to vector<16xi32>
      %swap3A_216 = vector.shape_cast %add3A_211 : vector<16xi32> to vector<1x16xi32>
      tpu.vector_store %arg7[%swap3A_212, %swap3A_213], %swap3A_216 {strides = array<i32>} : memref<250x80xi32, #tpu.memory_space<vmem>>, vector<1x16xi32>,
      %get3A_217 = arith.index_cast %scan3A_189 : i32 to index
      %get3A_218 = arith.constant 32 : index
      %get3A_219 = tpu.vector_load %arg7[%get3A_217, %get3A_218] {strides = array<i32>} : memref<250x80xi32, #tpu.memory_space<vmem>>, vector<1x16xi32>,
      %get3A_220 = vector.shape_cast %get3A_219 : vector<1x16xi32> to vector<16xi32>
      %mul3A_221 = arith.constant 2 : i32
      %mul3A_222 = vector.broadcast %mul3A_221 : i32 to vector<16xi32>
      %mul3A_223 = arith.muli %get3A_220, %mul3A_222 : vector<16xi32>
      %add3A_224 = vector.broadcast %arg0 : i32 to vector<16xi32>
      %add3A_225 = arith.addi %mul3A_223, %add3A_224 : vector<16xi32>
      %swap3A_226 = arith.index_cast %scan3A_189 : i32 to index
      %swap3A_227 = arith.constant 32 : index
      %swap3A_228 = tpu.vector_load %arg7[%swap3A_226, %swap3A_227] {strides = array<i32>} : memref<250x80xi32, #tpu.memory_space<vmem>>, vector<1x16xi32>,
      %swap3A_229 = vector.shape_cast %swap3A_228 : vector<1x16xi32> to vector<16xi32>
      %swap3A_230 = vector.shape_cast %add3A_225 : vector<16xi32> to vector<1x16xi32>
      tpu.vector_store %arg7[%swap3A_226, %swap3A_227], %swap3A_230 {strides = array<i32>} : memref<250x80xi32, #tpu.memory_space<vmem>>, vector<1x16xi32>,
      %get3A_231 = arith.index_cast %scan3A_189 : i32 to index
      %get3A_232 = arith.constant 48 : index
      %get3A_233 = tpu.vector_load %arg7[%get3A_231, %get3A_232] {strides = array<i32>} : memref<250x80xi32, #tpu.memory_space<vmem>>, vector<1x16xi32>,
      %get3A_234 = vector.shape_cast %get3A_233 : vector<1x16xi32> to vector<16xi32>
      %mul3A_235 = arith.constant 2 : i32
      %mul3A_236 = vector.broadcast %mul3A_235 : i32 to vector<16xi32>
      %mul3A_237 = arith.muli %get3A_234, %mul3A_236 : vector<16xi32>
      %add3A_238 = vector.broadcast %arg0 : i32 to vector<16xi32>
      %add3A_239 = arith.addi %mul3A_237, %add3A_238 : vector<16xi32>
      %swap3A_240 = arith.index_cast %scan3A_189 : i32 to index
      %swap3A_241 = arith.constant 48 : index
      %swap3A_242 = tpu.vector_load %arg7[%swap3A_240, %swap3A_241] {strides = array<i32>} : memref<250x80xi32, #tpu.memory_space<vmem>>, vector<1x16xi32>,
      %swap3A_243 = vector.shape_cast %swap3A_242 : vector<1x16xi32> to vector<16xi32>
      %swap3A_244 = vector.shape_cast %add3A_239 : vector<16xi32> to vector<1x16xi32>
      tpu.vector_store %arg7[%swap3A_240, %swap3A_241], %swap3A_244 {strides = array<i32>} : memref<250x80xi32, #tpu.memory_space<vmem>>, vector<1x16xi32>,
      %get3A_245 = arith.index_cast %scan3A_189 : i32 to index
      %get3A_246 = arith.constant 64 : index
      %get3A_247 = tpu.vector_load %arg7[%get3A_245, %get3A_246] {strides = array<i32>} : memref<250x80xi32, #tpu.memory_space<vmem>>, vector<1x16xi32>,
      %get3A_248 = vector.shape_cast %get3A_247 : vector<1x16xi32> to vector<16xi32>
      %mul3A_249 = arith.constant 2 : i32
      %mul3A_250 = vector.broadcast %mul3A_249 : i32 to vector<16xi32>
      %mul3A_251 = arith.muli %get3A_248, %mul3A_250 : vector<16xi32>
      %add3A_252 = vector.broadcast %arg0 : i32 to vector<16xi32>
      %add3A_253 = arith.addi %mul3A_251, %add3A_252 : vector<16xi32>
      %swap3A_254 = arith.index_cast %scan3A_189 : i32 to index
      %swap3A_255 = arith.constant 64 : index
      %swap3A_256 = tpu.vector_load %arg7[%swap3A_254, %swap3A_255] {strides = array<i32>} : memref<250x80xi32, #tpu.memory_space<vmem>>, vector<1x16xi32>,
      %swap3A_257 = vector.shape_cast %swap3A_256 : vector<1x16xi32> to vector<16xi32>
      %swap3A_258 = vector.shape_cast %add3A_253 : vector<16xi32> to vector<1x16xi32>
      tpu.vector_store %arg7[%swap3A_254, %swap3A_255], %swap3A_258 {strides = array<i32>} : memref<250x80xi32, #tpu.memory_space<vmem>>, vector<1x16xi32>,
      %scan3A_259 = arith.constant 0 : i32
      scf.yield %scan3A_259 : i32
    }
    %scan3A_24 = arith.constant 250 : i32
    %dma_start3A = arith.constant 0 : i32
    %dma_start3A_25 = arith.constant 0 : i32
    %dma_start3A_26 = tpu.memref_slice %arg7[%dma_start3A, %dma_start3A_25] : memref<250x80xi32, #tpu.memory_space<vmem>> -> memref<1x80xi32, #tpu.memory_space<vmem>>
    %dma_start3A_27 = tpu.memref_squeeze %dma_start3A_26 : memref<1x80xi32, #tpu.memory_space<vmem>> -> memref<80xi32, #tpu.memory_space<vmem>>
    %dma_start3A_28 = arith.constant 0 : i32
    %dma_start3A_29 = arith.constant 0 : i32
    %dma_start3A_30 = tpu.memref_slice %arg2[%dma_start3A_28, %dma_start3A_29] : memref<20000x64xf32, #tpu.memory_space<hbm>> -> memref<20000x64xf32, #tpu.memory_space<hbm>>
    tpu.enqueue_indirect_dma source(%dma_start3A_30 : memref<20000x64xf32, #tpu.memory_space<hbm>>) target(%arg12 : memref<80x64xf32, #tpu.memory_space<vmem>>) offsets(%dma_start3A_27 : memref<80xi32, #tpu.memory_space<vmem>>) semaphore(%arg15 : memref<!tpu.dma_semaphore, #tpu.memory_space<semaphore_mem>>)
    %dma_start3A_31 = arith.constant 1 : i32
    %dma_start3A_32 = arith.constant 0 : i32
    %dma_start3A_33 = tpu.memref_slice %arg7[%dma_start3A_31, %dma_start3A_32] : memref<250x80xi32, #tpu.memory_space<vmem>> -> memref<1x80xi32, #tpu.memory_space<vmem>>
    %dma_start3A_34 = tpu.memref_squeeze %dma_start3A_33 : memref<1x80xi32, #tpu.memory_space<vmem>> -> memref<80xi32, #tpu.memory_space<vmem>>
    %dma_start3A_35 = arith.constant 0 : i32
    %dma_start3A_36 = arith.constant 0 : i32
    %dma_start3A_37 = tpu.memref_slice %arg2[%dma_start3A_35, %dma_start3A_36] : memref<20000x64xf32, #tpu.memory_space<hbm>> -> memref<20000x64xf32, #tpu.memory_space<hbm>>
    tpu.enqueue_indirect_dma source(%dma_start3A_37 : memref<20000x64xf32, #tpu.memory_space<hbm>>) target(%arg13 : memref<80x64xf32, #tpu.memory_space<vmem>>) offsets(%dma_start3A_34 : memref<80xi32, #tpu.memory_space<vmem>>) semaphore(%arg16 : memref<!tpu.dma_semaphore, #tpu.memory_space<semaphore_mem>>)
    %dma_wait3A = arith.constant 0 : i32
    %dma_wait3A_38 = arith.constant 0 : i32
    %dma_wait3A_39 = tpu.memref_slice %arg7[%dma_wait3A, %dma_wait3A_38] : memref<250x80xi32, #tpu.memory_space<vmem>> -> memref<1x80xi32, #tpu.memory_space<vmem>>
    %dma_wait3A_40 = tpu.memref_squeeze %dma_wait3A_39 : memref<1x80xi32, #tpu.memory_space<vmem>> -> memref<80xi32, #tpu.memory_space<vmem>>
    %dma_wait3A_41 = arith.constant 0 : i32
    %dma_wait3A_42 = arith.constant 0 : i32
    %dma_wait3A_43 = tpu.memref_slice %arg2[%dma_wait3A_41, %dma_wait3A_42] : memref<20000x64xf32, #tpu.memory_space<hbm>> -> memref<20000x64xf32, #tpu.memory_space<hbm>>
    tpu.wait_indirect_dma semaphore(%arg15 : memref<!tpu.dma_semaphore, #tpu.memory_space<semaphore_mem>>) src(%dma_wait3A_43 : memref<20000x64xf32, #tpu.memory_space<hbm>>) dst(%arg12 : memref<80x64xf32, #tpu.memory_space<vmem>>)
    %scan3A_44 = arith.constant 0 : i32
    %scan3A_45 = arith.constant 0 : i32
    %scan3A_46 = arith.constant 5 : i32
    %scan3A_47 = arith.addi %scan3A_45, %scan3A_46 : i32
    %scan3A_48 = arith.constant 1 : i32
    %scan3A_49 = scf.for %scan3A_189 = %scan3A_45 to %scan3A_47 step %scan3A_48 iter_args(%scan3A_190 = %scan3A_44) -> (i32)  : i32 {
      %mul3A_191 = arith.constant 16 : i32
      %mul3A_192 = arith.muli %scan3A_189, %mul3A_191 : i32
      %get3A = arith.constant 0 : i32
      %get3A_193 = arith.index_cast %get3A : i32 to index
      %get3A_194 = arith.index_cast %mul3A_192 : i32 to index
      %get3A_195 = tpu.vector_load %arg9[%get3A_193, %get3A_194] {strides = array<i32>} : memref<250x80xf32, #tpu.memory_space<vmem>>, vector<1x16xf32>,
      %get3A_196 = vector.shape_cast %get3A_195 : vector<1x16xf32> to vector<16xf32>
      %slice3A = vector.extract_strided_slice %get3A_196 {offsets = [0], sizes = [1], strides = [1]} : vector<16xf32> to vector<1xf32>
      %squeeze3A = vector.extract %slice3A[0] : f32 from vector<1xf32>
      %mul3A_197 = arith.constant 16 : i32
      %mul3A_198 = arith.muli %scan3A_189, %mul3A_197 : i32
      %add3A_199 = arith.constant 0 : i32
      %add3A_200 = arith.addi %mul3A_198, %add3A_199 : i32
      %get3A_201 = arith.index_cast %add3A_200 : i32 to index
      %get3A_202 = arith.constant 0 : index
      %get3A_203 = tpu.vector_load %arg12[%get3A_201, %get3A_202] {strides = array<i32>} : memref<80x64xf32, #tpu.memory_space<vmem>>, vector<1x16xf32>,
      %get3A_204 = vector.shape_cast %get3A_203 : vector<1x16xf32> to vector<16xf32>
      %mul3A_205 = vector.broadcast %squeeze3A : f32 to vector<16xf32>
      %mul3A_206 = arith.mulf %get3A_204, %mul3A_205 : vector<16xf32>
      %swap3A = arith.index_cast %add3A_200 : i32 to index
      %swap3A_207 = arith.constant 0 : index
      %swap3A_208 = tpu.vector_load %arg12[%swap3A, %swap3A_207] {strides = array<i32>} : memref<80x64xf32, #tpu.memory_space<vmem>>, vector<1x16xf32>,
      %swap3A_209 = vector.shape_cast %swap3A_208 : vector<1x16xf32> to vector<16xf32>
      %swap3A_210 = vector.shape_cast %mul3A_206 : vector<16xf32> to vector<1x16xf32>
      tpu.vector_store %arg12[%swap3A, %swap3A_207], %swap3A_210 {strides = array<i32>} : memref<80x64xf32, #tpu.memory_space<vmem>>, vector<1x16xf32>,
      %get3A_211 = arith.index_cast %add3A_200 : i32 to index
      %get3A_212 = arith.constant 16 : index
      %get3A_213 = tpu.vector_load %arg12[%get3A_211, %get3A_212] {strides = array<i32>} : memref<80x64xf32, #tpu.memory_space<vmem>>, vector<1x16xf32>,
      %get3A_214 = vector.shape_cast %get3A_213 : vector<1x16xf32> to vector<16xf32>
      %mul3A_215 = vector.broadcast %squeeze3A : f32 to vector<16xf32>
      %mul3A_216 = arith.mulf %get3A_214, %mul3A_215 : vector<16xf32>
      %swap3A_217 = arith.index_cast %add3A_200 : i32 to index
      %swap3A_218 = arith.constant 16 : index
      %swap3A_219 = tpu.vector_load %arg12[%swap3A_217, %swap3A_218] {strides = array<i32>} : memref<80x64xf32, #tpu.memory_space<vmem>>, vector<1x16xf32>,
      %swap3A_220 = vector.shape_cast %swap3A_219 : vector<1x16xf32> to vector<16xf32>
      %swap3A_221 = vector.shape_cast %mul3A_216 : vector<16xf32> to vector<1x16xf32>
      tpu.vector_store %arg12[%swap3A_217, %swap3A_218], %swap3A_221 {strides = array<i32>} : memref<80x64xf32, #tpu.memory_space<vmem>>, vector<1x16xf32>,
      %get3A_222 = arith.index_cast %add3A_200 : i32 to index
      %get3A_223 = arith.constant 32 : index
      %get3A_224 = tpu.vector_load %arg12[%get3A_222, %get3A_223] {strides = array<i32>} : memref<80x64xf32, #tpu.memory_space<vmem>>, vector<1x16xf32>,
      %get3A_225 = vector.shape_cast %get3A_224 : vector<1x16xf32> to vector<16xf32>
      %mul3A_226 = vector.broadcast %squeeze3A : f32 to vector<16xf32>
      %mul3A_227 = arith.mulf %get3A_225, %mul3A_226 : vector<16xf32>
      %swap3A_228 = arith.index_cast %add3A_200 : i32 to index
      %swap3A_229 = arith.constant 32 : index
      %swap3A_230 = tpu.vector_load %arg12[%swap3A_228, %swap3A_229] {strides = array<i32>} : memref<80x64xf32, #tpu.memory_space<vmem>>, vector<1x16xf32>,
      %swap3A_231 = vector.shape_cast %swap3A_230 : vector<1x16xf32> to vector<16xf32>
      %swap3A_232 = vector.shape_cast %mul3A_227 : vector<16xf32> to vector<1x16xf32>
      tpu.vector_store %arg12[%swap3A_228, %swap3A_229], %swap3A_232 {strides = array<i32>} : memref<80x64xf32, #tpu.memory_space<vmem>>, vector<1x16xf32>,
      %get3A_233 = arith.index_cast %add3A_200 : i32 to index
      %get3A_234 = arith.constant 48 : index
      %get3A_235 = tpu.vector_load %arg12[%get3A_233, %get3A_234] {strides = array<i32>} : memref<80x64xf32, #tpu.memory_space<vmem>>, vector<1x16xf32>,
      %get3A_236 = vector.shape_cast %get3A_235 : vector<1x16xf32> to vector<16xf32>
      %mul3A_237 = vector.broadcast %squeeze3A : f32 to vector<16xf32>
      %mul3A_238 = arith.mulf %get3A_236, %mul3A_237 : vector<16xf32>
      %swap3A_239 = arith.index_cast %add3A_200 : i32 to index
      %swap3A_240 = arith.constant 48 : index
      %swap3A_241 = tpu.vector_load %arg12[%swap3A_239, %swap3A_240] {strides = array<i32>} : memref<80x64xf32, #tpu.memory_space<vmem>>, vector<1x16xf32>,
      %swap3A_242 = vector.shape_cast %swap3A_241 : vector<1x16xf32> to vector<16xf32>
      %swap3A_243 = vector.shape_cast %mul3A_238 : vector<16xf32> to vector<1x16xf32>
      tpu.vector_store %arg12[%swap3A_239, %swap3A_240], %swap3A_243 {strides = array<i32>} : memref<80x64xf32, #tpu.memory_space<vmem>>, vector<1x16xf32>,
      %slice3A_244 = vector.extract_strided_slice %get3A_196 {offsets = [1], sizes = [1], strides = [1]} : vector<16xf32> to vector<1xf32>
      %squeeze3A_245 = vector.extract %slice3A_244[0] : f32 from vector<1xf32>
      %mul3A_246 = arith.constant 16 : i32
      %mul3A_247 = arith.muli %scan3A_189, %mul3A_246 : i32
      %add3A_248 = arith.constant 1 : i32
      %add3A_249 = arith.addi %mul3A_247, %add3A_248 : i32
      %get3A_250 = arith.index_cast %add3A_249 : i32 to index
      %get3A_251 = arith.constant 0 : index
      %get3A_252 = tpu.vector_load %arg12[%get3A_250, %get3A_251] {strides = array<i32>} : memref<80x64xf32, #tpu.memory_space<vmem>>, vector<1x16xf32>,
      %get3A_253 = vector.shape_cast %get3A_252 : vector<1x16xf32> to vector<16xf32>
      %mul3A_254 = vector.broadcast %squeeze3A_245 : f32 to vector<16xf32>
      %mul3A_255 = arith.mulf %get3A_253, %mul3A_254 : vector<16xf32>
      %swap3A_256 = arith.index_cast %add3A_249 : i32 to index
      %swap3A_257 = arith.constant 0 : index
      %swap3A_258 = tpu.vector_load %arg12[%swap3A_256, %swap3A_257] {strides = array<i32>} : memref<80x64xf32, #tpu.memory_space<vmem>>, vector<1x16xf32>,
      %swap3A_259 = vector.shape_cast %swap3A_258 : vector<1x16xf32> to vector<16xf32>
      %swap3A_260 = vector.shape_cast %mul3A_255 : vector<16xf32> to vector<1x16xf32>
      tpu.vector_store %arg12[%swap3A_256, %swap3A_257], %swap3A_260 {strides = array<i32>} : memref<80x64xf32, #tpu.memory_space<vmem>>, vector<1x16xf32>,
      %get3A_261 = arith.index_cast %add3A_249 : i32 to index
      %get3A_262 = arith.constant 16 : index
      %get3A_263 = tpu.vector_load %arg12[%get3A_261, %get3A_262] {strides = array<i32>} : memref<80x64xf32, #tpu.memory_space<vmem>>, vector<1x16xf32>,
      %get3A_264 = vector.shape_cast %get3A_263 : vector<1x16xf32> to vector<16xf32>
      %mul3A_265 = vector.broadcast %squeeze3A_245 : f32 to vector<16xf32>
      %mul3A_266 = arith.mulf %get3A_264, %mul3A_265 : vector<16xf32>
      %swap3A_267 = arith.index_cast %add3A_249 : i32 to index
      %swap3A_268 = arith.constant 16 : index
      %swap3A_269 = tpu.vector_load %arg12[%swap3A_267, %swap3A_268] {strides = array<i32>} : memref<80x64xf32, #tpu.memory_space<vmem>>, vector<1x16xf32>,
      %swap3A_270 = vector.shape_cast %swap3A_269 : vector<1x16xf32> to vector<16xf32>
      %swap3A_271 = vector.shape_cast %mul3A_266 : vector<16xf32> to vector<1x16xf32>
      tpu.vector_store %arg12[%swap3A_267, %swap3A_268], %swap3A_271 {strides = array<i32>} : memref<80x64xf32, #tpu.memory_space<vmem>>, vector<1x16xf32>,
      %get3A_272 = arith.index_cast %add3A_249 : i32 to index
      %get3A_273 = arith.constant 32 : index
      %get3A_274 = tpu.vector_load %arg12[%get3A_272, %get3A_273] {strides = array<i32>} : memref<80x64xf32, #tpu.memory_space<vmem>>, vector<1x16xf32>,
      %get3A_275 = vector.shape_cast %get3A_274 : vector<1x16xf32> to vector<16xf32>
      %mul3A_276 = vector.broadcast %squeeze3A_245 : f32 to vector<16xf32>
      %mul3A_277 = arith.mulf %get3A_275, %mul3A_276 : vector<16xf32>
      %swap3A_278 = arith.index_cast %add3A_249 : i32 to index
      %swap3A_279 = arith.constant 32 : index
      %swap3A_280 = tpu.vector_load %arg12[%swap3A_278, %swap3A_279] {strides = array<i32>} : memref<80x64xf32, #tpu.memory_space<vmem>>, vector<1x16xf32>,
      %swap3A_281 = vector.shape_cast %swap3A_280 : vector<1x16xf32> to vector<16xf32>
      %swap3A_282 = vector.shape_cast %mul3A_277 : vector<16xf32> to vector<1x16xf32>
      tpu.vector_store %arg12[%swap3A_278, %swap3A_279], %swap3A_282 {strides = array<i32>} : memref<80x64xf32, #tpu.memory_space<vmem>>, vector<1x16xf32>,
      %get3A_283 = arith.index_cast %add3A_249 : i32 to index
      %get3A_284 = arith.constant 48 : index
      %get3A_285 = tpu.vector_load %arg12[%get3A_283, %get3A_284] {strides = array<i32>} : memref<80x64xf32, #tpu.memory_space<vmem>>, vector<1x16xf32>,
      %get3A_286 = vector.shape_cast %get3A_285 : vector<1x16xf32> to vector<16xf32>
      %mul3A_287 = vector.broadcast %squeeze3A_245 : f32 to vector<16xf32>
      %mul3A_288 = arith.mulf %get3A_286, %mul3A_287 : vector<16xf32>
      %swap3A_289 = arith.index_cast %add3A_249 : i32 to index
      %swap3A_290 = arith.constant 48 : index
      %swap3A_291 = tpu.vector_load %arg12[%swap3A_289, %swap3A_290] {strides = array<i32>} : memref<80x64xf32, #tpu.memory_space<vmem>>, vector<1x16xf32>,
      %swap3A_292 = vector.shape_cast %swap3A_291 : vector<1x16xf32> to vector<16xf32>
      %swap3A_293 = vector.shape_cast %mul3A_288 : vector<16xf32> to vector<1x16xf32>
      tpu.vector_store %arg12[%swap3A_289, %swap3A_290], %swap3A_293 {strides = array<i32>} : memref<80x64xf32, #tpu.memory_space<vmem>>, vector<1x16xf32>,
      %slice3A_294 = vector.extract_strided_slice %get3A_196 {offsets = [2], sizes = [1], strides = [1]} : vector<16xf32> to vector<1xf32>
      %squeeze3A_295 = vector.extract %slice3A_294[0] : f32 from vector<1xf32>
      %mul3A_296 = arith.constant 16 : i32
      %mul3A_297 = arith.muli %scan3A_189, %mul3A_296 : i32
      %add3A_298 = arith.constant 2 : i32
      %add3A_299 = arith.addi %mul3A_297, %add3A_298 : i32
      %get3A_300 = arith.index_cast %add3A_299 : i32 to index
      %get3A_301 = arith.constant 0 : index
      %get3A_302 = tpu.vector_load %arg12[%get3A_300, %get3A_301] {strides = array<i32>} : memref<80x64xf32, #tpu.memory_space<vmem>>, vector<1x16xf32>,
      %get3A_303 = vector.shape_cast %get3A_302 : vector<1x16xf32> to vector<16xf32>
      %mul3A_304 = vector.broadcast %squeeze3A_295 : f32 to vector<16xf32>
      %mul3A_305 = arith.mulf %get3A_303, %mul3A_304 : vector<16xf32>
      %swap3A_306 = arith.index_cast %add3A_299 : i32 to index
      %swap3A_307 = arith.constant 0 : index
      %swap3A_308 = tpu.vector_load %arg12[%swap3A_306, %swap3A_307] {strides = array<i32>} : memref<80x64xf32, #tpu.memory_space<vmem>>, vector<1x16xf32>,
      %swap3A_309 = vector.shape_cast %swap3A_308 : vector<1x16xf32> to vector<16xf32>
      %swap3A_310 = vector.shape_cast %mul3A_305 : vector<16xf32> to vector<1x16xf32>
      tpu.vector_store %arg12[%swap3A_306, %swap3A_307], %swap3A_310 {strides = array<i32>} : memref<80x64xf32, #tpu.memory_space<vmem>>, vector<1x16xf32>,
      %get3A_311 = arith.index_cast %add3A_299 : i32 to index
      %get3A_312 = arith.constant 16 : index
      %get3A_313 = tpu.vector_load %arg12[%get3A_311, %get3A_312] {strides = array<i32>} : memref<80x64xf32, #tpu.memory_space<vmem>>, vector<1x16xf32>,
      %get3A_314 = vector.shape_cast %get3A_313 : vector<1x16xf32> to vector<16xf32>
      %mul3A_315 = vector.broadcast %squeeze3A_295 : f32 to vector<16xf32>
      %mul3A_316 = arith.mulf %get3A_314, %mul3A_315 : vector<16xf32>
      %swap3A_317 = arith.index_cast %add3A_299 : i32 to index
      %swap3A_318 = arith.constant 16 : index
      %swap3A_319 = tpu.vector_load %arg12[%swap3A_317, %swap3A_318] {strides = array<i32>} : memref<80x64xf32, #tpu.memory_space<vmem>>, vector<1x16xf32>,
      %swap3A_320 = vector.shape_cast %swap3A_319 : vector<1x16xf32> to vector<16xf32>
      %swap3A_321 = vector.shape_cast %mul3A_316 : vector<16xf32> to vector<1x16xf32>
      tpu.vector_store %arg12[%swap3A_317, %swap3A_318], %swap3A_321 {strides = array<i32>} : memref<80x64xf32, #tpu.memory_space<vmem>>, vector<1x16xf32>,
      %get3A_322 = arith.index_cast %add3A_299 : i32 to index
      %get3A_323 = arith.constant 32 : index
      %get3A_324 = tpu.vector_load %arg12[%get3A_322, %get3A_323] {strides = array<i32>} : memref<80x64xf32, #tpu.memory_space<vmem>>, vector<1x16xf32>,
      %get3A_325 = vector.shape_cast %get3A_324 : vector<1x16xf32> to vector<16xf32>
      %mul3A_326 = vector.broadcast %squeeze3A_295 : f32 to vector<16xf32>
      %mul3A_327 = arith.mulf %get3A_325, %mul3A_326 : vector<16xf32>
      %swap3A_328 = arith.index_cast %add3A_299 : i32 to index
      %swap3A_329 = arith.constant 32 : index
      %swap3A_330 = tpu.vector_load %arg12[%swap3A_328, %swap3A_329] {strides = array<i32>} : memref<80x64xf32, #tpu.memory_space<vmem>>, vector<1x16xf32>,
      %swap3A_331 = vector.shape_cast %swap3A_330 : vector<1x16xf32> to vector<16xf32>
      %swap3A_332 = vector.shape_cast %mul3A_327 : vector<16xf32> to vector<1x16xf32>
      tpu.vector_store %arg12[%swap3A_328, %swap3A_329], %swap3A_332 {strides = array<i32>} : memref<80x64xf32, #tpu.memory_space<vmem>>, vector<1x16xf32>,
      %get3A_333 = arith.index_cast %add3A_299 : i32 to index
      %get3A_334 = arith.constant 48 : index
      %get3A_335 = tpu.vector_load %arg12[%get3A_333, %get3A_334] {strides = array<i32>} : memref<80x64xf32, #tpu.memory_space<vmem>>, vector<1x16xf32>,
      %get3A_336 = vector.shape_cast %get3A_335 : vector<1x16xf32> to vector<16xf32>
      %mul3A_337 = vector.broadcast %squeeze3A_295 : f32 to vector<16xf32>
      %mul3A_338 = arith.mulf %get3A_336, %mul3A_337 : vector<16xf32>
      %swap3A_339 = arith.index_cast %add3A_299 : i32 to index
      %swap3A_340 = arith.constant 48 : index
      %swap3A_341 = tpu.vector_load %arg12[%swap3A_339, %swap3A_340] {strides = array<i32>} : memref<80x64xf32, #tpu.memory_space<vmem>>, vector<1x16xf32>,
      %swap3A_342 = vector.shape_cast %swap3A_341 : vector<1x16xf32> to vector<16xf32>
      %swap3A_343 = vector.shape_cast %mul3A_338 : vector<16xf32> to vector<1x16xf32>
      tpu.vector_store %arg12[%swap3A_339, %swap3A_340], %swap3A_343 {strides = array<i32>} : memref<80x64xf32, #tpu.memory_space<vmem>>, vector<1x16xf32>,
      %slice3A_344 = vector.extract_strided_slice %get3A_196 {offsets = [3], sizes = [1], strides = [1]} : vector<16xf32> to vector<1xf32>
      %squeeze3A_345 = vector.extract %slice3A_344[0] : f32 from vector<1xf32>
      %mul3A_346 = arith.constant 16 : i32
      %mul3A_347 = arith.muli %scan3A_189, %mul3A_346 : i32
      %add3A_348 = arith.constant 3 : i32
      %add3A_349 = arith.addi %mul3A_347, %add3A_348 : i32
      %get3A_350 = arith.index_cast %add3A_349 : i32 to index
      %get3A_351 = arith.constant 0 : index
      %get3A_352 = tpu.vector_load %arg12[%get3A_350, %get3A_351] {strides = array<i32>} : memref<80x64xf32, #tpu.memory_space<vmem>>, vector<1x16xf32>,
      %get3A_353 = vector.shape_cast %get3A_352 : vector<1x16xf32> to vector<16xf32>
      %mul3A_354 = vector.broadcast %squeeze3A_345 : f32 to vector<16xf32>
      %mul3A_355 = arith.mulf %get3A_353, %mul3A_354 : vector<16xf32>
      %swap3A_356 = arith.index_cast %add3A_349 : i32 to index
      %swap3A_357 = arith.constant 0 : index
      %swap3A_358 = tpu.vector_load %arg12[%swap3A_356, %swap3A_357] {strides = array<i32>} : memref<80x64xf32, #tpu.memory_space<vmem>>, vector<1x16xf32>,
      %swap3A_359 = vector.shape_cast %swap3A_358 : vector<1x16xf32> to vector<16xf32>
      %swap3A_360 = vector.shape_cast %mul3A_355 : vector<16xf32> to vector<1x16xf32>
      tpu.vector_store %arg12[%swap3A_356, %swap3A_357], %swap3A_360 {strides = array<i32>} : memref<80x64xf32, #tpu.memory_space<vmem>>, vector<1x16xf32>,
      %get3A_361 = arith.index_cast %add3A_349 : i32 to index
      %get3A_362 = arith.constant 16 : index
      %get3A_363 = tpu.vector_load %arg12[%get3A_361, %get3A_362] {strides = array<i32>} : memref<80x64xf32, #tpu.memory_space<vmem>>, vector<1x16xf32>,
      %get3A_364 = vector.shape_cast %get3A_363 : vector<1x16xf32> to vector<16xf32>
      %mul3A_365 = vector.broadcast %squeeze3A_345 : f32 to vector<16xf32>
      %mul3A_366 = arith.mulf %get3A_364, %mul3A_365 : vector<16xf32>
      %swap3A_367 = arith.index_cast %add3A_349 : i32 to index
      %swap3A_368 = arith.constant 16 : index
      %swap3A_369 = tpu.vector_load %arg12[%swap3A_367, %swap3A_368] {strides = array<i32>} : memref<80x64xf32, #tpu.memory_space<vmem>>, vector<1x16xf32>,
      %swap3A_370 = vector.shape_cast %swap3A_369 : vector<1x16xf32> to vector<16xf32>
      %swap3A_371 = vector.shape_cast %mul3A_366 : vector<16xf32> to vector<1x16xf32>
      tpu.vector_store %arg12[%swap3A_367, %swap3A_368], %swap3A_371 {strides = array<i32>} : memref<80x64xf32, #tpu.memory_space<vmem>>, vector<1x16xf32>,
      %get3A_372 = arith.index_cast %add3A_349 : i32 to index
      %get3A_373 = arith.constant 32 : index
      %get3A_374 = tpu.vector_load %arg12[%get3A_372, %get3A_373] {strides = array<i32>} : memref<80x64xf32, #tpu.memory_space<vmem>>, vector<1x16xf32>,
      %get3A_375 = vector.shape_cast %get3A_374 : vector<1x16xf32> to vector<16xf32>
      %mul3A_376 = vector.broadcast %squeeze3A_345 : f32 to vector<16xf32>
      %mul3A_377 = arith.mulf %get3A_375, %mul3A_376 : vector<16xf32>
      %swap3A_378 = arith.index_cast %add3A_349 : i32 to index
      %swap3A_379 = arith.constant 32 : index
      %swap3A_380 = tpu.vector_load %arg12[%swap3A_378, %swap3A_379] {strides = array<i32>} : memref<80x64xf32, #tpu.memory_space<vmem>>, vector<1x16xf32>,
      %swap3A_381 = vector.shape_cast %swap3A_380 : vector<1x16xf32> to vector<16xf32>
      %swap3A_382 = vector.shape_cast %mul3A_377 : vector<16xf32> to vector<1x16xf32>
      tpu.vector_store %arg12[%swap3A_378, %swap3A_379], %swap3A_382 {strides = array<i32>} : memref<80x64xf32, #tpu.memory_space<vmem>>, vector<1x16xf32>,
      %get3A_383 = arith.index_cast %add3A_349 : i32 to index
      %get3A_384 = arith.constant 48 : index
      %get3A_385 = tpu.vector_load %arg12[%get3A_383, %get3A_384] {strides = array<i32>} : memref<80x64xf32, #tpu.memory_space<vmem>>, vector<1x16xf32>,
      %get3A_386 = vector.shape_cast %get3A_385 : vector<1x16xf32> to vector<16xf32>
      %mul3A_387 = vector.broadcast %squeeze3A_345 : f32 to vector<16xf32>
      %mul3A_388 = arith.mulf %get3A_386, %mul3A_387 : vector<16xf32>
      %swap3A_389 = arith.index_cast %add3A_349 : i32 to index
      %swap3A_390 = arith.constant 48 : index
      %swap3A_391 = tpu.vector_load %arg12[%swap3A_389, %swap3A_390] {strides = array<i32>} : memref<80x64xf32, #tpu.memory_space<vmem>>, vector<1x16xf32>,
      %swap3A_392 = vector.shape_cast %swap3A_391 : vector<1x16xf32> to vector<16xf32>
      %swap3A_393 = vector.shape_cast %mul3A_388 : vector<16xf32> to vector<1x16xf32>
      tpu.vector_store %arg12[%swap3A_389, %swap3A_390], %swap3A_393 {strides = array<i32>} : memref<80x64xf32, #tpu.memory_space<vmem>>, vector<1x16xf32>,
      %slice3A_394 = vector.extract_strided_slice %get3A_196 {offsets = [4], sizes = [1], strides = [1]} : vector<16xf32> to vector<1xf32>
      %squeeze3A_395 = vector.extract %slice3A_394[0] : f32 from vector<1xf32>
      %mul3A_396 = arith.constant 16 : i32
      %mul3A_397 = arith.muli %scan3A_189, %mul3A_396 : i32
      %add3A_398 = arith.constant 4 : i32
      %add3A_399 = arith.addi %mul3A_397, %add3A_398 : i32
      %get3A_400 = arith.index_cast %add3A_399 : i32 to index
      %get3A_401 = arith.constant 0 : index
      %get3A_402 = tpu.vector_load %arg12[%get3A_400, %get3A_401] {strides = array<i32>} : memref<80x64xf32, #tpu.memory_space<vmem>>, vector<1x16xf32>,
      %get3A_403 = vector.shape_cast %get3A_402 : vector<1x16xf32> to vector<16xf32>
      %mul3A_404 = vector.broadcast %squeeze3A_395 : f32 to vector<16xf32>
      %mul3A_405 = arith.mulf %get3A_403, %mul3A_404 : vector<16xf32>
      %swap3A_406 = arith.index_cast %add3A_399 : i32 to index
      %swap3A_407 = arith.constant 0 : index
      %swap3A_408 = tpu.vector_load %arg12[%swap3A_406, %swap3A_407] {strides = array<i32>} : memref<80x64xf32, #tpu.memory_space<vmem>>, vector<1x16xf32>,
      %swap3A_409 = vector.shape_cast %swap3A_408 : vector<1x16xf32> to vector<16xf32>
      %swap3A_410 = vector.shape_cast %mul3A_405 : vector<16xf32> to vector<1x16xf32>
      tpu.vector_store %arg12[%swap3A_406, %swap3A_407], %swap3A_410 {strides = array<i32>} : memref<80x64xf32, #tpu.memory_space<vmem>>, vector<1x16xf32>,
      %get3A_411 = arith.index_cast %add3A_399 : i32 to index
      %get3A_412 = arith.constant 16 : index
      %get3A_413 = tpu.vector_load %arg12[%get3A_411, %get3A_412] {strides = array<i32>} : memref<80x64xf32, #tpu.memory_space<vmem>>, vector<1x16xf32>,
      %get3A_414 = vector.shape_cast %get3A_413 : vector<1x16xf32> to vector<16xf32>
      %mul3A_415 = vector.broadcast %squeeze3A_395 : f32 to vector<16xf32>
      %mul3A_416 = arith.mulf %get3A_414, %mul3A_415 : vector<16xf32>
      %swap3A_417 = arith.index_cast %add3A_399 : i32 to index
      %swap3A_418 = arith.constant 16 : index
      %swap3A_419 = tpu.vector_load %arg12[%swap3A_417, %swap3A_418] {strides = array<i32>} : memref<80x64xf32, #tpu.memory_space<vmem>>, vector<1x16xf32>,
      %swap3A_420 = vector.shape_cast %swap3A_419 : vector<1x16xf32> to vector<16xf32>
      %swap3A_421 = vector.shape_cast %mul3A_416 : vector<16xf32> to vector<1x16xf32>
      tpu.vector_store %arg12[%swap3A_417, %swap3A_418], %swap3A_421 {strides = array<i32>} : memref<80x64xf32, #tpu.memory_space<vmem>>, vector<1x16xf32>,
      %get3A_422 = arith.index_cast %add3A_399 : i32 to index
      %get3A_423 = arith.constant 32 : index
      %get3A_424 = tpu.vector_load %arg12[%get3A_422, %get3A_423] {strides = array<i32>} : memref<80x64xf32, #tpu.memory_space<vmem>>, vector<1x16xf32>,
      %get3A_425 = vector.shape_cast %get3A_424 : vector<1x16xf32> to vector<16xf32>
      %mul3A_426 = vector.broadcast %squeeze3A_395 : f32 to vector<16xf32>
      %mul3A_427 = arith.mulf %get3A_425, %mul3A_426 : vector<16xf32>
      %swap3A_428 = arith.index_cast %add3A_399 : i32 to index
      %swap3A_429 = arith.constant 32 : index
      %swap3A_430 = tpu.vector_load %arg12[%swap3A_428, %swap3A_429] {strides = array<i32>} : memref<80x64xf32, #tpu.memory_space<vmem>>, vector<1x16xf32>,
      %swap3A_431 = vector.shape_cast %swap3A_430 : vector<1x16xf32> to vector<16xf32>
      %swap3A_432 = vector.shape_cast %mul3A_427 : vector<16xf32> to vector<1x16xf32>
      tpu.vector_store %arg12[%swap3A_428, %swap3A_429], %swap3A_432 {strides = array<i32>} : memref<80x64xf32, #tpu.memory_space<vmem>>, vector<1x16xf32>,
      %get3A_433 = arith.index_cast %add3A_399 : i32 to index
      %get3A_434 = arith.constant 48 : index
      %get3A_435 = tpu.vector_load %arg12[%get3A_433, %get3A_434] {strides = array<i32>} : memref<80x64xf32, #tpu.memory_space<vmem>>, vector<1x16xf32>,
      %get3A_436 = vector.shape_cast %get3A_435 : vector<1x16xf32> to vector<16xf32>
      %mul3A_437 = vector.broadcast %squeeze3A_395 : f32 to vector<16xf32>
      %mul3A_438 = arith.mulf %get3A_436, %mul3A_437 : vector<16xf32>
      %swap3A_439 = arith.index_cast %add3A_399 : i32 to index
      %swap3A_440 = arith.constant 48 : index
      %swap3A_441 = tpu.vector_load %arg12[%swap3A_439, %swap3A_440] {strides = array<i32>} : memref<80x64xf32, #tpu.memory_space<vmem>>, vector<1x16xf32>,
      %swap3A_442 = vector.shape_cast %swap3A_441 : vector<1x16xf32> to vector<16xf32>
      %swap3A_443 = vector.shape_cast %mul3A_438 : vector<16xf32> to vector<1x16xf32>
      tpu.vector_store %arg12[%swap3A_439, %swap3A_440], %swap3A_443 {strides = array<i32>} : memref<80x64xf32, #tpu.memory_space<vmem>>, vector<1x16xf32>,
      %slice3A_444 = vector.extract_strided_slice %get3A_196 {offsets = [5], sizes = [1], strides = [1]} : vector<16xf32> to vector<1xf32>
      %squeeze3A_445 = vector.extract %slice3A_444[0] : f32 from vector<1xf32>
      %mul3A_446 = arith.constant 16 : i32
      %mul3A_447 = arith.muli %scan3A_189, %mul3A_446 : i32
      %add3A_448 = arith.constant 5 : i32
      %add3A_449 = arith.addi %mul3A_447, %add3A_448 : i32
      %get3A_450 = arith.index_cast %add3A_449 : i32 to index
      %get3A_451 = arith.constant 0 : index
      %get3A_452 = tpu.vector_load %arg12[%get3A_450, %get3A_451] {strides = array<i32>} : memref<80x64xf32, #tpu.memory_space<vmem>>, vector<1x16xf32>,
      %get3A_453 = vector.shape_cast %get3A_452 : vector<1x16xf32> to vector<16xf32>
      %mul3A_454 = vector.broadcast %squeeze3A_445 : f32 to vector<16xf32>
      %mul3A_455 = arith.mulf %get3A_453, %mul3A_454 : vector<16xf32>
      %swap3A_456 = arith.index_cast %add3A_449 : i32 to index
      %swap3A_457 = arith.constant 0 : index
      %swap3A_458 = tpu.vector_load %arg12[%swap3A_456, %swap3A_457] {strides = array<i32>} : memref<80x64xf32, #tpu.memory_space<vmem>>, vector<1x16xf32>,
      %swap3A_459 = vector.shape_cast %swap3A_458 : vector<1x16xf32> to vector<16xf32>
      %swap3A_460 = vector.shape_cast %mul3A_455 : vector<16xf32> to vector<1x16xf32>
      tpu.vector_store %arg12[%swap3A_456, %swap3A_457], %swap3A_460 {strides = array<i32>} : memref<80x64xf32, #tpu.memory_space<vmem>>, vector<1x16xf32>,
      %get3A_461 = arith.index_cast %add3A_449 : i32 to index
      %get3A_462 = arith.constant 16 : index
      %get3A_463 = tpu.vector_load %arg12[%get3A_461, %get3A_462] {strides = array<i32>} : memref<80x64xf32, #tpu.memory_space<vmem>>, vector<1x16xf32>,
      %get3A_464 = vector.shape_cast %get3A_463 : vector<1x16xf32> to vector<16xf32>
      %mul3A_465 = vector.broadcast %squeeze3A_445 : f32 to vector<16xf32>
      %mul3A_466 = arith.mulf %get3A_464, %mul3A_465 : vector<16xf32>
      %swap3A_467 = arith.index_cast %add3A_449 : i32 to index
      %swap3A_468 = arith.constant 16 : index
      %swap3A_469 = tpu.vector_load %arg12[%swap3A_467, %swap3A_468] {strides = array<i32>} : memref<80x64xf32, #tpu.memory_space<vmem>>, vector<1x16xf32>,
      %swap3A_470 = vector.shape_cast %swap3A_469 : vector<1x16xf32> to vector<16xf32>
      %swap3A_471 = vector.shape_cast %mul3A_466 : vector<16xf32> to vector<1x16xf32>
      tpu.vector_store %arg12[%swap3A_467, %swap3A_468], %swap3A_471 {strides = array<i32>} : memref<80x64xf32, #tpu.memory_space<vmem>>, vector<1x16xf32>,
      %get3A_472 = arith.index_cast %add3A_449 : i32 to index
      %get3A_473 = arith.constant 32 : index
      %get3A_474 = tpu.vector_load %arg12[%get3A_472, %get3A_473] {strides = array<i32>} : memref<80x64xf32, #tpu.memory_space<vmem>>, vector<1x16xf32>,
      %get3A_475 = vector.shape_cast %get3A_474 : vector<1x16xf32> to vector<16xf32>
      %mul3A_476 = vector.broadcast %squeeze3A_445 : f32 to vector<16xf32>
      %mul3A_477 = arith.mulf %get3A_475, %mul3A_476 : vector<16xf32>
      %swap3A_478 = arith.index_cast %add3A_449 : i32 to index
      %swap3A_479 = arith.constant 32 : index
      %swap3A_480 = tpu.vector_load %arg12[%swap3A_478, %swap3A_479] {strides = array<i32>} : memref<80x64xf32, #tpu.memory_space<vmem>>, vector<1x16xf32>,
      %swap3A_481 = vector.shape_cast %swap3A_480 : vector<1x16xf32> to vector<16xf32>
      %swap3A_482 = vector.shape_cast %mul3A_477 : vector<16xf32> to vector<1x16xf32>
      tpu.vector_store %arg12[%swap3A_478, %swap3A_479], %swap3A_482 {strides = array<i32>} : memref<80x64xf32, #tpu.memory_space<vmem>>, vector<1x16xf32>,
      %get3A_483 = arith.index_cast %add3A_449 : i32 to index
      %get3A_484 = arith.constant 48 : index
      %get3A_485 = tpu.vector_load %arg12[%get3A_483, %get3A_484] {strides = array<i32>} : memref<80x64xf32, #tpu.memory_space<vmem>>, vector<1x16xf32>,
      %get3A_486 = vector.shape_cast %get3A_485 : vector<1x16xf32> to vector<16xf32>
      %mul3A_487 = vector.broadcast %squeeze3A_445 : f32 to vector<16xf32>
      %mul3A_488 = arith.mulf %get3A_486, %mul3A_487 : vector<16xf32>
      %swap3A_489 = arith.index_cast %add3A_449 : i32 to index
      %swap3A_490 = arith.constant 48 : index
      %swap3A_491 = tpu.vector_load %arg12[%swap3A_489, %swap3A_490] {strides = array<i32>} : memref<80x64xf32, #tpu.memory_space<vmem>>, vector<1x16xf32>,
      %swap3A_492 = vector.shape_cast %swap3A_491 : vector<1x16xf32> to vector<16xf32>
      %swap3A_493 = vector.shape_cast %mul3A_488 : vector<16xf32> to vector<1x16xf32>
      tpu.vector_store %arg12[%swap3A_489, %swap3A_490], %swap3A_493 {strides = array<i32>} : memref<80x64xf32, #tpu.memory_space<vmem>>, vector<1x16xf32>,
      %slice3A_494 = vector.extract_strided_slice %get3A_196 {offsets = [6], sizes = [1], strides = [1]} : vector<16xf32> to vector<1xf32>
      %squeeze3A_495 = vector.extract %slice3A_494[0] : f32 from vector<1xf32>
      %mul3A_496 = arith.constant 16 : i32
      %mul3A_497 = arith.muli %scan3A_189, %mul3A_496 : i32
      %add3A_498 = arith.constant 6 : i32
      %add3A_499 = arith.addi %mul3A_497, %add3A_498 : i32
      %get3A_500 = arith.index_cast %add3A_499 : i32 to index
      %get3A_501 = arith.constant 0 : index
      %get3A_502 = tpu.vector_load %arg12[%get3A_500, %get3A_501] {strides = array<i32>} : memref<80x64xf32, #tpu.memory_space<vmem>>, vector<1x16xf32>,
      %get3A_503 = vector.shape_cast %get3A_502 : vector<1x16xf32> to vector<16xf32>
      %mul3A_504 = vector.broadcast %squeeze3A_495 : f32 to vector<16xf32>
      %mul3A_505 = arith.mulf %get3A_503, %mul3A_504 : vector<16xf32>
      %swap3A_506 = arith.index_cast %add3A_499 : i32 to index
      %swap3A_507 = arith.constant 0 : index
      %swap3A_508 = tpu.vector_load %arg12[%swap3A_506, %swap3A_507] {strides = array<i32>} : memref<80x64xf32, #tpu.memory_space<vmem>>, vector<1x16xf32>,
      %swap3A_509 = vector.shape_cast %swap3A_508 : vector<1x16xf32> to vector<16xf32>
      %swap3A_510 = vector.shape_cast %mul3A_505 : vector<16xf32> to vector<1x16xf32>
      tpu.vector_store %arg12[%swap3A_506, %swap3A_507], %swap3A_510 {strides = array<i32>} : memref<80x64xf32, #tpu.memory_space<vmem>>, vector<1x16xf32>,
      %get3A_511 = arith.index_cast %add3A_499 : i32 to index
      %get3A_512 = arith.constant 16 : index
      %get3A_513 = tpu.vector_load %arg12[%get3A_511, %get3A_512] {strides = array<i32>} : memref<80x64xf32, #tpu.memory_space<vmem>>, vector<1x16xf32>,
      %get3A_514 = vector.shape_cast %get3A_513 : vector<1x16xf32> to vector<16xf32>
      %mul3A_515 = vector.broadcast %squeeze3A_495 : f32 to vector<16xf32>
      %mul3A_516 = arith.mulf %get3A_514, %mul3A_515 : vector<16xf32>
      %swap3A_517 = arith.index_cast %add3A_499 : i32 to index
      %swap3A_518 = arith.constant 16 : index
      %swap3A_519 = tpu.vector_load %arg12[%swap3A_517, %swap3A_518] {strides = array<i32>} : memref<80x64xf32, #tpu.memory_space<vmem>>, vector<1x16xf32>,
      %swap3A_520 = vector.shape_cast %swap3A_519 : vector<1x16xf32> to vector<16xf32>
      %swap3A_521 = vector.shape_cast %mul3A_516 : vector<16xf32> to vector<1x16xf32>
      tpu.vector_store %arg12[%swap3A_517, %swap3A_518], %swap3A_521 {strides = array<i32>} : memref<80x64xf32, #tpu.memory_space<vmem>>, vector<1x16xf32>,
      %get3A_522 = arith.index_cast %add3A_499 : i32 to index
      %get3A_523 = arith.constant 32 : index
      %get3A_524 = tpu.vector_load %arg12[%get3A_522, %get3A_523] {strides = array<i32>} : memref<80x64xf32, #tpu.memory_space<vmem>>, vector<1x16xf32>,
      %get3A_525 = vector.shape_cast %get3A_524 : vector<1x16xf32> to vector<16xf32>
      %mul3A_526 = vector.broadcast %squeeze3A_495 : f32 to vector<16xf32>
      %mul3A_527 = arith.mulf %get3A_525, %mul3A_526 : vector<16xf32>
      %swap3A_528 = arith.index_cast %add3A_499 : i32 to index
      %swap3A_529 = arith.constant 32 : index
      %swap3A_530 = tpu.vector_load %arg12[%swap3A_528, %swap3A_529] {strides = array<i32>} : memref<80x64xf32, #tpu.memory_space<vmem>>, vector<1x16xf32>,
      %swap3A_531 = vector.shape_cast %swap3A_530 : vector<1x16xf32> to vector<16xf32>
      %swap3A_532 = vector.shape_cast %mul3A_527 : vector<16xf32> to vector<1x16xf32>
      tpu.vector_store %arg12[%swap3A_528, %swap3A_529], %swap3A_532 {strides = array<i32>} : memref<80x64xf32, #tpu.memory_space<vmem>>, vector<1x16xf32>,
      %get3A_533 = arith.index_cast %add3A_499 : i32 to index
      %get3A_534 = arith.constant 48 : index
      %get3A_535 = tpu.vector_load %arg12[%get3A_533, %get3A_534] {strides = array<i32>} : memref<80x64xf32, #tpu.memory_space<vmem>>, vector<1x16xf32>,
      %get3A_536 = vector.shape_cast %get3A_535 : vector<1x16xf32> to vector<16xf32>
      %mul3A_537 = vector.broadcast %squeeze3A_495 : f32 to vector<16xf32>
      %mul3A_538 = arith.mulf %get3A_536, %mul3A_537 : vector<16xf32>
      %swap3A_539 = arith.index_cast %add3A_499 : i32 to index
      %swap3A_540 = arith.constant 48 : index
      %swap3A_541 = tpu.vector_load %arg12[%swap3A_539, %swap3A_540] {strides = array<i32>} : memref<80x64xf32, #tpu.memory_space<vmem>>, vector<1x16xf32>,
      %swap3A_542 = vector.shape_cast %swap3A_541 : vector<1x16xf32> to vector<16xf32>
      %swap3A_543 = vector.shape_cast %mul3A_538 : vector<16xf32> to vector<1x16xf32>
      tpu.vector_store %arg12[%swap3A_539, %swap3A_540], %swap3A_543 {strides = array<i32>} : memref<80x64xf32, #tpu.memory_space<vmem>>, vector<1x16xf32>,
      %slice3A_544 = vector.extract_strided_slice %get3A_196 {offsets = [7], sizes = [1], strides = [1]} : vector<16xf32> to vector<1xf32>
      %squeeze3A_545 = vector.extract %slice3A_544[0] : f32 from vector<1xf32>
      %mul3A_546 = arith.constant 16 : i32
      %mul3A_547 = arith.muli %scan3A_189, %mul3A_546 : i32
      %add3A_548 = arith.constant 7 : i32
      %add3A_549 = arith.addi %mul3A_547, %add3A_548 : i32
      %get3A_550 = arith.index_cast %add3A_549 : i32 to index
      %get3A_551 = arith.constant 0 : index
      %get3A_552 = tpu.vector_load %arg12[%get3A_550, %get3A_551] {strides = array<i32>} : memref<80x64xf32, #tpu.memory_space<vmem>>, vector<1x16xf32>,
      %get3A_553 = vector.shape_cast %get3A_552 : vector<1x16xf32> to vector<16xf32>
      %mul3A_554 = vector.broadcast %squeeze3A_545 : f32 to vector<16xf32>
      %mul3A_555 = arith.mulf %get3A_553, %mul3A_554 : vector<16xf32>
      %swap3A_556 = arith.index_cast %add3A_549 : i32 to index
      %swap3A_557 = arith.constant 0 : index
      %swap3A_558 = tpu.vector_load %arg12[%swap3A_556, %swap3A_557] {strides = array<i32>} : memref<80x64xf32, #tpu.memory_space<vmem>>, vector<1x16xf32>,
      %swap3A_559 = vector.shape_cast %swap3A_558 : vector<1x16xf32> to vector<16xf32>
      %swap3A_560 = vector.shape_cast %mul3A_555 : vector<16xf32> to vector<1x16xf32>
      tpu.vector_store %arg12[%swap3A_556, %swap3A_557], %swap3A_560 {strides = array<i32>} : memref<80x64xf32, #tpu.memory_space<vmem>>, vector<1x16xf32>,
      %get3A_561 = arith.index_cast %add3A_549 : i32 to index
      %get3A_562 = arith.constant 16 : index
      %get3A_563 = tpu.vector_load %arg12[%get3A_561, %get3A_562] {strides = array<i32>} : memref<80x64xf32, #tpu.memory_space<vmem>>, vector<1x16xf32>,
      %get3A_564 = vector.shape_cast %get3A_563 : vector<1x16xf32> to vector<16xf32>
      %mul3A_565 = vector.broadcast %squeeze3A_545 : f32 to vector<16xf32>
      %mul3A_566 = arith.mulf %get3A_564, %mul3A_565 : vector<16xf32>
      %swap3A_567 = arith.index_cast %add3A_549 : i32 to index
      %swap3A_568 = arith.constant 16 : index
      %swap3A_569 = tpu.vector_load %arg12[%swap3A_567, %swap3A_568] {strides = array<i32>} : memref<80x64xf32, #tpu.memory_space<vmem>>, vector<1x16xf32>,
      %swap3A_570 = vector.shape_cast %swap3A_569 : vector<1x16xf32> to vector<16xf32>
      %swap3A_571 = vector.shape_cast %mul3A_566 : vector<16xf32> to vector<1x16xf32>
      tpu.vector_store %arg12[%swap3A_567, %swap3A_568], %swap3A_571 {strides = array<i32>} : memref<80x64xf32, #tpu.memory_space<vmem>>, vector<1x16xf32>,
      %get3A_572 = arith.index_cast %add3A_549 : i32 to index
      %get3A_573 = arith.constant 32 : index
      %get3A_574 = tpu.vector_load %arg12[%get3A_572, %get3A_573] {strides = array<i32>} : memref<80x64xf32, #tpu.memory_space<vmem>>, vector<1x16xf32>,
      %get3A_575 = vector.shape_cast %get3A_574 : vector<1x16xf32> to vector<16xf32>
      %mul3A_576 = vector.broadcast %squeeze3A_545 : f32 to vector<16xf32>
      %mul3A_577 = arith.mulf %get3A_575, %mul3A_576 : vector<16xf32>
      %swap3A_578 = arith.index_cast %add3A_549 : i32 to index
      %swap3A_579 = arith.constant 32 : index
      %swap3A_580 = tpu.vector_load %arg12[%swap3A_578, %swap3A_579] {strides = array<i32>} : memref<80x64xf32, #tpu.memory_space<vmem>>, vector<1x16xf32>,
      %swap3A_581 = vector.shape_cast %swap3A_580 : vector<1x16xf32> to vector<16xf32>
      %swap3A_582 = vector.shape_cast %mul3A_577 : vector<16xf32> to vector<1x16xf32>
      tpu.vector_store %arg12[%swap3A_578, %swap3A_579], %swap3A_582 {strides = array<i32>} : memref<80x64xf32, #tpu.memory_space<vmem>>, vector<1x16xf32>,
      %get3A_583 = arith.index_cast %add3A_549 : i32 to index
      %get3A_584 = arith.constant 48 : index
      %get3A_585 = tpu.vector_load %arg12[%get3A_583, %get3A_584] {strides = array<i32>} : memref<80x64xf32, #tpu.memory_space<vmem>>, vector<1x16xf32>,
      %get3A_586 = vector.shape_cast %get3A_585 : vector<1x16xf32> to vector<16xf32>
      %mul3A_587 = vector.broadcast %squeeze3A_545 : f32 to vector<16xf32>
      %mul3A_588 = arith.mulf %get3A_586, %mul3A_587 : vector<16xf32>
      %swap3A_589 = arith.index_cast %add3A_549 : i32 to index
      %swap3A_590 = arith.constant 48 : index
      %swap3A_591 = tpu.vector_load %arg12[%swap3A_589, %swap3A_590] {strides = array<i32>} : memref<80x64xf32, #tpu.memory_space<vmem>>, vector<1x16xf32>,
      %swap3A_592 = vector.shape_cast %swap3A_591 : vector<1x16xf32> to vector<16xf32>
      %swap3A_593 = vector.shape_cast %mul3A_588 : vector<16xf32> to vector<1x16xf32>
      tpu.vector_store %arg12[%swap3A_589, %swap3A_590], %swap3A_593 {strides = array<i32>} : memref<80x64xf32, #tpu.memory_space<vmem>>, vector<1x16xf32>,
      %slice3A_594 = vector.extract_strided_slice %get3A_196 {offsets = [8], sizes = [1], strides = [1]} : vector<16xf32> to vector<1xf32>
      %squeeze3A_595 = vector.extract %slice3A_594[0] : f32 from vector<1xf32>
      %mul3A_596 = arith.constant 16 : i32
      %mul3A_597 = arith.muli %scan3A_189, %mul3A_596 : i32
      %add3A_598 = arith.constant 8 : i32
      %add3A_599 = arith.addi %mul3A_597, %add3A_598 : i32
      %get3A_600 = arith.index_cast %add3A_599 : i32 to index
      %get3A_601 = arith.constant 0 : index
      %get3A_602 = tpu.vector_load %arg12[%get3A_600, %get3A_601] {strides = array<i32>} : memref<80x64xf32, #tpu.memory_space<vmem>>, vector<1x16xf32>,
      %get3A_603 = vector.shape_cast %get3A_602 : vector<1x16xf32> to vector<16xf32>
      %mul3A_604 = vector.broadcast %squeeze3A_595 : f32 to vector<16xf32>
      %mul3A_605 = arith.mulf %get3A_603, %mul3A_604 : vector<16xf32>
      %swap3A_606 = arith.index_cast %add3A_599 : i32 to index
      %swap3A_607 = arith.constant 0 : index
      %swap3A_608 = tpu.vector_load %arg12[%swap3A_606, %swap3A_607] {strides = array<i32>} : memref<80x64xf32, #tpu.memory_space<vmem>>, vector<1x16xf32>,
      %swap3A_609 = vector.shape_cast %swap3A_608 : vector<1x16xf32> to vector<16xf32>
      %swap3A_610 = vector.shape_cast %mul3A_605 : vector<16xf32> to vector<1x16xf32>
      tpu.vector_store %arg12[%swap3A_606, %swap3A_607], %swap3A_610 {strides = array<i32>} : memref<80x64xf32, #tpu.memory_space<vmem>>, vector<1x16xf32>,
      %get3A_611 = arith.index_cast %add3A_599 : i32 to index
      %get3A_612 = arith.constant 16 : index
      %get3A_613 = tpu.vector_load %arg12[%get3A_611, %get3A_612] {strides = array<i32>} : memref<80x64xf32, #tpu.memory_space<vmem>>, vector<1x16xf32>,
      %get3A_614 = vector.shape_cast %get3A_613 : vector<1x16xf32> to vector<16xf32>
      %mul3A_615 = vector.broadcast %squeeze3A_595 : f32 to vector<16xf32>
      %mul3A_616 = arith.mulf %get3A_614, %mul3A_615 : vector<16xf32>
      %swap3A_617 = arith.index_cast %add3A_599 : i32 to index
      %swap3A_618 = arith.constant 16 : index
      %swap3A_619 = tpu.vector_load %arg12[%swap3A_617, %swap3A_618] {strides = array<i32>} : memref<80x64xf32, #tpu.memory_space<vmem>>, vector<1x16xf32>,
      %swap3A_620 = vector.shape_cast %swap3A_619 : vector<1x16xf32> to vector<16xf32>
      %swap3A_621 = vector.shape_cast %mul3A_616 : vector<16xf32> to vector<1x16xf32>
      tpu.vector_store %arg12[%swap3A_617, %swap3A_618], %swap3A_621 {strides = array<i32>} : memref<80x64xf32, #tpu.memory_space<vmem>>, vector<1x16xf32>,
      %get3A_622 = arith.index_cast %add3A_599 : i32 to index
      %get3A_623 = arith.constant 32 : index
      %get3A_624 = tpu.vector_load %arg12[%get3A_622, %get3A_623] {strides = array<i32>} : memref<80x64xf32, #tpu.memory_space<vmem>>, vector<1x16xf32>,
      %get3A_625 = vector.shape_cast %get3A_624 : vector<1x16xf32> to vector<16xf32>
      %mul3A_626 = vector.broadcast %squeeze3A_595 : f32 to vector<16xf32>
      %mul3A_627 = arith.mulf %get3A_625, %mul3A_626 : vector<16xf32>
      %swap3A_628 = arith.index_cast %add3A_599 : i32 to index
      %swap3A_629 = arith.constant 32 : index
      %swap3A_630 = tpu.vector_load %arg12[%swap3A_628, %swap3A_629] {strides = array<i32>} : memref<80x64xf32, #tpu.memory_space<vmem>>, vector<1x16xf32>,
      %swap3A_631 = vector.shape_cast %swap3A_630 : vector<1x16xf32> to vector<16xf32>
      %swap3A_632 = vector.shape_cast %mul3A_627 : vector<16xf32> to vector<1x16xf32>
      tpu.vector_store %arg12[%swap3A_628, %swap3A_629], %swap3A_632 {strides = array<i32>} : memref<80x64xf32, #tpu.memory_space<vmem>>, vector<1x16xf32>,
      %get3A_633 = arith.index_cast %add3A_599 : i32 to index
      %get3A_634 = arith.constant 48 : index
      %get3A_635 = tpu.vector_load %arg12[%get3A_633, %get3A_634] {strides = array<i32>} : memref<80x64xf32, #tpu.memory_space<vmem>>, vector<1x16xf32>,
      %get3A_636 = vector.shape_cast %get3A_635 : vector<1x16xf32> to vector<16xf32>
      %mul3A_637 = vector.broadcast %squeeze3A_595 : f32 to vector<16xf32>
      %mul3A_638 = arith.mulf %get3A_636, %mul3A_637 : vector<16xf32>
      %swap3A_639 = arith.index_cast %add3A_599 : i32 to index
      %swap3A_640 = arith.constant 48 : index
      %swap3A_641 = tpu.vector_load %arg12[%swap3A_639, %swap3A_640] {strides = array<i32>} : memref<80x64xf32, #tpu.memory_space<vmem>>, vector<1x16xf32>,
      %swap3A_642 = vector.shape_cast %swap3A_641 : vector<1x16xf32> to vector<16xf32>
      %swap3A_643 = vector.shape_cast %mul3A_638 : vector<16xf32> to vector<1x16xf32>
      tpu.vector_store %arg12[%swap3A_639, %swap3A_640], %swap3A_643 {strides = array<i32>} : memref<80x64xf32, #tpu.memory_space<vmem>>, vector<1x16xf32>,
      %slice3A_644 = vector.extract_strided_slice %get3A_196 {offsets = [9], sizes = [1], strides = [1]} : vector<16xf32> to vector<1xf32>
      %squeeze3A_645 = vector.extract %slice3A_644[0] : f32 from vector<1xf32>
      %mul3A_646 = arith.constant 16 : i32
      %mul3A_647 = arith.muli %scan3A_189, %mul3A_646 : i32
      %add3A_648 = arith.constant 9 : i32
      %add3A_649 = arith.addi %mul3A_647, %add3A_648 : i32
      %get3A_650 = arith.index_cast %add3A_649 : i32 to index
      %get3A_651 = arith.constant 0 : index
      %get3A_652 = tpu.vector_load %arg12[%get3A_650, %get3A_651] {strides = array<i32>} : memref<80x64xf32, #tpu.memory_space<vmem>>, vector<1x16xf32>,
      %get3A_653 = vector.shape_cast %get3A_652 : vector<1x16xf32> to vector<16xf32>
      %mul3A_654 = vector.broadcast %squeeze3A_645 : f32 to vector<16xf32>
      %mul3A_655 = arith.mulf %get3A_653, %mul3A_654 : vector<16xf32>
      %swap3A_656 = arith.index_cast %add3A_649 : i32 to index
      %swap3A_657 = arith.constant 0 : index
      %swap3A_658 = tpu.vector_load %arg12[%swap3A_656, %swap3A_657] {strides = array<i32>} : memref<80x64xf32, #tpu.memory_space<vmem>>, vector<1x16xf32>,
      %swap3A_659 = vector.shape_cast %swap3A_658 : vector<1x16xf32> to vector<16xf32>
      %swap3A_660 = vector.shape_cast %mul3A_655 : vector<16xf32> to vector<1x16xf32>
      tpu.vector_store %arg12[%swap3A_656, %swap3A_657], %swap3A_660 {strides = array<i32>} : memref<80x64xf32, #tpu.memory_space<vmem>>, vector<1x16xf32>,
      %get3A_661 = arith.index_cast %add3A_649 : i32 to index
      %get3A_662 = arith.constant 16 : index
      %get3A_663 = tpu.vector_load %arg12[%get3A_661, %get3A_662] {strides = array<i32>} : memref<80x64xf32, #tpu.memory_space<vmem>>, vector<1x16xf32>,
      %get3A_664 = vector.shape_cast %get3A_663 : vector<1x16xf32> to vector<16xf32>
      %mul3A_665 = vector.broadcast %squeeze3A_645 : f32 to vector<16xf32>
      %mul3A_666 = arith.mulf %get3A_664, %mul3A_665 : vector<16xf32>
      %swap3A_667 = arith.index_cast %add3A_649 : i32 to index
      %swap3A_668 = arith.constant 16 : index
      %swap3A_669 = tpu.vector_load %arg12[%swap3A_667, %swap3A_668] {strides = array<i32>} : memref<80x64xf32, #tpu.memory_space<vmem>>, vector<1x16xf32>,
      %swap3A_670 = vector.shape_cast %swap3A_669 : vector<1x16xf32> to vector<16xf32>
      %swap3A_671 = vector.shape_cast %mul3A_666 : vector<16xf32> to vector<1x16xf32>
      tpu.vector_store %arg12[%swap3A_667, %swap3A_668], %swap3A_671 {strides = array<i32>} : memref<80x64xf32, #tpu.memory_space<vmem>>, vector<1x16xf32>,
      %get3A_672 = arith.index_cast %add3A_649 : i32 to index
      %get3A_673 = arith.constant 32 : index
      %get3A_674 = tpu.vector_load %arg12[%get3A_672, %get3A_673] {strides = array<i32>} : memref<80x64xf32, #tpu.memory_space<vmem>>, vector<1x16xf32>,
      %get3A_675 = vector.shape_cast %get3A_674 : vector<1x16xf32> to vector<16xf32>
      %mul3A_676 = vector.broadcast %squeeze3A_645 : f32 to vector<16xf32>
      %mul3A_677 = arith.mulf %get3A_675, %mul3A_676 : vector<16xf32>
      %swap3A_678 = arith.index_cast %add3A_649 : i32 to index
      %swap3A_679 = arith.constant 32 : index
      %swap3A_680 = tpu.vector_load %arg12[%swap3A_678, %swap3A_679] {strides = array<i32>} : memref<80x64xf32, #tpu.memory_space<vmem>>, vector<1x16xf32>,
      %swap3A_681 = vector.shape_cast %swap3A_680 : vector<1x16xf32> to vector<16xf32>
      %swap3A_682 = vector.shape_cast %mul3A_677 : vector<16xf32> to vector<1x16xf32>
      tpu.vector_store %arg12[%swap3A_678, %swap3A_679], %swap3A_682 {strides = array<i32>} : memref<80x64xf32, #tpu.memory_space<vmem>>, vector<1x16xf32>,
      %get3A_683 = arith.index_cast %add3A_649 : i32 to index
      %get3A_684 = arith.constant 48 : index
      %get3A_685 = tpu.vector_load %arg12[%get3A_683, %get3A_684] {strides = array<i32>} : memref<80x64xf32, #tpu.memory_space<vmem>>, vector<1x16xf32>,
      %get3A_686 = vector.shape_cast %get3A_685 : vector<1x16xf32> to vector<16xf32>
      %mul3A_687 = vector.broadcast %squeeze3A_645 : f32 to vector<16xf32>
      %mul3A_688 = arith.mulf %get3A_686, %mul3A_687 : vector<16xf32>
      %swap3A_689 = arith.index_cast %add3A_649 : i32 to index
      %swap3A_690 = arith.constant 48 : index
      %swap3A_691 = tpu.vector_load %arg12[%swap3A_689, %swap3A_690] {strides = array<i32>} : memref<80x64xf32, #tpu.memory_space<vmem>>, vector<1x16xf32>,
      %swap3A_692 = vector.shape_cast %swap3A_691 : vector<1x16xf32> to vector<16xf32>
      %swap3A_693 = vector.shape_cast %mul3A_688 : vector<16xf32> to vector<1x16xf32>
      tpu.vector_store %arg12[%swap3A_689, %swap3A_690], %swap3A_693 {strides = array<i32>} : memref<80x64xf32, #tpu.memory_space<vmem>>, vector<1x16xf32>,
      %slice3A_694 = vector.extract_strided_slice %get3A_196 {offsets = [10], sizes = [1], strides = [1]} : vector<16xf32> to vector<1xf32>
      %squeeze3A_695 = vector.extract %slice3A_694[0] : f32 from vector<1xf32>
      %mul3A_696 = arith.constant 16 : i32
      %mul3A_697 = arith.muli %scan3A_189, %mul3A_696 : i32
      %add3A_698 = arith.constant 10 : i32
      %add3A_699 = arith.addi %mul3A_697, %add3A_698 : i32
      %get3A_700 = arith.index_cast %add3A_699 : i32 to index
      %get3A_701 = arith.constant 0 : index
      %get3A_702 = tpu.vector_load %arg12[%get3A_700, %get3A_701] {strides = array<i32>} : memref<80x64xf32, #tpu.memory_space<vmem>>, vector<1x16xf32>,
      %get3A_703 = vector.shape_cast %get3A_702 : vector<1x16xf32> to vector<16xf32>
      %mul3A_704 = vector.broadcast %squeeze3A_695 : f32 to vector<16xf32>
      %mul3A_705 = arith.mulf %get3A_703, %mul3A_704 : vector<16xf32>
      %swap3A_706 = arith.index_cast %add3A_699 : i32 to index
      %swap3A_707 = arith.constant 0 : index
      %swap3A_708 = tpu.vector_load %arg12[%swap3A_706, %swap3A_707] {strides = array<i32>} : memref<80x64xf32, #tpu.memory_space<vmem>>, vector<1x16xf32>,
      %swap3A_709 = vector.shape_cast %swap3A_708 : vector<1x16xf32> to vector<16xf32>
      %swap3A_710 = vector.shape_cast %mul3A_705 : vector<16xf32> to vector<1x16xf32>
      tpu.vector_store %arg12[%swap3A_706, %swap3A_707], %swap3A_710 {strides = array<i32>} : memref<80x64xf32, #tpu.memory_space<vmem>>, vector<1x16xf32>,
      %get3A_711 = arith.index_cast %add3A_699 : i32 to index
      %get3A_712 = arith.constant 16 : index
      %get3A_713 = tpu.vector_load %arg12[%get3A_711, %get3A_712] {strides = array<i32>} : memref<80x64xf32, #tpu.memory_space<vmem>>, vector<1x16xf32>,
      %get3A_714 = vector.shape_cast %get3A_713 : vector<1x16xf32> to vector<16xf32>
      %mul3A_715 = vector.broadcast %squeeze3A_695 : f32 to vector<16xf32>
      %mul3A_716 = arith.mulf %get3A_714, %mul3A_715 : vector<16xf32>
      %swap3A_717 = arith.index_cast %add3A_699 : i32 to index
      %swap3A_718 = arith.constant 16 : index
      %swap3A_719 = tpu.vector_load %arg12[%swap3A_717, %swap3A_718] {strides = array<i32>} : memref<80x64xf32, #tpu.memory_space<vmem>>, vector<1x16xf32>,
      %swap3A_720 = vector.shape_cast %swap3A_719 : vector<1x16xf32> to vector<16xf32>
      %swap3A_721 = vector.shape_cast %mul3A_716 : vector<16xf32> to vector<1x16xf32>
      tpu.vector_store %arg12[%swap3A_717, %swap3A_718], %swap3A_721 {strides = array<i32>} : memref<80x64xf32, #tpu.memory_space<vmem>>, vector<1x16xf32>,
      %get3A_722 = arith.index_cast %add3A_699 : i32 to index
      %get3A_723 = arith.constant 32 : index
      %get3A_724 = tpu.vector_load %arg12[%get3A_722, %get3A_723] {strides = array<i32>} : memref<80x64xf32, #tpu.memory_space<vmem>>, vector<1x16xf32>,
      %get3A_725 = vector.shape_cast %get3A_724 : vector<1x16xf32> to vector<16xf32>
      %mul3A_726 = vector.broadcast %squeeze3A_695 : f32 to vector<16xf32>
      %mul3A_727 = arith.mulf %get3A_725, %mul3A_726 : vector<16xf32>
      %swap3A_728 = arith.index_cast %add3A_699 : i32 to index
      %swap3A_729 = arith.constant 32 : index
      %swap3A_730 = tpu.vector_load %arg12[%swap3A_728, %swap3A_729] {strides = array<i32>} : memref<80x64xf32, #tpu.memory_space<vmem>>, vector<1x16xf32>,
      %swap3A_731 = vector.shape_cast %swap3A_730 : vector<1x16xf32> to vector<16xf32>
      %swap3A_732 = vector.shape_cast %mul3A_727 : vector<16xf32> to vector<1x16xf32>
      tpu.vector_store %arg12[%swap3A_728, %swap3A_729], %swap3A_732 {strides = array<i32>} : memref<80x64xf32, #tpu.memory_space<vmem>>, vector<1x16xf32>,
      %get3A_733 = arith.index_cast %add3A_699 : i32 to index
      %get3A_734 = arith.constant 48 : index
      %get3A_735 = tpu.vector_load %arg12[%get3A_733, %get3A_734] {strides = array<i32>} : memref<80x64xf32, #tpu.memory_space<vmem>>, vector<1x16xf32>,
      %get3A_736 = vector.shape_cast %get3A_735 : vector<1x16xf32> to vector<16xf32>
      %mul3A_737 = vector.broadcast %squeeze3A_695 : f32 to vector<16xf32>
      %mul3A_738 = arith.mulf %get3A_736, %mul3A_737 : vector<16xf32>
      %swap3A_739 = arith.index_cast %add3A_699 : i32 to index
      %swap3A_740 = arith.constant 48 : index
      %swap3A_741 = tpu.vector_load %arg12[%swap3A_739, %swap3A_740] {strides = array<i32>} : memref<80x64xf32, #tpu.memory_space<vmem>>, vector<1x16xf32>,
      %swap3A_742 = vector.shape_cast %swap3A_741 : vector<1x16xf32> to vector<16xf32>
      %swap3A_743 = vector.shape_cast %mul3A_738 : vector<16xf32> to vector<1x16xf32>
      tpu.vector_store %arg12[%swap3A_739, %swap3A_740], %swap3A_743 {strides = array<i32>} : memref<80x64xf32, #tpu.memory_space<vmem>>, vector<1x16xf32>,
      %slice3A_744 = vector.extract_strided_slice %get3A_196 {offsets = [11], sizes = [1], strides = [1]} : vector<16xf32> to vector<1xf32>
      %squeeze3A_745 = vector.extract %slice3A_744[0] : f32 from vector<1xf32>
      %mul3A_746 = arith.constant 16 : i32
      %mul3A_747 = arith.muli %scan3A_189, %mul3A_746 : i32
      %add3A_748 = arith.constant 11 : i32
      %add3A_749 = arith.addi %mul3A_747, %add3A_748 : i32
      %get3A_750 = arith.index_cast %add3A_749 : i32 to index
      %get3A_751 = arith.constant 0 : index
      %get3A_752 = tpu.vector_load %arg12[%get3A_750, %get3A_751] {strides = array<i32>} : memref<80x64xf32, #tpu.memory_space<vmem>>, vector<1x16xf32>,
      %get3A_753 = vector.shape_cast %get3A_752 : vector<1x16xf32> to vector<16xf32>
      %mul3A_754 = vector.broadcast %squeeze3A_745 : f32 to vector<16xf32>
      %mul3A_755 = arith.mulf %get3A_753, %mul3A_754 : vector<16xf32>
      %swap3A_756 = arith.index_cast %add3A_749 : i32 to index
      %swap3A_757 = arith.constant 0 : index
      %swap3A_758 = tpu.vector_load %arg12[%swap3A_756, %swap3A_757] {strides = array<i32>} : memref<80x64xf32, #tpu.memory_space<vmem>>, vector<1x16xf32>,
      %swap3A_759 = vector.shape_cast %swap3A_758 : vector<1x16xf32> to vector<16xf32>
      %swap3A_760 = vector.shape_cast %mul3A_755 : vector<16xf32> to vector<1x16xf32>
      tpu.vector_store %arg12[%swap3A_756, %swap3A_757], %swap3A_760 {strides = array<i32>} : memref<80x64xf32, #tpu.memory_space<vmem>>, vector<1x16xf32>,
      %get3A_761 = arith.index_cast %add3A_749 : i32 to index
      %get3A_762 = arith.constant 16 : index
      %get3A_763 = tpu.vector_load %arg12[%get3A_761, %get3A_762] {strides = array<i32>} : memref<80x64xf32, #tpu.memory_space<vmem>>, vector<1x16xf32>,
      %get3A_764 = vector.shape_cast %get3A_763 : vector<1x16xf32> to vector<16xf32>
      %mul3A_765 = vector.broadcast %squeeze3A_745 : f32 to vector<16xf32>
      %mul3A_766 = arith.mulf %get3A_764, %mul3A_765 : vector<16xf32>
      %swap3A_767 = arith.index_cast %add3A_749 : i32 to index
      %swap3A_768 = arith.constant 16 : index
      %swap3A_769 = tpu.vector_load %arg12[%swap3A_767, %swap3A_768] {strides = array<i32>} : memref<80x64xf32, #tpu.memory_space<vmem>>, vector<1x16xf32>,
      %swap3A_770 = vector.shape_cast %swap3A_769 : vector<1x16xf32> to vector<16xf32>
      %swap3A_771 = vector.shape_cast %mul3A_766 : vector<16xf32> to vector<1x16xf32>
      tpu.vector_store %arg12[%swap3A_767, %swap3A_768], %swap3A_771 {strides = array<i32>} : memref<80x64xf32, #tpu.memory_space<vmem>>, vector<1x16xf32>,
      %get3A_772 = arith.index_cast %add3A_749 : i32 to index
      %get3A_773 = arith.constant 32 : index
      %get3A_774 = tpu.vector_load %arg12[%get3A_772, %get3A_773] {strides = array<i32>} : memref<80x64xf32, #tpu.memory_space<vmem>>, vector<1x16xf32>,
      %get3A_775 = vector.shape_cast %get3A_774 : vector<1x16xf32> to vector<16xf32>
      %mul3A_776 = vector.broadcast %squeeze3A_745 : f32 to vector<16xf32>
      %mul3A_777 = arith.mulf %get3A_775, %mul3A_776 : vector<16xf32>
      %swap3A_778 = arith.index_cast %add3A_749 : i32 to index
      %swap3A_779 = arith.constant 32 : index
      %swap3A_780 = tpu.vector_load %arg12[%swap3A_778, %swap3A_779] {strides = array<i32>} : memref<80x64xf32, #tpu.memory_space<vmem>>, vector<1x16xf32>,
      %swap3A_781 = vector.shape_cast %swap3A_780 : vector<1x16xf32> to vector<16xf32>
      %swap3A_782 = vector.shape_cast %mul3A_777 : vector<16xf32> to vector<1x16xf32>
      tpu.vector_store %arg12[%swap3A_778, %swap3A_779], %swap3A_782 {strides = array<i32>} : memref<80x64xf32, #tpu.memory_space<vmem>>, vector<1x16xf32>,
      %get3A_783 = arith.index_cast %add3A_749 : i32 to index
      %get3A_784 = arith.constant 48 : index
      %get3A_785 = tpu.vector_load %arg12[%get3A_783, %get3A_784] {strides = array<i32>} : memref<80x64xf32, #tpu.memory_space<vmem>>, vector<1x16xf32>,
      %get3A_786 = vector.shape_cast %get3A_785 : vector<1x16xf32> to vector<16xf32>
      %mul3A_787 = vector.broadcast %squeeze3A_745 : f32 to vector<16xf32>
      %mul3A_788 = arith.mulf %get3A_786, %mul3A_787 : vector<16xf32>
      %swap3A_789 = arith.index_cast %add3A_749 : i32 to index
      %swap3A_790 = arith.constant 48 : index
      %swap3A_791 = tpu.vector_load %arg12[%swap3A_789, %swap3A_790] {strides = array<i32>} : memref<80x64xf32, #tpu.memory_space<vmem>>, vector<1x16xf32>,
      %swap3A_792 = vector.shape_cast %swap3A_791 : vector<1x16xf32> to vector<16xf32>
      %swap3A_793 = vector.shape_cast %mul3A_788 : vector<16xf32> to vector<1x16xf32>
      tpu.vector_store %arg12[%swap3A_789, %swap3A_790], %swap3A_793 {strides = array<i32>} : memref<80x64xf32, #tpu.memory_space<vmem>>, vector<1x16xf32>,
      %slice3A_794 = vector.extract_strided_slice %get3A_196 {offsets = [12], sizes = [1], strides = [1]} : vector<16xf32> to vector<1xf32>
      %squeeze3A_795 = vector.extract %slice3A_794[0] : f32 from vector<1xf32>
      %mul3A_796 = arith.constant 16 : i32
      %mul3A_797 = arith.muli %scan3A_189, %mul3A_796 : i32
      %add3A_798 = arith.constant 12 : i32
      %add3A_799 = arith.addi %mul3A_797, %add3A_798 : i32
      %get3A_800 = arith.index_cast %add3A_799 : i32 to index
      %get3A_801 = arith.constant 0 : index
      %get3A_802 = tpu.vector_load %arg12[%get3A_800, %get3A_801] {strides = array<i32>} : memref<80x64xf32, #tpu.memory_space<vmem>>, vector<1x16xf32>,
      %get3A_803 = vector.shape_cast %get3A_802 : vector<1x16xf32> to vector<16xf32>
      %mul3A_804 = vector.broadcast %squeeze3A_795 : f32 to vector<16xf32>
      %mul3A_805 = arith.mulf %get3A_803, %mul3A_804 : vector<16xf32>
      %swap3A_806 = arith.index_cast %add3A_799 : i32 to index
      %swap3A_807 = arith.constant 0 : index
      %swap3A_808 = tpu.vector_load %arg12[%swap3A_806, %swap3A_807] {strides = array<i32>} : memref<80x64xf32, #tpu.memory_space<vmem>>, vector<1x16xf32>,
      %swap3A_809 = vector.shape_cast %swap3A_808 : vector<1x16xf32> to vector<16xf32>
      %swap3A_810 = vector.shape_cast %mul3A_805 : vector<16xf32> to vector<1x16xf32>
      tpu.vector_store %arg12[%swap3A_806, %swap3A_807], %swap3A_810 {strides = array<i32>} : memref<80x64xf32, #tpu.memory_space<vmem>>, vector<1x16xf32>,
      %get3A_811 = arith.index_cast %add3A_799 : i32 to index
      %get3A_812 = arith.constant 16 : index
      %get3A_813 = tpu.vector_load %arg12[%get3A_811, %get3A_812] {strides = array<i32>} : memref<80x64xf32, #tpu.memory_space<vmem>>, vector<1x16xf32>,
      %get3A_814 = vector.shape_cast %get3A_813 : vector<1x16xf32> to vector<16xf32>
      %mul3A_815 = vector.broadcast %squeeze3A_795 : f32 to vector<16xf32>
      %mul3A_816 = arith.mulf %get3A_814, %mul3A_815 : vector<16xf32>
      %swap3A_817 = arith.index_cast %add3A_799 : i32 to index
      %swap3A_818 = arith.constant 16 : index
      %swap3A_819 = tpu.vector_load %arg12[%swap3A_817, %swap3A_818] {strides = array<i32>} : memref<80x64xf32, #tpu.memory_space<vmem>>, vector<1x16xf32>,
      %swap3A_820 = vector.shape_cast %swap3A_819 : vector<1x16xf32> to vector<16xf32>
      %swap3A_821 = vector.shape_cast %mul3A_816 : vector<16xf32> to vector<1x16xf32>
      tpu.vector_store %arg12[%swap3A_817, %swap3A_818], %swap3A_821 {strides = array<i32>} : memref<80x64xf32, #tpu.memory_space<vmem>>, vector<1x16xf32>,
      %get3A_822 = arith.index_cast %add3A_799 : i32 to index
      %get3A_823 = arith.constant 32 : index
      %get3A_824 = tpu.vector_load %arg12[%get3A_822, %get3A_823] {strides = array<i32>} : memref<80x64xf32, #tpu.memory_space<vmem>>, vector<1x16xf32>,
      %get3A_825 = vector.shape_cast %get3A_824 : vector<1x16xf32> to vector<16xf32>
      %mul3A_826 = vector.broadcast %squeeze3A_795 : f32 to vector<16xf32>
      %mul3A_827 = arith.mulf %get3A_825, %mul3A_826 : vector<16xf32>
      %swap3A_828 = arith.index_cast %add3A_799 : i32 to index
      %swap3A_829 = arith.constant 32 : index
      %swap3A_830 = tpu.vector_load %arg12[%swap3A_828, %swap3A_829] {strides = array<i32>} : memref<80x64xf32, #tpu.memory_space<vmem>>, vector<1x16xf32>,
      %swap3A_831 = vector.shape_cast %swap3A_830 : vector<1x16xf32> to vector<16xf32>
      %swap3A_832 = vector.shape_cast %mul3A_827 : vector<16xf32> to vector<1x16xf32>
      tpu.vector_store %arg12[%swap3A_828, %swap3A_829], %swap3A_832 {strides = array<i32>} : memref<80x64xf32, #tpu.memory_space<vmem>>, vector<1x16xf32>,
      %get3A_833 = arith.index_cast %add3A_799 : i32 to index
      %get3A_834 = arith.constant 48 : index
      %get3A_835 = tpu.vector_load %arg12[%get3A_833, %get3A_834] {strides = array<i32>} : memref<80x64xf32, #tpu.memory_space<vmem>>, vector<1x16xf32>,
      %get3A_836 = vector.shape_cast %get3A_835 : vector<1x16xf32> to vector<16xf32>
      %mul3A_837 = vector.broadcast %squeeze3A_795 : f32 to vector<16xf32>
      %mul3A_838 = arith.mulf %get3A_836, %mul3A_837 : vector<16xf32>
      %swap3A_839 = arith.index_cast %add3A_799 : i32 to index
      %swap3A_840 = arith.constant 48 : index
      %swap3A_841 = tpu.vector_load %arg12[%swap3A_839, %swap3A_840] {strides = array<i32>} : memref<80x64xf32, #tpu.memory_space<vmem>>, vector<1x16xf32>,
      %swap3A_842 = vector.shape_cast %swap3A_841 : vector<1x16xf32> to vector<16xf32>
      %swap3A_843 = vector.shape_cast %mul3A_838 : vector<16xf32> to vector<1x16xf32>
      tpu.vector_store %arg12[%swap3A_839, %swap3A_840], %swap3A_843 {strides = array<i32>} : memref<80x64xf32, #tpu.memory_space<vmem>>, vector<1x16xf32>,
      %slice3A_844 = vector.extract_strided_slice %get3A_196 {offsets = [13], sizes = [1], strides = [1]} : vector<16xf32> to vector<1xf32>
      %squeeze3A_845 = vector.extract %slice3A_844[0] : f32 from vector<1xf32>
      %mul3A_846 = arith.constant 16 : i32
      %mul3A_847 = arith.muli %scan3A_189, %mul3A_846 : i32
      %add3A_848 = arith.constant 13 : i32
      %add3A_849 = arith.addi %mul3A_847, %add3A_848 : i32
      %get3A_850 = arith.index_cast %add3A_849 : i32 to index
      %get3A_851 = arith.constant 0 : index
      %get3A_852 = tpu.vector_load %arg12[%get3A_850, %get3A_851] {strides = array<i32>} : memref<80x64xf32, #tpu.memory_space<vmem>>, vector<1x16xf32>,
      %get3A_853 = vector.shape_cast %get3A_852 : vector<1x16xf32> to vector<16xf32>
      %mul3A_854 = vector.broadcast %squeeze3A_845 : f32 to vector<16xf32>
      %mul3A_855 = arith.mulf %get3A_853, %mul3A_854 : vector<16xf32>
      %swap3A_856 = arith.index_cast %add3A_849 : i32 to index
      %swap3A_857 = arith.constant 0 : index
      %swap3A_858 = tpu.vector_load %arg12[%swap3A_856, %swap3A_857] {strides = array<i32>} : memref<80x64xf32, #tpu.memory_space<vmem>>, vector<1x16xf32>,
      %swap3A_859 = vector.shape_cast %swap3A_858 : vector<1x16xf32> to vector<16xf32>
      %swap3A_860 = vector.shape_cast %mul3A_855 : vector<16xf32> to vector<1x16xf32>
      tpu.vector_store %arg12[%swap3A_856, %swap3A_857], %swap3A_860 {strides = array<i32>} : memref<80x64xf32, #tpu.memory_space<vmem>>, vector<1x16xf32>,
      %get3A_861 = arith.index_cast %add3A_849 : i32 to index
      %get3A_862 = arith.constant 16 : index
      %get3A_863 = tpu.vector_load %arg12[%get3A_861, %get3A_862] {strides = array<i32>} : memref<80x64xf32, #tpu.memory_space<vmem>>, vector<1x16xf32>,
      %get3A_864 = vector.shape_cast %get3A_863 : vector<1x16xf32> to vector<16xf32>
      %mul3A_865 = vector.broadcast %squeeze3A_845 : f32 to vector<16xf32>
      %mul3A_866 = arith.mulf %get3A_864, %mul3A_865 : vector<16xf32>
      %swap3A_867 = arith.index_cast %add3A_849 : i32 to index
      %swap3A_868 = arith.constant 16 : index
      %swap3A_869 = tpu.vector_load %arg12[%swap3A_867, %swap3A_868] {strides = array<i32>} : memref<80x64xf32, #tpu.memory_space<vmem>>, vector<1x16xf32>,
      %swap3A_870 = vector.shape_cast %swap3A_869 : vector<1x16xf32> to vector<16xf32>
      %swap3A_871 = vector.shape_cast %mul3A_866 : vector<16xf32> to vector<1x16xf32>
      tpu.vector_store %arg12[%swap3A_867, %swap3A_868], %swap3A_871 {strides = array<i32>} : memref<80x64xf32, #tpu.memory_space<vmem>>, vector<1x16xf32>,
      %get3A_872 = arith.index_cast %add3A_849 : i32 to index
      %get3A_873 = arith.constant 32 : index
      %get3A_874 = tpu.vector_load %arg12[%get3A_872, %get3A_873] {strides = array<i32>} : memref<80x64xf32, #tpu.memory_space<vmem>>, vector<1x16xf32>,
      %get3A_875 = vector.shape_cast %get3A_874 : vector<1x16xf32> to vector<16xf32>
      %mul3A_876 = vector.broadcast %squeeze3A_845 : f32 to vector<16xf32>
      %mul3A_877 = arith.mulf %get3A_875, %mul3A_876 : vector<16xf32>
      %swap3A_878 = arith.index_cast %add3A_849 : i32 to index
      %swap3A_879 = arith.constant 32 : index
      %swap3A_880 = tpu.vector_load %arg12[%swap3A_878, %swap3A_879] {strides = array<i32>} : memref<80x64xf32, #tpu.memory_space<vmem>>, vector<1x16xf32>,
      %swap3A_881 = vector.shape_cast %swap3A_880 : vector<1x16xf32> to vector<16xf32>
      %swap3A_882 = vector.shape_cast %mul3A_877 : vector<16xf32> to vector<1x16xf32>
      tpu.vector_store %arg12[%swap3A_878, %swap3A_879], %swap3A_882 {strides = array<i32>} : memref<80x64xf32, #tpu.memory_space<vmem>>, vector<1x16xf32>,
      %get3A_883 = arith.index_cast %add3A_849 : i32 to index
      %get3A_884 = arith.constant 48 : index
      %get3A_885 = tpu.vector_load %arg12[%get3A_883, %get3A_884] {strides = array<i32>} : memref<80x64xf32, #tpu.memory_space<vmem>>, vector<1x16xf32>,
      %get3A_886 = vector.shape_cast %get3A_885 : vector<1x16xf32> to vector<16xf32>
      %mul3A_887 = vector.broadcast %squeeze3A_845 : f32 to vector<16xf32>
      %mul3A_888 = arith.mulf %get3A_886, %mul3A_887 : vector<16xf32>
      %swap3A_889 = arith.index_cast %add3A_849 : i32 to index
      %swap3A_890 = arith.constant 48 : index
      %swap3A_891 = tpu.vector_load %arg12[%swap3A_889, %swap3A_890] {strides = array<i32>} : memref<80x64xf32, #tpu.memory_space<vmem>>, vector<1x16xf32>,
      %swap3A_892 = vector.shape_cast %swap3A_891 : vector<1x16xf32> to vector<16xf32>
      %swap3A_893 = vector.shape_cast %mul3A_888 : vector<16xf32> to vector<1x16xf32>
      tpu.vector_store %arg12[%swap3A_889, %swap3A_890], %swap3A_893 {strides = array<i32>} : memref<80x64xf32, #tpu.memory_space<vmem>>, vector<1x16xf32>,
      %slice3A_894 = vector.extract_strided_slice %get3A_196 {offsets = [14], sizes = [1], strides = [1]} : vector<16xf32> to vector<1xf32>
      %squeeze3A_895 = vector.extract %slice3A_894[0] : f32 from vector<1xf32>
      %mul3A_896 = arith.constant 16 : i32
      %mul3A_897 = arith.muli %scan3A_189, %mul3A_896 : i32
      %add3A_898 = arith.constant 14 : i32
      %add3A_899 = arith.addi %mul3A_897, %add3A_898 : i32
      %get3A_900 = arith.index_cast %add3A_899 : i32 to index
      %get3A_901 = arith.constant 0 : index
      %get3A_902 = tpu.vector_load %arg12[%get3A_900, %get3A_901] {strides = array<i32>} : memref<80x64xf32, #tpu.memory_space<vmem>>, vector<1x16xf32>,
      %get3A_903 = vector.shape_cast %get3A_902 : vector<1x16xf32> to vector<16xf32>
      %mul3A_904 = vector.broadcast %squeeze3A_895 : f32 to vector<16xf32>
      %mul3A_905 = arith.mulf %get3A_903, %mul3A_904 : vector<16xf32>
      %swap3A_906 = arith.index_cast %add3A_899 : i32 to index
      %swap3A_907 = arith.constant 0 : index
      %swap3A_908 = tpu.vector_load %arg12[%swap3A_906, %swap3A_907] {strides = array<i32>} : memref<80x64xf32, #tpu.memory_space<vmem>>, vector<1x16xf32>,
      %swap3A_909 = vector.shape_cast %swap3A_908 : vector<1x16xf32> to vector<16xf32>
      %swap3A_910 = vector.shape_cast %mul3A_905 : vector<16xf32> to vector<1x16xf32>
      tpu.vector_store %arg12[%swap3A_906, %swap3A_907], %swap3A_910 {strides = array<i32>} : memref<80x64xf32, #tpu.memory_space<vmem>>, vector<1x16xf32>,
      %get3A_911 = arith.index_cast %add3A_899 : i32 to index
      %get3A_912 = arith.constant 16 : index
      %get3A_913 = tpu.vector_load %arg12[%get3A_911, %get3A_912] {strides = array<i32>} : memref<80x64xf32, #tpu.memory_space<vmem>>, vector<1x16xf32>,
      %get3A_914 = vector.shape_cast %get3A_913 : vector<1x16xf32> to vector<16xf32>
      %mul3A_915 = vector.broadcast %squeeze3A_895 : f32 to vector<16xf32>
      %mul3A_916 = arith.mulf %get3A_914, %mul3A_915 : vector<16xf32>
      %swap3A_917 = arith.index_cast %add3A_899 : i32 to index
      %swap3A_918 = arith.constant 16 : index
      %swap3A_919 = tpu.vector_load %arg12[%swap3A_917, %swap3A_918] {strides = array<i32>} : memref<80x64xf32, #tpu.memory_space<vmem>>, vector<1x16xf32>,
      %swap3A_920 = vector.shape_cast %swap3A_919 : vector<1x16xf32> to vector<16xf32>
      %swap3A_921 = vector.shape_cast %mul3A_916 : vector<16xf32> to vector<1x16xf32>
      tpu.vector_store %arg12[%swap3A_917, %swap3A_918], %swap3A_921 {strides = array<i32>} : memref<80x64xf32, #tpu.memory_space<vmem>>, vector<1x16xf32>,
      %get3A_922 = arith.index_cast %add3A_899 : i32 to index
      %get3A_923 = arith.constant 32 : index
      %get3A_924 = tpu.vector_load %arg12[%get3A_922, %get3A_923] {strides = array<i32>} : memref<80x64xf32, #tpu.memory_space<vmem>>, vector<1x16xf32>,
      %get3A_925 = vector.shape_cast %get3A_924 : vector<1x16xf32> to vector<16xf32>
      %mul3A_926 = vector.broadcast %squeeze3A_895 : f32 to vector<16xf32>
      %mul3A_927 = arith.mulf %get3A_925, %mul3A_926 : vector<16xf32>
      %swap3A_928 = arith.index_cast %add3A_899 : i32 to index
      %swap3A_929 = arith.constant 32 : index
      %swap3A_930 = tpu.vector_load %arg12[%swap3A_928, %swap3A_929] {strides = array<i32>} : memref<80x64xf32, #tpu.memory_space<vmem>>, vector<1x16xf32>,
      %swap3A_931 = vector.shape_cast %swap3A_930 : vector<1x16xf32> to vector<16xf32>
      %swap3A_932 = vector.shape_cast %mul3A_927 : vector<16xf32> to vector<1x16xf32>
      tpu.vector_store %arg12[%swap3A_928, %swap3A_929], %swap3A_932 {strides = array<i32>} : memref<80x64xf32, #tpu.memory_space<vmem>>, vector<1x16xf32>,
      %get3A_933 = arith.index_cast %add3A_899 : i32 to index
      %get3A_934 = arith.constant 48 : index
      %get3A_935 = tpu.vector_load %arg12[%get3A_933, %get3A_934] {strides = array<i32>} : memref<80x64xf32, #tpu.memory_space<vmem>>, vector<1x16xf32>,
      %get3A_936 = vector.shape_cast %get3A_935 : vector<1x16xf32> to vector<16xf32>
      %mul3A_937 = vector.broadcast %squeeze3A_895 : f32 to vector<16xf32>
      %mul3A_938 = arith.mulf %get3A_936, %mul3A_937 : vector<16xf32>
      %swap3A_939 = arith.index_cast %add3A_899 : i32 to index
      %swap3A_940 = arith.constant 48 : index
      %swap3A_941 = tpu.vector_load %arg12[%swap3A_939, %swap3A_940] {strides = array<i32>} : memref<80x64xf32, #tpu.memory_space<vmem>>, vector<1x16xf32>,
      %swap3A_942 = vector.shape_cast %swap3A_941 : vector<1x16xf32> to vector<16xf32>
      %swap3A_943 = vector.shape_cast %mul3A_938 : vector<16xf32> to vector<1x16xf32>
      tpu.vector_store %arg12[%swap3A_939, %swap3A_940], %swap3A_943 {strides = array<i32>} : memref<80x64xf32, #tpu.memory_space<vmem>>, vector<1x16xf32>,
      %slice3A_944 = vector.extract_strided_slice %get3A_196 {offsets = [15], sizes = [1], strides = [1]} : vector<16xf32> to vector<1xf32>
      %squeeze3A_945 = vector.extract %slice3A_944[0] : f32 from vector<1xf32>
      %mul3A_946 = arith.constant 16 : i32
      %mul3A_947 = arith.muli %scan3A_189, %mul3A_946 : i32
      %add3A_948 = arith.constant 15 : i32
      %add3A_949 = arith.addi %mul3A_947, %add3A_948 : i32
      %get3A_950 = arith.index_cast %add3A_949 : i32 to index
      %get3A_951 = arith.constant 0 : index
      %get3A_952 = tpu.vector_load %arg12[%get3A_950, %get3A_951] {strides = array<i32>} : memref<80x64xf32, #tpu.memory_space<vmem>>, vector<1x16xf32>,
      %get3A_953 = vector.shape_cast %get3A_952 : vector<1x16xf32> to vector<16xf32>
      %mul3A_954 = vector.broadcast %squeeze3A_945 : f32 to vector<16xf32>
      %mul3A_955 = arith.mulf %get3A_953, %mul3A_954 : vector<16xf32>
      %swap3A_956 = arith.index_cast %add3A_949 : i32 to index
      %swap3A_957 = arith.constant 0 : index
      %swap3A_958 = tpu.vector_load %arg12[%swap3A_956, %swap3A_957] {strides = array<i32>} : memref<80x64xf32, #tpu.memory_space<vmem>>, vector<1x16xf32>,
      %swap3A_959 = vector.shape_cast %swap3A_958 : vector<1x16xf32> to vector<16xf32>
      %swap3A_960 = vector.shape_cast %mul3A_955 : vector<16xf32> to vector<1x16xf32>
      tpu.vector_store %arg12[%swap3A_956, %swap3A_957], %swap3A_960 {strides = array<i32>} : memref<80x64xf32, #tpu.memory_space<vmem>>, vector<1x16xf32>,
      %get3A_961 = arith.index_cast %add3A_949 : i32 to index
      %get3A_962 = arith.constant 16 : index
      %get3A_963 = tpu.vector_load %arg12[%get3A_961, %get3A_962] {strides = array<i32>} : memref<80x64xf32, #tpu.memory_space<vmem>>, vector<1x16xf32>,
      %get3A_964 = vector.shape_cast %get3A_963 : vector<1x16xf32> to vector<16xf32>
      %mul3A_965 = vector.broadcast %squeeze3A_945 : f32 to vector<16xf32>
      %mul3A_966 = arith.mulf %get3A_964, %mul3A_965 : vector<16xf32>
      %swap3A_967 = arith.index_cast %add3A_949 : i32 to index
      %swap3A_968 = arith.constant 16 : index
      %swap3A_969 = tpu.vector_load %arg12[%swap3A_967, %swap3A_968] {strides = array<i32>} : memref<80x64xf32, #tpu.memory_space<vmem>>, vector<1x16xf32>,
      %swap3A_970 = vector.shape_cast %swap3A_969 : vector<1x16xf32> to vector<16xf32>
      %swap3A_971 = vector.shape_cast %mul3A_966 : vector<16xf32> to vector<1x16xf32>
      tpu.vector_store %arg12[%swap3A_967, %swap3A_968], %swap3A_971 {strides = array<i32>} : memref<80x64xf32, #tpu.memory_space<vmem>>, vector<1x16xf32>,
      %get3A_972 = arith.index_cast %add3A_949 : i32 to index
      %get3A_973 = arith.constant 32 : index
      %get3A_974 = tpu.vector_load %arg12[%get3A_972, %get3A_973] {strides = array<i32>} : memref<80x64xf32, #tpu.memory_space<vmem>>, vector<1x16xf32>,
      %get3A_975 = vector.shape_cast %get3A_974 : vector<1x16xf32> to vector<16xf32>
      %mul3A_976 = vector.broadcast %squeeze3A_945 : f32 to vector<16xf32>
      %mul3A_977 = arith.mulf %get3A_975, %mul3A_976 : vector<16xf32>
      %swap3A_978 = arith.index_cast %add3A_949 : i32 to index
      %swap3A_979 = arith.constant 32 : index
      %swap3A_980 = tpu.vector_load %arg12[%swap3A_978, %swap3A_979] {strides = array<i32>} : memref<80x64xf32, #tpu.memory_space<vmem>>, vector<1x16xf32>,
      %swap3A_981 = vector.shape_cast %swap3A_980 : vector<1x16xf32> to vector<16xf32>
      %swap3A_982 = vector.shape_cast %mul3A_977 : vector<16xf32> to vector<1x16xf32>
      tpu.vector_store %arg12[%swap3A_978, %swap3A_979], %swap3A_982 {strides = array<i32>} : memref<80x64xf32, #tpu.memory_space<vmem>>, vector<1x16xf32>,
      %get3A_983 = arith.index_cast %add3A_949 : i32 to index
      %get3A_984 = arith.constant 48 : index
      %get3A_985 = tpu.vector_load %arg12[%get3A_983, %get3A_984] {strides = array<i32>} : memref<80x64xf32, #tpu.memory_space<vmem>>, vector<1x16xf32>,
      %get3A_986 = vector.shape_cast %get3A_985 : vector<1x16xf32> to vector<16xf32>
      %mul3A_987 = vector.broadcast %squeeze3A_945 : f32 to vector<16xf32>
      %mul3A_988 = arith.mulf %get3A_986, %mul3A_987 : vector<16xf32>
      %swap3A_989 = arith.index_cast %add3A_949 : i32 to index
      %swap3A_990 = arith.constant 48 : index
      %swap3A_991 = tpu.vector_load %arg12[%swap3A_989, %swap3A_990] {strides = array<i32>} : memref<80x64xf32, #tpu.memory_space<vmem>>, vector<1x16xf32>,
      %swap3A_992 = vector.shape_cast %swap3A_991 : vector<1x16xf32> to vector<16xf32>
      %swap3A_993 = vector.shape_cast %mul3A_988 : vector<16xf32> to vector<1x16xf32>
      tpu.vector_store %arg12[%swap3A_989, %swap3A_990], %swap3A_993 {strides = array<i32>} : memref<80x64xf32, #tpu.memory_space<vmem>>, vector<1x16xf32>,
      %scan3A_994 = arith.constant 0 : i32
      scf.yield %scan3A_994 : i32
    }
    %scan3A_50 = arith.constant 5 : i32
    %dma_start3A_51 = arith.constant 0 : i32
    %dma_start3A_52 = arith.constant 0 : i32
    %dma_start3A_53 = tpu.memref_slice %arg8[%dma_start3A_51, %dma_start3A_52] : memref<250x80xi32, #tpu.memory_space<vmem>> -> memref<1x80xi32, #tpu.memory_space<vmem>>
    %dma_start3A_54 = tpu.memref_squeeze %dma_start3A_53 : memref<1x80xi32, #tpu.memory_space<vmem>> -> memref<80xi32, #tpu.memory_space<vmem>>
    %dma_start3A_55 = arith.constant 0 : i32
    %dma_start3A_56 = arith.constant 0 : i32
    %dma_start3A_57 = tpu.memref_slice %arg11[%dma_start3A_55, %dma_start3A_56] : memref<10000x64xf32, #tpu.memory_space<vmem_shared>> -> memref<10000x64xf32, #tpu.memory_space<vmem_shared>>
    tpu.enqueue_indirect_dma source(%arg12 : memref<80x64xf32, #tpu.memory_space<vmem>>) target(%dma_start3A_57 : memref<10000x64xf32, #tpu.memory_space<vmem_shared>>) offsets(%dma_start3A_54 : memref<80xi32, #tpu.memory_space<vmem>>) semaphore(%arg18 : memref<!tpu.dma_semaphore, #tpu.memory_space<semaphore_mem>>) {add = true}
    %dma_start3A_58 = arith.constant 2 : i32
    %dma_start3A_59 = arith.constant 0 : i32
    %dma_start3A_60 = tpu.memref_slice %arg7[%dma_start3A_58, %dma_start3A_59] : memref<250x80xi32, #tpu.memory_space<vmem>> -> memref<1x80xi32, #tpu.memory_space<vmem>>
    %dma_start3A_61 = tpu.memref_squeeze %dma_start3A_60 : memref<1x80xi32, #tpu.memory_space<vmem>> -> memref<80xi32, #tpu.memory_space<vmem>>
    %dma_start3A_62 = arith.constant 0 : i32
    %dma_start3A_63 = arith.constant 0 : i32
    %dma_start3A_64 = tpu.memref_slice %arg2[%dma_start3A_62, %dma_start3A_63] : memref<20000x64xf32, #tpu.memory_space<hbm>> -> memref<20000x64xf32, #tpu.memory_space<hbm>>
    tpu.enqueue_indirect_dma source(%dma_start3A_64 : memref<20000x64xf32, #tpu.memory_space<hbm>>) target(%arg14 : memref<80x64xf32, #tpu.memory_space<vmem>>) offsets(%dma_start3A_61 : memref<80xi32, #tpu.memory_space<vmem>>) semaphore(%arg17 : memref<!tpu.dma_semaphore, #tpu.memory_space<semaphore_mem>>)
    %dma_wait3A_65 = arith.constant 0 : i32
    %dma_wait3A_66 = arith.constant 0 : i32
    %dma_wait3A_67 = tpu.memref_slice %arg7[%dma_wait3A_65, %dma_wait3A_66] : memref<250x80xi32, #tpu.memory_space<vmem>> -> memref<1x80xi32, #tpu.memory_space<vmem>>
    %dma_wait3A_68 = tpu.memref_squeeze %dma_wait3A_67 : memref<1x80xi32, #tpu.memory_space<vmem>> -> memref<80xi32, #tpu.memory_space<vmem>>
    %dma_wait3A_69 = arith.constant 0 : i32
    %dma_wait3A_70 = arith.constant 0 : i32
    %dma_wait3A_71 = tpu.memref_slice %arg2[%dma_wait3A_69, %dma_wait3A_70] : memref<20000x64xf32, #tpu.memory_space<hbm>> -> memref<20000x64xf32, #tpu.memory_space<hbm>>
    tpu.wait_indirect_dma semaphore(%arg16 : memref<!tpu.dma_semaphore, #tpu.memory_space<semaphore_mem>>) src(%dma_wait3A_71 : memref<20000x64xf32, #tpu.memory_space<hbm>>) dst(%arg13 : memref<80x64xf32, #tpu.memory_space<vmem>>)
    %scan3A_72 = arith.constant 0 : i32
    %scan3A_73 = arith.constant 0 : i32
    %scan3A_74 = arith.constant 5 : i32
    %scan3A_75 = arith.addi %scan3A_73, %scan3A_74 : i32
    %scan3A_76 = arith.constant 1 : i32
    %scan3A_77 = scf.for %scan3A_189 = %scan3A_73 to %scan3A_75 step %scan3A_76 iter_args(%scan3A_190 = %scan3A_72) -> (i32)  : i32 {
      %mul3A_191 = arith.constant 16 : i32
      %mul3A_192 = arith.muli %scan3A_189, %mul3A_191 : i32
      %get3A = arith.constant 1 : i32
      %get3A_193 = arith.index_cast %get3A : i32 to index
      %get3A_194 = arith.index_cast %mul3A_192 : i32 to index
      %get3A_195 = tpu.vector_load %arg9[%get3A_193, %get3A_194] {strides = array<i32>} : memref<250x80xf32, #tpu.memory_space<vmem>>, vector<1x16xf32>,
      %get3A_196 = vector.shape_cast %get3A_195 : vector<1x16xf32> to vector<16xf32>
      %slice3A = vector.extract_strided_slice %get3A_196 {offsets = [0], sizes = [1], strides = [1]} : vector<16xf32> to vector<1xf32>
      %squeeze3A = vector.extract %slice3A[0] : f32 from vector<1xf32>
      %mul3A_197 = arith.constant 16 : i32
      %mul3A_198 = arith.muli %scan3A_189, %mul3A_197 : i32
      %add3A_199 = arith.constant 0 : i32
      %add3A_200 = arith.addi %mul3A_198, %add3A_199 : i32
      %get3A_201 = arith.index_cast %add3A_200 : i32 to index
      %get3A_202 = arith.constant 0 : index
      %get3A_203 = tpu.vector_load %arg13[%get3A_201, %get3A_202] {strides = array<i32>} : memref<80x64xf32, #tpu.memory_space<vmem>>, vector<1x16xf32>,
      %get3A_204 = vector.shape_cast %get3A_203 : vector<1x16xf32> to vector<16xf32>
      %mul3A_205 = vector.broadcast %squeeze3A : f32 to vector<16xf32>
      %mul3A_206 = arith.mulf %get3A_204, %mul3A_205 : vector<16xf32>
      %swap3A = arith.index_cast %add3A_200 : i32 to index
      %swap3A_207 = arith.constant 0 : index
      %swap3A_208 = tpu.vector_load %arg13[%swap3A, %swap3A_207] {strides = array<i32>} : memref<80x64xf32, #tpu.memory_space<vmem>>, vector<1x16xf32>,
      %swap3A_209 = vector.shape_cast %swap3A_208 : vector<1x16xf32> to vector<16xf32>
      %swap3A_210 = vector.shape_cast %mul3A_206 : vector<16xf32> to vector<1x16xf32>
      tpu.vector_store %arg13[%swap3A, %swap3A_207], %swap3A_210 {strides = array<i32>} : memref<80x64xf32, #tpu.memory_space<vmem>>, vector<1x16xf32>,
      %get3A_211 = arith.index_cast %add3A_200 : i32 to index
      %get3A_212 = arith.constant 16 : index
      %get3A_213 = tpu.vector_load %arg13[%get3A_211, %get3A_212] {strides = array<i32>} : memref<80x64xf32, #tpu.memory_space<vmem>>, vector<1x16xf32>,
      %get3A_214 = vector.shape_cast %get3A_213 : vector<1x16xf32> to vector<16xf32>
      %mul3A_215 = vector.broadcast %squeeze3A : f32 to vector<16xf32>
      %mul3A_216 = arith.mulf %get3A_214, %mul3A_215 : vector<16xf32>
      %swap3A_217 = arith.index_cast %add3A_200 : i32 to index
      %swap3A_218 = arith.constant 16 : index
      %swap3A_219 = tpu.vector_load %arg13[%swap3A_217, %swap3A_218] {strides = array<i32>} : memref<80x64xf32, #tpu.memory_space<vmem>>, vector<1x16xf32>,
      %swap3A_220 = vector.shape_cast %swap3A_219 : vector<1x16xf32> to vector<16xf32>
      %swap3A_221 = vector.shape_cast %mul3A_216 : vector<16xf32> to vector<1x16xf32>
      tpu.vector_store %arg13[%swap3A_217, %swap3A_218], %swap3A_221 {strides = array<i32>} : memref<80x64xf32, #tpu.memory_space<vmem>>, vector<1x16xf32>,
      %get3A_222 = arith.index_cast %add3A_200 : i32 to index
      %get3A_223 = arith.constant 32 : index
      %get3A_224 = tpu.vector_load %arg13[%get3A_222, %get3A_223] {strides = array<i32>} : memref<80x64xf32, #tpu.memory_space<vmem>>, vector<1x16xf32>,
      %get3A_225 = vector.shape_cast %get3A_224 : vector<1x16xf32> to vector<16xf32>
      %mul3A_226 = vector.broadcast %squeeze3A : f32 to vector<16xf32>
      %mul3A_227 = arith.mulf %get3A_225, %mul3A_226 : vector<16xf32>
      %swap3A_228 = arith.index_cast %add3A_200 : i32 to index
      %swap3A_229 = arith.constant 32 : index
      %swap3A_230 = tpu.vector_load %arg13[%swap3A_228, %swap3A_229] {strides = array<i32>} : memref<80x64xf32, #tpu.memory_space<vmem>>, vector<1x16xf32>,
      %swap3A_231 = vector.shape_cast %swap3A_230 : vector<1x16xf32> to vector<16xf32>
      %swap3A_232 = vector.shape_cast %mul3A_227 : vector<16xf32> to vector<1x16xf32>
      tpu.vector_store %arg13[%swap3A_228, %swap3A_229], %swap3A_232 {strides = array<i32>} : memref<80x64xf32, #tpu.memory_space<vmem>>, vector<1x16xf32>,
      %get3A_233 = arith.index_cast %add3A_200 : i32 to index
      %get3A_234 = arith.constant 48 : index
      %get3A_235 = tpu.vector_load %arg13[%get3A_233, %get3A_234] {strides = array<i32>} : memref<80x64xf32, #tpu.memory_space<vmem>>, vector<1x16xf32>,
      %get3A_236 = vector.shape_cast %get3A_235 : vector<1x16xf32> to vector<16xf32>
      %mul3A_237 = vector.broadcast %squeeze3A : f32 to vector<16xf32>
      %mul3A_238 = arith.mulf %get3A_236, %mul3A_237 : vector<16xf32>
      %swap3A_239 = arith.index_cast %add3A_200 : i32 to index
      %swap3A_240 = arith.constant 48 : index
      %swap3A_241 = tpu.vector_load %arg13[%swap3A_239, %swap3A_240] {strides = array<i32>} : memref<80x64xf32, #tpu.memory_space<vmem>>, vector<1x16xf32>,
      %swap3A_242 = vector.shape_cast %swap3A_241 : vector<1x16xf32> to vector<16xf32>
      %swap3A_243 = vector.shape_cast %mul3A_238 : vector<16xf32> to vector<1x16xf32>
      tpu.vector_store %arg13[%swap3A_239, %swap3A_240], %swap3A_243 {strides = array<i32>} : memref<80x64xf32, #tpu.memory_space<vmem>>, vector<1x16xf32>,
      %slice3A_244 = vector.extract_strided_slice %get3A_196 {offsets = [1], sizes = [1], strides = [1]} : vector<16xf32> to vector<1xf32>
      %squeeze3A_245 = vector.extract %slice3A_244[0] : f32 from vector<1xf32>
      %mul3A_246 = arith.constant 16 : i32
      %mul3A_247 = arith.muli %scan3A_189, %mul3A_246 : i32
      %add3A_248 = arith.constant 1 : i32
      %add3A_249 = arith.addi %mul3A_247, %add3A_248 : i32
      %get3A_250 = arith.index_cast %add3A_249 : i32 to index
      %get3A_251 = arith.constant 0 : index
      %get3A_252 = tpu.vector_load %arg13[%get3A_250, %get3A_251] {strides = array<i32>} : memref<80x64xf32, #tpu.memory_space<vmem>>, vector<1x16xf32>,
      %get3A_253 = vector.shape_cast %get3A_252 : vector<1x16xf32> to vector<16xf32>
      %mul3A_254 = vector.broadcast %squeeze3A_245 : f32 to vector<16xf32>
      %mul3A_255 = arith.mulf %get3A_253, %mul3A_254 : vector<16xf32>
      %swap3A_256 = arith.index_cast %add3A_249 : i32 to index
      %swap3A_257 = arith.constant 0 : index
      %swap3A_258 = tpu.vector_load %arg13[%swap3A_256, %swap3A_257] {strides = array<i32>} : memref<80x64xf32, #tpu.memory_space<vmem>>, vector<1x16xf32>,
      %swap3A_259 = vector.shape_cast %swap3A_258 : vector<1x16xf32> to vector<16xf32>
      %swap3A_260 = vector.shape_cast %mul3A_255 : vector<16xf32> to vector<1x16xf32>
      tpu.vector_store %arg13[%swap3A_256, %swap3A_257], %swap3A_260 {strides = array<i32>} : memref<80x64xf32, #tpu.memory_space<vmem>>, vector<1x16xf32>,
      %get3A_261 = arith.index_cast %add3A_249 : i32 to index
      %get3A_262 = arith.constant 16 : index
      %get3A_263 = tpu.vector_load %arg13[%get3A_261, %get3A_262] {strides = array<i32>} : memref<80x64xf32, #tpu.memory_space<vmem>>, vector<1x16xf32>,
      %get3A_264 = vector.shape_cast %get3A_263 : vector<1x16xf32> to vector<16xf32>
      %mul3A_265 = vector.broadcast %squeeze3A_245 : f32 to vector<16xf32>
      %mul3A_266 = arith.mulf %get3A_264, %mul3A_265 : vector<16xf32>
      %swap3A_267 = arith.index_cast %add3A_249 : i32 to index
      %swap3A_268 = arith.constant 16 : index
      %swap3A_269 = tpu.vector_load %arg13[%swap3A_267, %swap3A_268] {strides = array<i32>} : memref<80x64xf32, #tpu.memory_space<vmem>>, vector<1x16xf32>,
      %swap3A_270 = vector.shape_cast %swap3A_269 : vector<1x16xf32> to vector<16xf32>
      %swap3A_271 = vector.shape_cast %mul3A_266 : vector<16xf32> to vector<1x16xf32>
      tpu.vector_store %arg13[%swap3A_267, %swap3A_268], %swap3A_271 {strides = array<i32>} : memref<80x64xf32, #tpu.memory_space<vmem>>, vector<1x16xf32>,
      %get3A_272 = arith.index_cast %add3A_249 : i32 to index
      %get3A_273 = arith.constant 32 : index
      %get3A_274 = tpu.vector_load %arg13[%get3A_272, %get3A_273] {strides = array<i32>} : memref<80x64xf32, #tpu.memory_space<vmem>>, vector<1x16xf32>,
      %get3A_275 = vector.shape_cast %get3A_274 : vector<1x16xf32> to vector<16xf32>
      %mul3A_276 = vector.broadcast %squeeze3A_245 : f32 to vector<16xf32>
      %mul3A_277 = arith.mulf %get3A_275, %mul3A_276 : vector<16xf32>
      %swap3A_278 = arith.index_cast %add3A_249 : i32 to index
      %swap3A_279 = arith.constant 32 : index
      %swap3A_280 = tpu.vector_load %arg13[%swap3A_278, %swap3A_279] {strides = array<i32>} : memref<80x64xf32, #tpu.memory_space<vmem>>, vector<1x16xf32>,
      %swap3A_281 = vector.shape_cast %swap3A_280 : vector<1x16xf32> to vector<16xf32>
      %swap3A_282 = vector.shape_cast %mul3A_277 : vector<16xf32> to vector<1x16xf32>
      tpu.vector_store %arg13[%swap3A_278, %swap3A_279], %swap3A_282 {strides = array<i32>} : memref<80x64xf32, #tpu.memory_space<vmem>>, vector<1x16xf32>,
      %get3A_283 = arith.index_cast %add3A_249 : i32 to index
      %get3A_284 = arith.constant 48 : index
      %get3A_285 = tpu.vector_load %arg13[%get3A_283, %get3A_284] {strides = array<i32>} : memref<80x64xf32, #tpu.memory_space<vmem>>, vector<1x16xf32>,
      %get3A_286 = vector.shape_cast %get3A_285 : vector<1x16xf32> to vector<16xf32>
      %mul3A_287 = vector.broadcast %squeeze3A_245 : f32 to vector<16xf32>
      %mul3A_288 = arith.mulf %get3A_286, %mul3A_287 : vector<16xf32>
      %swap3A_289 = arith.index_cast %add3A_249 : i32 to index
      %swap3A_290 = arith.constant 48 : index
      %swap3A_291 = tpu.vector_load %arg13[%swap3A_289, %swap3A_290] {strides = array<i32>} : memref<80x64xf32, #tpu.memory_space<vmem>>, vector<1x16xf32>,
      %swap3A_292 = vector.shape_cast %swap3A_291 : vector<1x16xf32> to vector<16xf32>
      %swap3A_293 = vector.shape_cast %mul3A_288 : vector<16xf32> to vector<1x16xf32>
      tpu.vector_store %arg13[%swap3A_289, %swap3A_290], %swap3A_293 {strides = array<i32>} : memref<80x64xf32, #tpu.memory_space<vmem>>, vector<1x16xf32>,
      %slice3A_294 = vector.extract_strided_slice %get3A_196 {offsets = [2], sizes = [1], strides = [1]} : vector<16xf32> to vector<1xf32>
      %squeeze3A_295 = vector.extract %slice3A_294[0] : f32 from vector<1xf32>
      %mul3A_296 = arith.constant 16 : i32
      %mul3A_297 = arith.muli %scan3A_189, %mul3A_296 : i32
      %add3A_298 = arith.constant 2 : i32
      %add3A_299 = arith.addi %mul3A_297, %add3A_298 : i32
      %get3A_300 = arith.index_cast %add3A_299 : i32 to index
      %get3A_301 = arith.constant 0 : index
      %get3A_302 = tpu.vector_load %arg13[%get3A_300, %get3A_301] {strides = array<i32>} : memref<80x64xf32, #tpu.memory_space<vmem>>, vector<1x16xf32>,
      %get3A_303 = vector.shape_cast %get3A_302 : vector<1x16xf32> to vector<16xf32>
      %mul3A_304 = vector.broadcast %squeeze3A_295 : f32 to vector<16xf32>
      %mul3A_305 = arith.mulf %get3A_303, %mul3A_304 : vector<16xf32>
      %swap3A_306 = arith.index_cast %add3A_299 : i32 to index
      %swap3A_307 = arith.constant 0 : index
      %swap3A_308 = tpu.vector_load %arg13[%swap3A_306, %swap3A_307] {strides = array<i32>} : memref<80x64xf32, #tpu.memory_space<vmem>>, vector<1x16xf32>,
      %swap3A_309 = vector.shape_cast %swap3A_308 : vector<1x16xf32> to vector<16xf32>
      %swap3A_310 = vector.shape_cast %mul3A_305 : vector<16xf32> to vector<1x16xf32>
      tpu.vector_store %arg13[%swap3A_306, %swap3A_307], %swap3A_310 {strides = array<i32>} : memref<80x64xf32, #tpu.memory_space<vmem>>, vector<1x16xf32>,
      %get3A_311 = arith.index_cast %add3A_299 : i32 to index
      %get3A_312 = arith.constant 16 : index
      %get3A_313 = tpu.vector_load %arg13[%get3A_311, %get3A_312] {strides = array<i32>} : memref<80x64xf32, #tpu.memory_space<vmem>>, vector<1x16xf32>,
      %get3A_314 = vector.shape_cast %get3A_313 : vector<1x16xf32> to vector<16xf32>
      %mul3A_315 = vector.broadcast %squeeze3A_295 : f32 to vector<16xf32>
      %mul3A_316 = arith.mulf %get3A_314, %mul3A_315 : vector<16xf32>
      %swap3A_317 = arith.index_cast %add3A_299 : i32 to index
      %swap3A_318 = arith.constant 16 : index
      %swap3A_319 = tpu.vector_load %arg13[%swap3A_317, %swap3A_318] {strides = array<i32>} : memref<80x64xf32, #tpu.memory_space<vmem>>, vector<1x16xf32>,
      %swap3A_320 = vector.shape_cast %swap3A_319 : vector<1x16xf32> to vector<16xf32>
      %swap3A_321 = vector.shape_cast %mul3A_316 : vector<16xf32> to vector<1x16xf32>
      tpu.vector_store %arg13[%swap3A_317, %swap3A_318], %swap3A_321 {strides = array<i32>} : memref<80x64xf32, #tpu.memory_space<vmem>>, vector<1x16xf32>,
      %get3A_322 = arith.index_cast %add3A_299 : i32 to index
      %get3A_323 = arith.constant 32 : index
      %get3A_324 = tpu.vector_load %arg13[%get3A_322, %get3A_323] {strides = array<i32>} : memref<80x64xf32, #tpu.memory_space<vmem>>, vector<1x16xf32>,
      %get3A_325 = vector.shape_cast %get3A_324 : vector<1x16xf32> to vector<16xf32>
      %mul3A_326 = vector.broadcast %squeeze3A_295 : f32 to vector<16xf32>
      %mul3A_327 = arith.mulf %get3A_325, %mul3A_326 : vector<16xf32>
      %swap3A_328 = arith.index_cast %add3A_299 : i32 to index
      %swap3A_329 = arith.constant 32 : index
      %swap3A_330 = tpu.vector_load %arg13[%swap3A_328, %swap3A_329] {strides = array<i32>} : memref<80x64xf32, #tpu.memory_space<vmem>>, vector<1x16xf32>,
      %swap3A_331 = vector.shape_cast %swap3A_330 : vector<1x16xf32> to vector<16xf32>
      %swap3A_332 = vector.shape_cast %mul3A_327 : vector<16xf32> to vector<1x16xf32>
      tpu.vector_store %arg13[%swap3A_328, %swap3A_329], %swap3A_332 {strides = array<i32>} : memref<80x64xf32, #tpu.memory_space<vmem>>, vector<1x16xf32>,
      %get3A_333 = arith.index_cast %add3A_299 : i32 to index
      %get3A_334 = arith.constant 48 : index
      %get3A_335 = tpu.vector_load %arg13[%get3A_333, %get3A_334] {strides = array<i32>} : memref<80x64xf32, #tpu.memory_space<vmem>>, vector<1x16xf32>,
      %get3A_336 = vector.shape_cast %get3A_335 : vector<1x16xf32> to vector<16xf32>
      %mul3A_337 = vector.broadcast %squeeze3A_295 : f32 to vector<16xf32>
      %mul3A_338 = arith.mulf %get3A_336, %mul3A_337 : vector<16xf32>
      %swap3A_339 = arith.index_cast %add3A_299 : i32 to index
      %swap3A_340 = arith.constant 48 : index
      %swap3A_341 = tpu.vector_load %arg13[%swap3A_339, %swap3A_340] {strides = array<i32>} : memref<80x64xf32, #tpu.memory_space<vmem>>, vector<1x16xf32>,
      %swap3A_342 = vector.shape_cast %swap3A_341 : vector<1x16xf32> to vector<16xf32>
      %swap3A_343 = vector.shape_cast %mul3A_338 : vector<16xf32> to vector<1x16xf32>
      tpu.vector_store %arg13[%swap3A_339, %swap3A_340], %swap3A_343 {strides = array<i32>} : memref<80x64xf32, #tpu.memory_space<vmem>>, vector<1x16xf32>,
      %slice3A_344 = vector.extract_strided_slice %get3A_196 {offsets = [3], sizes = [1], strides = [1]} : vector<16xf32> to vector<1xf32>
      %squeeze3A_345 = vector.extract %slice3A_344[0] : f32 from vector<1xf32>
      %mul3A_346 = arith.constant 16 : i32
      %mul3A_347 = arith.muli %scan3A_189, %mul3A_346 : i32
      %add3A_348 = arith.constant 3 : i32
      %add3A_349 = arith.addi %mul3A_347, %add3A_348 : i32
      %get3A_350 = arith.index_cast %add3A_349 : i32 to index
      %get3A_351 = arith.constant 0 : index
      %get3A_352 = tpu.vector_load %arg13[%get3A_350, %get3A_351] {strides = array<i32>} : memref<80x64xf32, #tpu.memory_space<vmem>>, vector<1x16xf32>,
      %get3A_353 = vector.shape_cast %get3A_352 : vector<1x16xf32> to vector<16xf32>
      %mul3A_354 = vector.broadcast %squeeze3A_345 : f32 to vector<16xf32>
      %mul3A_355 = arith.mulf %get3A_353, %mul3A_354 : vector<16xf32>
      %swap3A_356 = arith.index_cast %add3A_349 : i32 to index
      %swap3A_357 = arith.constant 0 : index
      %swap3A_358 = tpu.vector_load %arg13[%swap3A_356, %swap3A_357] {strides = array<i32>} : memref<80x64xf32, #tpu.memory_space<vmem>>, vector<1x16xf32>,
      %swap3A_359 = vector.shape_cast %swap3A_358 : vector<1x16xf32> to vector<16xf32>
      %swap3A_360 = vector.shape_cast %mul3A_355 : vector<16xf32> to vector<1x16xf32>
      tpu.vector_store %arg13[%swap3A_356, %swap3A_357], %swap3A_360 {strides = array<i32>} : memref<80x64xf32, #tpu.memory_space<vmem>>, vector<1x16xf32>,
      %get3A_361 = arith.index_cast %add3A_349 : i32 to index
      %get3A_362 = arith.constant 16 : index
      %get3A_363 = tpu.vector_load %arg13[%get3A_361, %get3A_362] {strides = array<i32>} : memref<80x64xf32, #tpu.memory_space<vmem>>, vector<1x16xf32>,
      %get3A_364 = vector.shape_cast %get3A_363 : vector<1x16xf32> to vector<16xf32>
      %mul3A_365 = vector.broadcast %squeeze3A_345 : f32 to vector<16xf32>
      %mul3A_366 = arith.mulf %get3A_364, %mul3A_365 : vector<16xf32>
      %swap3A_367 = arith.index_cast %add3A_349 : i32 to index
      %swap3A_368 = arith.constant 16 : index
      %swap3A_369 = tpu.vector_load %arg13[%swap3A_367, %swap3A_368] {strides = array<i32>} : memref<80x64xf32, #tpu.memory_space<vmem>>, vector<1x16xf32>,
      %swap3A_370 = vector.shape_cast %swap3A_369 : vector<1x16xf32> to vector<16xf32>
      %swap3A_371 = vector.shape_cast %mul3A_366 : vector<16xf32> to vector<1x16xf32>
      tpu.vector_store %arg13[%swap3A_367, %swap3A_368], %swap3A_371 {strides = array<i32>} : memref<80x64xf32, #tpu.memory_space<vmem>>, vector<1x16xf32>,
      %get3A_372 = arith.index_cast %add3A_349 : i32 to index
      %get3A_373 = arith.constant 32 : index
      %get3A_374 = tpu.vector_load %arg13[%get3A_372, %get3A_373] {strides = array<i32>} : memref<80x64xf32, #tpu.memory_space<vmem>>, vector<1x16xf32>,
      %get3A_375 = vector.shape_cast %get3A_374 : vector<1x16xf32> to vector<16xf32>
      %mul3A_376 = vector.broadcast %squeeze3A_345 : f32 to vector<16xf32>
      %mul3A_377 = arith.mulf %get3A_375, %mul3A_376 : vector<16xf32>
      %swap3A_378 = arith.index_cast %add3A_349 : i32 to index
      %swap3A_379 = arith.constant 32 : index
      %swap3A_380 = tpu.vector_load %arg13[%swap3A_378, %swap3A_379] {strides = array<i32>} : memref<80x64xf32, #tpu.memory_space<vmem>>, vector<1x16xf32>,
      %swap3A_381 = vector.shape_cast %swap3A_380 : vector<1x16xf32> to vector<16xf32>
      %swap3A_382 = vector.shape_cast %mul3A_377 : vector<16xf32> to vector<1x16xf32>
      tpu.vector_store %arg13[%swap3A_378, %swap3A_379], %swap3A_382 {strides = array<i32>} : memref<80x64xf32, #tpu.memory_space<vmem>>, vector<1x16xf32>,
      %get3A_383 = arith.index_cast %add3A_349 : i32 to index
      %get3A_384 = arith.constant 48 : index
      %get3A_385 = tpu.vector_load %arg13[%get3A_383, %get3A_384] {strides = array<i32>} : memref<80x64xf32, #tpu.memory_space<vmem>>, vector<1x16xf32>,
      %get3A_386 = vector.shape_cast %get3A_385 : vector<1x16xf32> to vector<16xf32>
      %mul3A_387 = vector.broadcast %squeeze3A_345 : f32 to vector<16xf32>
      %mul3A_388 = arith.mulf %get3A_386, %mul3A_387 : vector<16xf32>
      %swap3A_389 = arith.index_cast %add3A_349 : i32 to index
      %swap3A_390 = arith.constant 48 : index
      %swap3A_391 = tpu.vector_load %arg13[%swap3A_389, %swap3A_390] {strides = array<i32>} : memref<80x64xf32, #tpu.memory_space<vmem>>, vector<1x16xf32>,
      %swap3A_392 = vector.shape_cast %swap3A_391 : vector<1x16xf32> to vector<16xf32>
      %swap3A_393 = vector.shape_cast %mul3A_388 : vector<16xf32> to vector<1x16xf32>
      tpu.vector_store %arg13[%swap3A_389, %swap3A_390], %swap3A_393 {strides = array<i32>} : memref<80x64xf32, #tpu.memory_space<vmem>>, vector<1x16xf32>,
      %slice3A_394 = vector.extract_strided_slice %get3A_196 {offsets = [4], sizes = [1], strides = [1]} : vector<16xf32> to vector<1xf32>
      %squeeze3A_395 = vector.extract %slice3A_394[0] : f32 from vector<1xf32>
      %mul3A_396 = arith.constant 16 : i32
      %mul3A_397 = arith.muli %scan3A_189, %mul3A_396 : i32
      %add3A_398 = arith.constant 4 : i32
      %add3A_399 = arith.addi %mul3A_397, %add3A_398 : i32
      %get3A_400 = arith.index_cast %add3A_399 : i32 to index
      %get3A_401 = arith.constant 0 : index
      %get3A_402 = tpu.vector_load %arg13[%get3A_400, %get3A_401] {strides = array<i32>} : memref<80x64xf32, #tpu.memory_space<vmem>>, vector<1x16xf32>,
      %get3A_403 = vector.shape_cast %get3A_402 : vector<1x16xf32> to vector<16xf32>
      %mul3A_404 = vector.broadcast %squeeze3A_395 : f32 to vector<16xf32>
      %mul3A_405 = arith.mulf %get3A_403, %mul3A_404 : vector<16xf32>
      %swap3A_406 = arith.index_cast %add3A_399 : i32 to index
      %swap3A_407 = arith.constant 0 : index
      %swap3A_408 = tpu.vector_load %arg13[%swap3A_406, %swap3A_407] {strides = array<i32>} : memref<80x64xf32, #tpu.memory_space<vmem>>, vector<1x16xf32>,
      %swap3A_409 = vector.shape_cast %swap3A_408 : vector<1x16xf32> to vector<16xf32>
      %swap3A_410 = vector.shape_cast %mul3A_405 : vector<16xf32> to vector<1x16xf32>
      tpu.vector_store %arg13[%swap3A_406, %swap3A_407], %swap3A_410 {strides = array<i32>} : memref<80x64xf32, #tpu.memory_space<vmem>>, vector<1x16xf32>,
      %get3A_411 = arith.index_cast %add3A_399 : i32 to index
      %get3A_412 = arith.constant 16 : index
      %get3A_413 = tpu.vector_load %arg13[%get3A_411, %get3A_412] {strides = array<i32>} : memref<80x64xf32, #tpu.memory_space<vmem>>, vector<1x16xf32>,
      %get3A_414 = vector.shape_cast %get3A_413 : vector<1x16xf32> to vector<16xf32>
      %mul3A_415 = vector.broadcast %squeeze3A_395 : f32 to vector<16xf32>
      %mul3A_416 = arith.mulf %get3A_414, %mul3A_415 : vector<16xf32>
      %swap3A_417 = arith.index_cast %add3A_399 : i32 to index
      %swap3A_418 = arith.constant 16 : index
      %swap3A_419 = tpu.vector_load %arg13[%swap3A_417, %swap3A_418] {strides = array<i32>} : memref<80x64xf32, #tpu.memory_space<vmem>>, vector<1x16xf32>,
      %swap3A_420 = vector.shape_cast %swap3A_419 : vector<1x16xf32> to vector<16xf32>
      %swap3A_421 = vector.shape_cast %mul3A_416 : vector<16xf32> to vector<1x16xf32>
      tpu.vector_store %arg13[%swap3A_417, %swap3A_418], %swap3A_421 {strides = array<i32>} : memref<80x64xf32, #tpu.memory_space<vmem>>, vector<1x16xf32>,
      %get3A_422 = arith.index_cast %add3A_399 : i32 to index
      %get3A_423 = arith.constant 32 : index
      %get3A_424 = tpu.vector_load %arg13[%get3A_422, %get3A_423] {strides = array<i32>} : memref<80x64xf32, #tpu.memory_space<vmem>>, vector<1x16xf32>,
      %get3A_425 = vector.shape_cast %get3A_424 : vector<1x16xf32> to vector<16xf32>
      %mul3A_426 = vector.broadcast %squeeze3A_395 : f32 to vector<16xf32>
      %mul3A_427 = arith.mulf %get3A_425, %mul3A_426 : vector<16xf32>
      %swap3A_428 = arith.index_cast %add3A_399 : i32 to index
      %swap3A_429 = arith.constant 32 : index
      %swap3A_430 = tpu.vector_load %arg13[%swap3A_428, %swap3A_429] {strides = array<i32>} : memref<80x64xf32, #tpu.memory_space<vmem>>, vector<1x16xf32>,
      %swap3A_431 = vector.shape_cast %swap3A_430 : vector<1x16xf32> to vector<16xf32>
      %swap3A_432 = vector.shape_cast %mul3A_427 : vector<16xf32> to vector<1x16xf32>
      tpu.vector_store %arg13[%swap3A_428, %swap3A_429], %swap3A_432 {strides = array<i32>} : memref<80x64xf32, #tpu.memory_space<vmem>>, vector<1x16xf32>,
      %get3A_433 = arith.index_cast %add3A_399 : i32 to index
      %get3A_434 = arith.constant 48 : index
      %get3A_435 = tpu.vector_load %arg13[%get3A_433, %get3A_434] {strides = array<i32>} : memref<80x64xf32, #tpu.memory_space<vmem>>, vector<1x16xf32>,
      %get3A_436 = vector.shape_cast %get3A_435 : vector<1x16xf32> to vector<16xf32>
      %mul3A_437 = vector.broadcast %squeeze3A_395 : f32 to vector<16xf32>
      %mul3A_438 = arith.mulf %get3A_436, %mul3A_437 : vector<16xf32>
      %swap3A_439 = arith.index_cast %add3A_399 : i32 to index
      %swap3A_440 = arith.constant 48 : index
      %swap3A_441 = tpu.vector_load %arg13[%swap3A_439, %swap3A_440] {strides = array<i32>} : memref<80x64xf32, #tpu.memory_space<vmem>>, vector<1x16xf32>,
      %swap3A_442 = vector.shape_cast %swap3A_441 : vector<1x16xf32> to vector<16xf32>
      %swap3A_443 = vector.shape_cast %mul3A_438 : vector<16xf32> to vector<1x16xf32>
      tpu.vector_store %arg13[%swap3A_439, %swap3A_440], %swap3A_443 {strides = array<i32>} : memref<80x64xf32, #tpu.memory_space<vmem>>, vector<1x16xf32>,
      %slice3A_444 = vector.extract_strided_slice %get3A_196 {offsets = [5], sizes = [1], strides = [1]} : vector<16xf32> to vector<1xf32>
      %squeeze3A_445 = vector.extract %slice3A_444[0] : f32 from vector<1xf32>
      %mul3A_446 = arith.constant 16 : i32
      %mul3A_447 = arith.muli %scan3A_189, %mul3A_446 : i32
      %add3A_448 = arith.constant 5 : i32
      %add3A_449 = arith.addi %mul3A_447, %add3A_448 : i32
      %get3A_450 = arith.index_cast %add3A_449 : i32 to index
      %get3A_451 = arith.constant 0 : index
      %get3A_452 = tpu.vector_load %arg13[%get3A_450, %get3A_451] {strides = array<i32>} : memref<80x64xf32, #tpu.memory_space<vmem>>, vector<1x16xf32>,
      %get3A_453 = vector.shape_cast %get3A_452 : vector<1x16xf32> to vector<16xf32>
      %mul3A_454 = vector.broadcast %squeeze3A_445 : f32 to vector<16xf32>
      %mul3A_455 = arith.mulf %get3A_453, %mul3A_454 : vector<16xf32>
      %swap3A_456 = arith.index_cast %add3A_449 : i32 to index
      %swap3A_457 = arith.constant 0 : index
      %swap3A_458 = tpu.vector_load %arg13[%swap3A_456, %swap3A_457] {strides = array<i32>} : memref<80x64xf32, #tpu.memory_space<vmem>>, vector<1x16xf32>,
      %swap3A_459 = vector.shape_cast %swap3A_458 : vector<1x16xf32> to vector<16xf32>
      %swap3A_460 = vector.shape_cast %mul3A_455 : vector<16xf32> to vector<1x16xf32>
      tpu.vector_store %arg13[%swap3A_456, %swap3A_457], %swap3A_460 {strides = array<i32>} : memref<80x64xf32, #tpu.memory_space<vmem>>, vector<1x16xf32>,
      %get3A_461 = arith.index_cast %add3A_449 : i32 to index
      %get3A_462 = arith.constant 16 : index
      %get3A_463 = tpu.vector_load %arg13[%get3A_461, %get3A_462] {strides = array<i32>} : memref<80x64xf32, #tpu.memory_space<vmem>>, vector<1x16xf32>,
      %get3A_464 = vector.shape_cast %get3A_463 : vector<1x16xf32> to vector<16xf32>
      %mul3A_465 = vector.broadcast %squeeze3A_445 : f32 to vector<16xf32>
      %mul3A_466 = arith.mulf %get3A_464, %mul3A_465 : vector<16xf32>
      %swap3A_467 = arith.index_cast %add3A_449 : i32 to index
      %swap3A_468 = arith.constant 16 : index
      %swap3A_469 = tpu.vector_load %arg13[%swap3A_467, %swap3A_468] {strides = array<i32>} : memref<80x64xf32, #tpu.memory_space<vmem>>, vector<1x16xf32>,
      %swap3A_470 = vector.shape_cast %swap3A_469 : vector<1x16xf32> to vector<16xf32>
      %swap3A_471 = vector.shape_cast %mul3A_466 : vector<16xf32> to vector<1x16xf32>
      tpu.vector_store %arg13[%swap3A_467, %swap3A_468], %swap3A_471 {strides = array<i32>} : memref<80x64xf32, #tpu.memory_space<vmem>>, vector<1x16xf32>,
      %get3A_472 = arith.index_cast %add3A_449 : i32 to index
      %get3A_473 = arith.constant 32 : index
      %get3A_474 = tpu.vector_load %arg13[%get3A_472, %get3A_473] {strides = array<i32>} : memref<80x64xf32, #tpu.memory_space<vmem>>, vector<1x16xf32>,
      %get3A_475 = vector.shape_cast %get3A_474 : vector<1x16xf32> to vector<16xf32>
      %mul3A_476 = vector.broadcast %squeeze3A_445 : f32 to vector<16xf32>
      %mul3A_477 = arith.mulf %get3A_475, %mul3A_476 : vector<16xf32>
      %swap3A_478 = arith.index_cast %add3A_449 : i32 to index
      %swap3A_479 = arith.constant 32 : index
      %swap3A_480 = tpu.vector_load %arg13[%swap3A_478, %swap3A_479] {strides = array<i32>} : memref<80x64xf32, #tpu.memory_space<vmem>>, vector<1x16xf32>,
      %swap3A_481 = vector.shape_cast %swap3A_480 : vector<1x16xf32> to vector<16xf32>
      %swap3A_482 = vector.shape_cast %mul3A_477 : vector<16xf32> to vector<1x16xf32>
      tpu.vector_store %arg13[%swap3A_478, %swap3A_479], %swap3A_482 {strides = array<i32>} : memref<80x64xf32, #tpu.memory_space<vmem>>, vector<1x16xf32>,
      %get3A_483 = arith.index_cast %add3A_449 : i32 to index
      %get3A_484 = arith.constant 48 : index
      %get3A_485 = tpu.vector_load %arg13[%get3A_483, %get3A_484] {strides = array<i32>} : memref<80x64xf32, #tpu.memory_space<vmem>>, vector<1x16xf32>,
      %get3A_486 = vector.shape_cast %get3A_485 : vector<1x16xf32> to vector<16xf32>
      %mul3A_487 = vector.broadcast %squeeze3A_445 : f32 to vector<16xf32>
      %mul3A_488 = arith.mulf %get3A_486, %mul3A_487 : vector<16xf32>
      %swap3A_489 = arith.index_cast %add3A_449 : i32 to index
      %swap3A_490 = arith.constant 48 : index
      %swap3A_491 = tpu.vector_load %arg13[%swap3A_489, %swap3A_490] {strides = array<i32>} : memref<80x64xf32, #tpu.memory_space<vmem>>, vector<1x16xf32>,
      %swap3A_492 = vector.shape_cast %swap3A_491 : vector<1x16xf32> to vector<16xf32>
      %swap3A_493 = vector.shape_cast %mul3A_488 : vector<16xf32> to vector<1x16xf32>
      tpu.vector_store %arg13[%swap3A_489, %swap3A_490], %swap3A_493 {strides = array<i32>} : memref<80x64xf32, #tpu.memory_space<vmem>>, vector<1x16xf32>,
      %slice3A_494 = vector.extract_strided_slice %get3A_196 {offsets = [6], sizes = [1], strides = [1]} : vector<16xf32> to vector<1xf32>
      %squeeze3A_495 = vector.extract %slice3A_494[0] : f32 from vector<1xf32>
      %mul3A_496 = arith.constant 16 : i32
      %mul3A_497 = arith.muli %scan3A_189, %mul3A_496 : i32
      %add3A_498 = arith.constant 6 : i32
      %add3A_499 = arith.addi %mul3A_497, %add3A_498 : i32
      %get3A_500 = arith.index_cast %add3A_499 : i32 to index
      %get3A_501 = arith.constant 0 : index
      %get3A_502 = tpu.vector_load %arg13[%get3A_500, %get3A_501] {strides = array<i32>} : memref<80x64xf32, #tpu.memory_space<vmem>>, vector<1x16xf32>,
      %get3A_503 = vector.shape_cast %get3A_502 : vector<1x16xf32> to vector<16xf32>
      %mul3A_504 = vector.broadcast %squeeze3A_495 : f32 to vector<16xf32>
      %mul3A_505 = arith.mulf %get3A_503, %mul3A_504 : vector<16xf32>
      %swap3A_506 = arith.index_cast %add3A_499 : i32 to index
      %swap3A_507 = arith.constant 0 : index
      %swap3A_508 = tpu.vector_load %arg13[%swap3A_506, %swap3A_507] {strides = array<i32>} : memref<80x64xf32, #tpu.memory_space<vmem>>, vector<1x16xf32>,
      %swap3A_509 = vector.shape_cast %swap3A_508 : vector<1x16xf32> to vector<16xf32>
      %swap3A_510 = vector.shape_cast %mul3A_505 : vector<16xf32> to vector<1x16xf32>
      tpu.vector_store %arg13[%swap3A_506, %swap3A_507], %swap3A_510 {strides = array<i32>} : memref<80x64xf32, #tpu.memory_space<vmem>>, vector<1x16xf32>,
      %get3A_511 = arith.index_cast %add3A_499 : i32 to index
      %get3A_512 = arith.constant 16 : index
      %get3A_513 = tpu.vector_load %arg13[%get3A_511, %get3A_512] {strides = array<i32>} : memref<80x64xf32, #tpu.memory_space<vmem>>, vector<1x16xf32>,
      %get3A_514 = vector.shape_cast %get3A_513 : vector<1x16xf32> to vector<16xf32>
      %mul3A_515 = vector.broadcast %squeeze3A_495 : f32 to vector<16xf32>
      %mul3A_516 = arith.mulf %get3A_514, %mul3A_515 : vector<16xf32>
      %swap3A_517 = arith.index_cast %add3A_499 : i32 to index
      %swap3A_518 = arith.constant 16 : index
      %swap3A_519 = tpu.vector_load %arg13[%swap3A_517, %swap3A_518] {strides = array<i32>} : memref<80x64xf32, #tpu.memory_space<vmem>>, vector<1x16xf32>,
      %swap3A_520 = vector.shape_cast %swap3A_519 : vector<1x16xf32> to vector<16xf32>
      %swap3A_521 = vector.shape_cast %mul3A_516 : vector<16xf32> to vector<1x16xf32>
      tpu.vector_store %arg13[%swap3A_517, %swap3A_518], %swap3A_521 {strides = array<i32>} : memref<80x64xf32, #tpu.memory_space<vmem>>, vector<1x16xf32>,
      %get3A_522 = arith.index_cast %add3A_499 : i32 to index
      %get3A_523 = arith.constant 32 : index
      %get3A_524 = tpu.vector_load %arg13[%get3A_522, %get3A_523] {strides = array<i32>} : memref<80x64xf32, #tpu.memory_space<vmem>>, vector<1x16xf32>,
      %get3A_525 = vector.shape_cast %get3A_524 : vector<1x16xf32> to vector<16xf32>
      %mul3A_526 = vector.broadcast %squeeze3A_495 : f32 to vector<16xf32>
      %mul3A_527 = arith.mulf %get3A_525, %mul3A_526 : vector<16xf32>
      %swap3A_528 = arith.index_cast %add3A_499 : i32 to index
      %swap3A_529 = arith.constant 32 : index
      %swap3A_530 = tpu.vector_load %arg13[%swap3A_528, %swap3A_529] {strides = array<i32>} : memref<80x64xf32, #tpu.memory_space<vmem>>, vector<1x16xf32>,
      %swap3A_531 = vector.shape_cast %swap3A_530 : vector<1x16xf32> to vector<16xf32>
      %swap3A_532 = vector.shape_cast %mul3A_527 : vector<16xf32> to vector<1x16xf32>
      tpu.vector_store %arg13[%swap3A_528, %swap3A_529], %swap3A_532 {strides = array<i32>} : memref<80x64xf32, #tpu.memory_space<vmem>>, vector<1x16xf32>,
      %get3A_533 = arith.index_cast %add3A_499 : i32 to index
      %get3A_534 = arith.constant 48 : index
      %get3A_535 = tpu.vector_load %arg13[%get3A_533, %get3A_534] {strides = array<i32>} : memref<80x64xf32, #tpu.memory_space<vmem>>, vector<1x16xf32>,
      %get3A_536 = vector.shape_cast %get3A_535 : vector<1x16xf32> to vector<16xf32>
      %mul3A_537 = vector.broadcast %squeeze3A_495 : f32 to vector<16xf32>
      %mul3A_538 = arith.mulf %get3A_536, %mul3A_537 : vector<16xf32>
      %swap3A_539 = arith.index_cast %add3A_499 : i32 to index
      %swap3A_540 = arith.constant 48 : index
      %swap3A_541 = tpu.vector_load %arg13[%swap3A_539, %swap3A_540] {strides = array<i32>} : memref<80x64xf32, #tpu.memory_space<vmem>>, vector<1x16xf32>,
      %swap3A_542 = vector.shape_cast %swap3A_541 : vector<1x16xf32> to vector<16xf32>
      %swap3A_543 = vector.shape_cast %mul3A_538 : vector<16xf32> to vector<1x16xf32>
      tpu.vector_store %arg13[%swap3A_539, %swap3A_540], %swap3A_543 {strides = array<i32>} : memref<80x64xf32, #tpu.memory_space<vmem>>, vector<1x16xf32>,
      %slice3A_544 = vector.extract_strided_slice %get3A_196 {offsets = [7], sizes = [1], strides = [1]} : vector<16xf32> to vector<1xf32>
      %squeeze3A_545 = vector.extract %slice3A_544[0] : f32 from vector<1xf32>
      %mul3A_546 = arith.constant 16 : i32
      %mul3A_547 = arith.muli %scan3A_189, %mul3A_546 : i32
      %add3A_548 = arith.constant 7 : i32
      %add3A_549 = arith.addi %mul3A_547, %add3A_548 : i32
      %get3A_550 = arith.index_cast %add3A_549 : i32 to index
      %get3A_551 = arith.constant 0 : index
      %get3A_552 = tpu.vector_load %arg13[%get3A_550, %get3A_551] {strides = array<i32>} : memref<80x64xf32, #tpu.memory_space<vmem>>, vector<1x16xf32>,
      %get3A_553 = vector.shape_cast %get3A_552 : vector<1x16xf32> to vector<16xf32>
      %mul3A_554 = vector.broadcast %squeeze3A_545 : f32 to vector<16xf32>
      %mul3A_555 = arith.mulf %get3A_553, %mul3A_554 : vector<16xf32>
      %swap3A_556 = arith.index_cast %add3A_549 : i32 to index
      %swap3A_557 = arith.constant 0 : index
      %swap3A_558 = tpu.vector_load %arg13[%swap3A_556, %swap3A_557] {strides = array<i32>} : memref<80x64xf32, #tpu.memory_space<vmem>>, vector<1x16xf32>,
      %swap3A_559 = vector.shape_cast %swap3A_558 : vector<1x16xf32> to vector<16xf32>
      %swap3A_560 = vector.shape_cast %mul3A_555 : vector<16xf32> to vector<1x16xf32>
      tpu.vector_store %arg13[%swap3A_556, %swap3A_557], %swap3A_560 {strides = array<i32>} : memref<80x64xf32, #tpu.memory_space<vmem>>, vector<1x16xf32>,
      %get3A_561 = arith.index_cast %add3A_549 : i32 to index
      %get3A_562 = arith.constant 16 : index
      %get3A_563 = tpu.vector_load %arg13[%get3A_561, %get3A_562] {strides = array<i32>} : memref<80x64xf32, #tpu.memory_space<vmem>>, vector<1x16xf32>,
      %get3A_564 = vector.shape_cast %get3A_563 : vector<1x16xf32> to vector<16xf32>
      %mul3A_565 = vector.broadcast %squeeze3A_545 : f32 to vector<16xf32>
      %mul3A_566 = arith.mulf %get3A_564, %mul3A_565 : vector<16xf32>
      %swap3A_567 = arith.index_cast %add3A_549 : i32 to index
      %swap3A_568 = arith.constant 16 : index
      %swap3A_569 = tpu.vector_load %arg13[%swap3A_567, %swap3A_568] {strides = array<i32>} : memref<80x64xf32, #tpu.memory_space<vmem>>, vector<1x16xf32>,
      %swap3A_570 = vector.shape_cast %swap3A_569 : vector<1x16xf32> to vector<16xf32>
      %swap3A_571 = vector.shape_cast %mul3A_566 : vector<16xf32> to vector<1x16xf32>
      tpu.vector_store %arg13[%swap3A_567, %swap3A_568], %swap3A_571 {strides = array<i32>} : memref<80x64xf32, #tpu.memory_space<vmem>>, vector<1x16xf32>,
      %get3A_572 = arith.index_cast %add3A_549 : i32 to index
      %get3A_573 = arith.constant 32 : index
      %get3A_574 = tpu.vector_load %arg13[%get3A_572, %get3A_573] {strides = array<i32>} : memref<80x64xf32, #tpu.memory_space<vmem>>, vector<1x16xf32>,
      %get3A_575 = vector.shape_cast %get3A_574 : vector<1x16xf32> to vector<16xf32>
      %mul3A_576 = vector.broadcast %squeeze3A_545 : f32 to vector<16xf32>
      %mul3A_577 = arith.mulf %get3A_575, %mul3A_576 : vector<16xf32>
      %swap3A_578 = arith.index_cast %add3A_549 : i32 to index
      %swap3A_579 = arith.constant 32 : index
      %swap3A_580 = tpu.vector_load %arg13[%swap3A_578, %swap3A_579] {strides = array<i32>} : memref<80x64xf32, #tpu.memory_space<vmem>>, vector<1x16xf32>,
      %swap3A_581 = vector.shape_cast %swap3A_580 : vector<1x16xf32> to vector<16xf32>
      %swap3A_582 = vector.shape_cast %mul3A_577 : vector<16xf32> to vector<1x16xf32>
      tpu.vector_store %arg13[%swap3A_578, %swap3A_579], %swap3A_582 {strides = array<i32>} : memref<80x64xf32, #tpu.memory_space<vmem>>, vector<1x16xf32>,
      %get3A_583 = arith.index_cast %add3A_549 : i32 to index
      %get3A_584 = arith.constant 48 : index
      %get3A_585 = tpu.vector_load %arg13[%get3A_583, %get3A_584] {strides = array<i32>} : memref<80x64xf32, #tpu.memory_space<vmem>>, vector<1x16xf32>,
      %get3A_586 = vector.shape_cast %get3A_585 : vector<1x16xf32> to vector<16xf32>
      %mul3A_587 = vector.broadcast %squeeze3A_545 : f32 to vector<16xf32>
      %mul3A_588 = arith.mulf %get3A_586, %mul3A_587 : vector<16xf32>
      %swap3A_589 = arith.index_cast %add3A_549 : i32 to index
      %swap3A_590 = arith.constant 48 : index
      %swap3A_591 = tpu.vector_load %arg13[%swap3A_589, %swap3A_590] {strides = array<i32>} : memref<80x64xf32, #tpu.memory_space<vmem>>, vector<1x16xf32>,
      %swap3A_592 = vector.shape_cast %swap3A_591 : vector<1x16xf32> to vector<16xf32>
      %swap3A_593 = vector.shape_cast %mul3A_588 : vector<16xf32> to vector<1x16xf32>
      tpu.vector_store %arg13[%swap3A_589, %swap3A_590], %swap3A_593 {strides = array<i32>} : memref<80x64xf32, #tpu.memory_space<vmem>>, vector<1x16xf32>,
      %slice3A_594 = vector.extract_strided_slice %get3A_196 {offsets = [8], sizes = [1], strides = [1]} : vector<16xf32> to vector<1xf32>
      %squeeze3A_595 = vector.extract %slice3A_594[0] : f32 from vector<1xf32>
      %mul3A_596 = arith.constant 16 : i32
      %mul3A_597 = arith.muli %scan3A_189, %mul3A_596 : i32
      %add3A_598 = arith.constant 8 : i32
      %add3A_599 = arith.addi %mul3A_597, %add3A_598 : i32
      %get3A_600 = arith.index_cast %add3A_599 : i32 to index
      %get3A_601 = arith.constant 0 : index
      %get3A_602 = tpu.vector_load %arg13[%get3A_600, %get3A_601] {strides = array<i32>} : memref<80x64xf32, #tpu.memory_space<vmem>>, vector<1x16xf32>,
      %get3A_603 = vector.shape_cast %get3A_602 : vector<1x16xf32> to vector<16xf32>
      %mul3A_604 = vector.broadcast %squeeze3A_595 : f32 to vector<16xf32>
      %mul3A_605 = arith.mulf %get3A_603, %mul3A_604 : vector<16xf32>
      %swap3A_606 = arith.index_cast %add3A_599 : i32 to index
      %swap3A_607 = arith.constant 0 : index
      %swap3A_608 = tpu.vector_load %arg13[%swap3A_606, %swap3A_607] {strides = array<i32>} : memref<80x64xf32, #tpu.memory_space<vmem>>, vector<1x16xf32>,
      %swap3A_609 = vector.shape_cast %swap3A_608 : vector<1x16xf32> to vector<16xf32>
      %swap3A_610 = vector.shape_cast %mul3A_605 : vector<16xf32> to vector<1x16xf32>
      tpu.vector_store %arg13[%swap3A_606, %swap3A_607], %swap3A_610 {strides = array<i32>} : memref<80x64xf32, #tpu.memory_space<vmem>>, vector<1x16xf32>,
      %get3A_611 = arith.index_cast %add3A_599 : i32 to index
      %get3A_612 = arith.constant 16 : index
      %get3A_613 = tpu.vector_load %arg13[%get3A_611, %get3A_612] {strides = array<i32>} : memref<80x64xf32, #tpu.memory_space<vmem>>, vector<1x16xf32>,
      %get3A_614 = vector.shape_cast %get3A_613 : vector<1x16xf32> to vector<16xf32>
      %mul3A_615 = vector.broadcast %squeeze3A_595 : f32 to vector<16xf32>
      %mul3A_616 = arith.mulf %get3A_614, %mul3A_615 : vector<16xf32>
      %swap3A_617 = arith.index_cast %add3A_599 : i32 to index
      %swap3A_618 = arith.constant 16 : index
      %swap3A_619 = tpu.vector_load %arg13[%swap3A_617, %swap3A_618] {strides = array<i32>} : memref<80x64xf32, #tpu.memory_space<vmem>>, vector<1x16xf32>,
      %swap3A_620 = vector.shape_cast %swap3A_619 : vector<1x16xf32> to vector<16xf32>
      %swap3A_621 = vector.shape_cast %mul3A_616 : vector<16xf32> to vector<1x16xf32>
      tpu.vector_store %arg13[%swap3A_617, %swap3A_618], %swap3A_621 {strides = array<i32>} : memref<80x64xf32, #tpu.memory_space<vmem>>, vector<1x16xf32>,
      %get3A_622 = arith.index_cast %add3A_599 : i32 to index
      %get3A_623 = arith.constant 32 : index
      %get3A_624 = tpu.vector_load %arg13[%get3A_622, %get3A_623] {strides = array<i32>} : memref<80x64xf32, #tpu.memory_space<vmem>>, vector<1x16xf32>,
      %get3A_625 = vector.shape_cast %get3A_624 : vector<1x16xf32> to vector<16xf32>
      %mul3A_626 = vector.broadcast %squeeze3A_595 : f32 to vector<16xf32>
      %mul3A_627 = arith.mulf %get3A_625, %mul3A_626 : vector<16xf32>
      %swap3A_628 = arith.index_cast %add3A_599 : i32 to index
      %swap3A_629 = arith.constant 32 : index
      %swap3A_630 = tpu.vector_load %arg13[%swap3A_628, %swap3A_629] {strides = array<i32>} : memref<80x64xf32, #tpu.memory_space<vmem>>, vector<1x16xf32>,
      %swap3A_631 = vector.shape_cast %swap3A_630 : vector<1x16xf32> to vector<16xf32>
      %swap3A_632 = vector.shape_cast %mul3A_627 : vector<16xf32> to vector<1x16xf32>
      tpu.vector_store %arg13[%swap3A_628, %swap3A_629], %swap3A_632 {strides = array<i32>} : memref<80x64xf32, #tpu.memory_space<vmem>>, vector<1x16xf32>,
      %get3A_633 = arith.index_cast %add3A_599 : i32 to index
      %get3A_634 = arith.constant 48 : index
      %get3A_635 = tpu.vector_load %arg13[%get3A_633, %get3A_634] {strides = array<i32>} : memref<80x64xf32, #tpu.memory_space<vmem>>, vector<1x16xf32>,
      %get3A_636 = vector.shape_cast %get3A_635 : vector<1x16xf32> to vector<16xf32>
      %mul3A_637 = vector.broadcast %squeeze3A_595 : f32 to vector<16xf32>
      %mul3A_638 = arith.mulf %get3A_636, %mul3A_637 : vector<16xf32>
      %swap3A_639 = arith.index_cast %add3A_599 : i32 to index
      %swap3A_640 = arith.constant 48 : index
      %swap3A_641 = tpu.vector_load %arg13[%swap3A_639, %swap3A_640] {strides = array<i32>} : memref<80x64xf32, #tpu.memory_space<vmem>>, vector<1x16xf32>,
      %swap3A_642 = vector.shape_cast %swap3A_641 : vector<1x16xf32> to vector<16xf32>
      %swap3A_643 = vector.shape_cast %mul3A_638 : vector<16xf32> to vector<1x16xf32>
      tpu.vector_store %arg13[%swap3A_639, %swap3A_640], %swap3A_643 {strides = array<i32>} : memref<80x64xf32, #tpu.memory_space<vmem>>, vector<1x16xf32>,
      %slice3A_644 = vector.extract_strided_slice %get3A_196 {offsets = [9], sizes = [1], strides = [1]} : vector<16xf32> to vector<1xf32>
      %squeeze3A_645 = vector.extract %slice3A_644[0] : f32 from vector<1xf32>
      %mul3A_646 = arith.constant 16 : i32
      %mul3A_647 = arith.muli %scan3A_189, %mul3A_646 : i32
      %add3A_648 = arith.constant 9 : i32
      %add3A_649 = arith.addi %mul3A_647, %add3A_648 : i32
      %get3A_650 = arith.index_cast %add3A_649 : i32 to index
      %get3A_651 = arith.constant 0 : index
      %get3A_652 = tpu.vector_load %arg13[%get3A_650, %get3A_651] {strides = array<i32>} : memref<80x64xf32, #tpu.memory_space<vmem>>, vector<1x16xf32>,
      %get3A_653 = vector.shape_cast %get3A_652 : vector<1x16xf32> to vector<16xf32>
      %mul3A_654 = vector.broadcast %squeeze3A_645 : f32 to vector<16xf32>
      %mul3A_655 = arith.mulf %get3A_653, %mul3A_654 : vector<16xf32>
      %swap3A_656 = arith.index_cast %add3A_649 : i32 to index
      %swap3A_657 = arith.constant 0 : index
      %swap3A_658 = tpu.vector_load %arg13[%swap3A_656, %swap3A_657] {strides = array<i32>} : memref<80x64xf32, #tpu.memory_space<vmem>>, vector<1x16xf32>,
      %swap3A_659 = vector.shape_cast %swap3A_658 : vector<1x16xf32> to vector<16xf32>
      %swap3A_660 = vector.shape_cast %mul3A_655 : vector<16xf32> to vector<1x16xf32>
      tpu.vector_store %arg13[%swap3A_656, %swap3A_657], %swap3A_660 {strides = array<i32>} : memref<80x64xf32, #tpu.memory_space<vmem>>, vector<1x16xf32>,
      %get3A_661 = arith.index_cast %add3A_649 : i32 to index
      %get3A_662 = arith.constant 16 : index
      %get3A_663 = tpu.vector_load %arg13[%get3A_661, %get3A_662] {strides = array<i32>} : memref<80x64xf32, #tpu.memory_space<vmem>>, vector<1x16xf32>,
      %get3A_664 = vector.shape_cast %get3A_663 : vector<1x16xf32> to vector<16xf32>
      %mul3A_665 = vector.broadcast %squeeze3A_645 : f32 to vector<16xf32>
      %mul3A_666 = arith.mulf %get3A_664, %mul3A_665 : vector<16xf32>
      %swap3A_667 = arith.index_cast %add3A_649 : i32 to index
      %swap3A_668 = arith.constant 16 : index
      %swap3A_669 = tpu.vector_load %arg13[%swap3A_667, %swap3A_668] {strides = array<i32>} : memref<80x64xf32, #tpu.memory_space<vmem>>, vector<1x16xf32>,
      %swap3A_670 = vector.shape_cast %swap3A_669 : vector<1x16xf32> to vector<16xf32>
      %swap3A_671 = vector.shape_cast %mul3A_666 : vector<16xf32> to vector<1x16xf32>
      tpu.vector_store %arg13[%swap3A_667, %swap3A_668], %swap3A_671 {strides = array<i32>} : memref<80x64xf32, #tpu.memory_space<vmem>>, vector<1x16xf32>,
      %get3A_672 = arith.index_cast %add3A_649 : i32 to index
      %get3A_673 = arith.constant 32 : index
      %get3A_674 = tpu.vector_load %arg13[%get3A_672, %get3A_673] {strides = array<i32>} : memref<80x64xf32, #tpu.memory_space<vmem>>, vector<1x16xf32>,
      %get3A_675 = vector.shape_cast %get3A_674 : vector<1x16xf32> to vector<16xf32>
      %mul3A_676 = vector.broadcast %squeeze3A_645 : f32 to vector<16xf32>
      %mul3A_677 = arith.mulf %get3A_675, %mul3A_676 : vector<16xf32>
      %swap3A_678 = arith.index_cast %add3A_649 : i32 to index
      %swap3A_679 = arith.constant 32 : index
      %swap3A_680 = tpu.vector_load %arg13[%swap3A_678, %swap3A_679] {strides = array<i32>} : memref<80x64xf32, #tpu.memory_space<vmem>>, vector<1x16xf32>,
      %swap3A_681 = vector.shape_cast %swap3A_680 : vector<1x16xf32> to vector<16xf32>
      %swap3A_682 = vector.shape_cast %mul3A_677 : vector<16xf32> to vector<1x16xf32>
      tpu.vector_store %arg13[%swap3A_678, %swap3A_679], %swap3A_682 {strides = array<i32>} : memref<80x64xf32, #tpu.memory_space<vmem>>, vector<1x16xf32>,
      %get3A_683 = arith.index_cast %add3A_649 : i32 to index
      %get3A_684 = arith.constant 48 : index
      %get3A_685 = tpu.vector_load %arg13[%get3A_683, %get3A_684] {strides = array<i32>} : memref<80x64xf32, #tpu.memory_space<vmem>>, vector<1x16xf32>,
      %get3A_686 = vector.shape_cast %get3A_685 : vector<1x16xf32> to vector<16xf32>
      %mul3A_687 = vector.broadcast %squeeze3A_645 : f32 to vector<16xf32>
      %mul3A_688 = arith.mulf %get3A_686, %mul3A_687 : vector<16xf32>
      %swap3A_689 = arith.index_cast %add3A_649 : i32 to index
      %swap3A_690 = arith.constant 48 : index
      %swap3A_691 = tpu.vector_load %arg13[%swap3A_689, %swap3A_690] {strides = array<i32>} : memref<80x64xf32, #tpu.memory_space<vmem>>, vector<1x16xf32>,
      %swap3A_692 = vector.shape_cast %swap3A_691 : vector<1x16xf32> to vector<16xf32>
      %swap3A_693 = vector.shape_cast %mul3A_688 : vector<16xf32> to vector<1x16xf32>
      tpu.vector_store %arg13[%swap3A_689, %swap3A_690], %swap3A_693 {strides = array<i32>} : memref<80x64xf32, #tpu.memory_space<vmem>>, vector<1x16xf32>,
      %slice3A_694 = vector.extract_strided_slice %get3A_196 {offsets = [10], sizes = [1], strides = [1]} : vector<16xf32> to vector<1xf32>
      %squeeze3A_695 = vector.extract %slice3A_694[0] : f32 from vector<1xf32>
      %mul3A_696 = arith.constant 16 : i32
      %mul3A_697 = arith.muli %scan3A_189, %mul3A_696 : i32
      %add3A_698 = arith.constant 10 : i32
      %add3A_699 = arith.addi %mul3A_697, %add3A_698 : i32
      %get3A_700 = arith.index_cast %add3A_699 : i32 to index
      %get3A_701 = arith.constant 0 : index
      %get3A_702 = tpu.vector_load %arg13[%get3A_700, %get3A_701] {strides = array<i32>} : memref<80x64xf32, #tpu.memory_space<vmem>>, vector<1x16xf32>,
      %get3A_703 = vector.shape_cast %get3A_702 : vector<1x16xf32> to vector<16xf32>
      %mul3A_704 = vector.broadcast %squeeze3A_695 : f32 to vector<16xf32>
      %mul3A_705 = arith.mulf %get3A_703, %mul3A_704 : vector<16xf32>
      %swap3A_706 = arith.index_cast %add3A_699 : i32 to index
      %swap3A_707 = arith.constant 0 : index
      %swap3A_708 = tpu.vector_load %arg13[%swap3A_706, %swap3A_707] {strides = array<i32>} : memref<80x64xf32, #tpu.memory_space<vmem>>, vector<1x16xf32>,
      %swap3A_709 = vector.shape_cast %swap3A_708 : vector<1x16xf32> to vector<16xf32>
      %swap3A_710 = vector.shape_cast %mul3A_705 : vector<16xf32> to vector<1x16xf32>
      tpu.vector_store %arg13[%swap3A_706, %swap3A_707], %swap3A_710 {strides = array<i32>} : memref<80x64xf32, #tpu.memory_space<vmem>>, vector<1x16xf32>,
      %get3A_711 = arith.index_cast %add3A_699 : i32 to index
      %get3A_712 = arith.constant 16 : index
      %get3A_713 = tpu.vector_load %arg13[%get3A_711, %get3A_712] {strides = array<i32>} : memref<80x64xf32, #tpu.memory_space<vmem>>, vector<1x16xf32>,
      %get3A_714 = vector.shape_cast %get3A_713 : vector<1x16xf32> to vector<16xf32>
      %mul3A_715 = vector.broadcast %squeeze3A_695 : f32 to vector<16xf32>
      %mul3A_716 = arith.mulf %get3A_714, %mul3A_715 : vector<16xf32>
      %swap3A_717 = arith.index_cast %add3A_699 : i32 to index
      %swap3A_718 = arith.constant 16 : index
      %swap3A_719 = tpu.vector_load %arg13[%swap3A_717, %swap3A_718] {strides = array<i32>} : memref<80x64xf32, #tpu.memory_space<vmem>>, vector<1x16xf32>,
      %swap3A_720 = vector.shape_cast %swap3A_719 : vector<1x16xf32> to vector<16xf32>
      %swap3A_721 = vector.shape_cast %mul3A_716 : vector<16xf32> to vector<1x16xf32>
      tpu.vector_store %arg13[%swap3A_717, %swap3A_718], %swap3A_721 {strides = array<i32>} : memref<80x64xf32, #tpu.memory_space<vmem>>, vector<1x16xf32>,
      %get3A_722 = arith.index_cast %add3A_699 : i32 to index
      %get3A_723 = arith.constant 32 : index
      %get3A_724 = tpu.vector_load %arg13[%get3A_722, %get3A_723] {strides = array<i32>} : memref<80x64xf32, #tpu.memory_space<vmem>>, vector<1x16xf32>,
      %get3A_725 = vector.shape_cast %get3A_724 : vector<1x16xf32> to vector<16xf32>
      %mul3A_726 = vector.broadcast %squeeze3A_695 : f32 to vector<16xf32>
      %mul3A_727 = arith.mulf %get3A_725, %mul3A_726 : vector<16xf32>
      %swap3A_728 = arith.index_cast %add3A_699 : i32 to index
      %swap3A_729 = arith.constant 32 : index
      %swap3A_730 = tpu.vector_load %arg13[%swap3A_728, %swap3A_729] {strides = array<i32>} : memref<80x64xf32, #tpu.memory_space<vmem>>, vector<1x16xf32>,
      %swap3A_731 = vector.shape_cast %swap3A_730 : vector<1x16xf32> to vector<16xf32>
      %swap3A_732 = vector.shape_cast %mul3A_727 : vector<16xf32> to vector<1x16xf32>
      tpu.vector_store %arg13[%swap3A_728, %swap3A_729], %swap3A_732 {strides = array<i32>} : memref<80x64xf32, #tpu.memory_space<vmem>>, vector<1x16xf32>,
      %get3A_733 = arith.index_cast %add3A_699 : i32 to index
      %get3A_734 = arith.constant 48 : index
      %get3A_735 = tpu.vector_load %arg13[%get3A_733, %get3A_734] {strides = array<i32>} : memref<80x64xf32, #tpu.memory_space<vmem>>, vector<1x16xf32>,
      %get3A_736 = vector.shape_cast %get3A_735 : vector<1x16xf32> to vector<16xf32>
      %mul3A_737 = vector.broadcast %squeeze3A_695 : f32 to vector<16xf32>
      %mul3A_738 = arith.mulf %get3A_736, %mul3A_737 : vector<16xf32>
      %swap3A_739 = arith.index_cast %add3A_699 : i32 to index
      %swap3A_740 = arith.constant 48 : index
      %swap3A_741 = tpu.vector_load %arg13[%swap3A_739, %swap3A_740] {strides = array<i32>} : memref<80x64xf32, #tpu.memory_space<vmem>>, vector<1x16xf32>,
      %swap3A_742 = vector.shape_cast %swap3A_741 : vector<1x16xf32> to vector<16xf32>
      %swap3A_743 = vector.shape_cast %mul3A_738 : vector<16xf32> to vector<1x16xf32>
      tpu.vector_store %arg13[%swap3A_739, %swap3A_740], %swap3A_743 {strides = array<i32>} : memref<80x64xf32, #tpu.memory_space<vmem>>, vector<1x16xf32>,
      %slice3A_744 = vector.extract_strided_slice %get3A_196 {offsets = [11], sizes = [1], strides = [1]} : vector<16xf32> to vector<1xf32>
      %squeeze3A_745 = vector.extract %slice3A_744[0] : f32 from vector<1xf32>
      %mul3A_746 = arith.constant 16 : i32
      %mul3A_747 = arith.muli %scan3A_189, %mul3A_746 : i32
      %add3A_748 = arith.constant 11 : i32
      %add3A_749 = arith.addi %mul3A_747, %add3A_748 : i32
      %get3A_750 = arith.index_cast %add3A_749 : i32 to index
      %get3A_751 = arith.constant 0 : index
      %get3A_752 = tpu.vector_load %arg13[%get3A_750, %get3A_751] {strides = array<i32>} : memref<80x64xf32, #tpu.memory_space<vmem>>, vector<1x16xf32>,
      %get3A_753 = vector.shape_cast %get3A_752 : vector<1x16xf32> to vector<16xf32>
      %mul3A_754 = vector.broadcast %squeeze3A_745 : f32 to vector<16xf32>
      %mul3A_755 = arith.mulf %get3A_753, %mul3A_754 : vector<16xf32>
      %swap3A_756 = arith.index_cast %add3A_749 : i32 to index
      %swap3A_757 = arith.constant 0 : index
      %swap3A_758 = tpu.vector_load %arg13[%swap3A_756, %swap3A_757] {strides = array<i32>} : memref<80x64xf32, #tpu.memory_space<vmem>>, vector<1x16xf32>,
      %swap3A_759 = vector.shape_cast %swap3A_758 : vector<1x16xf32> to vector<16xf32>
      %swap3A_760 = vector.shape_cast %mul3A_755 : vector<16xf32> to vector<1x16xf32>
      tpu.vector_store %arg13[%swap3A_756, %swap3A_757], %swap3A_760 {strides = array<i32>} : memref<80x64xf32, #tpu.memory_space<vmem>>, vector<1x16xf32>,
      %get3A_761 = arith.index_cast %add3A_749 : i32 to index
      %get3A_762 = arith.constant 16 : index
      %get3A_763 = tpu.vector_load %arg13[%get3A_761, %get3A_762] {strides = array<i32>} : memref<80x64xf32, #tpu.memory_space<vmem>>, vector<1x16xf32>,
      %get3A_764 = vector.shape_cast %get3A_763 : vector<1x16xf32> to vector<16xf32>
      %mul3A_765 = vector.broadcast %squeeze3A_745 : f32 to vector<16xf32>
      %mul3A_766 = arith.mulf %get3A_764, %mul3A_765 : vector<16xf32>
      %swap3A_767 = arith.index_cast %add3A_749 : i32 to index
      %swap3A_768 = arith.constant 16 : index
      %swap3A_769 = tpu.vector_load %arg13[%swap3A_767, %swap3A_768] {strides = array<i32>} : memref<80x64xf32, #tpu.memory_space<vmem>>, vector<1x16xf32>,
      %swap3A_770 = vector.shape_cast %swap3A_769 : vector<1x16xf32> to vector<16xf32>
      %swap3A_771 = vector.shape_cast %mul3A_766 : vector<16xf32> to vector<1x16xf32>
      tpu.vector_store %arg13[%swap3A_767, %swap3A_768], %swap3A_771 {strides = array<i32>} : memref<80x64xf32, #tpu.memory_space<vmem>>, vector<1x16xf32>,
      %get3A_772 = arith.index_cast %add3A_749 : i32 to index
      %get3A_773 = arith.constant 32 : index
      %get3A_774 = tpu.vector_load %arg13[%get3A_772, %get3A_773] {strides = array<i32>} : memref<80x64xf32, #tpu.memory_space<vmem>>, vector<1x16xf32>,
      %get3A_775 = vector.shape_cast %get3A_774 : vector<1x16xf32> to vector<16xf32>
      %mul3A_776 = vector.broadcast %squeeze3A_745 : f32 to vector<16xf32>
      %mul3A_777 = arith.mulf %get3A_775, %mul3A_776 : vector<16xf32>
      %swap3A_778 = arith.index_cast %add3A_749 : i32 to index
      %swap3A_779 = arith.constant 32 : index
      %swap3A_780 = tpu.vector_load %arg13[%swap3A_778, %swap3A_779] {strides = array<i32>} : memref<80x64xf32, #tpu.memory_space<vmem>>, vector<1x16xf32>,
      %swap3A_781 = vector.shape_cast %swap3A_780 : vector<1x16xf32> to vector<16xf32>
      %swap3A_782 = vector.shape_cast %mul3A_777 : vector<16xf32> to vector<1x16xf32>
      tpu.vector_store %arg13[%swap3A_778, %swap3A_779], %swap3A_782 {strides = array<i32>} : memref<80x64xf32, #tpu.memory_space<vmem>>, vector<1x16xf32>,
      %get3A_783 = arith.index_cast %add3A_749 : i32 to index
      %get3A_784 = arith.constant 48 : index
      %get3A_785 = tpu.vector_load %arg13[%get3A_783, %get3A_784] {strides = array<i32>} : memref<80x64xf32, #tpu.memory_space<vmem>>, vector<1x16xf32>,
      %get3A_786 = vector.shape_cast %get3A_785 : vector<1x16xf32> to vector<16xf32>
      %mul3A_787 = vector.broadcast %squeeze3A_745 : f32 to vector<16xf32>
      %mul3A_788 = arith.mulf %get3A_786, %mul3A_787 : vector<16xf32>
      %swap3A_789 = arith.index_cast %add3A_749 : i32 to index
      %swap3A_790 = arith.constant 48 : index
      %swap3A_791 = tpu.vector_load %arg13[%swap3A_789, %swap3A_790] {strides = array<i32>} : memref<80x64xf32, #tpu.memory_space<vmem>>, vector<1x16xf32>,
      %swap3A_792 = vector.shape_cast %swap3A_791 : vector<1x16xf32> to vector<16xf32>
      %swap3A_793 = vector.shape_cast %mul3A_788 : vector<16xf32> to vector<1x16xf32>
      tpu.vector_store %arg13[%swap3A_789, %swap3A_790], %swap3A_793 {strides = array<i32>} : memref<80x64xf32, #tpu.memory_space<vmem>>, vector<1x16xf32>,
      %slice3A_794 = vector.extract_strided_slice %get3A_196 {offsets = [12], sizes = [1], strides = [1]} : vector<16xf32> to vector<1xf32>
      %squeeze3A_795 = vector.extract %slice3A_794[0] : f32 from vector<1xf32>
      %mul3A_796 = arith.constant 16 : i32
      %mul3A_797 = arith.muli %scan3A_189, %mul3A_796 : i32
      %add3A_798 = arith.constant 12 : i32
      %add3A_799 = arith.addi %mul3A_797, %add3A_798 : i32
      %get3A_800 = arith.index_cast %add3A_799 : i32 to index
      %get3A_801 = arith.constant 0 : index
      %get3A_802 = tpu.vector_load %arg13[%get3A_800, %get3A_801] {strides = array<i32>} : memref<80x64xf32, #tpu.memory_space<vmem>>, vector<1x16xf32>,
      %get3A_803 = vector.shape_cast %get3A_802 : vector<1x16xf32> to vector<16xf32>
      %mul3A_804 = vector.broadcast %squeeze3A_795 : f32 to vector<16xf32>
      %mul3A_805 = arith.mulf %get3A_803, %mul3A_804 : vector<16xf32>
      %swap3A_806 = arith.index_cast %add3A_799 : i32 to index
      %swap3A_807 = arith.constant 0 : index
      %swap3A_808 = tpu.vector_load %arg13[%swap3A_806, %swap3A_807] {strides = array<i32>} : memref<80x64xf32, #tpu.memory_space<vmem>>, vector<1x16xf32>,
      %swap3A_809 = vector.shape_cast %swap3A_808 : vector<1x16xf32> to vector<16xf32>
      %swap3A_810 = vector.shape_cast %mul3A_805 : vector<16xf32> to vector<1x16xf32>
      tpu.vector_store %arg13[%swap3A_806, %swap3A_807], %swap3A_810 {strides = array<i32>} : memref<80x64xf32, #tpu.memory_space<vmem>>, vector<1x16xf32>,
      %get3A_811 = arith.index_cast %add3A_799 : i32 to index
      %get3A_812 = arith.constant 16 : index
      %get3A_813 = tpu.vector_load %arg13[%get3A_811, %get3A_812] {strides = array<i32>} : memref<80x64xf32, #tpu.memory_space<vmem>>, vector<1x16xf32>,
      %get3A_814 = vector.shape_cast %get3A_813 : vector<1x16xf32> to vector<16xf32>
      %mul3A_815 = vector.broadcast %squeeze3A_795 : f32 to vector<16xf32>
      %mul3A_816 = arith.mulf %get3A_814, %mul3A_815 : vector<16xf32>
      %swap3A_817 = arith.index_cast %add3A_799 : i32 to index
      %swap3A_818 = arith.constant 16 : index
      %swap3A_819 = tpu.vector_load %arg13[%swap3A_817, %swap3A_818] {strides = array<i32>} : memref<80x64xf32, #tpu.memory_space<vmem>>, vector<1x16xf32>,
      %swap3A_820 = vector.shape_cast %swap3A_819 : vector<1x16xf32> to vector<16xf32>
      %swap3A_821 = vector.shape_cast %mul3A_816 : vector<16xf32> to vector<1x16xf32>
      tpu.vector_store %arg13[%swap3A_817, %swap3A_818], %swap3A_821 {strides = array<i32>} : memref<80x64xf32, #tpu.memory_space<vmem>>, vector<1x16xf32>,
      %get3A_822 = arith.index_cast %add3A_799 : i32 to index
      %get3A_823 = arith.constant 32 : index
      %get3A_824 = tpu.vector_load %arg13[%get3A_822, %get3A_823] {strides = array<i32>} : memref<80x64xf32, #tpu.memory_space<vmem>>, vector<1x16xf32>,
      %get3A_825 = vector.shape_cast %get3A_824 : vector<1x16xf32> to vector<16xf32>
      %mul3A_826 = vector.broadcast %squeeze3A_795 : f32 to vector<16xf32>
      %mul3A_827 = arith.mulf %get3A_825, %mul3A_826 : vector<16xf32>
      %swap3A_828 = arith.index_cast %add3A_799 : i32 to index
      %swap3A_829 = arith.constant 32 : index
      %swap3A_830 = tpu.vector_load %arg13[%swap3A_828, %swap3A_829] {strides = array<i32>} : memref<80x64xf32, #tpu.memory_space<vmem>>, vector<1x16xf32>,
      %swap3A_831 = vector.shape_cast %swap3A_830 : vector<1x16xf32> to vector<16xf32>
      %swap3A_832 = vector.shape_cast %mul3A_827 : vector<16xf32> to vector<1x16xf32>
      tpu.vector_store %arg13[%swap3A_828, %swap3A_829], %swap3A_832 {strides = array<i32>} : memref<80x64xf32, #tpu.memory_space<vmem>>, vector<1x16xf32>,
      %get3A_833 = arith.index_cast %add3A_799 : i32 to index
      %get3A_834 = arith.constant 48 : index
      %get3A_835 = tpu.vector_load %arg13[%get3A_833, %get3A_834] {strides = array<i32>} : memref<80x64xf32, #tpu.memory_space<vmem>>, vector<1x16xf32>,
      %get3A_836 = vector.shape_cast %get3A_835 : vector<1x16xf32> to vector<16xf32>
      %mul3A_837 = vector.broadcast %squeeze3A_795 : f32 to vector<16xf32>
      %mul3A_838 = arith.mulf %get3A_836, %mul3A_837 : vector<16xf32>
      %swap3A_839 = arith.index_cast %add3A_799 : i32 to index
      %swap3A_840 = arith.constant 48 : index
      %swap3A_841 = tpu.vector_load %arg13[%swap3A_839, %swap3A_840] {strides = array<i32>} : memref<80x64xf32, #tpu.memory_space<vmem>>, vector<1x16xf32>,
      %swap3A_842 = vector.shape_cast %swap3A_841 : vector<1x16xf32> to vector<16xf32>
      %swap3A_843 = vector.shape_cast %mul3A_838 : vector<16xf32> to vector<1x16xf32>
      tpu.vector_store %arg13[%swap3A_839, %swap3A_840], %swap3A_843 {strides = array<i32>} : memref<80x64xf32, #tpu.memory_space<vmem>>, vector<1x16xf32>,
      %slice3A_844 = vector.extract_strided_slice %get3A_196 {offsets = [13], sizes = [1], strides = [1]} : vector<16xf32> to vector<1xf32>
      %squeeze3A_845 = vector.extract %slice3A_844[0] : f32 from vector<1xf32>
      %mul3A_846 = arith.constant 16 : i32
      %mul3A_847 = arith.muli %scan3A_189, %mul3A_846 : i32
      %add3A_848 = arith.constant 13 : i32
      %add3A_849 = arith.addi %mul3A_847, %add3A_848 : i32
      %get3A_850 = arith.index_cast %add3A_849 : i32 to index
      %get3A_851 = arith.constant 0 : index
      %get3A_852 = tpu.vector_load %arg13[%get3A_850, %get3A_851] {strides = array<i32>} : memref<80x64xf32, #tpu.memory_space<vmem>>, vector<1x16xf32>,
      %get3A_853 = vector.shape_cast %get3A_852 : vector<1x16xf32> to vector<16xf32>
      %mul3A_854 = vector.broadcast %squeeze3A_845 : f32 to vector<16xf32>
      %mul3A_855 = arith.mulf %get3A_853, %mul3A_854 : vector<16xf32>
      %swap3A_856 = arith.index_cast %add3A_849 : i32 to index
      %swap3A_857 = arith.constant 0 : index
      %swap3A_858 = tpu.vector_load %arg13[%swap3A_856, %swap3A_857] {strides = array<i32>} : memref<80x64xf32, #tpu.memory_space<vmem>>, vector<1x16xf32>,
      %swap3A_859 = vector.shape_cast %swap3A_858 : vector<1x16xf32> to vector<16xf32>
      %swap3A_860 = vector.shape_cast %mul3A_855 : vector<16xf32> to vector<1x16xf32>
      tpu.vector_store %arg13[%swap3A_856, %swap3A_857], %swap3A_860 {strides = array<i32>} : memref<80x64xf32, #tpu.memory_space<vmem>>, vector<1x16xf32>,
      %get3A_861 = arith.index_cast %add3A_849 : i32 to index
      %get3A_862 = arith.constant 16 : index
      %get3A_863 = tpu.vector_load %arg13[%get3A_861, %get3A_862] {strides = array<i32>} : memref<80x64xf32, #tpu.memory_space<vmem>>, vector<1x16xf32>,
      %get3A_864 = vector.shape_cast %get3A_863 : vector<1x16xf32> to vector<16xf32>
      %mul3A_865 = vector.broadcast %squeeze3A_845 : f32 to vector<16xf32>
      %mul3A_866 = arith.mulf %get3A_864, %mul3A_865 : vector<16xf32>
      %swap3A_867 = arith.index_cast %add3A_849 : i32 to index
      %swap3A_868 = arith.constant 16 : index
      %swap3A_869 = tpu.vector_load %arg13[%swap3A_867, %swap3A_868] {strides = array<i32>} : memref<80x64xf32, #tpu.memory_space<vmem>>, vector<1x16xf32>,
      %swap3A_870 = vector.shape_cast %swap3A_869 : vector<1x16xf32> to vector<16xf32>
      %swap3A_871 = vector.shape_cast %mul3A_866 : vector<16xf32> to vector<1x16xf32>
      tpu.vector_store %arg13[%swap3A_867, %swap3A_868], %swap3A_871 {strides = array<i32>} : memref<80x64xf32, #tpu.memory_space<vmem>>, vector<1x16xf32>,
      %get3A_872 = arith.index_cast %add3A_849 : i32 to index
      %get3A_873 = arith.constant 32 : index
      %get3A_874 = tpu.vector_load %arg13[%get3A_872, %get3A_873] {strides = array<i32>} : memref<80x64xf32, #tpu.memory_space<vmem>>, vector<1x16xf32>,
      %get3A_875 = vector.shape_cast %get3A_874 : vector<1x16xf32> to vector<16xf32>
      %mul3A_876 = vector.broadcast %squeeze3A_845 : f32 to vector<16xf32>
      %mul3A_877 = arith.mulf %get3A_875, %mul3A_876 : vector<16xf32>
      %swap3A_878 = arith.index_cast %add3A_849 : i32 to index
      %swap3A_879 = arith.constant 32 : index
      %swap3A_880 = tpu.vector_load %arg13[%swap3A_878, %swap3A_879] {strides = array<i32>} : memref<80x64xf32, #tpu.memory_space<vmem>>, vector<1x16xf32>,
      %swap3A_881 = vector.shape_cast %swap3A_880 : vector<1x16xf32> to vector<16xf32>
      %swap3A_882 = vector.shape_cast %mul3A_877 : vector<16xf32> to vector<1x16xf32>
      tpu.vector_store %arg13[%swap3A_878, %swap3A_879], %swap3A_882 {strides = array<i32>} : memref<80x64xf32, #tpu.memory_space<vmem>>, vector<1x16xf32>,
      %get3A_883 = arith.index_cast %add3A_849 : i32 to index
      %get3A_884 = arith.constant 48 : index
      %get3A_885 = tpu.vector_load %arg13[%get3A_883, %get3A_884] {strides = array<i32>} : memref<80x64xf32, #tpu.memory_space<vmem>>, vector<1x16xf32>,
      %get3A_886 = vector.shape_cast %get3A_885 : vector<1x16xf32> to vector<16xf32>
      %mul3A_887 = vector.broadcast %squeeze3A_845 : f32 to vector<16xf32>
      %mul3A_888 = arith.mulf %get3A_886, %mul3A_887 : vector<16xf32>
      %swap3A_889 = arith.index_cast %add3A_849 : i32 to index
      %swap3A_890 = arith.constant 48 : index
      %swap3A_891 = tpu.vector_load %arg13[%swap3A_889, %swap3A_890] {strides = array<i32>} : memref<80x64xf32, #tpu.memory_space<vmem>>, vector<1x16xf32>,
      %swap3A_892 = vector.shape_cast %swap3A_891 : vector<1x16xf32> to vector<16xf32>
      %swap3A_893 = vector.shape_cast %mul3A_888 : vector<16xf32> to vector<1x16xf32>
      tpu.vector_store %arg13[%swap3A_889, %swap3A_890], %swap3A_893 {strides = array<i32>} : memref<80x64xf32, #tpu.memory_space<vmem>>, vector<1x16xf32>,
      %slice3A_894 = vector.extract_strided_slice %get3A_196 {offsets = [14], sizes = [1], strides = [1]} : vector<16xf32> to vector<1xf32>
      %squeeze3A_895 = vector.extract %slice3A_894[0] : f32 from vector<1xf32>
      %mul3A_896 = arith.constant 16 : i32
      %mul3A_897 = arith.muli %scan3A_189, %mul3A_896 : i32
      %add3A_898 = arith.constant 14 : i32
      %add3A_899 = arith.addi %mul3A_897, %add3A_898 : i32
      %get3A_900 = arith.index_cast %add3A_899 : i32 to index
      %get3A_901 = arith.constant 0 : index
      %get3A_902 = tpu.vector_load %arg13[%get3A_900, %get3A_901] {strides = array<i32>} : memref<80x64xf32, #tpu.memory_space<vmem>>, vector<1x16xf32>,
      %get3A_903 = vector.shape_cast %get3A_902 : vector<1x16xf32> to vector<16xf32>
      %mul3A_904 = vector.broadcast %squeeze3A_895 : f32 to vector<16xf32>
      %mul3A_905 = arith.mulf %get3A_903, %mul3A_904 : vector<16xf32>
      %swap3A_906 = arith.index_cast %add3A_899 : i32 to index
      %swap3A_907 = arith.constant 0 : index
      %swap3A_908 = tpu.vector_load %arg13[%swap3A_906, %swap3A_907] {strides = array<i32>} : memref<80x64xf32, #tpu.memory_space<vmem>>, vector<1x16xf32>,
      %swap3A_909 = vector.shape_cast %swap3A_908 : vector<1x16xf32> to vector<16xf32>
      %swap3A_910 = vector.shape_cast %mul3A_905 : vector<16xf32> to vector<1x16xf32>
      tpu.vector_store %arg13[%swap3A_906, %swap3A_907], %swap3A_910 {strides = array<i32>} : memref<80x64xf32, #tpu.memory_space<vmem>>, vector<1x16xf32>,
      %get3A_911 = arith.index_cast %add3A_899 : i32 to index
      %get3A_912 = arith.constant 16 : index
      %get3A_913 = tpu.vector_load %arg13[%get3A_911, %get3A_912] {strides = array<i32>} : memref<80x64xf32, #tpu.memory_space<vmem>>, vector<1x16xf32>,
      %get3A_914 = vector.shape_cast %get3A_913 : vector<1x16xf32> to vector<16xf32>
      %mul3A_915 = vector.broadcast %squeeze3A_895 : f32 to vector<16xf32>
      %mul3A_916 = arith.mulf %get3A_914, %mul3A_915 : vector<16xf32>
      %swap3A_917 = arith.index_cast %add3A_899 : i32 to index
      %swap3A_918 = arith.constant 16 : index
      %swap3A_919 = tpu.vector_load %arg13[%swap3A_917, %swap3A_918] {strides = array<i32>} : memref<80x64xf32, #tpu.memory_space<vmem>>, vector<1x16xf32>,
      %swap3A_920 = vector.shape_cast %swap3A_919 : vector<1x16xf32> to vector<16xf32>
      %swap3A_921 = vector.shape_cast %mul3A_916 : vector<16xf32> to vector<1x16xf32>
      tpu.vector_store %arg13[%swap3A_917, %swap3A_918], %swap3A_921 {strides = array<i32>} : memref<80x64xf32, #tpu.memory_space<vmem>>, vector<1x16xf32>,
      %get3A_922 = arith.index_cast %add3A_899 : i32 to index
      %get3A_923 = arith.constant 32 : index
      %get3A_924 = tpu.vector_load %arg13[%get3A_922, %get3A_923] {strides = array<i32>} : memref<80x64xf32, #tpu.memory_space<vmem>>, vector<1x16xf32>,
      %get3A_925 = vector.shape_cast %get3A_924 : vector<1x16xf32> to vector<16xf32>
      %mul3A_926 = vector.broadcast %squeeze3A_895 : f32 to vector<16xf32>
      %mul3A_927 = arith.mulf %get3A_925, %mul3A_926 : vector<16xf32>
      %swap3A_928 = arith.index_cast %add3A_899 : i32 to index
      %swap3A_929 = arith.constant 32 : index
      %swap3A_930 = tpu.vector_load %arg13[%swap3A_928, %swap3A_929] {strides = array<i32>} : memref<80x64xf32, #tpu.memory_space<vmem>>, vector<1x16xf32>,
      %swap3A_931 = vector.shape_cast %swap3A_930 : vector<1x16xf32> to vector<16xf32>
      %swap3A_932 = vector.shape_cast %mul3A_927 : vector<16xf32> to vector<1x16xf32>
      tpu.vector_store %arg13[%swap3A_928, %swap3A_929], %swap3A_932 {strides = array<i32>} : memref<80x64xf32, #tpu.memory_space<vmem>>, vector<1x16xf32>,
      %get3A_933 = arith.index_cast %add3A_899 : i32 to index
      %get3A_934 = arith.constant 48 : index
      %get3A_935 = tpu.vector_load %arg13[%get3A_933, %get3A_934] {strides = array<i32>} : memref<80x64xf32, #tpu.memory_space<vmem>>, vector<1x16xf32>,
      %get3A_936 = vector.shape_cast %get3A_935 : vector<1x16xf32> to vector<16xf32>
      %mul3A_937 = vector.broadcast %squeeze3A_895 : f32 to vector<16xf32>
      %mul3A_938 = arith.mulf %get3A_936, %mul3A_937 : vector<16xf32>
      %swap3A_939 = arith.index_cast %add3A_899 : i32 to index
      %swap3A_940 = arith.constant 48 : index
      %swap3A_941 = tpu.vector_load %arg13[%swap3A_939, %swap3A_940] {strides = array<i32>} : memref<80x64xf32, #tpu.memory_space<vmem>>, vector<1x16xf32>,
      %swap3A_942 = vector.shape_cast %swap3A_941 : vector<1x16xf32> to vector<16xf32>
      %swap3A_943 = vector.shape_cast %mul3A_938 : vector<16xf32> to vector<1x16xf32>
      tpu.vector_store %arg13[%swap3A_939, %swap3A_940], %swap3A_943 {strides = array<i32>} : memref<80x64xf32, #tpu.memory_space<vmem>>, vector<1x16xf32>,
      %slice3A_944 = vector.extract_strided_slice %get3A_196 {offsets = [15], sizes = [1], strides = [1]} : vector<16xf32> to vector<1xf32>
      %squeeze3A_945 = vector.extract %slice3A_944[0] : f32 from vector<1xf32>
      %mul3A_946 = arith.constant 16 : i32
      %mul3A_947 = arith.muli %scan3A_189, %mul3A_946 : i32
      %add3A_948 = arith.constant 15 : i32
      %add3A_949 = arith.addi %mul3A_947, %add3A_948 : i32
      %get3A_950 = arith.index_cast %add3A_949 : i32 to index
      %get3A_951 = arith.constant 0 : index
      %get3A_952 = tpu.vector_load %arg13[%get3A_950, %get3A_951] {strides = array<i32>} : memref<80x64xf32, #tpu.memory_space<vmem>>, vector<1x16xf32>,
      %get3A_953 = vector.shape_cast %get3A_952 : vector<1x16xf32> to vector<16xf32>
      %mul3A_954 = vector.broadcast %squeeze3A_945 : f32 to vector<16xf32>
      %mul3A_955 = arith.mulf %get3A_953, %mul3A_954 : vector<16xf32>
      %swap3A_956 = arith.index_cast %add3A_949 : i32 to index
      %swap3A_957 = arith.constant 0 : index
      %swap3A_958 = tpu.vector_load %arg13[%swap3A_956, %swap3A_957] {strides = array<i32>} : memref<80x64xf32, #tpu.memory_space<vmem>>, vector<1x16xf32>,
      %swap3A_959 = vector.shape_cast %swap3A_958 : vector<1x16xf32> to vector<16xf32>
      %swap3A_960 = vector.shape_cast %mul3A_955 : vector<16xf32> to vector<1x16xf32>
      tpu.vector_store %arg13[%swap3A_956, %swap3A_957], %swap3A_960 {strides = array<i32>} : memref<80x64xf32, #tpu.memory_space<vmem>>, vector<1x16xf32>,
      %get3A_961 = arith.index_cast %add3A_949 : i32 to index
      %get3A_962 = arith.constant 16 : index
      %get3A_963 = tpu.vector_load %arg13[%get3A_961, %get3A_962] {strides = array<i32>} : memref<80x64xf32, #tpu.memory_space<vmem>>, vector<1x16xf32>,
      %get3A_964 = vector.shape_cast %get3A_963 : vector<1x16xf32> to vector<16xf32>
      %mul3A_965 = vector.broadcast %squeeze3A_945 : f32 to vector<16xf32>
      %mul3A_966 = arith.mulf %get3A_964, %mul3A_965 : vector<16xf32>
      %swap3A_967 = arith.index_cast %add3A_949 : i32 to index
      %swap3A_968 = arith.constant 16 : index
      %swap3A_969 = tpu.vector_load %arg13[%swap3A_967, %swap3A_968] {strides = array<i32>} : memref<80x64xf32, #tpu.memory_space<vmem>>, vector<1x16xf32>,
      %swap3A_970 = vector.shape_cast %swap3A_969 : vector<1x16xf32> to vector<16xf32>
      %swap3A_971 = vector.shape_cast %mul3A_966 : vector<16xf32> to vector<1x16xf32>
      tpu.vector_store %arg13[%swap3A_967, %swap3A_968], %swap3A_971 {strides = array<i32>} : memref<80x64xf32, #tpu.memory_space<vmem>>, vector<1x16xf32>,
      %get3A_972 = arith.index_cast %add3A_949 : i32 to index
      %get3A_973 = arith.constant 32 : index
      %get3A_974 = tpu.vector_load %arg13[%get3A_972, %get3A_973] {strides = array<i32>} : memref<80x64xf32, #tpu.memory_space<vmem>>, vector<1x16xf32>,
      %get3A_975 = vector.shape_cast %get3A_974 : vector<1x16xf32> to vector<16xf32>
      %mul3A_976 = vector.broadcast %squeeze3A_945 : f32 to vector<16xf32>
      %mul3A_977 = arith.mulf %get3A_975, %mul3A_976 : vector<16xf32>
      %swap3A_978 = arith.index_cast %add3A_949 : i32 to index
      %swap3A_979 = arith.constant 32 : index
      %swap3A_980 = tpu.vector_load %arg13[%swap3A_978, %swap3A_979] {strides = array<i32>} : memref<80x64xf32, #tpu.memory_space<vmem>>, vector<1x16xf32>,
      %swap3A_981 = vector.shape_cast %swap3A_980 : vector<1x16xf32> to vector<16xf32>
      %swap3A_982 = vector.shape_cast %mul3A_977 : vector<16xf32> to vector<1x16xf32>
      tpu.vector_store %arg13[%swap3A_978, %swap3A_979], %swap3A_982 {strides = array<i32>} : memref<80x64xf32, #tpu.memory_space<vmem>>, vector<1x16xf32>,
      %get3A_983 = arith.index_cast %add3A_949 : i32 to index
      %get3A_984 = arith.constant 48 : index
      %get3A_985 = tpu.vector_load %arg13[%get3A_983, %get3A_984] {strides = array<i32>} : memref<80x64xf32, #tpu.memory_space<vmem>>, vector<1x16xf32>,
      %get3A_986 = vector.shape_cast %get3A_985 : vector<1x16xf32> to vector<16xf32>
      %mul3A_987 = vector.broadcast %squeeze3A_945 : f32 to vector<16xf32>
      %mul3A_988 = arith.mulf %get3A_986, %mul3A_987 : vector<16xf32>
      %swap3A_989 = arith.index_cast %add3A_949 : i32 to index
      %swap3A_990 = arith.constant 48 : index
      %swap3A_991 = tpu.vector_load %arg13[%swap3A_989, %swap3A_990] {strides = array<i32>} : memref<80x64xf32, #tpu.memory_space<vmem>>, vector<1x16xf32>,
      %swap3A_992 = vector.shape_cast %swap3A_991 : vector<1x16xf32> to vector<16xf32>
      %swap3A_993 = vector.shape_cast %mul3A_988 : vector<16xf32> to vector<1x16xf32>
      tpu.vector_store %arg13[%swap3A_989, %swap3A_990], %swap3A_993 {strides = array<i32>} : memref<80x64xf32, #tpu.memory_space<vmem>>, vector<1x16xf32>,
      %scan3A_994 = arith.constant 0 : i32
      scf.yield %scan3A_994 : i32
    }
    %scan3A_78 = arith.constant 5 : i32
    %dma_start3A_79 = arith.constant 1 : i32
    %dma_start3A_80 = arith.constant 0 : i32
    %dma_start3A_81 = tpu.memref_slice %arg8[%dma_start3A_79, %dma_start3A_80] : memref<250x80xi32, #tpu.memory_space<vmem>> -> memref<1x80xi32, #tpu.memory_space<vmem>>
    %dma_start3A_82 = tpu.memref_squeeze %dma_start3A_81 : memref<1x80xi32, #tpu.memory_space<vmem>> -> memref<80xi32, #tpu.memory_space<vmem>>
    %dma_start3A_83 = arith.constant 0 : i32
    %dma_start3A_84 = arith.constant 0 : i32
    %dma_start3A_85 = tpu.memref_slice %arg11[%dma_start3A_83, %dma_start3A_84] : memref<10000x64xf32, #tpu.memory_space<vmem_shared>> -> memref<10000x64xf32, #tpu.memory_space<vmem_shared>>
    tpu.enqueue_indirect_dma source(%arg13 : memref<80x64xf32, #tpu.memory_space<vmem>>) target(%dma_start3A_85 : memref<10000x64xf32, #tpu.memory_space<vmem_shared>>) offsets(%dma_start3A_82 : memref<80xi32, #tpu.memory_space<vmem>>) semaphore(%arg19 : memref<!tpu.dma_semaphore, #tpu.memory_space<semaphore_mem>>) {add = true}
    %dma_wait3A_86 = arith.constant 0 : i32
    %dma_wait3A_87 = arith.constant 0 : i32
    %dma_wait3A_88 = tpu.memref_slice %arg8[%dma_wait3A_86, %dma_wait3A_87] : memref<250x80xi32, #tpu.memory_space<vmem>> -> memref<1x80xi32, #tpu.memory_space<vmem>>
    %dma_wait3A_89 = tpu.memref_squeeze %dma_wait3A_88 : memref<1x80xi32, #tpu.memory_space<vmem>> -> memref<80xi32, #tpu.memory_space<vmem>>
    %dma_wait3A_90 = arith.constant 0 : i32
    %dma_wait3A_91 = arith.constant 0 : i32
    %dma_wait3A_92 = tpu.memref_slice %arg11[%dma_wait3A_90, %dma_wait3A_91] : memref<10000x64xf32, #tpu.memory_space<vmem_shared>> -> memref<10000x64xf32, #tpu.memory_space<vmem_shared>>
    tpu.wait_indirect_dma semaphore(%arg18 : memref<!tpu.dma_semaphore, #tpu.memory_space<semaphore_mem>>) src(%arg12 : memref<80x64xf32, #tpu.memory_space<vmem>>) dst(%dma_wait3A_92 : memref<10000x64xf32, #tpu.memory_space<vmem_shared>>)
    %dma_start3A_93 = arith.constant 3 : i32
    %dma_start3A_94 = arith.constant 0 : i32
    %dma_start3A_95 = tpu.memref_slice %arg7[%dma_start3A_93, %dma_start3A_94] : memref<250x80xi32, #tpu.memory_space<vmem>> -> memref<1x80xi32, #tpu.memory_space<vmem>>
    %dma_start3A_96 = tpu.memref_squeeze %dma_start3A_95 : memref<1x80xi32, #tpu.memory_space<vmem>> -> memref<80xi32, #tpu.memory_space<vmem>>
    %dma_start3A_97 = arith.constant 0 : i32
    %dma_start3A_98 = arith.constant 0 : i32
    %dma_start3A_99 = tpu.memref_slice %arg2[%dma_start3A_97, %dma_start3A_98] : memref<20000x64xf32, #tpu.memory_space<hbm>> -> memref<20000x64xf32, #tpu.memory_space<hbm>>
    tpu.enqueue_indirect_dma source(%dma_start3A_99 : memref<20000x64xf32, #tpu.memory_space<hbm>>) target(%arg12 : memref<80x64xf32, #tpu.memory_space<vmem>>) offsets(%dma_start3A_96 : memref<80xi32, #tpu.memory_space<vmem>>) semaphore(%arg15 : memref<!tpu.dma_semaphore, #tpu.memory_space<semaphore_mem>>)
    %dma_wait3A_100 = arith.constant 0 : i32
    %dma_wait3A_101 = arith.constant 0 : i32
    %dma_wait3A_102 = tpu.memref_slice %arg7[%dma_wait3A_100, %dma_wait3A_101] : memref<250x80xi32, #tpu.memory_space<vmem>> -> memref<1x80xi32, #tpu.memory_space<vmem>>
    %dma_wait3A_103 = tpu.memref_squeeze %dma_wait3A_102 : memref<1x80xi32, #tpu.memory_space<vmem>> -> memref<80xi32, #tpu.memory_space<vmem>>
    %dma_wait3A_104 = arith.constant 0 : i32
    %dma_wait3A_105 = arith.constant 0 : i32
    %dma_wait3A_106 = tpu.memref_slice %arg2[%dma_wait3A_104, %dma_wait3A_105] : memref<20000x64xf32, #tpu.memory_space<hbm>> -> memref<20000x64xf32, #tpu.memory_space<hbm>>
    tpu.wait_indirect_dma semaphore(%arg17 : memref<!tpu.dma_semaphore, #tpu.memory_space<semaphore_mem>>) src(%dma_wait3A_106 : memref<20000x64xf32, #tpu.memory_space<hbm>>) dst(%arg14 : memref<80x64xf32, #tpu.memory_space<vmem>>)
    %scan3A_107 = arith.constant 0 : i32
    %scan3A_108 = arith.constant 0 : i32
    %scan3A_109 = arith.constant 5 : i32
    %scan3A_110 = arith.addi %scan3A_108, %scan3A_109 : i32
    %scan3A_111 = arith.constant 1 : i32
    %scan3A_112 = scf.for %scan3A_189 = %scan3A_108 to %scan3A_110 step %scan3A_111 iter_args(%scan3A_190 = %scan3A_107) -> (i32)  : i32 {
      %mul3A_191 = arith.constant 16 : i32
      %mul3A_192 = arith.muli %scan3A_189, %mul3A_191 : i32
      %get3A = arith.constant 2 : i32
      %get3A_193 = arith.index_cast %get3A : i32 to index
      %get3A_194 = arith.index_cast %mul3A_192 : i32 to index
      %get3A_195 = tpu.vector_load %arg9[%get3A_193, %get3A_194] {strides = array<i32>} : memref<250x80xf32, #tpu.memory_space<vmem>>, vector<1x16xf32>,
      %get3A_196 = vector.shape_cast %get3A_195 : vector<1x16xf32> to vector<16xf32>
      %slice3A = vector.extract_strided_slice %get3A_196 {offsets = [0], sizes = [1], strides = [1]} : vector<16xf32> to vector<1xf32>
      %squeeze3A = vector.extract %slice3A[0] : f32 from vector<1xf32>
      %mul3A_197 = arith.constant 16 : i32
      %mul3A_198 = arith.muli %scan3A_189, %mul3A_197 : i32
      %add3A_199 = arith.constant 0 : i32
      %add3A_200 = arith.addi %mul3A_198, %add3A_199 : i32
      %get3A_201 = arith.index_cast %add3A_200 : i32 to index
      %get3A_202 = arith.constant 0 : index
      %get3A_203 = tpu.vector_load %arg14[%get3A_201, %get3A_202] {strides = array<i32>} : memref<80x64xf32, #tpu.memory_space<vmem>>, vector<1x16xf32>,
      %get3A_204 = vector.shape_cast %get3A_203 : vector<1x16xf32> to vector<16xf32>
      %mul3A_205 = vector.broadcast %squeeze3A : f32 to vector<16xf32>
      %mul3A_206 = arith.mulf %get3A_204, %mul3A_205 : vector<16xf32>
      %swap3A = arith.index_cast %add3A_200 : i32 to index
      %swap3A_207 = arith.constant 0 : index
      %swap3A_208 = tpu.vector_load %arg14[%swap3A, %swap3A_207] {strides = array<i32>} : memref<80x64xf32, #tpu.memory_space<vmem>>, vector<1x16xf32>,
      %swap3A_209 = vector.shape_cast %swap3A_208 : vector<1x16xf32> to vector<16xf32>
      %swap3A_210 = vector.shape_cast %mul3A_206 : vector<16xf32> to vector<1x16xf32>
      tpu.vector_store %arg14[%swap3A, %swap3A_207], %swap3A_210 {strides = array<i32>} : memref<80x64xf32, #tpu.memory_space<vmem>>, vector<1x16xf32>,
      %get3A_211 = arith.index_cast %add3A_200 : i32 to index
      %get3A_212 = arith.constant 16 : index
      %get3A_213 = tpu.vector_load %arg14[%get3A_211, %get3A_212] {strides = array<i32>} : memref<80x64xf32, #tpu.memory_space<vmem>>, vector<1x16xf32>,
      %get3A_214 = vector.shape_cast %get3A_213 : vector<1x16xf32> to vector<16xf32>
      %mul3A_215 = vector.broadcast %squeeze3A : f32 to vector<16xf32>
      %mul3A_216 = arith.mulf %get3A_214, %mul3A_215 : vector<16xf32>
      %swap3A_217 = arith.index_cast %add3A_200 : i32 to index
      %swap3A_218 = arith.constant 16 : index
      %swap3A_219 = tpu.vector_load %arg14[%swap3A_217, %swap3A_218] {strides = array<i32>} : memref<80x64xf32, #tpu.memory_space<vmem>>, vector<1x16xf32>,
      %swap3A_220 = vector.shape_cast %swap3A_219 : vector<1x16xf32> to vector<16xf32>
      %swap3A_221 = vector.shape_cast %mul3A_216 : vector<16xf32> to vector<1x16xf32>
      tpu.vector_store %arg14[%swap3A_217, %swap3A_218], %swap3A_221 {strides = array<i32>} : memref<80x64xf32, #tpu.memory_space<vmem>>, vector<1x16xf32>,
      %get3A_222 = arith.index_cast %add3A_200 : i32 to index
      %get3A_223 = arith.constant 32 : index
      %get3A_224 = tpu.vector_load %arg14[%get3A_222, %get3A_223] {strides = array<i32>} : memref<80x64xf32, #tpu.memory_space<vmem>>, vector<1x16xf32>,
      %get3A_225 = vector.shape_cast %get3A_224 : vector<1x16xf32> to vector<16xf32>
      %mul3A_226 = vector.broadcast %squeeze3A : f32 to vector<16xf32>
      %mul3A_227 = arith.mulf %get3A_225, %mul3A_226 : vector<16xf32>
      %swap3A_228 = arith.index_cast %add3A_200 : i32 to index
      %swap3A_229 = arith.constant 32 : index
      %swap3A_230 = tpu.vector_load %arg14[%swap3A_228, %swap3A_229] {strides = array<i32>} : memref<80x64xf32, #tpu.memory_space<vmem>>, vector<1x16xf32>,
      %swap3A_231 = vector.shape_cast %swap3A_230 : vector<1x16xf32> to vector<16xf32>
      %swap3A_232 = vector.shape_cast %mul3A_227 : vector<16xf32> to vector<1x16xf32>
      tpu.vector_store %arg14[%swap3A_228, %swap3A_229], %swap3A_232 {strides = array<i32>} : memref<80x64xf32, #tpu.memory_space<vmem>>, vector<1x16xf32>,
      %get3A_233 = arith.index_cast %add3A_200 : i32 to index
      %get3A_234 = arith.constant 48 : index
      %get3A_235 = tpu.vector_load %arg14[%get3A_233, %get3A_234] {strides = array<i32>} : memref<80x64xf32, #tpu.memory_space<vmem>>, vector<1x16xf32>,
      %get3A_236 = vector.shape_cast %get3A_235 : vector<1x16xf32> to vector<16xf32>
      %mul3A_237 = vector.broadcast %squeeze3A : f32 to vector<16xf32>
      %mul3A_238 = arith.mulf %get3A_236, %mul3A_237 : vector<16xf32>
      %swap3A_239 = arith.index_cast %add3A_200 : i32 to index
      %swap3A_240 = arith.constant 48 : index
      %swap3A_241 = tpu.vector_load %arg14[%swap3A_239, %swap3A_240] {strides = array<i32>} : memref<80x64xf32, #tpu.memory_space<vmem>>, vector<1x16xf32>,
      %swap3A_242 = vector.shape_cast %swap3A_241 : vector<1x16xf32> to vector<16xf32>
      %swap3A_243 = vector.shape_cast %mul3A_238 : vector<16xf32> to vector<1x16xf32>
      tpu.vector_store %arg14[%swap3A_239, %swap3A_240], %swap3A_243 {strides = array<i32>} : memref<80x64xf32, #tpu.memory_space<vmem>>, vector<1x16xf32>,
      %slice3A_244 = vector.extract_strided_slice %get3A_196 {offsets = [1], sizes = [1], strides = [1]} : vector<16xf32> to vector<1xf32>
      %squeeze3A_245 = vector.extract %slice3A_244[0] : f32 from vector<1xf32>
      %mul3A_246 = arith.constant 16 : i32
      %mul3A_247 = arith.muli %scan3A_189, %mul3A_246 : i32
      %add3A_248 = arith.constant 1 : i32
      %add3A_249 = arith.addi %mul3A_247, %add3A_248 : i32
      %get3A_250 = arith.index_cast %add3A_249 : i32 to index
      %get3A_251 = arith.constant 0 : index
      %get3A_252 = tpu.vector_load %arg14[%get3A_250, %get3A_251] {strides = array<i32>} : memref<80x64xf32, #tpu.memory_space<vmem>>, vector<1x16xf32>,
      %get3A_253 = vector.shape_cast %get3A_252 : vector<1x16xf32> to vector<16xf32>
      %mul3A_254 = vector.broadcast %squeeze3A_245 : f32 to vector<16xf32>
      %mul3A_255 = arith.mulf %get3A_253, %mul3A_254 : vector<16xf32>
      %swap3A_256 = arith.index_cast %add3A_249 : i32 to index
      %swap3A_257 = arith.constant 0 : index
      %swap3A_258 = tpu.vector_load %arg14[%swap3A_256, %swap3A_257] {strides = array<i32>} : memref<80x64xf32, #tpu.memory_space<vmem>>, vector<1x16xf32>,
      %swap3A_259 = vector.shape_cast %swap3A_258 : vector<1x16xf32> to vector<16xf32>
      %swap3A_260 = vector.shape_cast %mul3A_255 : vector<16xf32> to vector<1x16xf32>
      tpu.vector_store %arg14[%swap3A_256, %swap3A_257], %swap3A_260 {strides = array<i32>} : memref<80x64xf32, #tpu.memory_space<vmem>>, vector<1x16xf32>,
      %get3A_261 = arith.index_cast %add3A_249 : i32 to index
      %get3A_262 = arith.constant 16 : index
      %get3A_263 = tpu.vector_load %arg14[%get3A_261, %get3A_262] {strides = array<i32>} : memref<80x64xf32, #tpu.memory_space<vmem>>, vector<1x16xf32>,
      %get3A_264 = vector.shape_cast %get3A_263 : vector<1x16xf32> to vector<16xf32>
      %mul3A_265 = vector.broadcast %squeeze3A_245 : f32 to vector<16xf32>
      %mul3A_266 = arith.mulf %get3A_264, %mul3A_265 : vector<16xf32>
      %swap3A_267 = arith.index_cast %add3A_249 : i32 to index
      %swap3A_268 = arith.constant 16 : index
      %swap3A_269 = tpu.vector_load %arg14[%swap3A_267, %swap3A_268] {strides = array<i32>} : memref<80x64xf32, #tpu.memory_space<vmem>>, vector<1x16xf32>,
      %swap3A_270 = vector.shape_cast %swap3A_269 : vector<1x16xf32> to vector<16xf32>
      %swap3A_271 = vector.shape_cast %mul3A_266 : vector<16xf32> to vector<1x16xf32>
      tpu.vector_store %arg14[%swap3A_267, %swap3A_268], %swap3A_271 {strides = array<i32>} : memref<80x64xf32, #tpu.memory_space<vmem>>, vector<1x16xf32>,
      %get3A_272 = arith.index_cast %add3A_249 : i32 to index
      %get3A_273 = arith.constant 32 : index
      %get3A_274 = tpu.vector_load %arg14[%get3A_272, %get3A_273] {strides = array<i32>} : memref<80x64xf32, #tpu.memory_space<vmem>>, vector<1x16xf32>,
      %get3A_275 = vector.shape_cast %get3A_274 : vector<1x16xf32> to vector<16xf32>
      %mul3A_276 = vector.broadcast %squeeze3A_245 : f32 to vector<16xf32>
      %mul3A_277 = arith.mulf %get3A_275, %mul3A_276 : vector<16xf32>
      %swap3A_278 = arith.index_cast %add3A_249 : i32 to index
      %swap3A_279 = arith.constant 32 : index
      %swap3A_280 = tpu.vector_load %arg14[%swap3A_278, %swap3A_279] {strides = array<i32>} : memref<80x64xf32, #tpu.memory_space<vmem>>, vector<1x16xf32>,
      %swap3A_281 = vector.shape_cast %swap3A_280 : vector<1x16xf32> to vector<16xf32>
      %swap3A_282 = vector.shape_cast %mul3A_277 : vector<16xf32> to vector<1x16xf32>
      tpu.vector_store %arg14[%swap3A_278, %swap3A_279], %swap3A_282 {strides = array<i32>} : memref<80x64xf32, #tpu.memory_space<vmem>>, vector<1x16xf32>,
      %get3A_283 = arith.index_cast %add3A_249 : i32 to index
      %get3A_284 = arith.constant 48 : index
      %get3A_285 = tpu.vector_load %arg14[%get3A_283, %get3A_284] {strides = array<i32>} : memref<80x64xf32, #tpu.memory_space<vmem>>, vector<1x16xf32>,
      %get3A_286 = vector.shape_cast %get3A_285 : vector<1x16xf32> to vector<16xf32>
      %mul3A_287 = vector.broadcast %squeeze3A_245 : f32 to vector<16xf32>
      %mul3A_288 = arith.mulf %get3A_286, %mul3A_287 : vector<16xf32>
      %swap3A_289 = arith.index_cast %add3A_249 : i32 to index
      %swap3A_290 = arith.constant 48 : index
      %swap3A_291 = tpu.vector_load %arg14[%swap3A_289, %swap3A_290] {strides = array<i32>} : memref<80x64xf32, #tpu.memory_space<vmem>>, vector<1x16xf32>,
      %swap3A_292 = vector.shape_cast %swap3A_291 : vector<1x16xf32> to vector<16xf32>
      %swap3A_293 = vector.shape_cast %mul3A_288 : vector<16xf32> to vector<1x16xf32>
      tpu.vector_store %arg14[%swap3A_289, %swap3A_290], %swap3A_293 {strides = array<i32>} : memref<80x64xf32, #tpu.memory_space<vmem>>, vector<1x16xf32>,
      %slice3A_294 = vector.extract_strided_slice %get3A_196 {offsets = [2], sizes = [1], strides = [1]} : vector<16xf32> to vector<1xf32>
      %squeeze3A_295 = vector.extract %slice3A_294[0] : f32 from vector<1xf32>
      %mul3A_296 = arith.constant 16 : i32
      %mul3A_297 = arith.muli %scan3A_189, %mul3A_296 : i32
      %add3A_298 = arith.constant 2 : i32
      %add3A_299 = arith.addi %mul3A_297, %add3A_298 : i32
      %get3A_300 = arith.index_cast %add3A_299 : i32 to index
      %get3A_301 = arith.constant 0 : index
      %get3A_302 = tpu.vector_load %arg14[%get3A_300, %get3A_301] {strides = array<i32>} : memref<80x64xf32, #tpu.memory_space<vmem>>, vector<1x16xf32>,
      %get3A_303 = vector.shape_cast %get3A_302 : vector<1x16xf32> to vector<16xf32>
      %mul3A_304 = vector.broadcast %squeeze3A_295 : f32 to vector<16xf32>
      %mul3A_305 = arith.mulf %get3A_303, %mul3A_304 : vector<16xf32>
      %swap3A_306 = arith.index_cast %add3A_299 : i32 to index
      %swap3A_307 = arith.constant 0 : index
      %swap3A_308 = tpu.vector_load %arg14[%swap3A_306, %swap3A_307] {strides = array<i32>} : memref<80x64xf32, #tpu.memory_space<vmem>>, vector<1x16xf32>,
      %swap3A_309 = vector.shape_cast %swap3A_308 : vector<1x16xf32> to vector<16xf32>
      %swap3A_310 = vector.shape_cast %mul3A_305 : vector<16xf32> to vector<1x16xf32>
      tpu.vector_store %arg14[%swap3A_306, %swap3A_307], %swap3A_310 {strides = array<i32>} : memref<80x64xf32, #tpu.memory_space<vmem>>, vector<1x16xf32>,
      %get3A_311 = arith.index_cast %add3A_299 : i32 to index
      %get3A_312 = arith.constant 16 : index
      %get3A_313 = tpu.vector_load %arg14[%get3A_311, %get3A_312] {strides = array<i32>} : memref<80x64xf32, #tpu.memory_space<vmem>>, vector<1x16xf32>,
      %get3A_314 = vector.shape_cast %get3A_313 : vector<1x16xf32> to vector<16xf32>
      %mul3A_315 = vector.broadcast %squeeze3A_295 : f32 to vector<16xf32>
      %mul3A_316 = arith.mulf %get3A_314, %mul3A_315 : vector<16xf32>
      %swap3A_317 = arith.index_cast %add3A_299 : i32 to index
      %swap3A_318 = arith.constant 16 : index
      %swap3A_319 = tpu.vector_load %arg14[%swap3A_317, %swap3A_318] {strides = array<i32>} : memref<80x64xf32, #tpu.memory_space<vmem>>, vector<1x16xf32>,
      %swap3A_320 = vector.shape_cast %swap3A_319 : vector<1x16xf32> to vector<16xf32>
      %swap3A_321 = vector.shape_cast %mul3A_316 : vector<16xf32> to vector<1x16xf32>
      tpu.vector_store %arg14[%swap3A_317, %swap3A_318], %swap3A_321 {strides = array<i32>} : memref<80x64xf32, #tpu.memory_space<vmem>>, vector<1x16xf32>,
      %get3A_322 = arith.index_cast %add3A_299 : i32 to index
      %get3A_323 = arith.constant 32 : index
      %get3A_324 = tpu.vector_load %arg14[%get3A_322, %get3A_323] {strides = array<i32>} : memref<80x64xf32, #tpu.memory_space<vmem>>, vector<1x16xf32>,
      %get3A_325 = vector.shape_cast %get3A_324 : vector<1x16xf32> to vector<16xf32>
      %mul3A_326 = vector.broadcast %squeeze3A_295 : f32 to vector<16xf32>
      %mul3A_327 = arith.mulf %get3A_325, %mul3A_326 : vector<16xf32>
      %swap3A_328 = arith.index_cast %add3A_299 : i32 to index
      %swap3A_329 = arith.constant 32 : index
      %swap3A_330 = tpu.vector_load %arg14[%swap3A_328, %swap3A_329] {strides = array<i32>} : memref<80x64xf32, #tpu.memory_space<vmem>>, vector<1x16xf32>,
      %swap3A_331 = vector.shape_cast %swap3A_330 : vector<1x16xf32> to vector<16xf32>
      %swap3A_332 = vector.shape_cast %mul3A_327 : vector<16xf32> to vector<1x16xf32>
      tpu.vector_store %arg14[%swap3A_328, %swap3A_329], %swap3A_332 {strides = array<i32>} : memref<80x64xf32, #tpu.memory_space<vmem>>, vector<1x16xf32>,
      %get3A_333 = arith.index_cast %add3A_299 : i32 to index
      %get3A_334 = arith.constant 48 : index
      %get3A_335 = tpu.vector_load %arg14[%get3A_333, %get3A_334] {strides = array<i32>} : memref<80x64xf32, #tpu.memory_space<vmem>>, vector<1x16xf32>,
      %get3A_336 = vector.shape_cast %get3A_335 : vector<1x16xf32> to vector<16xf32>
      %mul3A_337 = vector.broadcast %squeeze3A_295 : f32 to vector<16xf32>
      %mul3A_338 = arith.mulf %get3A_336, %mul3A_337 : vector<16xf32>
      %swap3A_339 = arith.index_cast %add3A_299 : i32 to index
      %swap3A_340 = arith.constant 48 : index
      %swap3A_341 = tpu.vector_load %arg14[%swap3A_339, %swap3A_340] {strides = array<i32>} : memref<80x64xf32, #tpu.memory_space<vmem>>, vector<1x16xf32>,
      %swap3A_342 = vector.shape_cast %swap3A_341 : vector<1x16xf32> to vector<16xf32>
      %swap3A_343 = vector.shape_cast %mul3A_338 : vector<16xf32> to vector<1x16xf32>
      tpu.vector_store %arg14[%swap3A_339, %swap3A_340], %swap3A_343 {strides = array<i32>} : memref<80x64xf32, #tpu.memory_space<vmem>>, vector<1x16xf32>,
      %slice3A_344 = vector.extract_strided_slice %get3A_196 {offsets = [3], sizes = [1], strides = [1]} : vector<16xf32> to vector<1xf32>
      %squeeze3A_345 = vector.extract %slice3A_344[0] : f32 from vector<1xf32>
      %mul3A_346 = arith.constant 16 : i32
      %mul3A_347 = arith.muli %scan3A_189, %mul3A_346 : i32
      %add3A_348 = arith.constant 3 : i32
      %add3A_349 = arith.addi %mul3A_347, %add3A_348 : i32
      %get3A_350 = arith.index_cast %add3A_349 : i32 to index
      %get3A_351 = arith.constant 0 : index
      %get3A_352 = tpu.vector_load %arg14[%get3A_350, %get3A_351] {strides = array<i32>} : memref<80x64xf32, #tpu.memory_space<vmem>>, vector<1x16xf32>,
      %get3A_353 = vector.shape_cast %get3A_352 : vector<1x16xf32> to vector<16xf32>
      %mul3A_354 = vector.broadcast %squeeze3A_345 : f32 to vector<16xf32>
      %mul3A_355 = arith.mulf %get3A_353, %mul3A_354 : vector<16xf32>
      %swap3A_356 = arith.index_cast %add3A_349 : i32 to index
      %swap3A_357 = arith.constant 0 : index
      %swap3A_358 = tpu.vector_load %arg14[%swap3A_356, %swap3A_357] {strides = array<i32>} : memref<80x64xf32, #tpu.memory_space<vmem>>, vector<1x16xf32>,
      %swap3A_359 = vector.shape_cast %swap3A_358 : vector<1x16xf32> to vector<16xf32>
      %swap3A_360 = vector.shape_cast %mul3A_355 : vector<16xf32> to vector<1x16xf32>
      tpu.vector_store %arg14[%swap3A_356, %swap3A_357], %swap3A_360 {strides = array<i32>} : memref<80x64xf32, #tpu.memory_space<vmem>>, vector<1x16xf32>,
      %get3A_361 = arith.index_cast %add3A_349 : i32 to index
      %get3A_362 = arith.constant 16 : index
      %get3A_363 = tpu.vector_load %arg14[%get3A_361, %get3A_362] {strides = array<i32>} : memref<80x64xf32, #tpu.memory_space<vmem>>, vector<1x16xf32>,
      %get3A_364 = vector.shape_cast %get3A_363 : vector<1x16xf32> to vector<16xf32>
      %mul3A_365 = vector.broadcast %squeeze3A_345 : f32 to vector<16xf32>
      %mul3A_366 = arith.mulf %get3A_364, %mul3A_365 : vector<16xf32>
      %swap3A_367 = arith.index_cast %add3A_349 : i32 to index
      %swap3A_368 = arith.constant 16 : index
      %swap3A_369 = tpu.vector_load %arg14[%swap3A_367, %swap3A_368] {strides = array<i32>} : memref<80x64xf32, #tpu.memory_space<vmem>>, vector<1x16xf32>,
      %swap3A_370 = vector.shape_cast %swap3A_369 : vector<1x16xf32> to vector<16xf32>
      %swap3A_371 = vector.shape_cast %mul3A_366 : vector<16xf32> to vector<1x16xf32>
      tpu.vector_store %arg14[%swap3A_367, %swap3A_368], %swap3A_371 {strides = array<i32>} : memref<80x64xf32, #tpu.memory_space<vmem>>, vector<1x16xf32>,
      %get3A_372 = arith.index_cast %add3A_349 : i32 to index
      %get3A_373 = arith.constant 32 : index
      %get3A_374 = tpu.vector_load %arg14[%get3A_372, %get3A_373] {strides = array<i32>} : memref<80x64xf32, #tpu.memory_space<vmem>>, vector<1x16xf32>,
      %get3A_375 = vector.shape_cast %get3A_374 : vector<1x16xf32> to vector<16xf32>
      %mul3A_376 = vector.broadcast %squeeze3A_345 : f32 to vector<16xf32>
      %mul3A_377 = arith.mulf %get3A_375, %mul3A_376 : vector<16xf32>
      %swap3A_378 = arith.index_cast %add3A_349 : i32 to index
      %swap3A_379 = arith.constant 32 : index
      %swap3A_380 = tpu.vector_load %arg14[%swap3A_378, %swap3A_379] {strides = array<i32>} : memref<80x64xf32, #tpu.memory_space<vmem>>, vector<1x16xf32>,
      %swap3A_381 = vector.shape_cast %swap3A_380 : vector<1x16xf32> to vector<16xf32>
      %swap3A_382 = vector.shape_cast %mul3A_377 : vector<16xf32> to vector<1x16xf32>
      tpu.vector_store %arg14[%swap3A_378, %swap3A_379], %swap3A_382 {strides = array<i32>} : memref<80x64xf32, #tpu.memory_space<vmem>>, vector<1x16xf32>,
      %get3A_383 = arith.index_cast %add3A_349 : i32 to index
      %get3A_384 = arith.constant 48 : index
      %get3A_385 = tpu.vector_load %arg14[%get3A_383, %get3A_384] {strides = array<i32>} : memref<80x64xf32, #tpu.memory_space<vmem>>, vector<1x16xf32>,
      %get3A_386 = vector.shape_cast %get3A_385 : vector<1x16xf32> to vector<16xf32>
      %mul3A_387 = vector.broadcast %squeeze3A_345 : f32 to vector<16xf32>
      %mul3A_388 = arith.mulf %get3A_386, %mul3A_387 : vector<16xf32>
      %swap3A_389 = arith.index_cast %add3A_349 : i32 to index
      %swap3A_390 = arith.constant 48 : index
      %swap3A_391 = tpu.vector_load %arg14[%swap3A_389, %swap3A_390] {strides = array<i32>} : memref<80x64xf32, #tpu.memory_space<vmem>>, vector<1x16xf32>,
      %swap3A_392 = vector.shape_cast %swap3A_391 : vector<1x16xf32> to vector<16xf32>
      %swap3A_393 = vector.shape_cast %mul3A_388 : vector<16xf32> to vector<1x16xf32>
      tpu.vector_store %arg14[%swap3A_389, %swap3A_390], %swap3A_393 {strides = array<i32>} : memref<80x64xf32, #tpu.memory_space<vmem>>, vector<1x16xf32>,
      %slice3A_394 = vector.extract_strided_slice %get3A_196 {offsets = [4], sizes = [1], strides = [1]} : vector<16xf32> to vector<1xf32>
      %squeeze3A_395 = vector.extract %slice3A_394[0] : f32 from vector<1xf32>
      %mul3A_396 = arith.constant 16 : i32
      %mul3A_397 = arith.muli %scan3A_189, %mul3A_396 : i32
      %add3A_398 = arith.constant 4 : i32
      %add3A_399 = arith.addi %mul3A_397, %add3A_398 : i32
      %get3A_400 = arith.index_cast %add3A_399 : i32 to index
      %get3A_401 = arith.constant 0 : index
      %get3A_402 = tpu.vector_load %arg14[%get3A_400, %get3A_401] {strides = array<i32>} : memref<80x64xf32, #tpu.memory_space<vmem>>, vector<1x16xf32>,
      %get3A_403 = vector.shape_cast %get3A_402 : vector<1x16xf32> to vector<16xf32>
      %mul3A_404 = vector.broadcast %squeeze3A_395 : f32 to vector<16xf32>
      %mul3A_405 = arith.mulf %get3A_403, %mul3A_404 : vector<16xf32>
      %swap3A_406 = arith.index_cast %add3A_399 : i32 to index
      %swap3A_407 = arith.constant 0 : index
      %swap3A_408 = tpu.vector_load %arg14[%swap3A_406, %swap3A_407] {strides = array<i32>} : memref<80x64xf32, #tpu.memory_space<vmem>>, vector<1x16xf32>,
      %swap3A_409 = vector.shape_cast %swap3A_408 : vector<1x16xf32> to vector<16xf32>
      %swap3A_410 = vector.shape_cast %mul3A_405 : vector<16xf32> to vector<1x16xf32>
      tpu.vector_store %arg14[%swap3A_406, %swap3A_407], %swap3A_410 {strides = array<i32>} : memref<80x64xf32, #tpu.memory_space<vmem>>, vector<1x16xf32>,
      %get3A_411 = arith.index_cast %add3A_399 : i32 to index
      %get3A_412 = arith.constant 16 : index
      %get3A_413 = tpu.vector_load %arg14[%get3A_411, %get3A_412] {strides = array<i32>} : memref<80x64xf32, #tpu.memory_space<vmem>>, vector<1x16xf32>,
      %get3A_414 = vector.shape_cast %get3A_413 : vector<1x16xf32> to vector<16xf32>
      %mul3A_415 = vector.broadcast %squeeze3A_395 : f32 to vector<16xf32>
      %mul3A_416 = arith.mulf %get3A_414, %mul3A_415 : vector<16xf32>
      %swap3A_417 = arith.index_cast %add3A_399 : i32 to index
      %swap3A_418 = arith.constant 16 : index
      %swap3A_419 = tpu.vector_load %arg14[%swap3A_417, %swap3A_418] {strides = array<i32>} : memref<80x64xf32, #tpu.memory_space<vmem>>, vector<1x16xf32>,
      %swap3A_420 = vector.shape_cast %swap3A_419 : vector<1x16xf32> to vector<16xf32>
      %swap3A_421 = vector.shape_cast %mul3A_416 : vector<16xf32> to vector<1x16xf32>
      tpu.vector_store %arg14[%swap3A_417, %swap3A_418], %swap3A_421 {strides = array<i32>} : memref<80x64xf32, #tpu.memory_space<vmem>>, vector<1x16xf32>,
      %get3A_422 = arith.index_cast %add3A_399 : i32 to index
      %get3A_423 = arith.constant 32 : index
      %get3A_424 = tpu.vector_load %arg14[%get3A_422, %get3A_423] {strides = array<i32>} : memref<80x64xf32, #tpu.memory_space<vmem>>, vector<1x16xf32>,
      %get3A_425 = vector.shape_cast %get3A_424 : vector<1x16xf32> to vector<16xf32>
      %mul3A_426 = vector.broadcast %squeeze3A_395 : f32 to vector<16xf32>
      %mul3A_427 = arith.mulf %get3A_425, %mul3A_426 : vector<16xf32>
      %swap3A_428 = arith.index_cast %add3A_399 : i32 to index
      %swap3A_429 = arith.constant 32 : index
      %swap3A_430 = tpu.vector_load %arg14[%swap3A_428, %swap3A_429] {strides = array<i32>} : memref<80x64xf32, #tpu.memory_space<vmem>>, vector<1x16xf32>,
      %swap3A_431 = vector.shape_cast %swap3A_430 : vector<1x16xf32> to vector<16xf32>
      %swap3A_432 = vector.shape_cast %mul3A_427 : vector<16xf32> to vector<1x16xf32>
      tpu.vector_store %arg14[%swap3A_428, %swap3A_429], %swap3A_432 {strides = array<i32>} : memref<80x64xf32, #tpu.memory_space<vmem>>, vector<1x16xf32>,
      %get3A_433 = arith.index_cast %add3A_399 : i32 to index
      %get3A_434 = arith.constant 48 : index
      %get3A_435 = tpu.vector_load %arg14[%get3A_433, %get3A_434] {strides = array<i32>} : memref<80x64xf32, #tpu.memory_space<vmem>>, vector<1x16xf32>,
      %get3A_436 = vector.shape_cast %get3A_435 : vector<1x16xf32> to vector<16xf32>
      %mul3A_437 = vector.broadcast %squeeze3A_395 : f32 to vector<16xf32>
      %mul3A_438 = arith.mulf %get3A_436, %mul3A_437 : vector<16xf32>
      %swap3A_439 = arith.index_cast %add3A_399 : i32 to index
      %swap3A_440 = arith.constant 48 : index
      %swap3A_441 = tpu.vector_load %arg14[%swap3A_439, %swap3A_440] {strides = array<i32>} : memref<80x64xf32, #tpu.memory_space<vmem>>, vector<1x16xf32>,
      %swap3A_442 = vector.shape_cast %swap3A_441 : vector<1x16xf32> to vector<16xf32>
      %swap3A_443 = vector.shape_cast %mul3A_438 : vector<16xf32> to vector<1x16xf32>
      tpu.vector_store %arg14[%swap3A_439, %swap3A_440], %swap3A_443 {strides = array<i32>} : memref<80x64xf32, #tpu.memory_space<vmem>>, vector<1x16xf32>,
      %slice3A_444 = vector.extract_strided_slice %get3A_196 {offsets = [5], sizes = [1], strides = [1]} : vector<16xf32> to vector<1xf32>
      %squeeze3A_445 = vector.extract %slice3A_444[0] : f32 from vector<1xf32>
      %mul3A_446 = arith.constant 16 : i32
      %mul3A_447 = arith.muli %scan3A_189, %mul3A_446 : i32
      %add3A_448 = arith.constant 5 : i32
      %add3A_449 = arith.addi %mul3A_447, %add3A_448 : i32
      %get3A_450 = arith.index_cast %add3A_449 : i32 to index
      %get3A_451 = arith.constant 0 : index
      %get3A_452 = tpu.vector_load %arg14[%get3A_450, %get3A_451] {strides = array<i32>} : memref<80x64xf32, #tpu.memory_space<vmem>>, vector<1x16xf32>,
      %get3A_453 = vector.shape_cast %get3A_452 : vector<1x16xf32> to vector<16xf32>
      %mul3A_454 = vector.broadcast %squeeze3A_445 : f32 to vector<16xf32>
      %mul3A_455 = arith.mulf %get3A_453, %mul3A_454 : vector<16xf32>
      %swap3A_456 = arith.index_cast %add3A_449 : i32 to index
      %swap3A_457 = arith.constant 0 : index
      %swap3A_458 = tpu.vector_load %arg14[%swap3A_456, %swap3A_457] {strides = array<i32>} : memref<80x64xf32, #tpu.memory_space<vmem>>, vector<1x16xf32>,
      %swap3A_459 = vector.shape_cast %swap3A_458 : vector<1x16xf32> to vector<16xf32>
      %swap3A_460 = vector.shape_cast %mul3A_455 : vector<16xf32> to vector<1x16xf32>
      tpu.vector_store %arg14[%swap3A_456, %swap3A_457], %swap3A_460 {strides = array<i32>} : memref<80x64xf32, #tpu.memory_space<vmem>>, vector<1x16xf32>,
      %get3A_461 = arith.index_cast %add3A_449 : i32 to index
      %get3A_462 = arith.constant 16 : index
      %get3A_463 = tpu.vector_load %arg14[%get3A_461, %get3A_462] {strides = array<i32>} : memref<80x64xf32, #tpu.memory_space<vmem>>, vector<1x16xf32>,
      %get3A_464 = vector.shape_cast %get3A_463 : vector<1x16xf32> to vector<16xf32>
      %mul3A_465 = vector.broadcast %squeeze3A_445 : f32 to vector<16xf32>
      %mul3A_466 = arith.mulf %get3A_464, %mul3A_465 : vector<16xf32>
      %swap3A_467 = arith.index_cast %add3A_449 : i32 to index
      %swap3A_468 = arith.constant 16 : index
      %swap3A_469 = tpu.vector_load %arg14[%swap3A_467, %swap3A_468] {strides = array<i32>} : memref<80x64xf32, #tpu.memory_space<vmem>>, vector<1x16xf32>,
      %swap3A_470 = vector.shape_cast %swap3A_469 : vector<1x16xf32> to vector<16xf32>
      %swap3A_471 = vector.shape_cast %mul3A_466 : vector<16xf32> to vector<1x16xf32>
      tpu.vector_store %arg14[%swap3A_467, %swap3A_468], %swap3A_471 {strides = array<i32>} : memref<80x64xf32, #tpu.memory_space<vmem>>, vector<1x16xf32>,
      %get3A_472 = arith.index_cast %add3A_449 : i32 to index
      %get3A_473 = arith.constant 32 : index
      %get3A_474 = tpu.vector_load %arg14[%get3A_472, %get3A_473] {strides = array<i32>} : memref<80x64xf32, #tpu.memory_space<vmem>>, vector<1x16xf32>,
      %get3A_475 = vector.shape_cast %get3A_474 : vector<1x16xf32> to vector<16xf32>
      %mul3A_476 = vector.broadcast %squeeze3A_445 : f32 to vector<16xf32>
      %mul3A_477 = arith.mulf %get3A_475, %mul3A_476 : vector<16xf32>
      %swap3A_478 = arith.index_cast %add3A_449 : i32 to index
      %swap3A_479 = arith.constant 32 : index
      %swap3A_480 = tpu.vector_load %arg14[%swap3A_478, %swap3A_479] {strides = array<i32>} : memref<80x64xf32, #tpu.memory_space<vmem>>, vector<1x16xf32>,
      %swap3A_481 = vector.shape_cast %swap3A_480 : vector<1x16xf32> to vector<16xf32>
      %swap3A_482 = vector.shape_cast %mul3A_477 : vector<16xf32> to vector<1x16xf32>
      tpu.vector_store %arg14[%swap3A_478, %swap3A_479], %swap3A_482 {strides = array<i32>} : memref<80x64xf32, #tpu.memory_space<vmem>>, vector<1x16xf32>,
      %get3A_483 = arith.index_cast %add3A_449 : i32 to index
      %get3A_484 = arith.constant 48 : index
      %get3A_485 = tpu.vector_load %arg14[%get3A_483, %get3A_484] {strides = array<i32>} : memref<80x64xf32, #tpu.memory_space<vmem>>, vector<1x16xf32>,
      %get3A_486 = vector.shape_cast %get3A_485 : vector<1x16xf32> to vector<16xf32>
      %mul3A_487 = vector.broadcast %squeeze3A_445 : f32 to vector<16xf32>
      %mul3A_488 = arith.mulf %get3A_486, %mul3A_487 : vector<16xf32>
      %swap3A_489 = arith.index_cast %add3A_449 : i32 to index
      %swap3A_490 = arith.constant 48 : index
      %swap3A_491 = tpu.vector_load %arg14[%swap3A_489, %swap3A_490] {strides = array<i32>} : memref<80x64xf32, #tpu.memory_space<vmem>>, vector<1x16xf32>,
      %swap3A_492 = vector.shape_cast %swap3A_491 : vector<1x16xf32> to vector<16xf32>
      %swap3A_493 = vector.shape_cast %mul3A_488 : vector<16xf32> to vector<1x16xf32>
      tpu.vector_store %arg14[%swap3A_489, %swap3A_490], %swap3A_493 {strides = array<i32>} : memref<80x64xf32, #tpu.memory_space<vmem>>, vector<1x16xf32>,
      %slice3A_494 = vector.extract_strided_slice %get3A_196 {offsets = [6], sizes = [1], strides = [1]} : vector<16xf32> to vector<1xf32>
      %squeeze3A_495 = vector.extract %slice3A_494[0] : f32 from vector<1xf32>
      %mul3A_496 = arith.constant 16 : i32
      %mul3A_497 = arith.muli %scan3A_189, %mul3A_496 : i32
      %add3A_498 = arith.constant 6 : i32
      %add3A_499 = arith.addi %mul3A_497, %add3A_498 : i32
      %get3A_500 = arith.index_cast %add3A_499 : i32 to index
      %get3A_501 = arith.constant 0 : index
      %get3A_502 = tpu.vector_load %arg14[%get3A_500, %get3A_501] {strides = array<i32>} : memref<80x64xf32, #tpu.memory_space<vmem>>, vector<1x16xf32>,
      %get3A_503 = vector.shape_cast %get3A_502 : vector<1x16xf32> to vector<16xf32>
      %mul3A_504 = vector.broadcast %squeeze3A_495 : f32 to vector<16xf32>
      %mul3A_505 = arith.mulf %get3A_503, %mul3A_504 : vector<16xf32>
      %swap3A_506 = arith.index_cast %add3A_499 : i32 to index
      %swap3A_507 = arith.constant 0 : index
      %swap3A_508 = tpu.vector_load %arg14[%swap3A_506, %swap3A_507] {strides = array<i32>} : memref<80x64xf32, #tpu.memory_space<vmem>>, vector<1x16xf32>,
      %swap3A_509 = vector.shape_cast %swap3A_508 : vector<1x16xf32> to vector<16xf32>
      %swap3A_510 = vector.shape_cast %mul3A_505 : vector<16xf32> to vector<1x16xf32>
      tpu.vector_store %arg14[%swap3A_506, %swap3A_507], %swap3A_510 {strides = array<i32>} : memref<80x64xf32, #tpu.memory_space<vmem>>, vector<1x16xf32>,
      %get3A_511 = arith.index_cast %add3A_499 : i32 to index
      %get3A_512 = arith.constant 16 : index
      %get3A_513 = tpu.vector_load %arg14[%get3A_511, %get3A_512] {strides = array<i32>} : memref<80x64xf32, #tpu.memory_space<vmem>>, vector<1x16xf32>,
      %get3A_514 = vector.shape_cast %get3A_513 : vector<1x16xf32> to vector<16xf32>
      %mul3A_515 = vector.broadcast %squeeze3A_495 : f32 to vector<16xf32>
      %mul3A_516 = arith.mulf %get3A_514, %mul3A_515 : vector<16xf32>
      %swap3A_517 = arith.index_cast %add3A_499 : i32 to index
      %swap3A_518 = arith.constant 16 : index
      %swap3A_519 = tpu.vector_load %arg14[%swap3A_517, %swap3A_518] {strides = array<i32>} : memref<80x64xf32, #tpu.memory_space<vmem>>, vector<1x16xf32>,
      %swap3A_520 = vector.shape_cast %swap3A_519 : vector<1x16xf32> to vector<16xf32>
      %swap3A_521 = vector.shape_cast %mul3A_516 : vector<16xf32> to vector<1x16xf32>
      tpu.vector_store %arg14[%swap3A_517, %swap3A_518], %swap3A_521 {strides = array<i32>} : memref<80x64xf32, #tpu.memory_space<vmem>>, vector<1x16xf32>,
      %get3A_522 = arith.index_cast %add3A_499 : i32 to index
      %get3A_523 = arith.constant 32 : index
      %get3A_524 = tpu.vector_load %arg14[%get3A_522, %get3A_523] {strides = array<i32>} : memref<80x64xf32, #tpu.memory_space<vmem>>, vector<1x16xf32>,
      %get3A_525 = vector.shape_cast %get3A_524 : vector<1x16xf32> to vector<16xf32>
      %mul3A_526 = vector.broadcast %squeeze3A_495 : f32 to vector<16xf32>
      %mul3A_527 = arith.mulf %get3A_525, %mul3A_526 : vector<16xf32>
      %swap3A_528 = arith.index_cast %add3A_499 : i32 to index
      %swap3A_529 = arith.constant 32 : index
      %swap3A_530 = tpu.vector_load %arg14[%swap3A_528, %swap3A_529] {strides = array<i32>} : memref<80x64xf32, #tpu.memory_space<vmem>>, vector<1x16xf32>,
      %swap3A_531 = vector.shape_cast %swap3A_530 : vector<1x16xf32> to vector<16xf32>
      %swap3A_532 = vector.shape_cast %mul3A_527 : vector<16xf32> to vector<1x16xf32>
      tpu.vector_store %arg14[%swap3A_528, %swap3A_529], %swap3A_532 {strides = array<i32>} : memref<80x64xf32, #tpu.memory_space<vmem>>, vector<1x16xf32>,
      %get3A_533 = arith.index_cast %add3A_499 : i32 to index
      %get3A_534 = arith.constant 48 : index
      %get3A_535 = tpu.vector_load %arg14[%get3A_533, %get3A_534] {strides = array<i32>} : memref<80x64xf32, #tpu.memory_space<vmem>>, vector<1x16xf32>,
      %get3A_536 = vector.shape_cast %get3A_535 : vector<1x16xf32> to vector<16xf32>
      %mul3A_537 = vector.broadcast %squeeze3A_495 : f32 to vector<16xf32>
      %mul3A_538 = arith.mulf %get3A_536, %mul3A_537 : vector<16xf32>
      %swap3A_539 = arith.index_cast %add3A_499 : i32 to index
      %swap3A_540 = arith.constant 48 : index
      %swap3A_541 = tpu.vector_load %arg14[%swap3A_539, %swap3A_540] {strides = array<i32>} : memref<80x64xf32, #tpu.memory_space<vmem>>, vector<1x16xf32>,
      %swap3A_542 = vector.shape_cast %swap3A_541 : vector<1x16xf32> to vector<16xf32>
      %swap3A_543 = vector.shape_cast %mul3A_538 : vector<16xf32> to vector<1x16xf32>
      tpu.vector_store %arg14[%swap3A_539, %swap3A_540], %swap3A_543 {strides = array<i32>} : memref<80x64xf32, #tpu.memory_space<vmem>>, vector<1x16xf32>,
      %slice3A_544 = vector.extract_strided_slice %get3A_196 {offsets = [7], sizes = [1], strides = [1]} : vector<16xf32> to vector<1xf32>
      %squeeze3A_545 = vector.extract %slice3A_544[0] : f32 from vector<1xf32>
      %mul3A_546 = arith.constant 16 : i32
      %mul3A_547 = arith.muli %scan3A_189, %mul3A_546 : i32
      %add3A_548 = arith.constant 7 : i32
      %add3A_549 = arith.addi %mul3A_547, %add3A_548 : i32
      %get3A_550 = arith.index_cast %add3A_549 : i32 to index
      %get3A_551 = arith.constant 0 : index
      %get3A_552 = tpu.vector_load %arg14[%get3A_550, %get3A_551] {strides = array<i32>} : memref<80x64xf32, #tpu.memory_space<vmem>>, vector<1x16xf32>,
      %get3A_553 = vector.shape_cast %get3A_552 : vector<1x16xf32> to vector<16xf32>
      %mul3A_554 = vector.broadcast %squeeze3A_545 : f32 to vector<16xf32>
      %mul3A_555 = arith.mulf %get3A_553, %mul3A_554 : vector<16xf32>
      %swap3A_556 = arith.index_cast %add3A_549 : i32 to index
      %swap3A_557 = arith.constant 0 : index
      %swap3A_558 = tpu.vector_load %arg14[%swap3A_556, %swap3A_557] {strides = array<i32>} : memref<80x64xf32, #tpu.memory_space<vmem>>, vector<1x16xf32>,
      %swap3A_559 = vector.shape_cast %swap3A_558 : vector<1x16xf32> to vector<16xf32>
      %swap3A_560 = vector.shape_cast %mul3A_555 : vector<16xf32> to vector<1x16xf32>
      tpu.vector_store %arg14[%swap3A_556, %swap3A_557], %swap3A_560 {strides = array<i32>} : memref<80x64xf32, #tpu.memory_space<vmem>>, vector<1x16xf32>,
      %get3A_561 = arith.index_cast %add3A_549 : i32 to index
      %get3A_562 = arith.constant 16 : index
      %get3A_563 = tpu.vector_load %arg14[%get3A_561, %get3A_562] {strides = array<i32>} : memref<80x64xf32, #tpu.memory_space<vmem>>, vector<1x16xf32>,
      %get3A_564 = vector.shape_cast %get3A_563 : vector<1x16xf32> to vector<16xf32>
      %mul3A_565 = vector.broadcast %squeeze3A_545 : f32 to vector<16xf32>
      %mul3A_566 = arith.mulf %get3A_564, %mul3A_565 : vector<16xf32>
      %swap3A_567 = arith.index_cast %add3A_549 : i32 to index
      %swap3A_568 = arith.constant 16 : index
      %swap3A_569 = tpu.vector_load %arg14[%swap3A_567, %swap3A_568] {strides = array<i32>} : memref<80x64xf32, #tpu.memory_space<vmem>>, vector<1x16xf32>,
      %swap3A_570 = vector.shape_cast %swap3A_569 : vector<1x16xf32> to vector<16xf32>
      %swap3A_571 = vector.shape_cast %mul3A_566 : vector<16xf32> to vector<1x16xf32>
      tpu.vector_store %arg14[%swap3A_567, %swap3A_568], %swap3A_571 {strides = array<i32>} : memref<80x64xf32, #tpu.memory_space<vmem>>, vector<1x16xf32>,
      %get3A_572 = arith.index_cast %add3A_549 : i32 to index
      %get3A_573 = arith.constant 32 : index
      %get3A_574 = tpu.vector_load %arg14[%get3A_572, %get3A_573] {strides = array<i32>} : memref<80x64xf32, #tpu.memory_space<vmem>>, vector<1x16xf32>,
      %get3A_575 = vector.shape_cast %get3A_574 : vector<1x16xf32> to vector<16xf32>
      %mul3A_576 = vector.broadcast %squeeze3A_545 : f32 to vector<16xf32>
      %mul3A_577 = arith.mulf %get3A_575, %mul3A_576 : vector<16xf32>
      %swap3A_578 = arith.index_cast %add3A_549 : i32 to index
      %swap3A_579 = arith.constant 32 : index
      %swap3A_580 = tpu.vector_load %arg14[%swap3A_578, %swap3A_579] {strides = array<i32>} : memref<80x64xf32, #tpu.memory_space<vmem>>, vector<1x16xf32>,
      %swap3A_581 = vector.shape_cast %swap3A_580 : vector<1x16xf32> to vector<16xf32>
      %swap3A_582 = vector.shape_cast %mul3A_577 : vector<16xf32> to vector<1x16xf32>
      tpu.vector_store %arg14[%swap3A_578, %swap3A_579], %swap3A_582 {strides = array<i32>} : memref<80x64xf32, #tpu.memory_space<vmem>>, vector<1x16xf32>,
      %get3A_583 = arith.index_cast %add3A_549 : i32 to index
      %get3A_584 = arith.constant 48 : index
      %get3A_585 = tpu.vector_load %arg14[%get3A_583, %get3A_584] {strides = array<i32>} : memref<80x64xf32, #tpu.memory_space<vmem>>, vector<1x16xf32>,
      %get3A_586 = vector.shape_cast %get3A_585 : vector<1x16xf32> to vector<16xf32>
      %mul3A_587 = vector.broadcast %squeeze3A_545 : f32 to vector<16xf32>
      %mul3A_588 = arith.mulf %get3A_586, %mul3A_587 : vector<16xf32>
      %swap3A_589 = arith.index_cast %add3A_549 : i32 to index
      %swap3A_590 = arith.constant 48 : index
      %swap3A_591 = tpu.vector_load %arg14[%swap3A_589, %swap3A_590] {strides = array<i32>} : memref<80x64xf32, #tpu.memory_space<vmem>>, vector<1x16xf32>,
      %swap3A_592 = vector.shape_cast %swap3A_591 : vector<1x16xf32> to vector<16xf32>
      %swap3A_593 = vector.shape_cast %mul3A_588 : vector<16xf32> to vector<1x16xf32>
      tpu.vector_store %arg14[%swap3A_589, %swap3A_590], %swap3A_593 {strides = array<i32>} : memref<80x64xf32, #tpu.memory_space<vmem>>, vector<1x16xf32>,
      %slice3A_594 = vector.extract_strided_slice %get3A_196 {offsets = [8], sizes = [1], strides = [1]} : vector<16xf32> to vector<1xf32>
      %squeeze3A_595 = vector.extract %slice3A_594[0] : f32 from vector<1xf32>
      %mul3A_596 = arith.constant 16 : i32
      %mul3A_597 = arith.muli %scan3A_189, %mul3A_596 : i32
      %add3A_598 = arith.constant 8 : i32
      %add3A_599 = arith.addi %mul3A_597, %add3A_598 : i32
      %get3A_600 = arith.index_cast %add3A_599 : i32 to index
      %get3A_601 = arith.constant 0 : index
      %get3A_602 = tpu.vector_load %arg14[%get3A_600, %get3A_601] {strides = array<i32>} : memref<80x64xf32, #tpu.memory_space<vmem>>, vector<1x16xf32>,
      %get3A_603 = vector.shape_cast %get3A_602 : vector<1x16xf32> to vector<16xf32>
      %mul3A_604 = vector.broadcast %squeeze3A_595 : f32 to vector<16xf32>
      %mul3A_605 = arith.mulf %get3A_603, %mul3A_604 : vector<16xf32>
      %swap3A_606 = arith.index_cast %add3A_599 : i32 to index
      %swap3A_607 = arith.constant 0 : index
      %swap3A_608 = tpu.vector_load %arg14[%swap3A_606, %swap3A_607] {strides = array<i32>} : memref<80x64xf32, #tpu.memory_space<vmem>>, vector<1x16xf32>,
      %swap3A_609 = vector.shape_cast %swap3A_608 : vector<1x16xf32> to vector<16xf32>
      %swap3A_610 = vector.shape_cast %mul3A_605 : vector<16xf32> to vector<1x16xf32>
      tpu.vector_store %arg14[%swap3A_606, %swap3A_607], %swap3A_610 {strides = array<i32>} : memref<80x64xf32, #tpu.memory_space<vmem>>, vector<1x16xf32>,
      %get3A_611 = arith.index_cast %add3A_599 : i32 to index
      %get3A_612 = arith.constant 16 : index
      %get3A_613 = tpu.vector_load %arg14[%get3A_611, %get3A_612] {strides = array<i32>} : memref<80x64xf32, #tpu.memory_space<vmem>>, vector<1x16xf32>,
      %get3A_614 = vector.shape_cast %get3A_613 : vector<1x16xf32> to vector<16xf32>
      %mul3A_615 = vector.broadcast %squeeze3A_595 : f32 to vector<16xf32>
      %mul3A_616 = arith.mulf %get3A_614, %mul3A_615 : vector<16xf32>
      %swap3A_617 = arith.index_cast %add3A_599 : i32 to index
      %swap3A_618 = arith.constant 16 : index
      %swap3A_619 = tpu.vector_load %arg14[%swap3A_617, %swap3A_618] {strides = array<i32>} : memref<80x64xf32, #tpu.memory_space<vmem>>, vector<1x16xf32>,
      %swap3A_620 = vector.shape_cast %swap3A_619 : vector<1x16xf32> to vector<16xf32>
      %swap3A_621 = vector.shape_cast %mul3A_616 : vector<16xf32> to vector<1x16xf32>
      tpu.vector_store %arg14[%swap3A_617, %swap3A_618], %swap3A_621 {strides = array<i32>} : memref<80x64xf32, #tpu.memory_space<vmem>>, vector<1x16xf32>,
      %get3A_622 = arith.index_cast %add3A_599 : i32 to index
      %get3A_623 = arith.constant 32 : index
      %get3A_624 = tpu.vector_load %arg14[%get3A_622, %get3A_623] {strides = array<i32>} : memref<80x64xf32, #tpu.memory_space<vmem>>, vector<1x16xf32>,
      %get3A_625 = vector.shape_cast %get3A_624 : vector<1x16xf32> to vector<16xf32>
      %mul3A_626 = vector.broadcast %squeeze3A_595 : f32 to vector<16xf32>
      %mul3A_627 = arith.mulf %get3A_625, %mul3A_626 : vector<16xf32>
      %swap3A_628 = arith.index_cast %add3A_599 : i32 to index
      %swap3A_629 = arith.constant 32 : index
      %swap3A_630 = tpu.vector_load %arg14[%swap3A_628, %swap3A_629] {strides = array<i32>} : memref<80x64xf32, #tpu.memory_space<vmem>>, vector<1x16xf32>,
      %swap3A_631 = vector.shape_cast %swap3A_630 : vector<1x16xf32> to vector<16xf32>
      %swap3A_632 = vector.shape_cast %mul3A_627 : vector<16xf32> to vector<1x16xf32>
      tpu.vector_store %arg14[%swap3A_628, %swap3A_629], %swap3A_632 {strides = array<i32>} : memref<80x64xf32, #tpu.memory_space<vmem>>, vector<1x16xf32>,
      %get3A_633 = arith.index_cast %add3A_599 : i32 to index
      %get3A_634 = arith.constant 48 : index
      %get3A_635 = tpu.vector_load %arg14[%get3A_633, %get3A_634] {strides = array<i32>} : memref<80x64xf32, #tpu.memory_space<vmem>>, vector<1x16xf32>,
      %get3A_636 = vector.shape_cast %get3A_635 : vector<1x16xf32> to vector<16xf32>
      %mul3A_637 = vector.broadcast %squeeze3A_595 : f32 to vector<16xf32>
      %mul3A_638 = arith.mulf %get3A_636, %mul3A_637 : vector<16xf32>
      %swap3A_639 = arith.index_cast %add3A_599 : i32 to index
      %swap3A_640 = arith.constant 48 : index
      %swap3A_641 = tpu.vector_load %arg14[%swap3A_639, %swap3A_640] {strides = array<i32>} : memref<80x64xf32, #tpu.memory_space<vmem>>, vector<1x16xf32>,
      %swap3A_642 = vector.shape_cast %swap3A_641 : vector<1x16xf32> to vector<16xf32>
      %swap3A_643 = vector.shape_cast %mul3A_638 : vector<16xf32> to vector<1x16xf32>
      tpu.vector_store %arg14[%swap3A_639, %swap3A_640], %swap3A_643 {strides = array<i32>} : memref<80x64xf32, #tpu.memory_space<vmem>>, vector<1x16xf32>,
      %slice3A_644 = vector.extract_strided_slice %get3A_196 {offsets = [9], sizes = [1], strides = [1]} : vector<16xf32> to vector<1xf32>
      %squeeze3A_645 = vector.extract %slice3A_644[0] : f32 from vector<1xf32>
      %mul3A_646 = arith.constant 16 : i32
      %mul3A_647 = arith.muli %scan3A_189, %mul3A_646 : i32
      %add3A_648 = arith.constant 9 : i32
      %add3A_649 = arith.addi %mul3A_647, %add3A_648 : i32
      %get3A_650 = arith.index_cast %add3A_649 : i32 to index
      %get3A_651 = arith.constant 0 : index
      %get3A_652 = tpu.vector_load %arg14[%get3A_650, %get3A_651] {strides = array<i32>} : memref<80x64xf32, #tpu.memory_space<vmem>>, vector<1x16xf32>,
      %get3A_653 = vector.shape_cast %get3A_652 : vector<1x16xf32> to vector<16xf32>
      %mul3A_654 = vector.broadcast %squeeze3A_645 : f32 to vector<16xf32>
      %mul3A_655 = arith.mulf %get3A_653, %mul3A_654 : vector<16xf32>
      %swap3A_656 = arith.index_cast %add3A_649 : i32 to index
      %swap3A_657 = arith.constant 0 : index
      %swap3A_658 = tpu.vector_load %arg14[%swap3A_656, %swap3A_657] {strides = array<i32>} : memref<80x64xf32, #tpu.memory_space<vmem>>, vector<1x16xf32>,
      %swap3A_659 = vector.shape_cast %swap3A_658 : vector<1x16xf32> to vector<16xf32>
      %swap3A_660 = vector.shape_cast %mul3A_655 : vector<16xf32> to vector<1x16xf32>
      tpu.vector_store %arg14[%swap3A_656, %swap3A_657], %swap3A_660 {strides = array<i32>} : memref<80x64xf32, #tpu.memory_space<vmem>>, vector<1x16xf32>,
      %get3A_661 = arith.index_cast %add3A_649 : i32 to index
      %get3A_662 = arith.constant 16 : index
      %get3A_663 = tpu.vector_load %arg14[%get3A_661, %get3A_662] {strides = array<i32>} : memref<80x64xf32, #tpu.memory_space<vmem>>, vector<1x16xf32>,
      %get3A_664 = vector.shape_cast %get3A_663 : vector<1x16xf32> to vector<16xf32>
      %mul3A_665 = vector.broadcast %squeeze3A_645 : f32 to vector<16xf32>
      %mul3A_666 = arith.mulf %get3A_664, %mul3A_665 : vector<16xf32>
      %swap3A_667 = arith.index_cast %add3A_649 : i32 to index
      %swap3A_668 = arith.constant 16 : index
      %swap3A_669 = tpu.vector_load %arg14[%swap3A_667, %swap3A_668] {strides = array<i32>} : memref<80x64xf32, #tpu.memory_space<vmem>>, vector<1x16xf32>,
      %swap3A_670 = vector.shape_cast %swap3A_669 : vector<1x16xf32> to vector<16xf32>
      %swap3A_671 = vector.shape_cast %mul3A_666 : vector<16xf32> to vector<1x16xf32>
      tpu.vector_store %arg14[%swap3A_667, %swap3A_668], %swap3A_671 {strides = array<i32>} : memref<80x64xf32, #tpu.memory_space<vmem>>, vector<1x16xf32>,
      %get3A_672 = arith.index_cast %add3A_649 : i32 to index
      %get3A_673 = arith.constant 32 : index
      %get3A_674 = tpu.vector_load %arg14[%get3A_672, %get3A_673] {strides = array<i32>} : memref<80x64xf32, #tpu.memory_space<vmem>>, vector<1x16xf32>,
      %get3A_675 = vector.shape_cast %get3A_674 : vector<1x16xf32> to vector<16xf32>
      %mul3A_676 = vector.broadcast %squeeze3A_645 : f32 to vector<16xf32>
      %mul3A_677 = arith.mulf %get3A_675, %mul3A_676 : vector<16xf32>
      %swap3A_678 = arith.index_cast %add3A_649 : i32 to index
      %swap3A_679 = arith.constant 32 : index
      %swap3A_680 = tpu.vector_load %arg14[%swap3A_678, %swap3A_679] {strides = array<i32>} : memref<80x64xf32, #tpu.memory_space<vmem>>, vector<1x16xf32>,
      %swap3A_681 = vector.shape_cast %swap3A_680 : vector<1x16xf32> to vector<16xf32>
      %swap3A_682 = vector.shape_cast %mul3A_677 : vector<16xf32> to vector<1x16xf32>
      tpu.vector_store %arg14[%swap3A_678, %swap3A_679], %swap3A_682 {strides = array<i32>} : memref<80x64xf32, #tpu.memory_space<vmem>>, vector<1x16xf32>,
      %get3A_683 = arith.index_cast %add3A_649 : i32 to index
      %get3A_684 = arith.constant 48 : index
      %get3A_685 = tpu.vector_load %arg14[%get3A_683, %get3A_684] {strides = array<i32>} : memref<80x64xf32, #tpu.memory_space<vmem>>, vector<1x16xf32>,
      %get3A_686 = vector.shape_cast %get3A_685 : vector<1x16xf32> to vector<16xf32>
      %mul3A_687 = vector.broadcast %squeeze3A_645 : f32 to vector<16xf32>
      %mul3A_688 = arith.mulf %get3A_686, %mul3A_687 : vector<16xf32>
      %swap3A_689 = arith.index_cast %add3A_649 : i32 to index
      %swap3A_690 = arith.constant 48 : index
      %swap3A_691 = tpu.vector_load %arg14[%swap3A_689, %swap3A_690] {strides = array<i32>} : memref<80x64xf32, #tpu.memory_space<vmem>>, vector<1x16xf32>,
      %swap3A_692 = vector.shape_cast %swap3A_691 : vector<1x16xf32> to vector<16xf32>
      %swap3A_693 = vector.shape_cast %mul3A_688 : vector<16xf32> to vector<1x16xf32>
      tpu.vector_store %arg14[%swap3A_689, %swap3A_690], %swap3A_693 {strides = array<i32>} : memref<80x64xf32, #tpu.memory_space<vmem>>, vector<1x16xf32>,
      %slice3A_694 = vector.extract_strided_slice %get3A_196 {offsets = [10], sizes = [1], strides = [1]} : vector<16xf32> to vector<1xf32>
      %squeeze3A_695 = vector.extract %slice3A_694[0] : f32 from vector<1xf32>
      %mul3A_696 = arith.constant 16 : i32
      %mul3A_697 = arith.muli %scan3A_189, %mul3A_696 : i32
      %add3A_698 = arith.constant 10 : i32
      %add3A_699 = arith.addi %mul3A_697, %add3A_698 : i32
      %get3A_700 = arith.index_cast %add3A_699 : i32 to index
      %get3A_701 = arith.constant 0 : index
      %get3A_702 = tpu.vector_load %arg14[%get3A_700, %get3A_701] {strides = array<i32>} : memref<80x64xf32, #tpu.memory_space<vmem>>, vector<1x16xf32>,
      %get3A_703 = vector.shape_cast %get3A_702 : vector<1x16xf32> to vector<16xf32>
      %mul3A_704 = vector.broadcast %squeeze3A_695 : f32 to vector<16xf32>
      %mul3A_705 = arith.mulf %get3A_703, %mul3A_704 : vector<16xf32>
      %swap3A_706 = arith.index_cast %add3A_699 : i32 to index
      %swap3A_707 = arith.constant 0 : index
      %swap3A_708 = tpu.vector_load %arg14[%swap3A_706, %swap3A_707] {strides = array<i32>} : memref<80x64xf32, #tpu.memory_space<vmem>>, vector<1x16xf32>,
      %swap3A_709 = vector.shape_cast %swap3A_708 : vector<1x16xf32> to vector<16xf32>
      %swap3A_710 = vector.shape_cast %mul3A_705 : vector<16xf32> to vector<1x16xf32>
      tpu.vector_store %arg14[%swap3A_706, %swap3A_707], %swap3A_710 {strides = array<i32>} : memref<80x64xf32, #tpu.memory_space<vmem>>, vector<1x16xf32>,
      %get3A_711 = arith.index_cast %add3A_699 : i32 to index
      %get3A_712 = arith.constant 16 : index
      %get3A_713 = tpu.vector_load %arg14[%get3A_711, %get3A_712] {strides = array<i32>} : memref<80x64xf32, #tpu.memory_space<vmem>>, vector<1x16xf32>,
      %get3A_714 = vector.shape_cast %get3A_713 : vector<1x16xf32> to vector<16xf32>
      %mul3A_715 = vector.broadcast %squeeze3A_695 : f32 to vector<16xf32>
      %mul3A_716 = arith.mulf %get3A_714, %mul3A_715 : vector<16xf32>
      %swap3A_717 = arith.index_cast %add3A_699 : i32 to index
      %swap3A_718 = arith.constant 16 : index
      %swap3A_719 = tpu.vector_load %arg14[%swap3A_717, %swap3A_718] {strides = array<i32>} : memref<80x64xf32, #tpu.memory_space<vmem>>, vector<1x16xf32>,
      %swap3A_720 = vector.shape_cast %swap3A_719 : vector<1x16xf32> to vector<16xf32>
      %swap3A_721 = vector.shape_cast %mul3A_716 : vector<16xf32> to vector<1x16xf32>
      tpu.vector_store %arg14[%swap3A_717, %swap3A_718], %swap3A_721 {strides = array<i32>} : memref<80x64xf32, #tpu.memory_space<vmem>>, vector<1x16xf32>,
      %get3A_722 = arith.index_cast %add3A_699 : i32 to index
      %get3A_723 = arith.constant 32 : index
      %get3A_724 = tpu.vector_load %arg14[%get3A_722, %get3A_723] {strides = array<i32>} : memref<80x64xf32, #tpu.memory_space<vmem>>, vector<1x16xf32>,
      %get3A_725 = vector.shape_cast %get3A_724 : vector<1x16xf32> to vector<16xf32>
      %mul3A_726 = vector.broadcast %squeeze3A_695 : f32 to vector<16xf32>
      %mul3A_727 = arith.mulf %get3A_725, %mul3A_726 : vector<16xf32>
      %swap3A_728 = arith.index_cast %add3A_699 : i32 to index
      %swap3A_729 = arith.constant 32 : index
      %swap3A_730 = tpu.vector_load %arg14[%swap3A_728, %swap3A_729] {strides = array<i32>} : memref<80x64xf32, #tpu.memory_space<vmem>>, vector<1x16xf32>,
      %swap3A_731 = vector.shape_cast %swap3A_730 : vector<1x16xf32> to vector<16xf32>
      %swap3A_732 = vector.shape_cast %mul3A_727 : vector<16xf32> to vector<1x16xf32>
      tpu.vector_store %arg14[%swap3A_728, %swap3A_729], %swap3A_732 {strides = array<i32>} : memref<80x64xf32, #tpu.memory_space<vmem>>, vector<1x16xf32>,
      %get3A_733 = arith.index_cast %add3A_699 : i32 to index
      %get3A_734 = arith.constant 48 : index
      %get3A_735 = tpu.vector_load %arg14[%get3A_733, %get3A_734] {strides = array<i32>} : memref<80x64xf32, #tpu.memory_space<vmem>>, vector<1x16xf32>,
      %get3A_736 = vector.shape_cast %get3A_735 : vector<1x16xf32> to vector<16xf32>
      %mul3A_737 = vector.broadcast %squeeze3A_695 : f32 to vector<16xf32>
      %mul3A_738 = arith.mulf %get3A_736, %mul3A_737 : vector<16xf32>
      %swap3A_739 = arith.index_cast %add3A_699 : i32 to index
      %swap3A_740 = arith.constant 48 : index
      %swap3A_741 = tpu.vector_load %arg14[%swap3A_739, %swap3A_740] {strides = array<i32>} : memref<80x64xf32, #tpu.memory_space<vmem>>, vector<1x16xf32>,
      %swap3A_742 = vector.shape_cast %swap3A_741 : vector<1x16xf32> to vector<16xf32>
      %swap3A_743 = vector.shape_cast %mul3A_738 : vector<16xf32> to vector<1x16xf32>
      tpu.vector_store %arg14[%swap3A_739, %swap3A_740], %swap3A_743 {strides = array<i32>} : memref<80x64xf32, #tpu.memory_space<vmem>>, vector<1x16xf32>,
      %slice3A_744 = vector.extract_strided_slice %get3A_196 {offsets = [11], sizes = [1], strides = [1]} : vector<16xf32> to vector<1xf32>
      %squeeze3A_745 = vector.extract %slice3A_744[0] : f32 from vector<1xf32>
      %mul3A_746 = arith.constant 16 : i32
      %mul3A_747 = arith.muli %scan3A_189, %mul3A_746 : i32
      %add3A_748 = arith.constant 11 : i32
      %add3A_749 = arith.addi %mul3A_747, %add3A_748 : i32
      %get3A_750 = arith.index_cast %add3A_749 : i32 to index
      %get3A_751 = arith.constant 0 : index
      %get3A_752 = tpu.vector_load %arg14[%get3A_750, %get3A_751] {strides = array<i32>} : memref<80x64xf32, #tpu.memory_space<vmem>>, vector<1x16xf32>,
      %get3A_753 = vector.shape_cast %get3A_752 : vector<1x16xf32> to vector<16xf32>
      %mul3A_754 = vector.broadcast %squeeze3A_745 : f32 to vector<16xf32>
      %mul3A_755 = arith.mulf %get3A_753, %mul3A_754 : vector<16xf32>
      %swap3A_756 = arith.index_cast %add3A_749 : i32 to index
      %swap3A_757 = arith.constant 0 : index
      %swap3A_758 = tpu.vector_load %arg14[%swap3A_756, %swap3A_757] {strides = array<i32>} : memref<80x64xf32, #tpu.memory_space<vmem>>, vector<1x16xf32>,
      %swap3A_759 = vector.shape_cast %swap3A_758 : vector<1x16xf32> to vector<16xf32>
      %swap3A_760 = vector.shape_cast %mul3A_755 : vector<16xf32> to vector<1x16xf32>
      tpu.vector_store %arg14[%swap3A_756, %swap3A_757], %swap3A_760 {strides = array<i32>} : memref<80x64xf32, #tpu.memory_space<vmem>>, vector<1x16xf32>,
      %get3A_761 = arith.index_cast %add3A_749 : i32 to index
      %get3A_762 = arith.constant 16 : index
      %get3A_763 = tpu.vector_load %arg14[%get3A_761, %get3A_762] {strides = array<i32>} : memref<80x64xf32, #tpu.memory_space<vmem>>, vector<1x16xf32>,
      %get3A_764 = vector.shape_cast %get3A_763 : vector<1x16xf32> to vector<16xf32>
      %mul3A_765 = vector.broadcast %squeeze3A_745 : f32 to vector<16xf32>
      %mul3A_766 = arith.mulf %get3A_764, %mul3A_765 : vector<16xf32>
      %swap3A_767 = arith.index_cast %add3A_749 : i32 to index
      %swap3A_768 = arith.constant 16 : index
      %swap3A_769 = tpu.vector_load %arg14[%swap3A_767, %swap3A_768] {strides = array<i32>} : memref<80x64xf32, #tpu.memory_space<vmem>>, vector<1x16xf32>,
      %swap3A_770 = vector.shape_cast %swap3A_769 : vector<1x16xf32> to vector<16xf32>
      %swap3A_771 = vector.shape_cast %mul3A_766 : vector<16xf32> to vector<1x16xf32>
      tpu.vector_store %arg14[%swap3A_767, %swap3A_768], %swap3A_771 {strides = array<i32>} : memref<80x64xf32, #tpu.memory_space<vmem>>, vector<1x16xf32>,
      %get3A_772 = arith.index_cast %add3A_749 : i32 to index
      %get3A_773 = arith.constant 32 : index
      %get3A_774 = tpu.vector_load %arg14[%get3A_772, %get3A_773] {strides = array<i32>} : memref<80x64xf32, #tpu.memory_space<vmem>>, vector<1x16xf32>,
      %get3A_775 = vector.shape_cast %get3A_774 : vector<1x16xf32> to vector<16xf32>
      %mul3A_776 = vector.broadcast %squeeze3A_745 : f32 to vector<16xf32>
      %mul3A_777 = arith.mulf %get3A_775, %mul3A_776 : vector<16xf32>
      %swap3A_778 = arith.index_cast %add3A_749 : i32 to index
      %swap3A_779 = arith.constant 32 : index
      %swap3A_780 = tpu.vector_load %arg14[%swap3A_778, %swap3A_779] {strides = array<i32>} : memref<80x64xf32, #tpu.memory_space<vmem>>, vector<1x16xf32>,
      %swap3A_781 = vector.shape_cast %swap3A_780 : vector<1x16xf32> to vector<16xf32>
      %swap3A_782 = vector.shape_cast %mul3A_777 : vector<16xf32> to vector<1x16xf32>
      tpu.vector_store %arg14[%swap3A_778, %swap3A_779], %swap3A_782 {strides = array<i32>} : memref<80x64xf32, #tpu.memory_space<vmem>>, vector<1x16xf32>,
      %get3A_783 = arith.index_cast %add3A_749 : i32 to index
      %get3A_784 = arith.constant 48 : index
      %get3A_785 = tpu.vector_load %arg14[%get3A_783, %get3A_784] {strides = array<i32>} : memref<80x64xf32, #tpu.memory_space<vmem>>, vector<1x16xf32>,
      %get3A_786 = vector.shape_cast %get3A_785 : vector<1x16xf32> to vector<16xf32>
      %mul3A_787 = vector.broadcast %squeeze3A_745 : f32 to vector<16xf32>
      %mul3A_788 = arith.mulf %get3A_786, %mul3A_787 : vector<16xf32>
      %swap3A_789 = arith.index_cast %add3A_749 : i32 to index
      %swap3A_790 = arith.constant 48 : index
      %swap3A_791 = tpu.vector_load %arg14[%swap3A_789, %swap3A_790] {strides = array<i32>} : memref<80x64xf32, #tpu.memory_space<vmem>>, vector<1x16xf32>,
      %swap3A_792 = vector.shape_cast %swap3A_791 : vector<1x16xf32> to vector<16xf32>
      %swap3A_793 = vector.shape_cast %mul3A_788 : vector<16xf32> to vector<1x16xf32>
      tpu.vector_store %arg14[%swap3A_789, %swap3A_790], %swap3A_793 {strides = array<i32>} : memref<80x64xf32, #tpu.memory_space<vmem>>, vector<1x16xf32>,
      %slice3A_794 = vector.extract_strided_slice %get3A_196 {offsets = [12], sizes = [1], strides = [1]} : vector<16xf32> to vector<1xf32>
      %squeeze3A_795 = vector.extract %slice3A_794[0] : f32 from vector<1xf32>
      %mul3A_796 = arith.constant 16 : i32
      %mul3A_797 = arith.muli %scan3A_189, %mul3A_796 : i32
      %add3A_798 = arith.constant 12 : i32
      %add3A_799 = arith.addi %mul3A_797, %add3A_798 : i32
      %get3A_800 = arith.index_cast %add3A_799 : i32 to index
      %get3A_801 = arith.constant 0 : index
      %get3A_802 = tpu.vector_load %arg14[%get3A_800, %get3A_801] {strides = array<i32>} : memref<80x64xf32, #tpu.memory_space<vmem>>, vector<1x16xf32>,
      %get3A_803 = vector.shape_cast %get3A_802 : vector<1x16xf32> to vector<16xf32>
      %mul3A_804 = vector.broadcast %squeeze3A_795 : f32 to vector<16xf32>
      %mul3A_805 = arith.mulf %get3A_803, %mul3A_804 : vector<16xf32>
      %swap3A_806 = arith.index_cast %add3A_799 : i32 to index
      %swap3A_807 = arith.constant 0 : index
      %swap3A_808 = tpu.vector_load %arg14[%swap3A_806, %swap3A_807] {strides = array<i32>} : memref<80x64xf32, #tpu.memory_space<vmem>>, vector<1x16xf32>,
      %swap3A_809 = vector.shape_cast %swap3A_808 : vector<1x16xf32> to vector<16xf32>
      %swap3A_810 = vector.shape_cast %mul3A_805 : vector<16xf32> to vector<1x16xf32>
      tpu.vector_store %arg14[%swap3A_806, %swap3A_807], %swap3A_810 {strides = array<i32>} : memref<80x64xf32, #tpu.memory_space<vmem>>, vector<1x16xf32>,
      %get3A_811 = arith.index_cast %add3A_799 : i32 to index
      %get3A_812 = arith.constant 16 : index
      %get3A_813 = tpu.vector_load %arg14[%get3A_811, %get3A_812] {strides = array<i32>} : memref<80x64xf32, #tpu.memory_space<vmem>>, vector<1x16xf32>,
      %get3A_814 = vector.shape_cast %get3A_813 : vector<1x16xf32> to vector<16xf32>
      %mul3A_815 = vector.broadcast %squeeze3A_795 : f32 to vector<16xf32>
      %mul3A_816 = arith.mulf %get3A_814, %mul3A_815 : vector<16xf32>
      %swap3A_817 = arith.index_cast %add3A_799 : i32 to index
      %swap3A_818 = arith.constant 16 : index
      %swap3A_819 = tpu.vector_load %arg14[%swap3A_817, %swap3A_818] {strides = array<i32>} : memref<80x64xf32, #tpu.memory_space<vmem>>, vector<1x16xf32>,
      %swap3A_820 = vector.shape_cast %swap3A_819 : vector<1x16xf32> to vector<16xf32>
      %swap3A_821 = vector.shape_cast %mul3A_816 : vector<16xf32> to vector<1x16xf32>
      tpu.vector_store %arg14[%swap3A_817, %swap3A_818], %swap3A_821 {strides = array<i32>} : memref<80x64xf32, #tpu.memory_space<vmem>>, vector<1x16xf32>,
      %get3A_822 = arith.index_cast %add3A_799 : i32 to index
      %get3A_823 = arith.constant 32 : index
      %get3A_824 = tpu.vector_load %arg14[%get3A_822, %get3A_823] {strides = array<i32>} : memref<80x64xf32, #tpu.memory_space<vmem>>, vector<1x16xf32>,
      %get3A_825 = vector.shape_cast %get3A_824 : vector<1x16xf32> to vector<16xf32>
      %mul3A_826 = vector.broadcast %squeeze3A_795 : f32 to vector<16xf32>
      %mul3A_827 = arith.mulf %get3A_825, %mul3A_826 : vector<16xf32>
      %swap3A_828 = arith.index_cast %add3A_799 : i32 to index
      %swap3A_829 = arith.constant 32 : index
      %swap3A_830 = tpu.vector_load %arg14[%swap3A_828, %swap3A_829] {strides = array<i32>} : memref<80x64xf32, #tpu.memory_space<vmem>>, vector<1x16xf32>,
      %swap3A_831 = vector.shape_cast %swap3A_830 : vector<1x16xf32> to vector<16xf32>
      %swap3A_832 = vector.shape_cast %mul3A_827 : vector<16xf32> to vector<1x16xf32>
      tpu.vector_store %arg14[%swap3A_828, %swap3A_829], %swap3A_832 {strides = array<i32>} : memref<80x64xf32, #tpu.memory_space<vmem>>, vector<1x16xf32>,
      %get3A_833 = arith.index_cast %add3A_799 : i32 to index
      %get3A_834 = arith.constant 48 : index
      %get3A_835 = tpu.vector_load %arg14[%get3A_833, %get3A_834] {strides = array<i32>} : memref<80x64xf32, #tpu.memory_space<vmem>>, vector<1x16xf32>,
      %get3A_836 = vector.shape_cast %get3A_835 : vector<1x16xf32> to vector<16xf32>
      %mul3A_837 = vector.broadcast %squeeze3A_795 : f32 to vector<16xf32>
      %mul3A_838 = arith.mulf %get3A_836, %mul3A_837 : vector<16xf32>
      %swap3A_839 = arith.index_cast %add3A_799 : i32 to index
      %swap3A_840 = arith.constant 48 : index
      %swap3A_841 = tpu.vector_load %arg14[%swap3A_839, %swap3A_840] {strides = array<i32>} : memref<80x64xf32, #tpu.memory_space<vmem>>, vector<1x16xf32>,
      %swap3A_842 = vector.shape_cast %swap3A_841 : vector<1x16xf32> to vector<16xf32>
      %swap3A_843 = vector.shape_cast %mul3A_838 : vector<16xf32> to vector<1x16xf32>
      tpu.vector_store %arg14[%swap3A_839, %swap3A_840], %swap3A_843 {strides = array<i32>} : memref<80x64xf32, #tpu.memory_space<vmem>>, vector<1x16xf32>,
      %slice3A_844 = vector.extract_strided_slice %get3A_196 {offsets = [13], sizes = [1], strides = [1]} : vector<16xf32> to vector<1xf32>
      %squeeze3A_845 = vector.extract %slice3A_844[0] : f32 from vector<1xf32>
      %mul3A_846 = arith.constant 16 : i32
      %mul3A_847 = arith.muli %scan3A_189, %mul3A_846 : i32
      %add3A_848 = arith.constant 13 : i32
      %add3A_849 = arith.addi %mul3A_847, %add3A_848 : i32
      %get3A_850 = arith.index_cast %add3A_849 : i32 to index
      %get3A_851 = arith.constant 0 : index
      %get3A_852 = tpu.vector_load %arg14[%get3A_850, %get3A_851] {strides = array<i32>} : memref<80x64xf32, #tpu.memory_space<vmem>>, vector<1x16xf32>,
      %get3A_853 = vector.shape_cast %get3A_852 : vector<1x16xf32> to vector<16xf32>
      %mul3A_854 = vector.broadcast %squeeze3A_845 : f32 to vector<16xf32>
      %mul3A_855 = arith.mulf %get3A_853, %mul3A_854 : vector<16xf32>
      %swap3A_856 = arith.index_cast %add3A_849 : i32 to index
      %swap3A_857 = arith.constant 0 : index
      %swap3A_858 = tpu.vector_load %arg14[%swap3A_856, %swap3A_857] {strides = array<i32>} : memref<80x64xf32, #tpu.memory_space<vmem>>, vector<1x16xf32>,
      %swap3A_859 = vector.shape_cast %swap3A_858 : vector<1x16xf32> to vector<16xf32>
      %swap3A_860 = vector.shape_cast %mul3A_855 : vector<16xf32> to vector<1x16xf32>
      tpu.vector_store %arg14[%swap3A_856, %swap3A_857], %swap3A_860 {strides = array<i32>} : memref<80x64xf32, #tpu.memory_space<vmem>>, vector<1x16xf32>,
      %get3A_861 = arith.index_cast %add3A_849 : i32 to index
      %get3A_862 = arith.constant 16 : index
      %get3A_863 = tpu.vector_load %arg14[%get3A_861, %get3A_862] {strides = array<i32>} : memref<80x64xf32, #tpu.memory_space<vmem>>, vector<1x16xf32>,
      %get3A_864 = vector.shape_cast %get3A_863 : vector<1x16xf32> to vector<16xf32>
      %mul3A_865 = vector.broadcast %squeeze3A_845 : f32 to vector<16xf32>
      %mul3A_866 = arith.mulf %get3A_864, %mul3A_865 : vector<16xf32>
      %swap3A_867 = arith.index_cast %add3A_849 : i32 to index
      %swap3A_868 = arith.constant 16 : index
      %swap3A_869 = tpu.vector_load %arg14[%swap3A_867, %swap3A_868] {strides = array<i32>} : memref<80x64xf32, #tpu.memory_space<vmem>>, vector<1x16xf32>,
      %swap3A_870 = vector.shape_cast %swap3A_869 : vector<1x16xf32> to vector<16xf32>
      %swap3A_871 = vector.shape_cast %mul3A_866 : vector<16xf32> to vector<1x16xf32>
      tpu.vector_store %arg14[%swap3A_867, %swap3A_868], %swap3A_871 {strides = array<i32>} : memref<80x64xf32, #tpu.memory_space<vmem>>, vector<1x16xf32>,
      %get3A_872 = arith.index_cast %add3A_849 : i32 to index
      %get3A_873 = arith.constant 32 : index
      %get3A_874 = tpu.vector_load %arg14[%get3A_872, %get3A_873] {strides = array<i32>} : memref<80x64xf32, #tpu.memory_space<vmem>>, vector<1x16xf32>,
      %get3A_875 = vector.shape_cast %get3A_874 : vector<1x16xf32> to vector<16xf32>
      %mul3A_876 = vector.broadcast %squeeze3A_845 : f32 to vector<16xf32>
      %mul3A_877 = arith.mulf %get3A_875, %mul3A_876 : vector<16xf32>
      %swap3A_878 = arith.index_cast %add3A_849 : i32 to index
      %swap3A_879 = arith.constant 32 : index
      %swap3A_880 = tpu.vector_load %arg14[%swap3A_878, %swap3A_879] {strides = array<i32>} : memref<80x64xf32, #tpu.memory_space<vmem>>, vector<1x16xf32>,
      %swap3A_881 = vector.shape_cast %swap3A_880 : vector<1x16xf32> to vector<16xf32>
      %swap3A_882 = vector.shape_cast %mul3A_877 : vector<16xf32> to vector<1x16xf32>
      tpu.vector_store %arg14[%swap3A_878, %swap3A_879], %swap3A_882 {strides = array<i32>} : memref<80x64xf32, #tpu.memory_space<vmem>>, vector<1x16xf32>,
      %get3A_883 = arith.index_cast %add3A_849 : i32 to index
      %get3A_884 = arith.constant 48 : index
      %get3A_885 = tpu.vector_load %arg14[%get3A_883, %get3A_884] {strides = array<i32>} : memref<80x64xf32, #tpu.memory_space<vmem>>, vector<1x16xf32>,
      %get3A_886 = vector.shape_cast %get3A_885 : vector<1x16xf32> to vector<16xf32>
      %mul3A_887 = vector.broadcast %squeeze3A_845 : f32 to vector<16xf32>
      %mul3A_888 = arith.mulf %get3A_886, %mul3A_887 : vector<16xf32>
      %swap3A_889 = arith.index_cast %add3A_849 : i32 to index
      %swap3A_890 = arith.constant 48 : index
      %swap3A_891 = tpu.vector_load %arg14[%swap3A_889, %swap3A_890] {strides = array<i32>} : memref<80x64xf32, #tpu.memory_space<vmem>>, vector<1x16xf32>,
      %swap3A_892 = vector.shape_cast %swap3A_891 : vector<1x16xf32> to vector<16xf32>
      %swap3A_893 = vector.shape_cast %mul3A_888 : vector<16xf32> to vector<1x16xf32>
      tpu.vector_store %arg14[%swap3A_889, %swap3A_890], %swap3A_893 {strides = array<i32>} : memref<80x64xf32, #tpu.memory_space<vmem>>, vector<1x16xf32>,
      %slice3A_894 = vector.extract_strided_slice %get3A_196 {offsets = [14], sizes = [1], strides = [1]} : vector<16xf32> to vector<1xf32>
      %squeeze3A_895 = vector.extract %slice3A_894[0] : f32 from vector<1xf32>
      %mul3A_896 = arith.constant 16 : i32
      %mul3A_897 = arith.muli %scan3A_189, %mul3A_896 : i32
      %add3A_898 = arith.constant 14 : i32
      %add3A_899 = arith.addi %mul3A_897, %add3A_898 : i32
      %get3A_900 = arith.index_cast %add3A_899 : i32 to index
      %get3A_901 = arith.constant 0 : index
      %get3A_902 = tpu.vector_load %arg14[%get3A_900, %get3A_901] {strides = array<i32>} : memref<80x64xf32, #tpu.memory_space<vmem>>, vector<1x16xf32>,
      %get3A_903 = vector.shape_cast %get3A_902 : vector<1x16xf32> to vector<16xf32>
      %mul3A_904 = vector.broadcast %squeeze3A_895 : f32 to vector<16xf32>
      %mul3A_905 = arith.mulf %get3A_903, %mul3A_904 : vector<16xf32>
      %swap3A_906 = arith.index_cast %add3A_899 : i32 to index
      %swap3A_907 = arith.constant 0 : index
      %swap3A_908 = tpu.vector_load %arg14[%swap3A_906, %swap3A_907] {strides = array<i32>} : memref<80x64xf32, #tpu.memory_space<vmem>>, vector<1x16xf32>,
      %swap3A_909 = vector.shape_cast %swap3A_908 : vector<1x16xf32> to vector<16xf32>
      %swap3A_910 = vector.shape_cast %mul3A_905 : vector<16xf32> to vector<1x16xf32>
      tpu.vector_store %arg14[%swap3A_906, %swap3A_907], %swap3A_910 {strides = array<i32>} : memref<80x64xf32, #tpu.memory_space<vmem>>, vector<1x16xf32>,
      %get3A_911 = arith.index_cast %add3A_899 : i32 to index
      %get3A_912 = arith.constant 16 : index
      %get3A_913 = tpu.vector_load %arg14[%get3A_911, %get3A_912] {strides = array<i32>} : memref<80x64xf32, #tpu.memory_space<vmem>>, vector<1x16xf32>,
      %get3A_914 = vector.shape_cast %get3A_913 : vector<1x16xf32> to vector<16xf32>
      %mul3A_915 = vector.broadcast %squeeze3A_895 : f32 to vector<16xf32>
      %mul3A_916 = arith.mulf %get3A_914, %mul3A_915 : vector<16xf32>
      %swap3A_917 = arith.index_cast %add3A_899 : i32 to index
      %swap3A_918 = arith.constant 16 : index
      %swap3A_919 = tpu.vector_load %arg14[%swap3A_917, %swap3A_918] {strides = array<i32>} : memref<80x64xf32, #tpu.memory_space<vmem>>, vector<1x16xf32>,
      %swap3A_920 = vector.shape_cast %swap3A_919 : vector<1x16xf32> to vector<16xf32>
      %swap3A_921 = vector.shape_cast %mul3A_916 : vector<16xf32> to vector<1x16xf32>
      tpu.vector_store %arg14[%swap3A_917, %swap3A_918], %swap3A_921 {strides = array<i32>} : memref<80x64xf32, #tpu.memory_space<vmem>>, vector<1x16xf32>,
      %get3A_922 = arith.index_cast %add3A_899 : i32 to index
      %get3A_923 = arith.constant 32 : index
      %get3A_924 = tpu.vector_load %arg14[%get3A_922, %get3A_923] {strides = array<i32>} : memref<80x64xf32, #tpu.memory_space<vmem>>, vector<1x16xf32>,
      %get3A_925 = vector.shape_cast %get3A_924 : vector<1x16xf32> to vector<16xf32>
      %mul3A_926 = vector.broadcast %squeeze3A_895 : f32 to vector<16xf32>
      %mul3A_927 = arith.mulf %get3A_925, %mul3A_926 : vector<16xf32>
      %swap3A_928 = arith.index_cast %add3A_899 : i32 to index
      %swap3A_929 = arith.constant 32 : index
      %swap3A_930 = tpu.vector_load %arg14[%swap3A_928, %swap3A_929] {strides = array<i32>} : memref<80x64xf32, #tpu.memory_space<vmem>>, vector<1x16xf32>,
      %swap3A_931 = vector.shape_cast %swap3A_930 : vector<1x16xf32> to vector<16xf32>
      %swap3A_932 = vector.shape_cast %mul3A_927 : vector<16xf32> to vector<1x16xf32>
      tpu.vector_store %arg14[%swap3A_928, %swap3A_929], %swap3A_932 {strides = array<i32>} : memref<80x64xf32, #tpu.memory_space<vmem>>, vector<1x16xf32>,
      %get3A_933 = arith.index_cast %add3A_899 : i32 to index
      %get3A_934 = arith.constant 48 : index
      %get3A_935 = tpu.vector_load %arg14[%get3A_933, %get3A_934] {strides = array<i32>} : memref<80x64xf32, #tpu.memory_space<vmem>>, vector<1x16xf32>,
      %get3A_936 = vector.shape_cast %get3A_935 : vector<1x16xf32> to vector<16xf32>
      %mul3A_937 = vector.broadcast %squeeze3A_895 : f32 to vector<16xf32>
      %mul3A_938 = arith.mulf %get3A_936, %mul3A_937 : vector<16xf32>
      %swap3A_939 = arith.index_cast %add3A_899 : i32 to index
      %swap3A_940 = arith.constant 48 : index
      %swap3A_941 = tpu.vector_load %arg14[%swap3A_939, %swap3A_940] {strides = array<i32>} : memref<80x64xf32, #tpu.memory_space<vmem>>, vector<1x16xf32>,
      %swap3A_942 = vector.shape_cast %swap3A_941 : vector<1x16xf32> to vector<16xf32>
      %swap3A_943 = vector.shape_cast %mul3A_938 : vector<16xf32> to vector<1x16xf32>
      tpu.vector_store %arg14[%swap3A_939, %swap3A_940], %swap3A_943 {strides = array<i32>} : memref<80x64xf32, #tpu.memory_space<vmem>>, vector<1x16xf32>,
      %slice3A_944 = vector.extract_strided_slice %get3A_196 {offsets = [15], sizes = [1], strides = [1]} : vector<16xf32> to vector<1xf32>
      %squeeze3A_945 = vector.extract %slice3A_944[0] : f32 from vector<1xf32>
      %mul3A_946 = arith.constant 16 : i32
      %mul3A_947 = arith.muli %scan3A_189, %mul3A_946 : i32
      %add3A_948 = arith.constant 15 : i32
      %add3A_949 = arith.addi %mul3A_947, %add3A_948 : i32
      %get3A_950 = arith.index_cast %add3A_949 : i32 to index
      %get3A_951 = arith.constant 0 : index
      %get3A_952 = tpu.vector_load %arg14[%get3A_950, %get3A_951] {strides = array<i32>} : memref<80x64xf32, #tpu.memory_space<vmem>>, vector<1x16xf32>,
      %get3A_953 = vector.shape_cast %get3A_952 : vector<1x16xf32> to vector<16xf32>
      %mul3A_954 = vector.broadcast %squeeze3A_945 : f32 to vector<16xf32>
      %mul3A_955 = arith.mulf %get3A_953, %mul3A_954 : vector<16xf32>
      %swap3A_956 = arith.index_cast %add3A_949 : i32 to index
      %swap3A_957 = arith.constant 0 : index
      %swap3A_958 = tpu.vector_load %arg14[%swap3A_956, %swap3A_957] {strides = array<i32>} : memref<80x64xf32, #tpu.memory_space<vmem>>, vector<1x16xf32>,
      %swap3A_959 = vector.shape_cast %swap3A_958 : vector<1x16xf32> to vector<16xf32>
      %swap3A_960 = vector.shape_cast %mul3A_955 : vector<16xf32> to vector<1x16xf32>
      tpu.vector_store %arg14[%swap3A_956, %swap3A_957], %swap3A_960 {strides = array<i32>} : memref<80x64xf32, #tpu.memory_space<vmem>>, vector<1x16xf32>,
      %get3A_961 = arith.index_cast %add3A_949 : i32 to index
      %get3A_962 = arith.constant 16 : index
      %get3A_963 = tpu.vector_load %arg14[%get3A_961, %get3A_962] {strides = array<i32>} : memref<80x64xf32, #tpu.memory_space<vmem>>, vector<1x16xf32>,
      %get3A_964 = vector.shape_cast %get3A_963 : vector<1x16xf32> to vector<16xf32>
      %mul3A_965 = vector.broadcast %squeeze3A_945 : f32 to vector<16xf32>
      %mul3A_966 = arith.mulf %get3A_964, %mul3A_965 : vector<16xf32>
      %swap3A_967 = arith.index_cast %add3A_949 : i32 to index
      %swap3A_968 = arith.constant 16 : index
      %swap3A_969 = tpu.vector_load %arg14[%swap3A_967, %swap3A_968] {strides = array<i32>} : memref<80x64xf32, #tpu.memory_space<vmem>>, vector<1x16xf32>,
      %swap3A_970 = vector.shape_cast %swap3A_969 : vector<1x16xf32> to vector<16xf32>
      %swap3A_971 = vector.shape_cast %mul3A_966 : vector<16xf32> to vector<1x16xf32>
      tpu.vector_store %arg14[%swap3A_967, %swap3A_968], %swap3A_971 {strides = array<i32>} : memref<80x64xf32, #tpu.memory_space<vmem>>, vector<1x16xf32>,
      %get3A_972 = arith.index_cast %add3A_949 : i32 to index
      %get3A_973 = arith.constant 32 : index
      %get3A_974 = tpu.vector_load %arg14[%get3A_972, %get3A_973] {strides = array<i32>} : memref<80x64xf32, #tpu.memory_space<vmem>>, vector<1x16xf32>,
      %get3A_975 = vector.shape_cast %get3A_974 : vector<1x16xf32> to vector<16xf32>
      %mul3A_976 = vector.broadcast %squeeze3A_945 : f32 to vector<16xf32>
      %mul3A_977 = arith.mulf %get3A_975, %mul3A_976 : vector<16xf32>
      %swap3A_978 = arith.index_cast %add3A_949 : i32 to index
      %swap3A_979 = arith.constant 32 : index
      %swap3A_980 = tpu.vector_load %arg14[%swap3A_978, %swap3A_979] {strides = array<i32>} : memref<80x64xf32, #tpu.memory_space<vmem>>, vector<1x16xf32>,
      %swap3A_981 = vector.shape_cast %swap3A_980 : vector<1x16xf32> to vector<16xf32>
      %swap3A_982 = vector.shape_cast %mul3A_977 : vector<16xf32> to vector<1x16xf32>
      tpu.vector_store %arg14[%swap3A_978, %swap3A_979], %swap3A_982 {strides = array<i32>} : memref<80x64xf32, #tpu.memory_space<vmem>>, vector<1x16xf32>,
      %get3A_983 = arith.index_cast %add3A_949 : i32 to index
      %get3A_984 = arith.constant 48 : index
      %get3A_985 = tpu.vector_load %arg14[%get3A_983, %get3A_984] {strides = array<i32>} : memref<80x64xf32, #tpu.memory_space<vmem>>, vector<1x16xf32>,
      %get3A_986 = vector.shape_cast %get3A_985 : vector<1x16xf32> to vector<16xf32>
      %mul3A_987 = vector.broadcast %squeeze3A_945 : f32 to vector<16xf32>
      %mul3A_988 = arith.mulf %get3A_986, %mul3A_987 : vector<16xf32>
      %swap3A_989 = arith.index_cast %add3A_949 : i32 to index
      %swap3A_990 = arith.constant 48 : index
      %swap3A_991 = tpu.vector_load %arg14[%swap3A_989, %swap3A_990] {strides = array<i32>} : memref<80x64xf32, #tpu.memory_space<vmem>>, vector<1x16xf32>,
      %swap3A_992 = vector.shape_cast %swap3A_991 : vector<1x16xf32> to vector<16xf32>
      %swap3A_993 = vector.shape_cast %mul3A_988 : vector<16xf32> to vector<1x16xf32>
      tpu.vector_store %arg14[%swap3A_989, %swap3A_990], %swap3A_993 {strides = array<i32>} : memref<80x64xf32, #tpu.memory_space<vmem>>, vector<1x16xf32>,
      %scan3A_994 = arith.constant 0 : i32
      scf.yield %scan3A_994 : i32
    }
    %scan3A_113 = arith.constant 5 : i32
    %dma_start3A_114 = arith.constant 2 : i32
    %dma_start3A_115 = arith.constant 0 : i32
    %dma_start3A_116 = tpu.memref_slice %arg8[%dma_start3A_114, %dma_start3A_115] : memref<250x80xi32, #tpu.memory_space<vmem>> -> memref<1x80xi32, #tpu.memory_space<vmem>>
    %dma_start3A_117 = tpu.memref_squeeze %dma_start3A_116 : memref<1x80xi32, #tpu.memory_space<vmem>> -> memref<80xi32, #tpu.memory_space<vmem>>
    %dma_start3A_118 = arith.constant 0 : i32
    %dma_start3A_119 = arith.constant 0 : i32
    %dma_start3A_120 = tpu.memref_slice %arg11[%dma_start3A_118, %dma_start3A_119] : memref<10000x64xf32, #tpu.memory_space<vmem_shared>> -> memref<10000x64xf32, #tpu.memory_space<vmem_shared>>
    tpu.enqueue_indirect_dma source(%arg14 : memref<80x64xf32, #tpu.memory_space<vmem>>) target(%dma_start3A_120 : memref<10000x64xf32, #tpu.memory_space<vmem_shared>>) offsets(%dma_start3A_117 : memref<80xi32, #tpu.memory_space<vmem>>) semaphore(%arg20 : memref<!tpu.dma_semaphore, #tpu.memory_space<semaphore_mem>>) {add = true}
    %dma_wait3A_121 = arith.constant 0 : i32
    %dma_wait3A_122 = arith.constant 0 : i32
    %dma_wait3A_123 = tpu.memref_slice %arg8[%dma_wait3A_121, %dma_wait3A_122] : memref<250x80xi32, #tpu.memory_space<vmem>> -> memref<1x80xi32, #tpu.memory_space<vmem>>
    %dma_wait3A_124 = tpu.memref_squeeze %dma_wait3A_123 : memref<1x80xi32, #tpu.memory_space<vmem>> -> memref<80xi32, #tpu.memory_space<vmem>>
    %dma_wait3A_125 = arith.constant 0 : i32
    %dma_wait3A_126 = arith.constant 0 : i32
    %dma_wait3A_127 = tpu.memref_slice %arg11[%dma_wait3A_125, %dma_wait3A_126] : memref<10000x64xf32, #tpu.memory_space<vmem_shared>> -> memref<10000x64xf32, #tpu.memory_space<vmem_shared>>
    tpu.wait_indirect_dma semaphore(%arg19 : memref<!tpu.dma_semaphore, #tpu.memory_space<semaphore_mem>>) src(%arg13 : memref<80x64xf32, #tpu.memory_space<vmem>>) dst(%dma_wait3A_127 : memref<10000x64xf32, #tpu.memory_space<vmem_shared>>)
    %dma_start3A_128 = arith.constant 4 : i32
    %dma_start3A_129 = arith.constant 0 : i32
    %dma_start3A_130 = tpu.memref_slice %arg7[%dma_start3A_128, %dma_start3A_129] : memref<250x80xi32, #tpu.memory_space<vmem>> -> memref<1x80xi32, #tpu.memory_space<vmem>>
    %dma_start3A_131 = tpu.memref_squeeze %dma_start3A_130 : memref<1x80xi32, #tpu.memory_space<vmem>> -> memref<80xi32, #tpu.memory_space<vmem>>
    %dma_start3A_132 = arith.constant 0 : i32
    %dma_start3A_133 = arith.constant 0 : i32
    %dma_start3A_134 = tpu.memref_slice %arg2[%dma_start3A_132, %dma_start3A_133] : memref<20000x64xf32, #tpu.memory_space<hbm>> -> memref<20000x64xf32, #tpu.memory_space<hbm>>
    tpu.enqueue_indirect_dma source(%dma_start3A_134 : memref<20000x64xf32, #tpu.memory_space<hbm>>) target(%arg13 : memref<80x64xf32, #tpu.memory_space<vmem>>) offsets(%dma_start3A_131 : memref<80xi32, #tpu.memory_space<vmem>>) semaphore(%arg16 : memref<!tpu.dma_semaphore, #tpu.memory_space<semaphore_mem>>)
    %scan3A_135 = arith.constant 0 : i32
    %scan3A_136 = arith.constant 1 : i32
    %scan3A_137 = arith.constant 82 : i32
    %scan3A_138 = arith.addi %scan3A_136, %scan3A_137 : i32
    %scan3A_139 = arith.constant 1 : i32
    %scan3A_140 = scf.for %scan3A_189 = %scan3A_136 to %scan3A_138 step %scan3A_139 iter_args(%scan3A_190 = %scan3A_135) -> (i32)  : i32 {
      %mul3A_191 = arith.constant 3 : i32
      %mul3A_192 = arith.muli %scan3A_189, %mul3A_191 : i32
      %add3A_193 = arith.constant 0 : i32
      %add3A_194 = arith.addi %mul3A_192, %add3A_193 : i32
      %dma_wait3A_195 = arith.constant 0 : i32
      %dma_wait3A_196 = arith.constant 0 : i32
      %dma_wait3A_197 = tpu.memref_slice %arg7[%dma_wait3A_195, %dma_wait3A_196] : memref<250x80xi32, #tpu.memory_space<vmem>> -> memref<1x80xi32, #tpu.memory_space<vmem>>
      %dma_wait3A_198 = tpu.memref_squeeze %dma_wait3A_197 : memref<1x80xi32, #tpu.memory_space<vmem>> -> memref<80xi32, #tpu.memory_space<vmem>>
      %dma_wait3A_199 = arith.constant 0 : i32
      %dma_wait3A_200 = arith.constant 0 : i32
      %dma_wait3A_201 = tpu.memref_slice %arg2[%dma_wait3A_199, %dma_wait3A_200] : memref<20000x64xf32, #tpu.memory_space<hbm>> -> memref<20000x64xf32, #tpu.memory_space<hbm>>
      tpu.wait_indirect_dma semaphore(%arg15 : memref<!tpu.dma_semaphore, #tpu.memory_space<semaphore_mem>>) src(%dma_wait3A_201 : memref<20000x64xf32, #tpu.memory_space<hbm>>) dst(%arg12 : memref<80x64xf32, #tpu.memory_space<vmem>>)
      %add3A_202 = arith.constant 3 : i32
      %add3A_203 = arith.addi %add3A_194, %add3A_202 : i32
      %sub3A = arith.constant 1 : i32
      %sub3A_204 = arith.subi %add3A_203, %sub3A : i32
      %lt3A = arith.constant 250 : i32
      %lt3A_205 = arith.cmpi slt, %sub3A_204, %lt3A : i32
      %convert_element_type3A_206 = arith.extui %lt3A_205 : i1 to i32
      %cond3A_207 = arith.constant 0 : i32
      %cond3A_208 = arith.cmpi ne, %convert_element_type3A_206, %cond3A_207 : i32
      scf.if %cond3A_208 {
        %add3A_250 = arith.constant 3 : i32
        %add3A_251 = arith.addi %add3A_194, %add3A_250 : i32
        %sub3A_252 = arith.constant 1 : i32
        %sub3A_253 = arith.subi %add3A_251, %sub3A_252 : i32
        %dma_start3A_254 = arith.constant 0 : i32
        %dma_start3A_255 = tpu.memref_slice %arg7[%sub3A_253, %dma_start3A_254] : memref<250x80xi32, #tpu.memory_space<vmem>> -> memref<1x80xi32, #tpu.memory_space<vmem>>
        %dma_start3A_256 = tpu.memref_squeeze %dma_start3A_255 : memref<1x80xi32, #tpu.memory_space<vmem>> -> memref<80xi32, #tpu.memory_space<vmem>>
        %dma_start3A_257 = arith.constant 0 : i32
        %dma_start3A_258 = arith.constant 0 : i32
        %dma_start3A_259 = tpu.memref_slice %arg2[%dma_start3A_257, %dma_start3A_258] : memref<20000x64xf32, #tpu.memory_space<hbm>> -> memref<20000x64xf32, #tpu.memory_space<hbm>>
        tpu.enqueue_indirect_dma source(%dma_start3A_259 : memref<20000x64xf32, #tpu.memory_space<hbm>>) target(%arg14 : memref<80x64xf32, #tpu.memory_space<vmem>>) offsets(%dma_start3A_256 : memref<80xi32, #tpu.memory_space<vmem>>) semaphore(%arg17 : memref<!tpu.dma_semaphore, #tpu.memory_space<semaphore_mem>>)
      } else {
      }
      %mul3A_209 = arith.constant 3 : i32
      %mul3A_210 = arith.muli %scan3A_189, %mul3A_209 : i32
      %add3A_211 = arith.constant 1 : i32
      %add3A_212 = arith.addi %mul3A_210, %add3A_211 : i32
      %dma_wait3A_213 = arith.constant 0 : i32
      %dma_wait3A_214 = arith.constant 0 : i32
      %dma_wait3A_215 = tpu.memref_slice %arg7[%dma_wait3A_213, %dma_wait3A_214] : memref<250x80xi32, #tpu.memory_space<vmem>> -> memref<1x80xi32, #tpu.memory_space<vmem>>
      %dma_wait3A_216 = tpu.memref_squeeze %dma_wait3A_215 : memref<1x80xi32, #tpu.memory_space<vmem>> -> memref<80xi32, #tpu.memory_space<vmem>>
      %dma_wait3A_217 = arith.constant 0 : i32
      %dma_wait3A_218 = arith.constant 0 : i32
      %dma_wait3A_219 = tpu.memref_slice %arg2[%dma_wait3A_217, %dma_wait3A_218] : memref<20000x64xf32, #tpu.memory_space<hbm>> -> memref<20000x64xf32, #tpu.memory_space<hbm>>
      tpu.wait_indirect_dma semaphore(%arg16 : memref<!tpu.dma_semaphore, #tpu.memory_space<semaphore_mem>>) src(%dma_wait3A_219 : memref<20000x64xf32, #tpu.memory_space<hbm>>) dst(%arg13 : memref<80x64xf32, #tpu.memory_space<vmem>>)
      %add3A_220 = arith.constant 3 : i32
      %add3A_221 = arith.addi %add3A_212, %add3A_220 : i32
      %sub3A_222 = arith.constant 1 : i32
      %sub3A_223 = arith.subi %add3A_221, %sub3A_222 : i32
      %lt3A_224 = arith.constant 250 : i32
      %lt3A_225 = arith.cmpi slt, %sub3A_223, %lt3A_224 : i32
      %convert_element_type3A_226 = arith.extui %lt3A_225 : i1 to i32
      %cond3A_227 = arith.constant 0 : i32
      %cond3A_228 = arith.cmpi ne, %convert_element_type3A_226, %cond3A_227 : i32
      scf.if %cond3A_228 {
        %add3A_250 = arith.constant 3 : i32
        %add3A_251 = arith.addi %add3A_212, %add3A_250 : i32
        %sub3A_252 = arith.constant 1 : i32
        %sub3A_253 = arith.subi %add3A_251, %sub3A_252 : i32
        %dma_start3A_254 = arith.constant 0 : i32
        %dma_start3A_255 = tpu.memref_slice %arg7[%sub3A_253, %dma_start3A_254] : memref<250x80xi32, #tpu.memory_space<vmem>> -> memref<1x80xi32, #tpu.memory_space<vmem>>
        %dma_start3A_256 = tpu.memref_squeeze %dma_start3A_255 : memref<1x80xi32, #tpu.memory_space<vmem>> -> memref<80xi32, #tpu.memory_space<vmem>>
        %dma_start3A_257 = arith.constant 0 : i32
        %dma_start3A_258 = arith.constant 0 : i32
        %dma_start3A_259 = tpu.memref_slice %arg2[%dma_start3A_257, %dma_start3A_258] : memref<20000x64xf32, #tpu.memory_space<hbm>> -> memref<20000x64xf32, #tpu.memory_space<hbm>>
        tpu.enqueue_indirect_dma source(%dma_start3A_259 : memref<20000x64xf32, #tpu.memory_space<hbm>>) target(%arg12 : memref<80x64xf32, #tpu.memory_space<vmem>>) offsets(%dma_start3A_256 : memref<80xi32, #tpu.memory_space<vmem>>) semaphore(%arg15 : memref<!tpu.dma_semaphore, #tpu.memory_space<semaphore_mem>>)
      } else {
      }
      %mul3A_229 = arith.constant 3 : i32
      %mul3A_230 = arith.muli %scan3A_189, %mul3A_229 : i32
      %add3A_231 = arith.constant 2 : i32
      %add3A_232 = arith.addi %mul3A_230, %add3A_231 : i32
      %dma_wait3A_233 = arith.constant 0 : i32
      %dma_wait3A_234 = arith.constant 0 : i32
      %dma_wait3A_235 = tpu.memref_slice %arg7[%dma_wait3A_233, %dma_wait3A_234] : memref<250x80xi32, #tpu.memory_space<vmem>> -> memref<1x80xi32, #tpu.memory_space<vmem>>
      %dma_wait3A_236 = tpu.memref_squeeze %dma_wait3A_235 : memref<1x80xi32, #tpu.memory_space<vmem>> -> memref<80xi32, #tpu.memory_space<vmem>>
      %dma_wait3A_237 = arith.constant 0 : i32
      %dma_wait3A_238 = arith.constant 0 : i32
      %dma_wait3A_239 = tpu.memref_slice %arg2[%dma_wait3A_237, %dma_wait3A_238] : memref<20000x64xf32, #tpu.memory_space<hbm>> -> memref<20000x64xf32, #tpu.memory_space<hbm>>
      tpu.wait_indirect_dma semaphore(%arg17 : memref<!tpu.dma_semaphore, #tpu.memory_space<semaphore_mem>>) src(%dma_wait3A_239 : memref<20000x64xf32, #tpu.memory_space<hbm>>) dst(%arg14 : memref<80x64xf32, #tpu.memory_space<vmem>>)
      %add3A_240 = arith.constant 3 : i32
      %add3A_241 = arith.addi %add3A_232, %add3A_240 : i32
      %sub3A_242 = arith.constant 1 : i32
      %sub3A_243 = arith.subi %add3A_241, %sub3A_242 : i32
      %lt3A_244 = arith.constant 250 : i32
      %lt3A_245 = arith.cmpi slt, %sub3A_243, %lt3A_244 : i32
      %convert_element_type3A_246 = arith.extui %lt3A_245 : i1 to i32
      %cond3A_247 = arith.constant 0 : i32
      %cond3A_248 = arith.cmpi ne, %convert_element_type3A_246, %cond3A_247 : i32
      scf.if %cond3A_248 {
        %add3A_250 = arith.constant 3 : i32
        %add3A_251 = arith.addi %add3A_232, %add3A_250 : i32
        %sub3A_252 = arith.constant 1 : i32
        %sub3A_253 = arith.subi %add3A_251, %sub3A_252 : i32
        %dma_start3A_254 = arith.constant 0 : i32
        %dma_start3A_255 = tpu.memref_slice %arg7[%sub3A_253, %dma_start3A_254] : memref<250x80xi32, #tpu.memory_space<vmem>> -> memref<1x80xi32, #tpu.memory_space<vmem>>
        %dma_start3A_256 = tpu.memref_squeeze %dma_start3A_255 : memref<1x80xi32, #tpu.memory_space<vmem>> -> memref<80xi32, #tpu.memory_space<vmem>>
        %dma_start3A_257 = arith.constant 0 : i32
        %dma_start3A_258 = arith.constant 0 : i32
        %dma_start3A_259 = tpu.memref_slice %arg2[%dma_start3A_257, %dma_start3A_258] : memref<20000x64xf32, #tpu.memory_space<hbm>> -> memref<20000x64xf32, #tpu.memory_space<hbm>>
        tpu.enqueue_indirect_dma source(%dma_start3A_259 : memref<20000x64xf32, #tpu.memory_space<hbm>>) target(%arg13 : memref<80x64xf32, #tpu.memory_space<vmem>>) offsets(%dma_start3A_256 : memref<80xi32, #tpu.memory_space<vmem>>) semaphore(%arg16 : memref<!tpu.dma_semaphore, #tpu.memory_space<semaphore_mem>>)
      } else {
      }
      %scan3A_249 = arith.constant 0 : i32
      scf.yield %scan3A_249 : i32
    }
    %scan3A_141 = arith.constant 82 : i32
    %dma_wait3A_142 = arith.constant 0 : i32
    %dma_wait3A_143 = arith.constant 0 : i32
    %dma_wait3A_144 = tpu.memref_slice %arg7[%dma_wait3A_142, %dma_wait3A_143] : memref<250x80xi32, #tpu.memory_space<vmem>> -> memref<1x80xi32, #tpu.memory_space<vmem>>
    %dma_wait3A_145 = tpu.memref_squeeze %dma_wait3A_144 : memref<1x80xi32, #tpu.memory_space<vmem>> -> memref<80xi32, #tpu.memory_space<vmem>>
    %dma_wait3A_146 = arith.constant 0 : i32
    %dma_wait3A_147 = arith.constant 0 : i32
    %dma_wait3A_148 = tpu.memref_slice %arg2[%dma_wait3A_146, %dma_wait3A_147] : memref<20000x64xf32, #tpu.memory_space<hbm>> -> memref<20000x64xf32, #tpu.memory_space<hbm>>
    tpu.wait_indirect_dma semaphore(%arg15 : memref<!tpu.dma_semaphore, #tpu.memory_space<semaphore_mem>>) src(%dma_wait3A_148 : memref<20000x64xf32, #tpu.memory_space<hbm>>) dst(%arg12 : memref<80x64xf32, #tpu.memory_space<vmem>>)
    %scan3A_149 = arith.constant 0 : i32
    %scan3A_150 = arith.constant 0 : i32
    %scan3A_151 = arith.constant 5 : i32
    %scan3A_152 = arith.addi %scan3A_150, %scan3A_151 : i32
    %scan3A_153 = arith.constant 1 : i32
    %scan3A_154 = scf.for %scan3A_189 = %scan3A_150 to %scan3A_152 step %scan3A_153 iter_args(%scan3A_190 = %scan3A_149) -> (i32)  : i32 {
      %mul3A_191 = arith.constant 16 : i32
      %mul3A_192 = arith.muli %scan3A_189, %mul3A_191 : i32
      %get3A = arith.constant 249 : i32
      %get3A_193 = arith.index_cast %get3A : i32 to index
      %get3A_194 = arith.index_cast %mul3A_192 : i32 to index
      %get3A_195 = tpu.vector_load %arg9[%get3A_193, %get3A_194] {strides = array<i32>} : memref<250x80xf32, #tpu.memory_space<vmem>>, vector<1x16xf32>,
      %get3A_196 = vector.shape_cast %get3A_195 : vector<1x16xf32> to vector<16xf32>
      %slice3A = vector.extract_strided_slice %get3A_196 {offsets = [0], sizes = [1], strides = [1]} : vector<16xf32> to vector<1xf32>
      %squeeze3A = vector.extract %slice3A[0] : f32 from vector<1xf32>
      %mul3A_197 = arith.constant 16 : i32
      %mul3A_198 = arith.muli %scan3A_189, %mul3A_197 : i32
      %add3A_199 = arith.constant 0 : i32
      %add3A_200 = arith.addi %mul3A_198, %add3A_199 : i32
      %get3A_201 = arith.index_cast %add3A_200 : i32 to index
      %get3A_202 = arith.constant 0 : index
      %get3A_203 = tpu.vector_load %arg12[%get3A_201, %get3A_202] {strides = array<i32>} : memref<80x64xf32, #tpu.memory_space<vmem>>, vector<1x16xf32>,
      %get3A_204 = vector.shape_cast %get3A_203 : vector<1x16xf32> to vector<16xf32>
      %mul3A_205 = vector.broadcast %squeeze3A : f32 to vector<16xf32>
      %mul3A_206 = arith.mulf %get3A_204, %mul3A_205 : vector<16xf32>
      %swap3A = arith.index_cast %add3A_200 : i32 to index
      %swap3A_207 = arith.constant 0 : index
      %swap3A_208 = tpu.vector_load %arg12[%swap3A, %swap3A_207] {strides = array<i32>} : memref<80x64xf32, #tpu.memory_space<vmem>>, vector<1x16xf32>,
      %swap3A_209 = vector.shape_cast %swap3A_208 : vector<1x16xf32> to vector<16xf32>
      %swap3A_210 = vector.shape_cast %mul3A_206 : vector<16xf32> to vector<1x16xf32>
      tpu.vector_store %arg12[%swap3A, %swap3A_207], %swap3A_210 {strides = array<i32>} : memref<80x64xf32, #tpu.memory_space<vmem>>, vector<1x16xf32>,
      %get3A_211 = arith.index_cast %add3A_200 : i32 to index
      %get3A_212 = arith.constant 16 : index
      %get3A_213 = tpu.vector_load %arg12[%get3A_211, %get3A_212] {strides = array<i32>} : memref<80x64xf32, #tpu.memory_space<vmem>>, vector<1x16xf32>,
      %get3A_214 = vector.shape_cast %get3A_213 : vector<1x16xf32> to vector<16xf32>
      %mul3A_215 = vector.broadcast %squeeze3A : f32 to vector<16xf32>
      %mul3A_216 = arith.mulf %get3A_214, %mul3A_215 : vector<16xf32>
      %swap3A_217 = arith.index_cast %add3A_200 : i32 to index
      %swap3A_218 = arith.constant 16 : index
      %swap3A_219 = tpu.vector_load %arg12[%swap3A_217, %swap3A_218] {strides = array<i32>} : memref<80x64xf32, #tpu.memory_space<vmem>>, vector<1x16xf32>,
      %swap3A_220 = vector.shape_cast %swap3A_219 : vector<1x16xf32> to vector<16xf32>
      %swap3A_221 = vector.shape_cast %mul3A_216 : vector<16xf32> to vector<1x16xf32>
      tpu.vector_store %arg12[%swap3A_217, %swap3A_218], %swap3A_221 {strides = array<i32>} : memref<80x64xf32, #tpu.memory_space<vmem>>, vector<1x16xf32>,
      %get3A_222 = arith.index_cast %add3A_200 : i32 to index
      %get3A_223 = arith.constant 32 : index
      %get3A_224 = tpu.vector_load %arg12[%get3A_222, %get3A_223] {strides = array<i32>} : memref<80x64xf32, #tpu.memory_space<vmem>>, vector<1x16xf32>,
      %get3A_225 = vector.shape_cast %get3A_224 : vector<1x16xf32> to vector<16xf32>
      %mul3A_226 = vector.broadcast %squeeze3A : f32 to vector<16xf32>
      %mul3A_227 = arith.mulf %get3A_225, %mul3A_226 : vector<16xf32>
      %swap3A_228 = arith.index_cast %add3A_200 : i32 to index
      %swap3A_229 = arith.constant 32 : index
      %swap3A_230 = tpu.vector_load %arg12[%swap3A_228, %swap3A_229] {strides = array<i32>} : memref<80x64xf32, #tpu.memory_space<vmem>>, vector<1x16xf32>,
      %swap3A_231 = vector.shape_cast %swap3A_230 : vector<1x16xf32> to vector<16xf32>
      %swap3A_232 = vector.shape_cast %mul3A_227 : vector<16xf32> to vector<1x16xf32>
      tpu.vector_store %arg12[%swap3A_228, %swap3A_229], %swap3A_232 {strides = array<i32>} : memref<80x64xf32, #tpu.memory_space<vmem>>, vector<1x16xf32>,
      %get3A_233 = arith.index_cast %add3A_200 : i32 to index
      %get3A_234 = arith.constant 48 : index
      %get3A_235 = tpu.vector_load %arg12[%get3A_233, %get3A_234] {strides = array<i32>} : memref<80x64xf32, #tpu.memory_space<vmem>>, vector<1x16xf32>,
      %get3A_236 = vector.shape_cast %get3A_235 : vector<1x16xf32> to vector<16xf32>
      %mul3A_237 = vector.broadcast %squeeze3A : f32 to vector<16xf32>
      %mul3A_238 = arith.mulf %get3A_236, %mul3A_237 : vector<16xf32>
      %swap3A_239 = arith.index_cast %add3A_200 : i32 to index
      %swap3A_240 = arith.constant 48 : index
      %swap3A_241 = tpu.vector_load %arg12[%swap3A_239, %swap3A_240] {strides = array<i32>} : memref<80x64xf32, #tpu.memory_space<vmem>>, vector<1x16xf32>,
      %swap3A_242 = vector.shape_cast %swap3A_241 : vector<1x16xf32> to vector<16xf32>
      %swap3A_243 = vector.shape_cast %mul3A_238 : vector<16xf32> to vector<1x16xf32>
      tpu.vector_store %arg12[%swap3A_239, %swap3A_240], %swap3A_243 {strides = array<i32>} : memref<80x64xf32, #tpu.memory_space<vmem>>, vector<1x16xf32>,
      %slice3A_244 = vector.extract_strided_slice %get3A_196 {offsets = [1], sizes = [1], strides = [1]} : vector<16xf32> to vector<1xf32>
      %squeeze3A_245 = vector.extract %slice3A_244[0] : f32 from vector<1xf32>
      %mul3A_246 = arith.constant 16 : i32
      %mul3A_247 = arith.muli %scan3A_189, %mul3A_246 : i32
      %add3A_248 = arith.constant 1 : i32
      %add3A_249 = arith.addi %mul3A_247, %add3A_248 : i32
      %get3A_250 = arith.index_cast %add3A_249 : i32 to index
      %get3A_251 = arith.constant 0 : index
      %get3A_252 = tpu.vector_load %arg12[%get3A_250, %get3A_251] {strides = array<i32>} : memref<80x64xf32, #tpu.memory_space<vmem>>, vector<1x16xf32>,
      %get3A_253 = vector.shape_cast %get3A_252 : vector<1x16xf32> to vector<16xf32>
      %mul3A_254 = vector.broadcast %squeeze3A_245 : f32 to vector<16xf32>
      %mul3A_255 = arith.mulf %get3A_253, %mul3A_254 : vector<16xf32>
      %swap3A_256 = arith.index_cast %add3A_249 : i32 to index
      %swap3A_257 = arith.constant 0 : index
      %swap3A_258 = tpu.vector_load %arg12[%swap3A_256, %swap3A_257] {strides = array<i32>} : memref<80x64xf32, #tpu.memory_space<vmem>>, vector<1x16xf32>,
      %swap3A_259 = vector.shape_cast %swap3A_258 : vector<1x16xf32> to vector<16xf32>
      %swap3A_260 = vector.shape_cast %mul3A_255 : vector<16xf32> to vector<1x16xf32>
      tpu.vector_store %arg12[%swap3A_256, %swap3A_257], %swap3A_260 {strides = array<i32>} : memref<80x64xf32, #tpu.memory_space<vmem>>, vector<1x16xf32>,
      %get3A_261 = arith.index_cast %add3A_249 : i32 to index
      %get3A_262 = arith.constant 16 : index
      %get3A_263 = tpu.vector_load %arg12[%get3A_261, %get3A_262] {strides = array<i32>} : memref<80x64xf32, #tpu.memory_space<vmem>>, vector<1x16xf32>,
      %get3A_264 = vector.shape_cast %get3A_263 : vector<1x16xf32> to vector<16xf32>
      %mul3A_265 = vector.broadcast %squeeze3A_245 : f32 to vector<16xf32>
      %mul3A_266 = arith.mulf %get3A_264, %mul3A_265 : vector<16xf32>
      %swap3A_267 = arith.index_cast %add3A_249 : i32 to index
      %swap3A_268 = arith.constant 16 : index
      %swap3A_269 = tpu.vector_load %arg12[%swap3A_267, %swap3A_268] {strides = array<i32>} : memref<80x64xf32, #tpu.memory_space<vmem>>, vector<1x16xf32>,
      %swap3A_270 = vector.shape_cast %swap3A_269 : vector<1x16xf32> to vector<16xf32>
      %swap3A_271 = vector.shape_cast %mul3A_266 : vector<16xf32> to vector<1x16xf32>
      tpu.vector_store %arg12[%swap3A_267, %swap3A_268], %swap3A_271 {strides = array<i32>} : memref<80x64xf32, #tpu.memory_space<vmem>>, vector<1x16xf32>,
      %get3A_272 = arith.index_cast %add3A_249 : i32 to index
      %get3A_273 = arith.constant 32 : index
      %get3A_274 = tpu.vector_load %arg12[%get3A_272, %get3A_273] {strides = array<i32>} : memref<80x64xf32, #tpu.memory_space<vmem>>, vector<1x16xf32>,
      %get3A_275 = vector.shape_cast %get3A_274 : vector<1x16xf32> to vector<16xf32>
      %mul3A_276 = vector.broadcast %squeeze3A_245 : f32 to vector<16xf32>
      %mul3A_277 = arith.mulf %get3A_275, %mul3A_276 : vector<16xf32>
      %swap3A_278 = arith.index_cast %add3A_249 : i32 to index
      %swap3A_279 = arith.constant 32 : index
      %swap3A_280 = tpu.vector_load %arg12[%swap3A_278, %swap3A_279] {strides = array<i32>} : memref<80x64xf32, #tpu.memory_space<vmem>>, vector<1x16xf32>,
      %swap3A_281 = vector.shape_cast %swap3A_280 : vector<1x16xf32> to vector<16xf32>
      %swap3A_282 = vector.shape_cast %mul3A_277 : vector<16xf32> to vector<1x16xf32>
      tpu.vector_store %arg12[%swap3A_278, %swap3A_279], %swap3A_282 {strides = array<i32>} : memref<80x64xf32, #tpu.memory_space<vmem>>, vector<1x16xf32>,
      %get3A_283 = arith.index_cast %add3A_249 : i32 to index
      %get3A_284 = arith.constant 48 : index
      %get3A_285 = tpu.vector_load %arg12[%get3A_283, %get3A_284] {strides = array<i32>} : memref<80x64xf32, #tpu.memory_space<vmem>>, vector<1x16xf32>,
      %get3A_286 = vector.shape_cast %get3A_285 : vector<1x16xf32> to vector<16xf32>
      %mul3A_287 = vector.broadcast %squeeze3A_245 : f32 to vector<16xf32>
      %mul3A_288 = arith.mulf %get3A_286, %mul3A_287 : vector<16xf32>
      %swap3A_289 = arith.index_cast %add3A_249 : i32 to index
      %swap3A_290 = arith.constant 48 : index
      %swap3A_291 = tpu.vector_load %arg12[%swap3A_289, %swap3A_290] {strides = array<i32>} : memref<80x64xf32, #tpu.memory_space<vmem>>, vector<1x16xf32>,
      %swap3A_292 = vector.shape_cast %swap3A_291 : vector<1x16xf32> to vector<16xf32>
      %swap3A_293 = vector.shape_cast %mul3A_288 : vector<16xf32> to vector<1x16xf32>
      tpu.vector_store %arg12[%swap3A_289, %swap3A_290], %swap3A_293 {strides = array<i32>} : memref<80x64xf32, #tpu.memory_space<vmem>>, vector<1x16xf32>,
      %slice3A_294 = vector.extract_strided_slice %get3A_196 {offsets = [2], sizes = [1], strides = [1]} : vector<16xf32> to vector<1xf32>
      %squeeze3A_295 = vector.extract %slice3A_294[0] : f32 from vector<1xf32>
      %mul3A_296 = arith.constant 16 : i32
      %mul3A_297 = arith.muli %scan3A_189, %mul3A_296 : i32
      %add3A_298 = arith.constant 2 : i32
      %add3A_299 = arith.addi %mul3A_297, %add3A_298 : i32
      %get3A_300 = arith.index_cast %add3A_299 : i32 to index
      %get3A_301 = arith.constant 0 : index
      %get3A_302 = tpu.vector_load %arg12[%get3A_300, %get3A_301] {strides = array<i32>} : memref<80x64xf32, #tpu.memory_space<vmem>>, vector<1x16xf32>,
      %get3A_303 = vector.shape_cast %get3A_302 : vector<1x16xf32> to vector<16xf32>
      %mul3A_304 = vector.broadcast %squeeze3A_295 : f32 to vector<16xf32>
      %mul3A_305 = arith.mulf %get3A_303, %mul3A_304 : vector<16xf32>
      %swap3A_306 = arith.index_cast %add3A_299 : i32 to index
      %swap3A_307 = arith.constant 0 : index
      %swap3A_308 = tpu.vector_load %arg12[%swap3A_306, %swap3A_307] {strides = array<i32>} : memref<80x64xf32, #tpu.memory_space<vmem>>, vector<1x16xf32>,
      %swap3A_309 = vector.shape_cast %swap3A_308 : vector<1x16xf32> to vector<16xf32>
      %swap3A_310 = vector.shape_cast %mul3A_305 : vector<16xf32> to vector<1x16xf32>
      tpu.vector_store %arg12[%swap3A_306, %swap3A_307], %swap3A_310 {strides = array<i32>} : memref<80x64xf32, #tpu.memory_space<vmem>>, vector<1x16xf32>,
      %get3A_311 = arith.index_cast %add3A_299 : i32 to index
      %get3A_312 = arith.constant 16 : index
      %get3A_313 = tpu.vector_load %arg12[%get3A_311, %get3A_312] {strides = array<i32>} : memref<80x64xf32, #tpu.memory_space<vmem>>, vector<1x16xf32>,
      %get3A_314 = vector.shape_cast %get3A_313 : vector<1x16xf32> to vector<16xf32>
      %mul3A_315 = vector.broadcast %squeeze3A_295 : f32 to vector<16xf32>
      %mul3A_316 = arith.mulf %get3A_314, %mul3A_315 : vector<16xf32>
      %swap3A_317 = arith.index_cast %add3A_299 : i32 to index
      %swap3A_318 = arith.constant 16 : index
      %swap3A_319 = tpu.vector_load %arg12[%swap3A_317, %swap3A_318] {strides = array<i32>} : memref<80x64xf32, #tpu.memory_space<vmem>>, vector<1x16xf32>,
      %swap3A_320 = vector.shape_cast %swap3A_319 : vector<1x16xf32> to vector<16xf32>
      %swap3A_321 = vector.shape_cast %mul3A_316 : vector<16xf32> to vector<1x16xf32>
      tpu.vector_store %arg12[%swap3A_317, %swap3A_318], %swap3A_321 {strides = array<i32>} : memref<80x64xf32, #tpu.memory_space<vmem>>, vector<1x16xf32>,
      %get3A_322 = arith.index_cast %add3A_299 : i32 to index
      %get3A_323 = arith.constant 32 : index
      %get3A_324 = tpu.vector_load %arg12[%get3A_322, %get3A_323] {strides = array<i32>} : memref<80x64xf32, #tpu.memory_space<vmem>>, vector<1x16xf32>,
      %get3A_325 = vector.shape_cast %get3A_324 : vector<1x16xf32> to vector<16xf32>
      %mul3A_326 = vector.broadcast %squeeze3A_295 : f32 to vector<16xf32>
      %mul3A_327 = arith.mulf %get3A_325, %mul3A_326 : vector<16xf32>
      %swap3A_328 = arith.index_cast %add3A_299 : i32 to index
      %swap3A_329 = arith.constant 32 : index
      %swap3A_330 = tpu.vector_load %arg12[%swap3A_328, %swap3A_329] {strides = array<i32>} : memref<80x64xf32, #tpu.memory_space<vmem>>, vector<1x16xf32>,
      %swap3A_331 = vector.shape_cast %swap3A_330 : vector<1x16xf32> to vector<16xf32>
      %swap3A_332 = vector.shape_cast %mul3A_327 : vector<16xf32> to vector<1x16xf32>
      tpu.vector_store %arg12[%swap3A_328, %swap3A_329], %swap3A_332 {strides = array<i32>} : memref<80x64xf32, #tpu.memory_space<vmem>>, vector<1x16xf32>,
      %get3A_333 = arith.index_cast %add3A_299 : i32 to index
      %get3A_334 = arith.constant 48 : index
      %get3A_335 = tpu.vector_load %arg12[%get3A_333, %get3A_334] {strides = array<i32>} : memref<80x64xf32, #tpu.memory_space<vmem>>, vector<1x16xf32>,
      %get3A_336 = vector.shape_cast %get3A_335 : vector<1x16xf32> to vector<16xf32>
      %mul3A_337 = vector.broadcast %squeeze3A_295 : f32 to vector<16xf32>
      %mul3A_338 = arith.mulf %get3A_336, %mul3A_337 : vector<16xf32>
      %swap3A_339 = arith.index_cast %add3A_299 : i32 to index
      %swap3A_340 = arith.constant 48 : index
      %swap3A_341 = tpu.vector_load %arg12[%swap3A_339, %swap3A_340] {strides = array<i32>} : memref<80x64xf32, #tpu.memory_space<vmem>>, vector<1x16xf32>,
      %swap3A_342 = vector.shape_cast %swap3A_341 : vector<1x16xf32> to vector<16xf32>
      %swap3A_343 = vector.shape_cast %mul3A_338 : vector<16xf32> to vector<1x16xf32>
      tpu.vector_store %arg12[%swap3A_339, %swap3A_340], %swap3A_343 {strides = array<i32>} : memref<80x64xf32, #tpu.memory_space<vmem>>, vector<1x16xf32>,
      %slice3A_344 = vector.extract_strided_slice %get3A_196 {offsets = [3], sizes = [1], strides = [1]} : vector<16xf32> to vector<1xf32>
      %squeeze3A_345 = vector.extract %slice3A_344[0] : f32 from vector<1xf32>
      %mul3A_346 = arith.constant 16 : i32
      %mul3A_347 = arith.muli %scan3A_189, %mul3A_346 : i32
      %add3A_348 = arith.constant 3 : i32
      %add3A_349 = arith.addi %mul3A_347, %add3A_348 : i32
      %get3A_350 = arith.index_cast %add3A_349 : i32 to index
      %get3A_351 = arith.constant 0 : index
      %get3A_352 = tpu.vector_load %arg12[%get3A_350, %get3A_351] {strides = array<i32>} : memref<80x64xf32, #tpu.memory_space<vmem>>, vector<1x16xf32>,
      %get3A_353 = vector.shape_cast %get3A_352 : vector<1x16xf32> to vector<16xf32>
      %mul3A_354 = vector.broadcast %squeeze3A_345 : f32 to vector<16xf32>
      %mul3A_355 = arith.mulf %get3A_353, %mul3A_354 : vector<16xf32>
      %swap3A_356 = arith.index_cast %add3A_349 : i32 to index
      %swap3A_357 = arith.constant 0 : index
      %swap3A_358 = tpu.vector_load %arg12[%swap3A_356, %swap3A_357] {strides = array<i32>} : memref<80x64xf32, #tpu.memory_space<vmem>>, vector<1x16xf32>,
      %swap3A_359 = vector.shape_cast %swap3A_358 : vector<1x16xf32> to vector<16xf32>
      %swap3A_360 = vector.shape_cast %mul3A_355 : vector<16xf32> to vector<1x16xf32>
      tpu.vector_store %arg12[%swap3A_356, %swap3A_357], %swap3A_360 {strides = array<i32>} : memref<80x64xf32, #tpu.memory_space<vmem>>, vector<1x16xf32>,
      %get3A_361 = arith.index_cast %add3A_349 : i32 to index
      %get3A_362 = arith.constant 16 : index
      %get3A_363 = tpu.vector_load %arg12[%get3A_361, %get3A_362] {strides = array<i32>} : memref<80x64xf32, #tpu.memory_space<vmem>>, vector<1x16xf32>,
      %get3A_364 = vector.shape_cast %get3A_363 : vector<1x16xf32> to vector<16xf32>
      %mul3A_365 = vector.broadcast %squeeze3A_345 : f32 to vector<16xf32>
      %mul3A_366 = arith.mulf %get3A_364, %mul3A_365 : vector<16xf32>
      %swap3A_367 = arith.index_cast %add3A_349 : i32 to index
      %swap3A_368 = arith.constant 16 : index
      %swap3A_369 = tpu.vector_load %arg12[%swap3A_367, %swap3A_368] {strides = array<i32>} : memref<80x64xf32, #tpu.memory_space<vmem>>, vector<1x16xf32>,
      %swap3A_370 = vector.shape_cast %swap3A_369 : vector<1x16xf32> to vector<16xf32>
      %swap3A_371 = vector.shape_cast %mul3A_366 : vector<16xf32> to vector<1x16xf32>
      tpu.vector_store %arg12[%swap3A_367, %swap3A_368], %swap3A_371 {strides = array<i32>} : memref<80x64xf32, #tpu.memory_space<vmem>>, vector<1x16xf32>,
      %get3A_372 = arith.index_cast %add3A_349 : i32 to index
      %get3A_373 = arith.constant 32 : index
      %get3A_374 = tpu.vector_load %arg12[%get3A_372, %get3A_373] {strides = array<i32>} : memref<80x64xf32, #tpu.memory_space<vmem>>, vector<1x16xf32>,
      %get3A_375 = vector.shape_cast %get3A_374 : vector<1x16xf32> to vector<16xf32>
      %mul3A_376 = vector.broadcast %squeeze3A_345 : f32 to vector<16xf32>
      %mul3A_377 = arith.mulf %get3A_375, %mul3A_376 : vector<16xf32>
      %swap3A_378 = arith.index_cast %add3A_349 : i32 to index
      %swap3A_379 = arith.constant 32 : index
      %swap3A_380 = tpu.vector_load %arg12[%swap3A_378, %swap3A_379] {strides = array<i32>} : memref<80x64xf32, #tpu.memory_space<vmem>>, vector<1x16xf32>,
      %swap3A_381 = vector.shape_cast %swap3A_380 : vector<1x16xf32> to vector<16xf32>
      %swap3A_382 = vector.shape_cast %mul3A_377 : vector<16xf32> to vector<1x16xf32>
      tpu.vector_store %arg12[%swap3A_378, %swap3A_379], %swap3A_382 {strides = array<i32>} : memref<80x64xf32, #tpu.memory_space<vmem>>, vector<1x16xf32>,
      %get3A_383 = arith.index_cast %add3A_349 : i32 to index
      %get3A_384 = arith.constant 48 : index
      %get3A_385 = tpu.vector_load %arg12[%get3A_383, %get3A_384] {strides = array<i32>} : memref<80x64xf32, #tpu.memory_space<vmem>>, vector<1x16xf32>,
      %get3A_386 = vector.shape_cast %get3A_385 : vector<1x16xf32> to vector<16xf32>
      %mul3A_387 = vector.broadcast %squeeze3A_345 : f32 to vector<16xf32>
      %mul3A_388 = arith.mulf %get3A_386, %mul3A_387 : vector<16xf32>
      %swap3A_389 = arith.index_cast %add3A_349 : i32 to index
      %swap3A_390 = arith.constant 48 : index
      %swap3A_391 = tpu.vector_load %arg12[%swap3A_389, %swap3A_390] {strides = array<i32>} : memref<80x64xf32, #tpu.memory_space<vmem>>, vector<1x16xf32>,
      %swap3A_392 = vector.shape_cast %swap3A_391 : vector<1x16xf32> to vector<16xf32>
      %swap3A_393 = vector.shape_cast %mul3A_388 : vector<16xf32> to vector<1x16xf32>
      tpu.vector_store %arg12[%swap3A_389, %swap3A_390], %swap3A_393 {strides = array<i32>} : memref<80x64xf32, #tpu.memory_space<vmem>>, vector<1x16xf32>,
      %slice3A_394 = vector.extract_strided_slice %get3A_196 {offsets = [4], sizes = [1], strides = [1]} : vector<16xf32> to vector<1xf32>
      %squeeze3A_395 = vector.extract %slice3A_394[0] : f32 from vector<1xf32>
      %mul3A_396 = arith.constant 16 : i32
      %mul3A_397 = arith.muli %scan3A_189, %mul3A_396 : i32
      %add3A_398 = arith.constant 4 : i32
      %add3A_399 = arith.addi %mul3A_397, %add3A_398 : i32
      %get3A_400 = arith.index_cast %add3A_399 : i32 to index
      %get3A_401 = arith.constant 0 : index
      %get3A_402 = tpu.vector_load %arg12[%get3A_400, %get3A_401] {strides = array<i32>} : memref<80x64xf32, #tpu.memory_space<vmem>>, vector<1x16xf32>,
      %get3A_403 = vector.shape_cast %get3A_402 : vector<1x16xf32> to vector<16xf32>
      %mul3A_404 = vector.broadcast %squeeze3A_395 : f32 to vector<16xf32>
      %mul3A_405 = arith.mulf %get3A_403, %mul3A_404 : vector<16xf32>
      %swap3A_406 = arith.index_cast %add3A_399 : i32 to index
      %swap3A_407 = arith.constant 0 : index
      %swap3A_408 = tpu.vector_load %arg12[%swap3A_406, %swap3A_407] {strides = array<i32>} : memref<80x64xf32, #tpu.memory_space<vmem>>, vector<1x16xf32>,
      %swap3A_409 = vector.shape_cast %swap3A_408 : vector<1x16xf32> to vector<16xf32>
      %swap3A_410 = vector.shape_cast %mul3A_405 : vector<16xf32> to vector<1x16xf32>
      tpu.vector_store %arg12[%swap3A_406, %swap3A_407], %swap3A_410 {strides = array<i32>} : memref<80x64xf32, #tpu.memory_space<vmem>>, vector<1x16xf32>,
      %get3A_411 = arith.index_cast %add3A_399 : i32 to index
      %get3A_412 = arith.constant 16 : index
      %get3A_413 = tpu.vector_load %arg12[%get3A_411, %get3A_412] {strides = array<i32>} : memref<80x64xf32, #tpu.memory_space<vmem>>, vector<1x16xf32>,
      %get3A_414 = vector.shape_cast %get3A_413 : vector<1x16xf32> to vector<16xf32>
      %mul3A_415 = vector.broadcast %squeeze3A_395 : f32 to vector<16xf32>
      %mul3A_416 = arith.mulf %get3A_414, %mul3A_415 : vector<16xf32>
      %swap3A_417 = arith.index_cast %add3A_399 : i32 to index
      %swap3A_418 = arith.constant 16 : index
      %swap3A_419 = tpu.vector_load %arg12[%swap3A_417, %swap3A_418] {strides = array<i32>} : memref<80x64xf32, #tpu.memory_space<vmem>>, vector<1x16xf32>,
      %swap3A_420 = vector.shape_cast %swap3A_419 : vector<1x16xf32> to vector<16xf32>
      %swap3A_421 = vector.shape_cast %mul3A_416 : vector<16xf32> to vector<1x16xf32>
      tpu.vector_store %arg12[%swap3A_417, %swap3A_418], %swap3A_421 {strides = array<i32>} : memref<80x64xf32, #tpu.memory_space<vmem>>, vector<1x16xf32>,
      %get3A_422 = arith.index_cast %add3A_399 : i32 to index
      %get3A_423 = arith.constant 32 : index
      %get3A_424 = tpu.vector_load %arg12[%get3A_422, %get3A_423] {strides = array<i32>} : memref<80x64xf32, #tpu.memory_space<vmem>>, vector<1x16xf32>,
      %get3A_425 = vector.shape_cast %get3A_424 : vector<1x16xf32> to vector<16xf32>
      %mul3A_426 = vector.broadcast %squeeze3A_395 : f32 to vector<16xf32>
      %mul3A_427 = arith.mulf %get3A_425, %mul3A_426 : vector<16xf32>
      %swap3A_428 = arith.index_cast %add3A_399 : i32 to index
      %swap3A_429 = arith.constant 32 : index
      %swap3A_430 = tpu.vector_load %arg12[%swap3A_428, %swap3A_429] {strides = array<i32>} : memref<80x64xf32, #tpu.memory_space<vmem>>, vector<1x16xf32>,
      %swap3A_431 = vector.shape_cast %swap3A_430 : vector<1x16xf32> to vector<16xf32>
      %swap3A_432 = vector.shape_cast %mul3A_427 : vector<16xf32> to vector<1x16xf32>
      tpu.vector_store %arg12[%swap3A_428, %swap3A_429], %swap3A_432 {strides = array<i32>} : memref<80x64xf32, #tpu.memory_space<vmem>>, vector<1x16xf32>,
      %get3A_433 = arith.index_cast %add3A_399 : i32 to index
      %get3A_434 = arith.constant 48 : index
      %get3A_435 = tpu.vector_load %arg12[%get3A_433, %get3A_434] {strides = array<i32>} : memref<80x64xf32, #tpu.memory_space<vmem>>, vector<1x16xf32>,
      %get3A_436 = vector.shape_cast %get3A_435 : vector<1x16xf32> to vector<16xf32>
      %mul3A_437 = vector.broadcast %squeeze3A_395 : f32 to vector<16xf32>
      %mul3A_438 = arith.mulf %get3A_436, %mul3A_437 : vector<16xf32>
      %swap3A_439 = arith.index_cast %add3A_399 : i32 to index
      %swap3A_440 = arith.constant 48 : index
      %swap3A_441 = tpu.vector_load %arg12[%swap3A_439, %swap3A_440] {strides = array<i32>} : memref<80x64xf32, #tpu.memory_space<vmem>>, vector<1x16xf32>,
      %swap3A_442 = vector.shape_cast %swap3A_441 : vector<1x16xf32> to vector<16xf32>
      %swap3A_443 = vector.shape_cast %mul3A_438 : vector<16xf32> to vector<1x16xf32>
      tpu.vector_store %arg12[%swap3A_439, %swap3A_440], %swap3A_443 {strides = array<i32>} : memref<80x64xf32, #tpu.memory_space<vmem>>, vector<1x16xf32>,
      %slice3A_444 = vector.extract_strided_slice %get3A_196 {offsets = [5], sizes = [1], strides = [1]} : vector<16xf32> to vector<1xf32>
      %squeeze3A_445 = vector.extract %slice3A_444[0] : f32 from vector<1xf32>
      %mul3A_446 = arith.constant 16 : i32
      %mul3A_447 = arith.muli %scan3A_189, %mul3A_446 : i32
      %add3A_448 = arith.constant 5 : i32
      %add3A_449 = arith.addi %mul3A_447, %add3A_448 : i32
      %get3A_450 = arith.index_cast %add3A_449 : i32 to index
      %get3A_451 = arith.constant 0 : index
      %get3A_452 = tpu.vector_load %arg12[%get3A_450, %get3A_451] {strides = array<i32>} : memref<80x64xf32, #tpu.memory_space<vmem>>, vector<1x16xf32>,
      %get3A_453 = vector.shape_cast %get3A_452 : vector<1x16xf32> to vector<16xf32>
      %mul3A_454 = vector.broadcast %squeeze3A_445 : f32 to vector<16xf32>
      %mul3A_455 = arith.mulf %get3A_453, %mul3A_454 : vector<16xf32>
      %swap3A_456 = arith.index_cast %add3A_449 : i32 to index
      %swap3A_457 = arith.constant 0 : index
      %swap3A_458 = tpu.vector_load %arg12[%swap3A_456, %swap3A_457] {strides = array<i32>} : memref<80x64xf32, #tpu.memory_space<vmem>>, vector<1x16xf32>,
      %swap3A_459 = vector.shape_cast %swap3A_458 : vector<1x16xf32> to vector<16xf32>
      %swap3A_460 = vector.shape_cast %mul3A_455 : vector<16xf32> to vector<1x16xf32>
      tpu.vector_store %arg12[%swap3A_456, %swap3A_457], %swap3A_460 {strides = array<i32>} : memref<80x64xf32, #tpu.memory_space<vmem>>, vector<1x16xf32>,
      %get3A_461 = arith.index_cast %add3A_449 : i32 to index
      %get3A_462 = arith.constant 16 : index
      %get3A_463 = tpu.vector_load %arg12[%get3A_461, %get3A_462] {strides = array<i32>} : memref<80x64xf32, #tpu.memory_space<vmem>>, vector<1x16xf32>,
      %get3A_464 = vector.shape_cast %get3A_463 : vector<1x16xf32> to vector<16xf32>
      %mul3A_465 = vector.broadcast %squeeze3A_445 : f32 to vector<16xf32>
      %mul3A_466 = arith.mulf %get3A_464, %mul3A_465 : vector<16xf32>
      %swap3A_467 = arith.index_cast %add3A_449 : i32 to index
      %swap3A_468 = arith.constant 16 : index
      %swap3A_469 = tpu.vector_load %arg12[%swap3A_467, %swap3A_468] {strides = array<i32>} : memref<80x64xf32, #tpu.memory_space<vmem>>, vector<1x16xf32>,
      %swap3A_470 = vector.shape_cast %swap3A_469 : vector<1x16xf32> to vector<16xf32>
      %swap3A_471 = vector.shape_cast %mul3A_466 : vector<16xf32> to vector<1x16xf32>
      tpu.vector_store %arg12[%swap3A_467, %swap3A_468], %swap3A_471 {strides = array<i32>} : memref<80x64xf32, #tpu.memory_space<vmem>>, vector<1x16xf32>,
      %get3A_472 = arith.index_cast %add3A_449 : i32 to index
      %get3A_473 = arith.constant 32 : index
      %get3A_474 = tpu.vector_load %arg12[%get3A_472, %get3A_473] {strides = array<i32>} : memref<80x64xf32, #tpu.memory_space<vmem>>, vector<1x16xf32>,
      %get3A_475 = vector.shape_cast %get3A_474 : vector<1x16xf32> to vector<16xf32>
      %mul3A_476 = vector.broadcast %squeeze3A_445 : f32 to vector<16xf32>
      %mul3A_477 = arith.mulf %get3A_475, %mul3A_476 : vector<16xf32>
      %swap3A_478 = arith.index_cast %add3A_449 : i32 to index
      %swap3A_479 = arith.constant 32 : index
      %swap3A_480 = tpu.vector_load %arg12[%swap3A_478, %swap3A_479] {strides = array<i32>} : memref<80x64xf32, #tpu.memory_space<vmem>>, vector<1x16xf32>,
      %swap3A_481 = vector.shape_cast %swap3A_480 : vector<1x16xf32> to vector<16xf32>
      %swap3A_482 = vector.shape_cast %mul3A_477 : vector<16xf32> to vector<1x16xf32>
      tpu.vector_store %arg12[%swap3A_478, %swap3A_479], %swap3A_482 {strides = array<i32>} : memref<80x64xf32, #tpu.memory_space<vmem>>, vector<1x16xf32>,
      %get3A_483 = arith.index_cast %add3A_449 : i32 to index
      %get3A_484 = arith.constant 48 : index
      %get3A_485 = tpu.vector_load %arg12[%get3A_483, %get3A_484] {strides = array<i32>} : memref<80x64xf32, #tpu.memory_space<vmem>>, vector<1x16xf32>,
      %get3A_486 = vector.shape_cast %get3A_485 : vector<1x16xf32> to vector<16xf32>
      %mul3A_487 = vector.broadcast %squeeze3A_445 : f32 to vector<16xf32>
      %mul3A_488 = arith.mulf %get3A_486, %mul3A_487 : vector<16xf32>
      %swap3A_489 = arith.index_cast %add3A_449 : i32 to index
      %swap3A_490 = arith.constant 48 : index
      %swap3A_491 = tpu.vector_load %arg12[%swap3A_489, %swap3A_490] {strides = array<i32>} : memref<80x64xf32, #tpu.memory_space<vmem>>, vector<1x16xf32>,
      %swap3A_492 = vector.shape_cast %swap3A_491 : vector<1x16xf32> to vector<16xf32>
      %swap3A_493 = vector.shape_cast %mul3A_488 : vector<16xf32> to vector<1x16xf32>
      tpu.vector_store %arg12[%swap3A_489, %swap3A_490], %swap3A_493 {strides = array<i32>} : memref<80x64xf32, #tpu.memory_space<vmem>>, vector<1x16xf32>,
      %slice3A_494 = vector.extract_strided_slice %get3A_196 {offsets = [6], sizes = [1], strides = [1]} : vector<16xf32> to vector<1xf32>
      %squeeze3A_495 = vector.extract %slice3A_494[0] : f32 from vector<1xf32>
      %mul3A_496 = arith.constant 16 : i32
      %mul3A_497 = arith.muli %scan3A_189, %mul3A_496 : i32
      %add3A_498 = arith.constant 6 : i32
      %add3A_499 = arith.addi %mul3A_497, %add3A_498 : i32
      %get3A_500 = arith.index_cast %add3A_499 : i32 to index
      %get3A_501 = arith.constant 0 : index
      %get3A_502 = tpu.vector_load %arg12[%get3A_500, %get3A_501] {strides = array<i32>} : memref<80x64xf32, #tpu.memory_space<vmem>>, vector<1x16xf32>,
      %get3A_503 = vector.shape_cast %get3A_502 : vector<1x16xf32> to vector<16xf32>
      %mul3A_504 = vector.broadcast %squeeze3A_495 : f32 to vector<16xf32>
      %mul3A_505 = arith.mulf %get3A_503, %mul3A_504 : vector<16xf32>
      %swap3A_506 = arith.index_cast %add3A_499 : i32 to index
      %swap3A_507 = arith.constant 0 : index
      %swap3A_508 = tpu.vector_load %arg12[%swap3A_506, %swap3A_507] {strides = array<i32>} : memref<80x64xf32, #tpu.memory_space<vmem>>, vector<1x16xf32>,
      %swap3A_509 = vector.shape_cast %swap3A_508 : vector<1x16xf32> to vector<16xf32>
      %swap3A_510 = vector.shape_cast %mul3A_505 : vector<16xf32> to vector<1x16xf32>
      tpu.vector_store %arg12[%swap3A_506, %swap3A_507], %swap3A_510 {strides = array<i32>} : memref<80x64xf32, #tpu.memory_space<vmem>>, vector<1x16xf32>,
      %get3A_511 = arith.index_cast %add3A_499 : i32 to index
      %get3A_512 = arith.constant 16 : index
      %get3A_513 = tpu.vector_load %arg12[%get3A_511, %get3A_512] {strides = array<i32>} : memref<80x64xf32, #tpu.memory_space<vmem>>, vector<1x16xf32>,
      %get3A_514 = vector.shape_cast %get3A_513 : vector<1x16xf32> to vector<16xf32>
      %mul3A_515 = vector.broadcast %squeeze3A_495 : f32 to vector<16xf32>
      %mul3A_516 = arith.mulf %get3A_514, %mul3A_515 : vector<16xf32>
      %swap3A_517 = arith.index_cast %add3A_499 : i32 to index
      %swap3A_518 = arith.constant 16 : index
      %swap3A_519 = tpu.vector_load %arg12[%swap3A_517, %swap3A_518] {strides = array<i32>} : memref<80x64xf32, #tpu.memory_space<vmem>>, vector<1x16xf32>,
      %swap3A_520 = vector.shape_cast %swap3A_519 : vector<1x16xf32> to vector<16xf32>
      %swap3A_521 = vector.shape_cast %mul3A_516 : vector<16xf32> to vector<1x16xf32>
      tpu.vector_store %arg12[%swap3A_517, %swap3A_518], %swap3A_521 {strides = array<i32>} : memref<80x64xf32, #tpu.memory_space<vmem>>, vector<1x16xf32>,
      %get3A_522 = arith.index_cast %add3A_499 : i32 to index
      %get3A_523 = arith.constant 32 : index
      %get3A_524 = tpu.vector_load %arg12[%get3A_522, %get3A_523] {strides = array<i32>} : memref<80x64xf32, #tpu.memory_space<vmem>>, vector<1x16xf32>,
      %get3A_525 = vector.shape_cast %get3A_524 : vector<1x16xf32> to vector<16xf32>
      %mul3A_526 = vector.broadcast %squeeze3A_495 : f32 to vector<16xf32>
      %mul3A_527 = arith.mulf %get3A_525, %mul3A_526 : vector<16xf32>
      %swap3A_528 = arith.index_cast %add3A_499 : i32 to index
      %swap3A_529 = arith.constant 32 : index
      %swap3A_530 = tpu.vector_load %arg12[%swap3A_528, %swap3A_529] {strides = array<i32>} : memref<80x64xf32, #tpu.memory_space<vmem>>, vector<1x16xf32>,
      %swap3A_531 = vector.shape_cast %swap3A_530 : vector<1x16xf32> to vector<16xf32>
      %swap3A_532 = vector.shape_cast %mul3A_527 : vector<16xf32> to vector<1x16xf32>
      tpu.vector_store %arg12[%swap3A_528, %swap3A_529], %swap3A_532 {strides = array<i32>} : memref<80x64xf32, #tpu.memory_space<vmem>>, vector<1x16xf32>,
      %get3A_533 = arith.index_cast %add3A_499 : i32 to index
      %get3A_534 = arith.constant 48 : index
      %get3A_535 = tpu.vector_load %arg12[%get3A_533, %get3A_534] {strides = array<i32>} : memref<80x64xf32, #tpu.memory_space<vmem>>, vector<1x16xf32>,
      %get3A_536 = vector.shape_cast %get3A_535 : vector<1x16xf32> to vector<16xf32>
      %mul3A_537 = vector.broadcast %squeeze3A_495 : f32 to vector<16xf32>
      %mul3A_538 = arith.mulf %get3A_536, %mul3A_537 : vector<16xf32>
      %swap3A_539 = arith.index_cast %add3A_499 : i32 to index
      %swap3A_540 = arith.constant 48 : index
      %swap3A_541 = tpu.vector_load %arg12[%swap3A_539, %swap3A_540] {strides = array<i32>} : memref<80x64xf32, #tpu.memory_space<vmem>>, vector<1x16xf32>,
      %swap3A_542 = vector.shape_cast %swap3A_541 : vector<1x16xf32> to vector<16xf32>
      %swap3A_543 = vector.shape_cast %mul3A_538 : vector<16xf32> to vector<1x16xf32>
      tpu.vector_store %arg12[%swap3A_539, %swap3A_540], %swap3A_543 {strides = array<i32>} : memref<80x64xf32, #tpu.memory_space<vmem>>, vector<1x16xf32>,
      %slice3A_544 = vector.extract_strided_slice %get3A_196 {offsets = [7], sizes = [1], strides = [1]} : vector<16xf32> to vector<1xf32>
      %squeeze3A_545 = vector.extract %slice3A_544[0] : f32 from vector<1xf32>
      %mul3A_546 = arith.constant 16 : i32
      %mul3A_547 = arith.muli %scan3A_189, %mul3A_546 : i32
      %add3A_548 = arith.constant 7 : i32
      %add3A_549 = arith.addi %mul3A_547, %add3A_548 : i32
      %get3A_550 = arith.index_cast %add3A_549 : i32 to index
      %get3A_551 = arith.constant 0 : index
      %get3A_552 = tpu.vector_load %arg12[%get3A_550, %get3A_551] {strides = array<i32>} : memref<80x64xf32, #tpu.memory_space<vmem>>, vector<1x16xf32>,
      %get3A_553 = vector.shape_cast %get3A_552 : vector<1x16xf32> to vector<16xf32>
      %mul3A_554 = vector.broadcast %squeeze3A_545 : f32 to vector<16xf32>
      %mul3A_555 = arith.mulf %get3A_553, %mul3A_554 : vector<16xf32>
      %swap3A_556 = arith.index_cast %add3A_549 : i32 to index
      %swap3A_557 = arith.constant 0 : index
      %swap3A_558 = tpu.vector_load %arg12[%swap3A_556, %swap3A_557] {strides = array<i32>} : memref<80x64xf32, #tpu.memory_space<vmem>>, vector<1x16xf32>,
      %swap3A_559 = vector.shape_cast %swap3A_558 : vector<1x16xf32> to vector<16xf32>
      %swap3A_560 = vector.shape_cast %mul3A_555 : vector<16xf32> to vector<1x16xf32>
      tpu.vector_store %arg12[%swap3A_556, %swap3A_557], %swap3A_560 {strides = array<i32>} : memref<80x64xf32, #tpu.memory_space<vmem>>, vector<1x16xf32>,
      %get3A_561 = arith.index_cast %add3A_549 : i32 to index
      %get3A_562 = arith.constant 16 : index
      %get3A_563 = tpu.vector_load %arg12[%get3A_561, %get3A_562] {strides = array<i32>} : memref<80x64xf32, #tpu.memory_space<vmem>>, vector<1x16xf32>,
      %get3A_564 = vector.shape_cast %get3A_563 : vector<1x16xf32> to vector<16xf32>
      %mul3A_565 = vector.broadcast %squeeze3A_545 : f32 to vector<16xf32>
      %mul3A_566 = arith.mulf %get3A_564, %mul3A_565 : vector<16xf32>
      %swap3A_567 = arith.index_cast %add3A_549 : i32 to index
      %swap3A_568 = arith.constant 16 : index
      %swap3A_569 = tpu.vector_load %arg12[%swap3A_567, %swap3A_568] {strides = array<i32>} : memref<80x64xf32, #tpu.memory_space<vmem>>, vector<1x16xf32>,
      %swap3A_570 = vector.shape_cast %swap3A_569 : vector<1x16xf32> to vector<16xf32>
      %swap3A_571 = vector.shape_cast %mul3A_566 : vector<16xf32> to vector<1x16xf32>
      tpu.vector_store %arg12[%swap3A_567, %swap3A_568], %swap3A_571 {strides = array<i32>} : memref<80x64xf32, #tpu.memory_space<vmem>>, vector<1x16xf32>,
      %get3A_572 = arith.index_cast %add3A_549 : i32 to index
      %get3A_573 = arith.constant 32 : index
      %get3A_574 = tpu.vector_load %arg12[%get3A_572, %get3A_573] {strides = array<i32>} : memref<80x64xf32, #tpu.memory_space<vmem>>, vector<1x16xf32>,
      %get3A_575 = vector.shape_cast %get3A_574 : vector<1x16xf32> to vector<16xf32>
      %mul3A_576 = vector.broadcast %squeeze3A_545 : f32 to vector<16xf32>
      %mul3A_577 = arith.mulf %get3A_575, %mul3A_576 : vector<16xf32>
      %swap3A_578 = arith.index_cast %add3A_549 : i32 to index
      %swap3A_579 = arith.constant 32 : index
      %swap3A_580 = tpu.vector_load %arg12[%swap3A_578, %swap3A_579] {strides = array<i32>} : memref<80x64xf32, #tpu.memory_space<vmem>>, vector<1x16xf32>,
      %swap3A_581 = vector.shape_cast %swap3A_580 : vector<1x16xf32> to vector<16xf32>
      %swap3A_582 = vector.shape_cast %mul3A_577 : vector<16xf32> to vector<1x16xf32>
      tpu.vector_store %arg12[%swap3A_578, %swap3A_579], %swap3A_582 {strides = array<i32>} : memref<80x64xf32, #tpu.memory_space<vmem>>, vector<1x16xf32>,
      %get3A_583 = arith.index_cast %add3A_549 : i32 to index
      %get3A_584 = arith.constant 48 : index
      %get3A_585 = tpu.vector_load %arg12[%get3A_583, %get3A_584] {strides = array<i32>} : memref<80x64xf32, #tpu.memory_space<vmem>>, vector<1x16xf32>,
      %get3A_586 = vector.shape_cast %get3A_585 : vector<1x16xf32> to vector<16xf32>
      %mul3A_587 = vector.broadcast %squeeze3A_545 : f32 to vector<16xf32>
      %mul3A_588 = arith.mulf %get3A_586, %mul3A_587 : vector<16xf32>
      %swap3A_589 = arith.index_cast %add3A_549 : i32 to index
      %swap3A_590 = arith.constant 48 : index
      %swap3A_591 = tpu.vector_load %arg12[%swap3A_589, %swap3A_590] {strides = array<i32>} : memref<80x64xf32, #tpu.memory_space<vmem>>, vector<1x16xf32>,
      %swap3A_592 = vector.shape_cast %swap3A_591 : vector<1x16xf32> to vector<16xf32>
      %swap3A_593 = vector.shape_cast %mul3A_588 : vector<16xf32> to vector<1x16xf32>
      tpu.vector_store %arg12[%swap3A_589, %swap3A_590], %swap3A_593 {strides = array<i32>} : memref<80x64xf32, #tpu.memory_space<vmem>>, vector<1x16xf32>,
      %slice3A_594 = vector.extract_strided_slice %get3A_196 {offsets = [8], sizes = [1], strides = [1]} : vector<16xf32> to vector<1xf32>
      %squeeze3A_595 = vector.extract %slice3A_594[0] : f32 from vector<1xf32>
      %mul3A_596 = arith.constant 16 : i32
      %mul3A_597 = arith.muli %scan3A_189, %mul3A_596 : i32
      %add3A_598 = arith.constant 8 : i32
      %add3A_599 = arith.addi %mul3A_597, %add3A_598 : i32
      %get3A_600 = arith.index_cast %add3A_599 : i32 to index
      %get3A_601 = arith.constant 0 : index
      %get3A_602 = tpu.vector_load %arg12[%get3A_600, %get3A_601] {strides = array<i32>} : memref<80x64xf32, #tpu.memory_space<vmem>>, vector<1x16xf32>,
      %get3A_603 = vector.shape_cast %get3A_602 : vector<1x16xf32> to vector<16xf32>
      %mul3A_604 = vector.broadcast %squeeze3A_595 : f32 to vector<16xf32>
      %mul3A_605 = arith.mulf %get3A_603, %mul3A_604 : vector<16xf32>
      %swap3A_606 = arith.index_cast %add3A_599 : i32 to index
      %swap3A_607 = arith.constant 0 : index
      %swap3A_608 = tpu.vector_load %arg12[%swap3A_606, %swap3A_607] {strides = array<i32>} : memref<80x64xf32, #tpu.memory_space<vmem>>, vector<1x16xf32>,
      %swap3A_609 = vector.shape_cast %swap3A_608 : vector<1x16xf32> to vector<16xf32>
      %swap3A_610 = vector.shape_cast %mul3A_605 : vector<16xf32> to vector<1x16xf32>
      tpu.vector_store %arg12[%swap3A_606, %swap3A_607], %swap3A_610 {strides = array<i32>} : memref<80x64xf32, #tpu.memory_space<vmem>>, vector<1x16xf32>,
      %get3A_611 = arith.index_cast %add3A_599 : i32 to index
      %get3A_612 = arith.constant 16 : index
      %get3A_613 = tpu.vector_load %arg12[%get3A_611, %get3A_612] {strides = array<i32>} : memref<80x64xf32, #tpu.memory_space<vmem>>, vector<1x16xf32>,
      %get3A_614 = vector.shape_cast %get3A_613 : vector<1x16xf32> to vector<16xf32>
      %mul3A_615 = vector.broadcast %squeeze3A_595 : f32 to vector<16xf32>
      %mul3A_616 = arith.mulf %get3A_614, %mul3A_615 : vector<16xf32>
      %swap3A_617 = arith.index_cast %add3A_599 : i32 to index
      %swap3A_618 = arith.constant 16 : index
      %swap3A_619 = tpu.vector_load %arg12[%swap3A_617, %swap3A_618] {strides = array<i32>} : memref<80x64xf32, #tpu.memory_space<vmem>>, vector<1x16xf32>,
      %swap3A_620 = vector.shape_cast %swap3A_619 : vector<1x16xf32> to vector<16xf32>
      %swap3A_621 = vector.shape_cast %mul3A_616 : vector<16xf32> to vector<1x16xf32>
      tpu.vector_store %arg12[%swap3A_617, %swap3A_618], %swap3A_621 {strides = array<i32>} : memref<80x64xf32, #tpu.memory_space<vmem>>, vector<1x16xf32>,
      %get3A_622 = arith.index_cast %add3A_599 : i32 to index
      %get3A_623 = arith.constant 32 : index
      %get3A_624 = tpu.vector_load %arg12[%get3A_622, %get3A_623] {strides = array<i32>} : memref<80x64xf32, #tpu.memory_space<vmem>>, vector<1x16xf32>,
      %get3A_625 = vector.shape_cast %get3A_624 : vector<1x16xf32> to vector<16xf32>
      %mul3A_626 = vector.broadcast %squeeze3A_595 : f32 to vector<16xf32>
      %mul3A_627 = arith.mulf %get3A_625, %mul3A_626 : vector<16xf32>
      %swap3A_628 = arith.index_cast %add3A_599 : i32 to index
      %swap3A_629 = arith.constant 32 : index
      %swap3A_630 = tpu.vector_load %arg12[%swap3A_628, %swap3A_629] {strides = array<i32>} : memref<80x64xf32, #tpu.memory_space<vmem>>, vector<1x16xf32>,
      %swap3A_631 = vector.shape_cast %swap3A_630 : vector<1x16xf32> to vector<16xf32>
      %swap3A_632 = vector.shape_cast %mul3A_627 : vector<16xf32> to vector<1x16xf32>
      tpu.vector_store %arg12[%swap3A_628, %swap3A_629], %swap3A_632 {strides = array<i32>} : memref<80x64xf32, #tpu.memory_space<vmem>>, vector<1x16xf32>,
      %get3A_633 = arith.index_cast %add3A_599 : i32 to index
      %get3A_634 = arith.constant 48 : index
      %get3A_635 = tpu.vector_load %arg12[%get3A_633, %get3A_634] {strides = array<i32>} : memref<80x64xf32, #tpu.memory_space<vmem>>, vector<1x16xf32>,
      %get3A_636 = vector.shape_cast %get3A_635 : vector<1x16xf32> to vector<16xf32>
      %mul3A_637 = vector.broadcast %squeeze3A_595 : f32 to vector<16xf32>
      %mul3A_638 = arith.mulf %get3A_636, %mul3A_637 : vector<16xf32>
      %swap3A_639 = arith.index_cast %add3A_599 : i32 to index
      %swap3A_640 = arith.constant 48 : index
      %swap3A_641 = tpu.vector_load %arg12[%swap3A_639, %swap3A_640] {strides = array<i32>} : memref<80x64xf32, #tpu.memory_space<vmem>>, vector<1x16xf32>,
      %swap3A_642 = vector.shape_cast %swap3A_641 : vector<1x16xf32> to vector<16xf32>
      %swap3A_643 = vector.shape_cast %mul3A_638 : vector<16xf32> to vector<1x16xf32>
      tpu.vector_store %arg12[%swap3A_639, %swap3A_640], %swap3A_643 {strides = array<i32>} : memref<80x64xf32, #tpu.memory_space<vmem>>, vector<1x16xf32>,
      %slice3A_644 = vector.extract_strided_slice %get3A_196 {offsets = [9], sizes = [1], strides = [1]} : vector<16xf32> to vector<1xf32>
      %squeeze3A_645 = vector.extract %slice3A_644[0] : f32 from vector<1xf32>
      %mul3A_646 = arith.constant 16 : i32
      %mul3A_647 = arith.muli %scan3A_189, %mul3A_646 : i32
      %add3A_648 = arith.constant 9 : i32
      %add3A_649 = arith.addi %mul3A_647, %add3A_648 : i32
      %get3A_650 = arith.index_cast %add3A_649 : i32 to index
      %get3A_651 = arith.constant 0 : index
      %get3A_652 = tpu.vector_load %arg12[%get3A_650, %get3A_651] {strides = array<i32>} : memref<80x64xf32, #tpu.memory_space<vmem>>, vector<1x16xf32>,
      %get3A_653 = vector.shape_cast %get3A_652 : vector<1x16xf32> to vector<16xf32>
      %mul3A_654 = vector.broadcast %squeeze3A_645 : f32 to vector<16xf32>
      %mul3A_655 = arith.mulf %get3A_653, %mul3A_654 : vector<16xf32>
      %swap3A_656 = arith.index_cast %add3A_649 : i32 to index
      %swap3A_657 = arith.constant 0 : index
      %swap3A_658 = tpu.vector_load %arg12[%swap3A_656, %swap3A_657] {strides = array<i32>} : memref<80x64xf32, #tpu.memory_space<vmem>>, vector<1x16xf32>,
      %swap3A_659 = vector.shape_cast %swap3A_658 : vector<1x16xf32> to vector<16xf32>
      %swap3A_660 = vector.shape_cast %mul3A_655 : vector<16xf32> to vector<1x16xf32>
      tpu.vector_store %arg12[%swap3A_656, %swap3A_657], %swap3A_660 {strides = array<i32>} : memref<80x64xf32, #tpu.memory_space<vmem>>, vector<1x16xf32>,
      %get3A_661 = arith.index_cast %add3A_649 : i32 to index
      %get3A_662 = arith.constant 16 : index
      %get3A_663 = tpu.vector_load %arg12[%get3A_661, %get3A_662] {strides = array<i32>} : memref<80x64xf32, #tpu.memory_space<vmem>>, vector<1x16xf32>,
      %get3A_664 = vector.shape_cast %get3A_663 : vector<1x16xf32> to vector<16xf32>
      %mul3A_665 = vector.broadcast %squeeze3A_645 : f32 to vector<16xf32>
      %mul3A_666 = arith.mulf %get3A_664, %mul3A_665 : vector<16xf32>
      %swap3A_667 = arith.index_cast %add3A_649 : i32 to index
      %swap3A_668 = arith.constant 16 : index
      %swap3A_669 = tpu.vector_load %arg12[%swap3A_667, %swap3A_668] {strides = array<i32>} : memref<80x64xf32, #tpu.memory_space<vmem>>, vector<1x16xf32>,
      %swap3A_670 = vector.shape_cast %swap3A_669 : vector<1x16xf32> to vector<16xf32>
      %swap3A_671 = vector.shape_cast %mul3A_666 : vector<16xf32> to vector<1x16xf32>
      tpu.vector_store %arg12[%swap3A_667, %swap3A_668], %swap3A_671 {strides = array<i32>} : memref<80x64xf32, #tpu.memory_space<vmem>>, vector<1x16xf32>,
      %get3A_672 = arith.index_cast %add3A_649 : i32 to index
      %get3A_673 = arith.constant 32 : index
      %get3A_674 = tpu.vector_load %arg12[%get3A_672, %get3A_673] {strides = array<i32>} : memref<80x64xf32, #tpu.memory_space<vmem>>, vector<1x16xf32>,
      %get3A_675 = vector.shape_cast %get3A_674 : vector<1x16xf32> to vector<16xf32>
      %mul3A_676 = vector.broadcast %squeeze3A_645 : f32 to vector<16xf32>
      %mul3A_677 = arith.mulf %get3A_675, %mul3A_676 : vector<16xf32>
      %swap3A_678 = arith.index_cast %add3A_649 : i32 to index
      %swap3A_679 = arith.constant 32 : index
      %swap3A_680 = tpu.vector_load %arg12[%swap3A_678, %swap3A_679] {strides = array<i32>} : memref<80x64xf32, #tpu.memory_space<vmem>>, vector<1x16xf32>,
      %swap3A_681 = vector.shape_cast %swap3A_680 : vector<1x16xf32> to vector<16xf32>
      %swap3A_682 = vector.shape_cast %mul3A_677 : vector<16xf32> to vector<1x16xf32>
      tpu.vector_store %arg12[%swap3A_678, %swap3A_679], %swap3A_682 {strides = array<i32>} : memref<80x64xf32, #tpu.memory_space<vmem>>, vector<1x16xf32>,
      %get3A_683 = arith.index_cast %add3A_649 : i32 to index
      %get3A_684 = arith.constant 48 : index
      %get3A_685 = tpu.vector_load %arg12[%get3A_683, %get3A_684] {strides = array<i32>} : memref<80x64xf32, #tpu.memory_space<vmem>>, vector<1x16xf32>,
      %get3A_686 = vector.shape_cast %get3A_685 : vector<1x16xf32> to vector<16xf32>
      %mul3A_687 = vector.broadcast %squeeze3A_645 : f32 to vector<16xf32>
      %mul3A_688 = arith.mulf %get3A_686, %mul3A_687 : vector<16xf32>
      %swap3A_689 = arith.index_cast %add3A_649 : i32 to index
      %swap3A_690 = arith.constant 48 : index
      %swap3A_691 = tpu.vector_load %arg12[%swap3A_689, %swap3A_690] {strides = array<i32>} : memref<80x64xf32, #tpu.memory_space<vmem>>, vector<1x16xf32>,
      %swap3A_692 = vector.shape_cast %swap3A_691 : vector<1x16xf32> to vector<16xf32>
      %swap3A_693 = vector.shape_cast %mul3A_688 : vector<16xf32> to vector<1x16xf32>
      tpu.vector_store %arg12[%swap3A_689, %swap3A_690], %swap3A_693 {strides = array<i32>} : memref<80x64xf32, #tpu.memory_space<vmem>>, vector<1x16xf32>,
      %slice3A_694 = vector.extract_strided_slice %get3A_196 {offsets = [10], sizes = [1], strides = [1]} : vector<16xf32> to vector<1xf32>
      %squeeze3A_695 = vector.extract %slice3A_694[0] : f32 from vector<1xf32>
      %mul3A_696 = arith.constant 16 : i32
      %mul3A_697 = arith.muli %scan3A_189, %mul3A_696 : i32
      %add3A_698 = arith.constant 10 : i32
      %add3A_699 = arith.addi %mul3A_697, %add3A_698 : i32
      %get3A_700 = arith.index_cast %add3A_699 : i32 to index
      %get3A_701 = arith.constant 0 : index
      %get3A_702 = tpu.vector_load %arg12[%get3A_700, %get3A_701] {strides = array<i32>} : memref<80x64xf32, #tpu.memory_space<vmem>>, vector<1x16xf32>,
      %get3A_703 = vector.shape_cast %get3A_702 : vector<1x16xf32> to vector<16xf32>
      %mul3A_704 = vector.broadcast %squeeze3A_695 : f32 to vector<16xf32>
      %mul3A_705 = arith.mulf %get3A_703, %mul3A_704 : vector<16xf32>
      %swap3A_706 = arith.index_cast %add3A_699 : i32 to index
      %swap3A_707 = arith.constant 0 : index
      %swap3A_708 = tpu.vector_load %arg12[%swap3A_706, %swap3A_707] {strides = array<i32>} : memref<80x64xf32, #tpu.memory_space<vmem>>, vector<1x16xf32>,
      %swap3A_709 = vector.shape_cast %swap3A_708 : vector<1x16xf32> to vector<16xf32>
      %swap3A_710 = vector.shape_cast %mul3A_705 : vector<16xf32> to vector<1x16xf32>
      tpu.vector_store %arg12[%swap3A_706, %swap3A_707], %swap3A_710 {strides = array<i32>} : memref<80x64xf32, #tpu.memory_space<vmem>>, vector<1x16xf32>,
      %get3A_711 = arith.index_cast %add3A_699 : i32 to index
      %get3A_712 = arith.constant 16 : index
      %get3A_713 = tpu.vector_load %arg12[%get3A_711, %get3A_712] {strides = array<i32>} : memref<80x64xf32, #tpu.memory_space<vmem>>, vector<1x16xf32>,
      %get3A_714 = vector.shape_cast %get3A_713 : vector<1x16xf32> to vector<16xf32>
      %mul3A_715 = vector.broadcast %squeeze3A_695 : f32 to vector<16xf32>
      %mul3A_716 = arith.mulf %get3A_714, %mul3A_715 : vector<16xf32>
      %swap3A_717 = arith.index_cast %add3A_699 : i32 to index
      %swap3A_718 = arith.constant 16 : index
      %swap3A_719 = tpu.vector_load %arg12[%swap3A_717, %swap3A_718] {strides = array<i32>} : memref<80x64xf32, #tpu.memory_space<vmem>>, vector<1x16xf32>,
      %swap3A_720 = vector.shape_cast %swap3A_719 : vector<1x16xf32> to vector<16xf32>
      %swap3A_721 = vector.shape_cast %mul3A_716 : vector<16xf32> to vector<1x16xf32>
      tpu.vector_store %arg12[%swap3A_717, %swap3A_718], %swap3A_721 {strides = array<i32>} : memref<80x64xf32, #tpu.memory_space<vmem>>, vector<1x16xf32>,
      %get3A_722 = arith.index_cast %add3A_699 : i32 to index
      %get3A_723 = arith.constant 32 : index
      %get3A_724 = tpu.vector_load %arg12[%get3A_722, %get3A_723] {strides = array<i32>} : memref<80x64xf32, #tpu.memory_space<vmem>>, vector<1x16xf32>,
      %get3A_725 = vector.shape_cast %get3A_724 : vector<1x16xf32> to vector<16xf32>
      %mul3A_726 = vector.broadcast %squeeze3A_695 : f32 to vector<16xf32>
      %mul3A_727 = arith.mulf %get3A_725, %mul3A_726 : vector<16xf32>
      %swap3A_728 = arith.index_cast %add3A_699 : i32 to index
      %swap3A_729 = arith.constant 32 : index
      %swap3A_730 = tpu.vector_load %arg12[%swap3A_728, %swap3A_729] {strides = array<i32>} : memref<80x64xf32, #tpu.memory_space<vmem>>, vector<1x16xf32>,
      %swap3A_731 = vector.shape_cast %swap3A_730 : vector<1x16xf32> to vector<16xf32>
      %swap3A_732 = vector.shape_cast %mul3A_727 : vector<16xf32> to vector<1x16xf32>
      tpu.vector_store %arg12[%swap3A_728, %swap3A_729], %swap3A_732 {strides = array<i32>} : memref<80x64xf32, #tpu.memory_space<vmem>>, vector<1x16xf32>,
      %get3A_733 = arith.index_cast %add3A_699 : i32 to index
      %get3A_734 = arith.constant 48 : index
      %get3A_735 = tpu.vector_load %arg12[%get3A_733, %get3A_734] {strides = array<i32>} : memref<80x64xf32, #tpu.memory_space<vmem>>, vector<1x16xf32>,
      %get3A_736 = vector.shape_cast %get3A_735 : vector<1x16xf32> to vector<16xf32>
      %mul3A_737 = vector.broadcast %squeeze3A_695 : f32 to vector<16xf32>
      %mul3A_738 = arith.mulf %get3A_736, %mul3A_737 : vector<16xf32>
      %swap3A_739 = arith.index_cast %add3A_699 : i32 to index
      %swap3A_740 = arith.constant 48 : index
      %swap3A_741 = tpu.vector_load %arg12[%swap3A_739, %swap3A_740] {strides = array<i32>} : memref<80x64xf32, #tpu.memory_space<vmem>>, vector<1x16xf32>,
      %swap3A_742 = vector.shape_cast %swap3A_741 : vector<1x16xf32> to vector<16xf32>
      %swap3A_743 = vector.shape_cast %mul3A_738 : vector<16xf32> to vector<1x16xf32>
      tpu.vector_store %arg12[%swap3A_739, %swap3A_740], %swap3A_743 {strides = array<i32>} : memref<80x64xf32, #tpu.memory_space<vmem>>, vector<1x16xf32>,
      %slice3A_744 = vector.extract_strided_slice %get3A_196 {offsets = [11], sizes = [1], strides = [1]} : vector<16xf32> to vector<1xf32>
      %squeeze3A_745 = vector.extract %slice3A_744[0] : f32 from vector<1xf32>
      %mul3A_746 = arith.constant 16 : i32
      %mul3A_747 = arith.muli %scan3A_189, %mul3A_746 : i32
      %add3A_748 = arith.constant 11 : i32
      %add3A_749 = arith.addi %mul3A_747, %add3A_748 : i32
      %get3A_750 = arith.index_cast %add3A_749 : i32 to index
      %get3A_751 = arith.constant 0 : index
      %get3A_752 = tpu.vector_load %arg12[%get3A_750, %get3A_751] {strides = array<i32>} : memref<80x64xf32, #tpu.memory_space<vmem>>, vector<1x16xf32>,
      %get3A_753 = vector.shape_cast %get3A_752 : vector<1x16xf32> to vector<16xf32>
      %mul3A_754 = vector.broadcast %squeeze3A_745 : f32 to vector<16xf32>
      %mul3A_755 = arith.mulf %get3A_753, %mul3A_754 : vector<16xf32>
      %swap3A_756 = arith.index_cast %add3A_749 : i32 to index
      %swap3A_757 = arith.constant 0 : index
      %swap3A_758 = tpu.vector_load %arg12[%swap3A_756, %swap3A_757] {strides = array<i32>} : memref<80x64xf32, #tpu.memory_space<vmem>>, vector<1x16xf32>,
      %swap3A_759 = vector.shape_cast %swap3A_758 : vector<1x16xf32> to vector<16xf32>
      %swap3A_760 = vector.shape_cast %mul3A_755 : vector<16xf32> to vector<1x16xf32>
      tpu.vector_store %arg12[%swap3A_756, %swap3A_757], %swap3A_760 {strides = array<i32>} : memref<80x64xf32, #tpu.memory_space<vmem>>, vector<1x16xf32>,
      %get3A_761 = arith.index_cast %add3A_749 : i32 to index
      %get3A_762 = arith.constant 16 : index
      %get3A_763 = tpu.vector_load %arg12[%get3A_761, %get3A_762] {strides = array<i32>} : memref<80x64xf32, #tpu.memory_space<vmem>>, vector<1x16xf32>,
      %get3A_764 = vector.shape_cast %get3A_763 : vector<1x16xf32> to vector<16xf32>
      %mul3A_765 = vector.broadcast %squeeze3A_745 : f32 to vector<16xf32>
      %mul3A_766 = arith.mulf %get3A_764, %mul3A_765 : vector<16xf32>
      %swap3A_767 = arith.index_cast %add3A_749 : i32 to index
      %swap3A_768 = arith.constant 16 : index
      %swap3A_769 = tpu.vector_load %arg12[%swap3A_767, %swap3A_768] {strides = array<i32>} : memref<80x64xf32, #tpu.memory_space<vmem>>, vector<1x16xf32>,
      %swap3A_770 = vector.shape_cast %swap3A_769 : vector<1x16xf32> to vector<16xf32>
      %swap3A_771 = vector.shape_cast %mul3A_766 : vector<16xf32> to vector<1x16xf32>
      tpu.vector_store %arg12[%swap3A_767, %swap3A_768], %swap3A_771 {strides = array<i32>} : memref<80x64xf32, #tpu.memory_space<vmem>>, vector<1x16xf32>,
      %get3A_772 = arith.index_cast %add3A_749 : i32 to index
      %get3A_773 = arith.constant 32 : index
      %get3A_774 = tpu.vector_load %arg12[%get3A_772, %get3A_773] {strides = array<i32>} : memref<80x64xf32, #tpu.memory_space<vmem>>, vector<1x16xf32>,
      %get3A_775 = vector.shape_cast %get3A_774 : vector<1x16xf32> to vector<16xf32>
      %mul3A_776 = vector.broadcast %squeeze3A_745 : f32 to vector<16xf32>
      %mul3A_777 = arith.mulf %get3A_775, %mul3A_776 : vector<16xf32>
      %swap3A_778 = arith.index_cast %add3A_749 : i32 to index
      %swap3A_779 = arith.constant 32 : index
      %swap3A_780 = tpu.vector_load %arg12[%swap3A_778, %swap3A_779] {strides = array<i32>} : memref<80x64xf32, #tpu.memory_space<vmem>>, vector<1x16xf32>,
      %swap3A_781 = vector.shape_cast %swap3A_780 : vector<1x16xf32> to vector<16xf32>
      %swap3A_782 = vector.shape_cast %mul3A_777 : vector<16xf32> to vector<1x16xf32>
      tpu.vector_store %arg12[%swap3A_778, %swap3A_779], %swap3A_782 {strides = array<i32>} : memref<80x64xf32, #tpu.memory_space<vmem>>, vector<1x16xf32>,
      %get3A_783 = arith.index_cast %add3A_749 : i32 to index
      %get3A_784 = arith.constant 48 : index
      %get3A_785 = tpu.vector_load %arg12[%get3A_783, %get3A_784] {strides = array<i32>} : memref<80x64xf32, #tpu.memory_space<vmem>>, vector<1x16xf32>,
      %get3A_786 = vector.shape_cast %get3A_785 : vector<1x16xf32> to vector<16xf32>
      %mul3A_787 = vector.broadcast %squeeze3A_745 : f32 to vector<16xf32>
      %mul3A_788 = arith.mulf %get3A_786, %mul3A_787 : vector<16xf32>
      %swap3A_789 = arith.index_cast %add3A_749 : i32 to index
      %swap3A_790 = arith.constant 48 : index
      %swap3A_791 = tpu.vector_load %arg12[%swap3A_789, %swap3A_790] {strides = array<i32>} : memref<80x64xf32, #tpu.memory_space<vmem>>, vector<1x16xf32>,
      %swap3A_792 = vector.shape_cast %swap3A_791 : vector<1x16xf32> to vector<16xf32>
      %swap3A_793 = vector.shape_cast %mul3A_788 : vector<16xf32> to vector<1x16xf32>
      tpu.vector_store %arg12[%swap3A_789, %swap3A_790], %swap3A_793 {strides = array<i32>} : memref<80x64xf32, #tpu.memory_space<vmem>>, vector<1x16xf32>,
      %slice3A_794 = vector.extract_strided_slice %get3A_196 {offsets = [12], sizes = [1], strides = [1]} : vector<16xf32> to vector<1xf32>
      %squeeze3A_795 = vector.extract %slice3A_794[0] : f32 from vector<1xf32>
      %mul3A_796 = arith.constant 16 : i32
      %mul3A_797 = arith.muli %scan3A_189, %mul3A_796 : i32
      %add3A_798 = arith.constant 12 : i32
      %add3A_799 = arith.addi %mul3A_797, %add3A_798 : i32
      %get3A_800 = arith.index_cast %add3A_799 : i32 to index
      %get3A_801 = arith.constant 0 : index
      %get3A_802 = tpu.vector_load %arg12[%get3A_800, %get3A_801] {strides = array<i32>} : memref<80x64xf32, #tpu.memory_space<vmem>>, vector<1x16xf32>,
      %get3A_803 = vector.shape_cast %get3A_802 : vector<1x16xf32> to vector<16xf32>
      %mul3A_804 = vector.broadcast %squeeze3A_795 : f32 to vector<16xf32>
      %mul3A_805 = arith.mulf %get3A_803, %mul3A_804 : vector<16xf32>
      %swap3A_806 = arith.index_cast %add3A_799 : i32 to index
      %swap3A_807 = arith.constant 0 : index
      %swap3A_808 = tpu.vector_load %arg12[%swap3A_806, %swap3A_807] {strides = array<i32>} : memref<80x64xf32, #tpu.memory_space<vmem>>, vector<1x16xf32>,
      %swap3A_809 = vector.shape_cast %swap3A_808 : vector<1x16xf32> to vector<16xf32>
      %swap3A_810 = vector.shape_cast %mul3A_805 : vector<16xf32> to vector<1x16xf32>
      tpu.vector_store %arg12[%swap3A_806, %swap3A_807], %swap3A_810 {strides = array<i32>} : memref<80x64xf32, #tpu.memory_space<vmem>>, vector<1x16xf32>,
      %get3A_811 = arith.index_cast %add3A_799 : i32 to index
      %get3A_812 = arith.constant 16 : index
      %get3A_813 = tpu.vector_load %arg12[%get3A_811, %get3A_812] {strides = array<i32>} : memref<80x64xf32, #tpu.memory_space<vmem>>, vector<1x16xf32>,
      %get3A_814 = vector.shape_cast %get3A_813 : vector<1x16xf32> to vector<16xf32>
      %mul3A_815 = vector.broadcast %squeeze3A_795 : f32 to vector<16xf32>
      %mul3A_816 = arith.mulf %get3A_814, %mul3A_815 : vector<16xf32>
      %swap3A_817 = arith.index_cast %add3A_799 : i32 to index
      %swap3A_818 = arith.constant 16 : index
      %swap3A_819 = tpu.vector_load %arg12[%swap3A_817, %swap3A_818] {strides = array<i32>} : memref<80x64xf32, #tpu.memory_space<vmem>>, vector<1x16xf32>,
      %swap3A_820 = vector.shape_cast %swap3A_819 : vector<1x16xf32> to vector<16xf32>
      %swap3A_821 = vector.shape_cast %mul3A_816 : vector<16xf32> to vector<1x16xf32>
      tpu.vector_store %arg12[%swap3A_817, %swap3A_818], %swap3A_821 {strides = array<i32>} : memref<80x64xf32, #tpu.memory_space<vmem>>, vector<1x16xf32>,
      %get3A_822 = arith.index_cast %add3A_799 : i32 to index
      %get3A_823 = arith.constant 32 : index
      %get3A_824 = tpu.vector_load %arg12[%get3A_822, %get3A_823] {strides = array<i32>} : memref<80x64xf32, #tpu.memory_space<vmem>>, vector<1x16xf32>,
      %get3A_825 = vector.shape_cast %get3A_824 : vector<1x16xf32> to vector<16xf32>
      %mul3A_826 = vector.broadcast %squeeze3A_795 : f32 to vector<16xf32>
      %mul3A_827 = arith.mulf %get3A_825, %mul3A_826 : vector<16xf32>
      %swap3A_828 = arith.index_cast %add3A_799 : i32 to index
      %swap3A_829 = arith.constant 32 : index
      %swap3A_830 = tpu.vector_load %arg12[%swap3A_828, %swap3A_829] {strides = array<i32>} : memref<80x64xf32, #tpu.memory_space<vmem>>, vector<1x16xf32>,
      %swap3A_831 = vector.shape_cast %swap3A_830 : vector<1x16xf32> to vector<16xf32>
      %swap3A_832 = vector.shape_cast %mul3A_827 : vector<16xf32> to vector<1x16xf32>
      tpu.vector_store %arg12[%swap3A_828, %swap3A_829], %swap3A_832 {strides = array<i32>} : memref<80x64xf32, #tpu.memory_space<vmem>>, vector<1x16xf32>,
      %get3A_833 = arith.index_cast %add3A_799 : i32 to index
      %get3A_834 = arith.constant 48 : index
      %get3A_835 = tpu.vector_load %arg12[%get3A_833, %get3A_834] {strides = array<i32>} : memref<80x64xf32, #tpu.memory_space<vmem>>, vector<1x16xf32>,
      %get3A_836 = vector.shape_cast %get3A_835 : vector<1x16xf32> to vector<16xf32>
      %mul3A_837 = vector.broadcast %squeeze3A_795 : f32 to vector<16xf32>
      %mul3A_838 = arith.mulf %get3A_836, %mul3A_837 : vector<16xf32>
      %swap3A_839 = arith.index_cast %add3A_799 : i32 to index
      %swap3A_840 = arith.constant 48 : index
      %swap3A_841 = tpu.vector_load %arg12[%swap3A_839, %swap3A_840] {strides = array<i32>} : memref<80x64xf32, #tpu.memory_space<vmem>>, vector<1x16xf32>,
      %swap3A_842 = vector.shape_cast %swap3A_841 : vector<1x16xf32> to vector<16xf32>
      %swap3A_843 = vector.shape_cast %mul3A_838 : vector<16xf32> to vector<1x16xf32>
      tpu.vector_store %arg12[%swap3A_839, %swap3A_840], %swap3A_843 {strides = array<i32>} : memref<80x64xf32, #tpu.memory_space<vmem>>, vector<1x16xf32>,
      %slice3A_844 = vector.extract_strided_slice %get3A_196 {offsets = [13], sizes = [1], strides = [1]} : vector<16xf32> to vector<1xf32>
      %squeeze3A_845 = vector.extract %slice3A_844[0] : f32 from vector<1xf32>
      %mul3A_846 = arith.constant 16 : i32
      %mul3A_847 = arith.muli %scan3A_189, %mul3A_846 : i32
      %add3A_848 = arith.constant 13 : i32
      %add3A_849 = arith.addi %mul3A_847, %add3A_848 : i32
      %get3A_850 = arith.index_cast %add3A_849 : i32 to index
      %get3A_851 = arith.constant 0 : index
      %get3A_852 = tpu.vector_load %arg12[%get3A_850, %get3A_851] {strides = array<i32>} : memref<80x64xf32, #tpu.memory_space<vmem>>, vector<1x16xf32>,
      %get3A_853 = vector.shape_cast %get3A_852 : vector<1x16xf32> to vector<16xf32>
      %mul3A_854 = vector.broadcast %squeeze3A_845 : f32 to vector<16xf32>
      %mul3A_855 = arith.mulf %get3A_853, %mul3A_854 : vector<16xf32>
      %swap3A_856 = arith.index_cast %add3A_849 : i32 to index
      %swap3A_857 = arith.constant 0 : index
      %swap3A_858 = tpu.vector_load %arg12[%swap3A_856, %swap3A_857] {strides = array<i32>} : memref<80x64xf32, #tpu.memory_space<vmem>>, vector<1x16xf32>,
      %swap3A_859 = vector.shape_cast %swap3A_858 : vector<1x16xf32> to vector<16xf32>
      %swap3A_860 = vector.shape_cast %mul3A_855 : vector<16xf32> to vector<1x16xf32>
      tpu.vector_store %arg12[%swap3A_856, %swap3A_857], %swap3A_860 {strides = array<i32>} : memref<80x64xf32, #tpu.memory_space<vmem>>, vector<1x16xf32>,
      %get3A_861 = arith.index_cast %add3A_849 : i32 to index
      %get3A_862 = arith.constant 16 : index
      %get3A_863 = tpu.vector_load %arg12[%get3A_861, %get3A_862] {strides = array<i32>} : memref<80x64xf32, #tpu.memory_space<vmem>>, vector<1x16xf32>,
      %get3A_864 = vector.shape_cast %get3A_863 : vector<1x16xf32> to vector<16xf32>
      %mul3A_865 = vector.broadcast %squeeze3A_845 : f32 to vector<16xf32>
      %mul3A_866 = arith.mulf %get3A_864, %mul3A_865 : vector<16xf32>
      %swap3A_867 = arith.index_cast %add3A_849 : i32 to index
      %swap3A_868 = arith.constant 16 : index
      %swap3A_869 = tpu.vector_load %arg12[%swap3A_867, %swap3A_868] {strides = array<i32>} : memref<80x64xf32, #tpu.memory_space<vmem>>, vector<1x16xf32>,
      %swap3A_870 = vector.shape_cast %swap3A_869 : vector<1x16xf32> to vector<16xf32>
      %swap3A_871 = vector.shape_cast %mul3A_866 : vector<16xf32> to vector<1x16xf32>
      tpu.vector_store %arg12[%swap3A_867, %swap3A_868], %swap3A_871 {strides = array<i32>} : memref<80x64xf32, #tpu.memory_space<vmem>>, vector<1x16xf32>,
      %get3A_872 = arith.index_cast %add3A_849 : i32 to index
      %get3A_873 = arith.constant 32 : index
      %get3A_874 = tpu.vector_load %arg12[%get3A_872, %get3A_873] {strides = array<i32>} : memref<80x64xf32, #tpu.memory_space<vmem>>, vector<1x16xf32>,
      %get3A_875 = vector.shape_cast %get3A_874 : vector<1x16xf32> to vector<16xf32>
      %mul3A_876 = vector.broadcast %squeeze3A_845 : f32 to vector<16xf32>
      %mul3A_877 = arith.mulf %get3A_875, %mul3A_876 : vector<16xf32>
      %swap3A_878 = arith.index_cast %add3A_849 : i32 to index
      %swap3A_879 = arith.constant 32 : index
      %swap3A_880 = tpu.vector_load %arg12[%swap3A_878, %swap3A_879] {strides = array<i32>} : memref<80x64xf32, #tpu.memory_space<vmem>>, vector<1x16xf32>,
      %swap3A_881 = vector.shape_cast %swap3A_880 : vector<1x16xf32> to vector<16xf32>
      %swap3A_882 = vector.shape_cast %mul3A_877 : vector<16xf32> to vector<1x16xf32>
      tpu.vector_store %arg12[%swap3A_878, %swap3A_879], %swap3A_882 {strides = array<i32>} : memref<80x64xf32, #tpu.memory_space<vmem>>, vector<1x16xf32>,
      %get3A_883 = arith.index_cast %add3A_849 : i32 to index
      %get3A_884 = arith.constant 48 : index
      %get3A_885 = tpu.vector_load %arg12[%get3A_883, %get3A_884] {strides = array<i32>} : memref<80x64xf32, #tpu.memory_space<vmem>>, vector<1x16xf32>,
      %get3A_886 = vector.shape_cast %get3A_885 : vector<1x16xf32> to vector<16xf32>
      %mul3A_887 = vector.broadcast %squeeze3A_845 : f32 to vector<16xf32>
      %mul3A_888 = arith.mulf %get3A_886, %mul3A_887 : vector<16xf32>
      %swap3A_889 = arith.index_cast %add3A_849 : i32 to index
      %swap3A_890 = arith.constant 48 : index
      %swap3A_891 = tpu.vector_load %arg12[%swap3A_889, %swap3A_890] {strides = array<i32>} : memref<80x64xf32, #tpu.memory_space<vmem>>, vector<1x16xf32>,
      %swap3A_892 = vector.shape_cast %swap3A_891 : vector<1x16xf32> to vector<16xf32>
      %swap3A_893 = vector.shape_cast %mul3A_888 : vector<16xf32> to vector<1x16xf32>
      tpu.vector_store %arg12[%swap3A_889, %swap3A_890], %swap3A_893 {strides = array<i32>} : memref<80x64xf32, #tpu.memory_space<vmem>>, vector<1x16xf32>,
      %slice3A_894 = vector.extract_strided_slice %get3A_196 {offsets = [14], sizes = [1], strides = [1]} : vector<16xf32> to vector<1xf32>
      %squeeze3A_895 = vector.extract %slice3A_894[0] : f32 from vector<1xf32>
      %mul3A_896 = arith.constant 16 : i32
      %mul3A_897 = arith.muli %scan3A_189, %mul3A_896 : i32
      %add3A_898 = arith.constant 14 : i32
      %add3A_899 = arith.addi %mul3A_897, %add3A_898 : i32
      %get3A_900 = arith.index_cast %add3A_899 : i32 to index
      %get3A_901 = arith.constant 0 : index
      %get3A_902 = tpu.vector_load %arg12[%get3A_900, %get3A_901] {strides = array<i32>} : memref<80x64xf32, #tpu.memory_space<vmem>>, vector<1x16xf32>,
      %get3A_903 = vector.shape_cast %get3A_902 : vector<1x16xf32> to vector<16xf32>
      %mul3A_904 = vector.broadcast %squeeze3A_895 : f32 to vector<16xf32>
      %mul3A_905 = arith.mulf %get3A_903, %mul3A_904 : vector<16xf32>
      %swap3A_906 = arith.index_cast %add3A_899 : i32 to index
      %swap3A_907 = arith.constant 0 : index
      %swap3A_908 = tpu.vector_load %arg12[%swap3A_906, %swap3A_907] {strides = array<i32>} : memref<80x64xf32, #tpu.memory_space<vmem>>, vector<1x16xf32>,
      %swap3A_909 = vector.shape_cast %swap3A_908 : vector<1x16xf32> to vector<16xf32>
      %swap3A_910 = vector.shape_cast %mul3A_905 : vector<16xf32> to vector<1x16xf32>
      tpu.vector_store %arg12[%swap3A_906, %swap3A_907], %swap3A_910 {strides = array<i32>} : memref<80x64xf32, #tpu.memory_space<vmem>>, vector<1x16xf32>,
      %get3A_911 = arith.index_cast %add3A_899 : i32 to index
      %get3A_912 = arith.constant 16 : index
      %get3A_913 = tpu.vector_load %arg12[%get3A_911, %get3A_912] {strides = array<i32>} : memref<80x64xf32, #tpu.memory_space<vmem>>, vector<1x16xf32>,
      %get3A_914 = vector.shape_cast %get3A_913 : vector<1x16xf32> to vector<16xf32>
      %mul3A_915 = vector.broadcast %squeeze3A_895 : f32 to vector<16xf32>
      %mul3A_916 = arith.mulf %get3A_914, %mul3A_915 : vector<16xf32>
      %swap3A_917 = arith.index_cast %add3A_899 : i32 to index
      %swap3A_918 = arith.constant 16 : index
      %swap3A_919 = tpu.vector_load %arg12[%swap3A_917, %swap3A_918] {strides = array<i32>} : memref<80x64xf32, #tpu.memory_space<vmem>>, vector<1x16xf32>,
      %swap3A_920 = vector.shape_cast %swap3A_919 : vector<1x16xf32> to vector<16xf32>
      %swap3A_921 = vector.shape_cast %mul3A_916 : vector<16xf32> to vector<1x16xf32>
      tpu.vector_store %arg12[%swap3A_917, %swap3A_918], %swap3A_921 {strides = array<i32>} : memref<80x64xf32, #tpu.memory_space<vmem>>, vector<1x16xf32>,
      %get3A_922 = arith.index_cast %add3A_899 : i32 to index
      %get3A_923 = arith.constant 32 : index
      %get3A_924 = tpu.vector_load %arg12[%get3A_922, %get3A_923] {strides = array<i32>} : memref<80x64xf32, #tpu.memory_space<vmem>>, vector<1x16xf32>,
      %get3A_925 = vector.shape_cast %get3A_924 : vector<1x16xf32> to vector<16xf32>
      %mul3A_926 = vector.broadcast %squeeze3A_895 : f32 to vector<16xf32>
      %mul3A_927 = arith.mulf %get3A_925, %mul3A_926 : vector<16xf32>
      %swap3A_928 = arith.index_cast %add3A_899 : i32 to index
      %swap3A_929 = arith.constant 32 : index
      %swap3A_930 = tpu.vector_load %arg12[%swap3A_928, %swap3A_929] {strides = array<i32>} : memref<80x64xf32, #tpu.memory_space<vmem>>, vector<1x16xf32>,
      %swap3A_931 = vector.shape_cast %swap3A_930 : vector<1x16xf32> to vector<16xf32>
      %swap3A_932 = vector.shape_cast %mul3A_927 : vector<16xf32> to vector<1x16xf32>
      tpu.vector_store %arg12[%swap3A_928, %swap3A_929], %swap3A_932 {strides = array<i32>} : memref<80x64xf32, #tpu.memory_space<vmem>>, vector<1x16xf32>,
      %get3A_933 = arith.index_cast %add3A_899 : i32 to index
      %get3A_934 = arith.constant 48 : index
      %get3A_935 = tpu.vector_load %arg12[%get3A_933, %get3A_934] {strides = array<i32>} : memref<80x64xf32, #tpu.memory_space<vmem>>, vector<1x16xf32>,
      %get3A_936 = vector.shape_cast %get3A_935 : vector<1x16xf32> to vector<16xf32>
      %mul3A_937 = vector.broadcast %squeeze3A_895 : f32 to vector<16xf32>
      %mul3A_938 = arith.mulf %get3A_936, %mul3A_937 : vector<16xf32>
      %swap3A_939 = arith.index_cast %add3A_899 : i32 to index
      %swap3A_940 = arith.constant 48 : index
      %swap3A_941 = tpu.vector_load %arg12[%swap3A_939, %swap3A_940] {strides = array<i32>} : memref<80x64xf32, #tpu.memory_space<vmem>>, vector<1x16xf32>,
      %swap3A_942 = vector.shape_cast %swap3A_941 : vector<1x16xf32> to vector<16xf32>
      %swap3A_943 = vector.shape_cast %mul3A_938 : vector<16xf32> to vector<1x16xf32>
      tpu.vector_store %arg12[%swap3A_939, %swap3A_940], %swap3A_943 {strides = array<i32>} : memref<80x64xf32, #tpu.memory_space<vmem>>, vector<1x16xf32>,
      %slice3A_944 = vector.extract_strided_slice %get3A_196 {offsets = [15], sizes = [1], strides = [1]} : vector<16xf32> to vector<1xf32>
      %squeeze3A_945 = vector.extract %slice3A_944[0] : f32 from vector<1xf32>
      %mul3A_946 = arith.constant 16 : i32
      %mul3A_947 = arith.muli %scan3A_189, %mul3A_946 : i32
      %add3A_948 = arith.constant 15 : i32
      %add3A_949 = arith.addi %mul3A_947, %add3A_948 : i32
      %get3A_950 = arith.index_cast %add3A_949 : i32 to index
      %get3A_951 = arith.constant 0 : index
      %get3A_952 = tpu.vector_load %arg12[%get3A_950, %get3A_951] {strides = array<i32>} : memref<80x64xf32, #tpu.memory_space<vmem>>, vector<1x16xf32>,
      %get3A_953 = vector.shape_cast %get3A_952 : vector<1x16xf32> to vector<16xf32>
      %mul3A_954 = vector.broadcast %squeeze3A_945 : f32 to vector<16xf32>
      %mul3A_955 = arith.mulf %get3A_953, %mul3A_954 : vector<16xf32>
      %swap3A_956 = arith.index_cast %add3A_949 : i32 to index
      %swap3A_957 = arith.constant 0 : index
      %swap3A_958 = tpu.vector_load %arg12[%swap3A_956, %swap3A_957] {strides = array<i32>} : memref<80x64xf32, #tpu.memory_space<vmem>>, vector<1x16xf32>,
      %swap3A_959 = vector.shape_cast %swap3A_958 : vector<1x16xf32> to vector<16xf32>
      %swap3A_960 = vector.shape_cast %mul3A_955 : vector<16xf32> to vector<1x16xf32>
      tpu.vector_store %arg12[%swap3A_956, %swap3A_957], %swap3A_960 {strides = array<i32>} : memref<80x64xf32, #tpu.memory_space<vmem>>, vector<1x16xf32>,
      %get3A_961 = arith.index_cast %add3A_949 : i32 to index
      %get3A_962 = arith.constant 16 : index
      %get3A_963 = tpu.vector_load %arg12[%get3A_961, %get3A_962] {strides = array<i32>} : memref<80x64xf32, #tpu.memory_space<vmem>>, vector<1x16xf32>,
      %get3A_964 = vector.shape_cast %get3A_963 : vector<1x16xf32> to vector<16xf32>
      %mul3A_965 = vector.broadcast %squeeze3A_945 : f32 to vector<16xf32>
      %mul3A_966 = arith.mulf %get3A_964, %mul3A_965 : vector<16xf32>
      %swap3A_967 = arith.index_cast %add3A_949 : i32 to index
      %swap3A_968 = arith.constant 16 : index
      %swap3A_969 = tpu.vector_load %arg12[%swap3A_967, %swap3A_968] {strides = array<i32>} : memref<80x64xf32, #tpu.memory_space<vmem>>, vector<1x16xf32>,
      %swap3A_970 = vector.shape_cast %swap3A_969 : vector<1x16xf32> to vector<16xf32>
      %swap3A_971 = vector.shape_cast %mul3A_966 : vector<16xf32> to vector<1x16xf32>
      tpu.vector_store %arg12[%swap3A_967, %swap3A_968], %swap3A_971 {strides = array<i32>} : memref<80x64xf32, #tpu.memory_space<vmem>>, vector<1x16xf32>,
      %get3A_972 = arith.index_cast %add3A_949 : i32 to index
      %get3A_973 = arith.constant 32 : index
      %get3A_974 = tpu.vector_load %arg12[%get3A_972, %get3A_973] {strides = array<i32>} : memref<80x64xf32, #tpu.memory_space<vmem>>, vector<1x16xf32>,
      %get3A_975 = vector.shape_cast %get3A_974 : vector<1x16xf32> to vector<16xf32>
      %mul3A_976 = vector.broadcast %squeeze3A_945 : f32 to vector<16xf32>
      %mul3A_977 = arith.mulf %get3A_975, %mul3A_976 : vector<16xf32>
      %swap3A_978 = arith.index_cast %add3A_949 : i32 to index
      %swap3A_979 = arith.constant 32 : index
      %swap3A_980 = tpu.vector_load %arg12[%swap3A_978, %swap3A_979] {strides = array<i32>} : memref<80x64xf32, #tpu.memory_space<vmem>>, vector<1x16xf32>,
      %swap3A_981 = vector.shape_cast %swap3A_980 : vector<1x16xf32> to vector<16xf32>
      %swap3A_982 = vector.shape_cast %mul3A_977 : vector<16xf32> to vector<1x16xf32>
      tpu.vector_store %arg12[%swap3A_978, %swap3A_979], %swap3A_982 {strides = array<i32>} : memref<80x64xf32, #tpu.memory_space<vmem>>, vector<1x16xf32>,
      %get3A_983 = arith.index_cast %add3A_949 : i32 to index
      %get3A_984 = arith.constant 48 : index
      %get3A_985 = tpu.vector_load %arg12[%get3A_983, %get3A_984] {strides = array<i32>} : memref<80x64xf32, #tpu.memory_space<vmem>>, vector<1x16xf32>,
      %get3A_986 = vector.shape_cast %get3A_985 : vector<1x16xf32> to vector<16xf32>
      %mul3A_987 = vector.broadcast %squeeze3A_945 : f32 to vector<16xf32>
      %mul3A_988 = arith.mulf %get3A_986, %mul3A_987 : vector<16xf32>
      %swap3A_989 = arith.index_cast %add3A_949 : i32 to index
      %swap3A_990 = arith.constant 48 : index
      %swap3A_991 = tpu.vector_load %arg12[%swap3A_989, %swap3A_990] {strides = array<i32>} : memref<80x64xf32, #tpu.memory_space<vmem>>, vector<1x16xf32>,
      %swap3A_992 = vector.shape_cast %swap3A_991 : vector<1x16xf32> to vector<16xf32>
      %swap3A_993 = vector.shape_cast %mul3A_988 : vector<16xf32> to vector<1x16xf32>
      tpu.vector_store %arg12[%swap3A_989, %swap3A_990], %swap3A_993 {strides = array<i32>} : memref<80x64xf32, #tpu.memory_space<vmem>>, vector<1x16xf32>,
      %scan3A_994 = arith.constant 0 : i32
      scf.yield %scan3A_994 : i32
    }
    %scan3A_155 = arith.constant 5 : i32
    %dma_start3A_156 = arith.constant 249 : i32
    %dma_start3A_157 = arith.constant 0 : i32
    %dma_start3A_158 = tpu.memref_slice %arg8[%dma_start3A_156, %dma_start3A_157] : memref<250x80xi32, #tpu.memory_space<vmem>> -> memref<1x80xi32, #tpu.memory_space<vmem>>
    %dma_start3A_159 = tpu.memref_squeeze %dma_start3A_158 : memref<1x80xi32, #tpu.memory_space<vmem>> -> memref<80xi32, #tpu.memory_space<vmem>>
    %dma_start3A_160 = arith.constant 0 : i32
    %dma_start3A_161 = arith.constant 0 : i32
    %dma_start3A_162 = tpu.memref_slice %arg11[%dma_start3A_160, %dma_start3A_161] : memref<10000x64xf32, #tpu.memory_space<vmem_shared>> -> memref<10000x64xf32, #tpu.memory_space<vmem_shared>>
    tpu.enqueue_indirect_dma source(%arg12 : memref<80x64xf32, #tpu.memory_space<vmem>>) target(%dma_start3A_162 : memref<10000x64xf32, #tpu.memory_space<vmem_shared>>) offsets(%dma_start3A_159 : memref<80xi32, #tpu.memory_space<vmem>>) semaphore(%arg18 : memref<!tpu.dma_semaphore, #tpu.memory_space<semaphore_mem>>) {add = true}
    %dma_wait3A_163 = arith.constant 0 : i32
    %dma_wait3A_164 = arith.constant 0 : i32
    %dma_wait3A_165 = tpu.memref_slice %arg8[%dma_wait3A_163, %dma_wait3A_164] : memref<250x80xi32, #tpu.memory_space<vmem>> -> memref<1x80xi32, #tpu.memory_space<vmem>>
    %dma_wait3A_166 = tpu.memref_squeeze %dma_wait3A_165 : memref<1x80xi32, #tpu.memory_space<vmem>> -> memref<80xi32, #tpu.memory_space<vmem>>
    %dma_wait3A_167 = arith.constant 0 : i32
    %dma_wait3A_168 = arith.constant 0 : i32
    %dma_wait3A_169 = tpu.memref_slice %arg11[%dma_wait3A_167, %dma_wait3A_168] : memref<10000x64xf32, #tpu.memory_space<vmem_shared>> -> memref<10000x64xf32, #tpu.memory_space<vmem_shared>>
    tpu.wait_indirect_dma semaphore(%arg20 : memref<!tpu.dma_semaphore, #tpu.memory_space<semaphore_mem>>) src(%arg14 : memref<80x64xf32, #tpu.memory_space<vmem>>) dst(%dma_wait3A_169 : memref<10000x64xf32, #tpu.memory_space<vmem_shared>>)
    %dma_wait3A_170 = arith.constant 0 : i32
    %dma_wait3A_171 = arith.constant 0 : i32
    %dma_wait3A_172 = tpu.memref_slice %arg8[%dma_wait3A_170, %dma_wait3A_171] : memref<250x80xi32, #tpu.memory_space<vmem>> -> memref<1x80xi32, #tpu.memory_space<vmem>>
    %dma_wait3A_173 = tpu.memref_squeeze %dma_wait3A_172 : memref<1x80xi32, #tpu.memory_space<vmem>> -> memref<80xi32, #tpu.memory_space<vmem>>
    %dma_wait3A_174 = arith.constant 0 : i32
    %dma_wait3A_175 = arith.constant 0 : i32
    %dma_wait3A_176 = tpu.memref_slice %arg11[%dma_wait3A_174, %dma_wait3A_175] : memref<10000x64xf32, #tpu.memory_space<vmem_shared>> -> memref<10000x64xf32, #tpu.memory_space<vmem_shared>>
    tpu.wait_indirect_dma semaphore(%arg18 : memref<!tpu.dma_semaphore, #tpu.memory_space<semaphore_mem>>) src(%arg12 : memref<80x64xf32, #tpu.memory_space<vmem>>) dst(%dma_wait3A_176 : memref<10000x64xf32, #tpu.memory_space<vmem_shared>>)
    %barrier3A_177 = arith.constant 0 : index
    tpu.barrier barrier_id(%barrier3A_177)
    %mul3A_178 = arith.constant 624 : i32
    %mul3A_179 = arith.muli %arg1, %mul3A_178 : i32
    %mul3A_180 = arith.constant 624 : i32
    %mul3A_181 = arith.muli %arg1, %mul3A_180 : i32
    %mul3A_182 = arith.constant 64 : i32
    %mul3A_183 = arith.muli %arg0, %mul3A_182 : i32
    "tpu.region"() ({
      %run_scoped3A = tpu.sem_alloc : memref<!tpu.dma_semaphore, #tpu.memory_space<semaphore_mem>>
      %dma_start3A_189 = tpu.memref_slice %arg6[%mul3A_181, %mul3A_183] : memref<10000x128xf32, #tpu.memory_space<hbm>> -> memref<624x64xf32, #tpu.memory_space<hbm>>
      %dma_start3A_190 = arith.constant 0 : i32
      %dma_start3A_191 = tpu.memref_slice %arg11[%mul3A_179, %dma_start3A_190] : memref<10000x64xf32, #tpu.memory_space<vmem_shared>> -> memref<624x64xf32, #tpu.memory_space<vmem_shared>>
      tpu.enqueue_dma source(%dma_start3A_191 : memref<624x64xf32, #tpu.memory_space<vmem_shared>>) target(%dma_start3A_189 : memref<624x64xf32, #tpu.memory_space<hbm>>) target_semaphore(%run_scoped3A : memref<!tpu.dma_semaphore, #tpu.memory_space<semaphore_mem>>)
      %dma_wait3A_192 = tpu.memref_slice %arg6[%mul3A_181, %mul3A_183] : memref<10000x128xf32, #tpu.memory_space<hbm>> -> memref<624x64xf32, #tpu.memory_space<hbm>>
      %dma_wait3A_193 = arith.constant 0 : i32
      %dma_wait3A_194 = tpu.memref_slice %arg11[%mul3A_179, %dma_wait3A_193] : memref<10000x64xf32, #tpu.memory_space<vmem_shared>> -> memref<624x64xf32, #tpu.memory_space<vmem_shared>>
      tpu.wait_dma2 semaphore(%run_scoped3A : memref<!tpu.dma_semaphore, #tpu.memory_space<semaphore_mem>>) src(%dma_wait3A_194 : memref<624x64xf32, #tpu.memory_space<vmem_shared>>) dst(%dma_wait3A_192 : memref<624x64xf32, #tpu.memory_space<hbm>>)
      tpu.yield
    }) : () -> ()
    %eq3A_184 = arith.constant 15 : i32
    %eq3A_185 = arith.cmpi eq, %arg1, %eq3A_184 : i32
    %convert_element_type3A_186 = arith.extui %eq3A_185 : i1 to i32
    %cond3A_187 = arith.constant 0 : i32
    %cond3A_188 = arith.cmpi ne, %convert_element_type3A_186, %cond3A_187 : i32
    scf.if %cond3A_188 {
      %mul3A_189 = arith.constant 64 : i32
      %mul3A_190 = arith.muli %arg0, %mul3A_189 : i32
      "tpu.region"() ({
        %run_scoped3A = tpu.sem_alloc : memref<!tpu.dma_semaphore, #tpu.memory_space<semaphore_mem>>
        %dma_start3A_191 = arith.constant 9984 : i32
        %dma_start3A_192 = tpu.memref_slice %arg6[%dma_start3A_191, %mul3A_190] : memref<10000x128xf32, #tpu.memory_space<hbm>> -> memref<16x64xf32, #tpu.memory_space<hbm>>
        %dma_start3A_193 = arith.constant 9984 : i32
        %dma_start3A_194 = arith.constant 0 : i32
        %dma_start3A_195 = tpu.memref_slice %arg11[%dma_start3A_193, %dma_start3A_194] : memref<10000x64xf32, #tpu.memory_space<vmem_shared>> -> memref<16x64xf32, #tpu.memory_space<vmem_shared>>
        tpu.enqueue_dma source(%dma_start3A_195 : memref<16x64xf32, #tpu.memory_space<vmem_shared>>) target(%dma_start3A_192 : memref<16x64xf32, #tpu.memory_space<hbm>>) target_semaphore(%run_scoped3A : memref<!tpu.dma_semaphore, #tpu.memory_space<semaphore_mem>>)
        %dma_wait3A_196 = arith.constant 9984 : i32
        %dma_wait3A_197 = tpu.memref_slice %arg6[%dma_wait3A_196, %mul3A_190] : memref<10000x128xf32, #tpu.memory_space<hbm>> -> memref<16x64xf32, #tpu.memory_space<hbm>>
        %dma_wait3A_198 = arith.constant 9984 : i32
        %dma_wait3A_199 = arith.constant 0 : i32
        %dma_wait3A_200 = tpu.memref_slice %arg11[%dma_wait3A_198, %dma_wait3A_199] : memref<10000x64xf32, #tpu.memory_space<vmem_shared>> -> memref<16x64xf32, #tpu.memory_space<vmem_shared>>
        tpu.wait_dma2 semaphore(%run_scoped3A : memref<!tpu.dma_semaphore, #tpu.memory_space<semaphore_mem>>) src(%dma_wait3A_200 : memref<16x64xf32, #tpu.memory_space<vmem_shared>>) dst(%dma_wait3A_197 : memref<16x64xf32, #tpu.memory_space<hbm>>)
        tpu.yield
      }) : () -> ()
    } else {
    }
    return
  }
}

</mosaic_0001>

<sc_bundles>
// kernel: kernel.3.cloned.1.call-start
scs
__scs_entry_jumppad:
0x0: {  	(pc) =	sbr.rel $0x88, $3  }
0x1: {  	(tag) =	ssettag $0x0;
	lr =	simm.s32 $0x1  }
0x2: {  	[smem:$0x3F9E] =	sst lr;
	_ =	strace $0xD0000000  }
0x3: {  	_ = 	snop  }
0x4: {  	_ = 	snop  }
0x5: {  	_ = 	snop  }
0x6: {  	_ = 	snop  }
0x7: {  	_ = 	snop  }
__scs_overlays_trampoline_lowered:
0x8: {  	[smem:$0x3FAD] =	sst s0  }
0x9: {  	[smem:$0x3FAE] =	sst s1  }
0xa: {  	[smem:$0x3FAF] =	sst s2  }
0xb: {  	[smem:$0x3FB0] =	sst s3  }
0xc: {  	[smem:$0x3FB1] =	sst s4  }
0xd: {  	[smem:$0x3FB2] =	sst s5  }
0xe: {  	[smem:$0x3FB3] =	sst s6  }
0xf: {  	[smem:$0x3FB4] =	sst s7  }
0x10: {  	[smem:$0x3FB5] =	sst s8  }
0x11: {  	[smem:$0x3FB6] =	sst s9;
	s0 =	simm.s32 @!p0 $0x0  }
0x12: {  	s1 =	sld [smem:$0x3F9C];
	s0 =	simm.s32 @p0 $0x1  }
0x13: {  	[smem:$0x3FB7] =	sst s0;
	s0 =	simm.s32 @!p1 $0x0  }
0x14: {  	s2 =	sld [smem:$0x3F9B];
	s0 =	simm.s32 @p1 $0x1  }
0x15: {  	[smem:$0x3FB8] =	sst s0;
	s0 =	simm.s32 @!p2 $0x0  }
0x16: {  	s3 =	sld [smem:$0x3FDB];
	s0 =	simm.s32 @p2 $0x1  }
0x17: {  	s4 =	simm.s32 $0x1BF5;
	[smem:$0x3FBA] =	sst s0  }
0x18: {  	s0 =	sld [smem:$0x3F9D];
	_ =	swait.ge [sflag:s4], $0x0  }
0x19: {  	s7 =	sld [smem:$0x3F9E]  }
0x1a: {  	s8 =	sadd.s32 $0xFFFFE003, lr  }
0x1b: {  	s9 =	sadd.s32 $0xFFFFFEF7, lr;
	s5 =	simm.s32 $0xFFFFFFFF;
	p2 =	slt.u32 s8, $0xFFFFF086  }
0x1c: {  	p1 =	slt.u32 s9, $0xF7A;
	s5 =	simm.s32 @!p2 $0x0  }
0x1d: {  	s5 =	simm.s32 @p1 $0x1;
	p0 =	seq.s32 s7, s2  }
0x1e: {  	s7 =	smul.u32 @!p0 $0xF7A, s2;
	p2 =	seq.s32 @!p0 s5, $0x0  }
0x1f: {  	s9 =	smul.u32 $0xF7A, s1;
	s8 =	simm.s32 @!p0 $0x1BF5;
	p2 =	por !p2, p0  }
0x20: {  	[sflag:s8] =	ssyncset.s32 @!p0 $0xFFFFF086;
	s6 =	sadd.s32 @!p0 s3, s7;
	s7 =	simm.s32 @!p0 $0x108  }
0x21: {  	s3 =	sadd.s32 s3, s9;
	s6 =	sadd.s32 @!p0 $0x88, s6;
	s7 =	simm.s32 @p2 $0x1082  }
0x22: {  	[simem:s7], [sflag:s8] =	dma.local @!p0 [hbm:s6], $0xF7A  }
0x23: {  	s9 =	sor.u32 $0xD0000000, s2;
	s6 =	simm.s32 $0x108;
	_ =	swait.ge @!p0 [sflag:s8], $0x0  }
0x24: {  	s3 =	sadd.s32 $0x88, s3;
	s6 =	simm.s32 @!p1 $0x1082;
	[sflag:s4] =	ssyncset.s32 $0xFFFFF086  }
0x25: {  	[simem:s6], [sflag:s4] =	dma.local [hbm:s3], $0xF7A  }
0x26: {  	[smem:$0x3F9E] =	sst s1;
	(tag) =	ssettag s2;
	_ =	strace s9  }
0x27: {  	s1 =	sld [smem:$0x3FAE]  }
0x28: {  	s2 =	sld [smem:$0x3FAF]  }
0x29: {  	s4 =	sld [smem:$0x3FB1]  }
0x2a: {  	p0 =	seq.s32 s5, $0x0;
	s5 =	sld [smem:$0x3FB2]  }
0x2b: {  	s6 =	sld [smem:$0x3FB3]  }
0x2c: {  	s7 =	sld [smem:$0x3FB4]  }
0x2d: {  	s3 =	simm.s32 $0x108;
	s8 =	sld [smem:$0x3FB5]  }
0x2e: {  	s3 =	simm.s32 @!p0 $0x1082;
	s9 =	sld [smem:$0x3FB6]  }
0x2f: {  	lr =	sadd.s32 s0, s3;
	s0 =	sld [smem:$0x3FAD]  }
0x30: {  	s3 =	sld [smem:$0x3FB0]  }
0x31: {  	[smem:$0x3FB9] =	sst s10  }
0x32: {  	s10 =	sld [smem:$0x3FB7];
	_ =	sdelay $0x3  }
0x33: {  	p0 =	seq.s32 s10, $0x1;
	s10 =	sld [smem:$0x3FB9];
	_ =	sdelay $0x3  }
0x34: {  	[smem:$0x3FB9] =	sst s10  }
0x35: {  	s10 =	sld [smem:$0x3FB8];
	_ =	sdelay $0x3  }
0x36: {  	p1 =	seq.s32 s10, $0x1;
	s10 =	sld [smem:$0x3FB9];
	_ =	sdelay $0x3  }
0x37: {  	[smem:$0x3FB9] =	sst s10  }
0x38: {  	s10 =	sld [smem:$0x3FBA]  }
0x39: {  	_ = 	snop;
	(pc) =	sbr.ind lr, $3  }
0x3a: {  	_ = 	snop  }
0x3b: {  	_ = 	snop  }
0x3c: {  	p2 =	seq.s32 s10, $0x1;
	s10 =	sld [smem:$0x3FB9]  }
0x3d: {  	_ =	shalt  }
0x3e: {  	_ =	shalt  }
0x3f: {  	_ =	shalt  }
0x40: {  	_ =	shalt  }
0x41: {  	_ =	shalt  }
0x42: {  	_ =	shalt  }
0x43: {  	_ =	shalt  }
0x44: {  	_ =	shalt  }
0x45: {  	_ =	shalt  }
0x46: {  	_ =	shalt  }
0x47: {  	_ =	shalt  }
0x48: {  	_ =	shalt  }
0x49: {  	_ =	shalt  }
0x4a: {  	_ =	shalt  }
0x4b: {  	_ =	shalt  }
0x4c: {  	_ =	shalt  }
0x4d: {  	_ =	shalt  }
0x4e: {  	_ =	shalt  }
0x4f: {  	_ =	shalt  }
0x50: {  	_ =	shalt  }
0x51: {  	_ =	shalt  }
0x52: {  	_ =	shalt  }
0x53: {  	_ =	shalt  }
0x54: {  	_ =	shalt  }
0x55: {  	_ =	shalt  }
0x56: {  	_ =	shalt  }
0x57: {  	_ =	shalt  }
0x58: {  	_ =	shalt  }
0x59: {  	_ =	shalt  }
0x5a: {  	_ =	shalt  }
0x5b: {  	_ =	shalt  }
0x5c: {  	_ =	shalt  }
0x5d: {  	_ =	shalt  }
0x5e: {  	_ =	shalt  }
0x5f: {  	_ =	shalt  }
0x60: {  	_ =	shalt  }
0x61: {  	_ =	shalt  }
0x62: {  	_ =	shalt  }
0x63: {  	_ =	shalt  }
0x64: {  	_ =	shalt  }
0x65: {  	_ =	shalt  }
0x66: {  	_ =	shalt  }
0x67: {  	_ =	shalt  }
0x68: {  	_ =	shalt  }
0x69: {  	_ =	shalt  }
0x6a: {  	_ =	shalt  }
0x6b: {  	_ =	shalt  }
0x6c: {  	_ =	shalt  }
0x6d: {  	_ =	shalt  }
0x6e: {  	_ =	shalt  }
0x6f: {  	_ =	shalt  }
0x70: {  	_ =	shalt  }
0x71: {  	_ =	shalt  }
0x72: {  	_ =	shalt  }
0x73: {  	_ =	shalt  }
0x74: {  	_ =	shalt  }
0x75: {  	_ =	shalt  }
0x76: {  	_ =	shalt  }
0x77: {  	_ =	shalt  }
0x78: {  	_ =	shalt  }
0x79: {  	_ =	shalt  }
0x7a: {  	_ =	shalt  }
0x7b: {  	_ =	shalt  }
0x7c: {  	_ =	shalt  }
0x7d: {  	_ =	shalt  }
0x7e: {  	_ =	shalt  }
0x7f: {  	_ =	shalt  }
0x80: {  	_ =	shalt  }
0x81: {  	_ =	shalt  }
0x82: {  	_ =	shalt  }
0x83: {  	_ =	shalt  }
0x84: {  	_ =	shalt  }
0x85: {  	_ =	shalt  }
0x86: {  	_ =	shalt  }
0x87: {  	_ =	shalt  }
.Lfunc_end0:
.L_simem_size_0:
called_computation_lowered:
.L_overlay_start_0:
0x88: {  	s2 =	sld [smem:$0x3FD9]  }
0x89: {  	s3 =	sld [smem:$0x3FFE];
	_ =	sdelay $0x1  }
0x8a: {  	s1 =	srdreg.scid  }
0x8b: {  	s0 =	sand.u32 $0x1, s1  }
0x8c: {  	s17 =	sshll.u32 s0, $0xA;
	s2 =	sadd.s32 s3, s2  }
0x8d: {  	s2 =	sadd.s32 s2, s17  }
0x8e: {  	[smem:$0x3FC5] =	sst s2  }
0x8f: {  	_ = 	snop  }
0x90: {  	s2 =	sld [smem:$0x3FC9]  }
0x91: {  	s18 =	sld [smem:$0x3FC7]  }
0x92: {  	s4 =	sld [smem:$0x3FD0];
	(tm) =	ssettm $0x1  }
0x93: {  	s5 =	sld [smem:$0x3FFB];
	_ =	sdelay $0x3  }
0x94: {  	_ =	strace s5  }
0x95: {  	s5 =	sld [smem:$0x3FFC];
	_ =	sdelay $0x3  }
0x96: {  	_ =	strace s5  }
0x97: {  	s5 =	sld [smem:$0x3FFD];
	_ =	sdelay $0x3  }
0x98: {  	_ =	strace s5  }
0x99: {  	_ =	strace $0x8FFFFFFF  }
0x9a: {  	s19 =	sld [smem:$0x3FDB];
	_ =	sdelay $0x1  }
0x9b: {  	s6 =	simm.s32 $_scs_section_size  }
0x9c: {  	s7 =	simm.s32 $_size__tile_overlayer_lowered;
	s8 =	simm.s32 $_tile_overlayer_lowered  }
0x9d: {  	s22 =	simm.s32 $0x1BFF;
	s21 =	sshll.u32 s8, $0x1;
	s5 =	sadd.s32 s6, s19  }
0x9e: {  	s9 =	simm.s32 $0x0;
	s20 =	sshll.u32 s7, $0x1;
	s7 =	sadd.s32 s21, s5  }
0x9f: {  	[timem:s9], [sflag:s22] =	dma.local [hbm:s7], s20  }
0xa0: {  	_ =	swait.ge [sflag:s22], s20  }
0xa1: {  	s6 =	ssub.s32 $0x0, s20;
	[sflag:s22] =	ssyncset.done $0x0  }
0xa2: {  	[sflag:s22] =	ssyncadd.s32 s6;
	_ =	sdelay $0x1  }
0xa3: {  	s23 =	simm.s32 $0x1B8B  }
0xa4: {  	_ =	swait.ge [sflag:s23], $0x1  }
0xa5: {  	[sflag:s23] =	ssyncset.done $0x0  }
0xa6: {  	s25 =	simm.s32 $0x1B8E;
	s24 =	sld [smem:$0x3FFE];
	[sflag:s23] =	ssyncadd.s32 $0xFFFFFFFF  }
0xa7: {  	s26 =	simm.s32 $execute0_lowered;
	[smem:$0x3FD2] =	sst s25  }
0xa8: {  	s7 =	sshll.u32 s26, $0x1;
	_ =	strace $0x80000046;
	[dreg:$0x1] =	wrdreg $0xFFFFFFFF  }
0xa9: {  	s28 =	simm.s32 $_size_execute0_lowered;
	s5 =	sadd.s32 s5, s7;
	[dreg:$0x0] =	wrdreg $0x0  }
0xaa: {  	s7 =	sshll.u32 s28, $0x1;
	[dreg:$0x2] =	wrdreg s5  }
0xab: {  	[dreg:$0x3] =	wrdreg s7  }
0xac: {  	[dreg:$0x4] =	wrdreg $0xC0  }
0xad: {  	_ =	task [dreg:s9], $0x5FFFF  }
0xae: {  	[dreg:$0x1] =	wrdreg $0xFFFFFFFF  }
0xaf: {  	[dreg:$0x0] =	wrdreg $0x60  }
0xb0: {  	[dreg:$0x2] =	wrdreg s2  }
0xb1: {  	[dreg:$0x3] =	wrdreg s24  }
0xb2: {  	[dreg:$0x4] =	wrdreg s18  }
0xb3: {  	[dreg:$0x5] =	wrdreg s4  }
0xb4: {  	[dreg:$0x6] =	wrdreg $0x11E600  }
0xb5: {  	[dreg:$0x7] =	wrdreg $0x9  }
0xb6: {  	_ =	task.clear_ibuf [dreg:s9], $0x8FFFF;
	_ =	strace $0x90000046  }
0xb7: {  	s29 =	simm.s32 $0x9;
	_ =	strace $0x80000048  }
0xb8: {  	_ =	swait.ge [sflag:s29], $0x1  }
0xb9: {  	[sflag:s29] =	ssyncadd.s32 $0xFFFFFFFF  }
0xba: {  	_ =	strace $0x90000048  }
0xbb: {  	_ =	sfence  }
0xbc: {  	s30 =	sld [smem:$0x0];
	_ =	sdelay $0x2  }
0xbd: {  	s31 =	sshll.u32 s1, $0xD;
	s1 =	sshrl.u32 s1, $0x2  }
0xbe: {  	s3 =	sand.u32 $0x4000, s31;
	s1 =	sadd.s32 s1, s30  }
0xbf: {  	s0 =	sor.u32 s3, s0;
	s1 =	sshll.u32 s1, $0x11  }
0xc0: {  	s0 =	sor.u32 s1, s0  }
0xc1: {  	s0 =	sadd.s32 $0x8F2B, s0  }
0xc2: {  	[sflag:s0] =	ssyncadd.remote.s32 $0x1  }
0xc3: {  	_ =	sfence.sel $0xFFFF  }
0xc4: {  	[dreg:$0x0] =	wrdreg $0xFFFFFFFF;
	(pc) =	sbr.abs _section_cstart, $3  }
0xc5: {  	[dreg:$0x1] =	wrdreg $0xFFFFFFFF  }
0xc6: {  	_ =	task.clear_ibuf [dreg:s9], $0x2FFFF;
	_ =	strace $0x9FFFFFFF  }
0xc7: {  	(tm) =	ssettm $0x7FFFFFFF  }
tec
execute0_lowered:
.L_overlay_start_1:
0x0: {  	(tag) =	ssettag $0x1  }
0x1: {  	s1 =	rddreg [dreg:$0x0]  }
0x2: {  	s0 =	rddreg [dreg:$0x1]  }
0x3: {  	s11 =	rddreg [dreg:$0x2]  }
0x4: {  	s13 =	rddreg [dreg:$0x3]  }
0x5: {  	s3 =	rddreg [dreg:$0x4]  }
0x6: {  	s4 =	simm.s32 $0x0;
	s5 =	srdreg.scid;
	s2 =	stileid.u32  }
0x7: {  	s16 =	simm.s32 $0x7;
	s17 =	simm.s32 $0x4E20;
	s19 =	simm.s32 $0x50  }
0x8: {  	s20 =	simm.s32 $0x1BAA0;
	s21 =	simm.s32 $0x1CEA0;
	s22 =	simm.s32 $0x1  }
0x9: {  	s28 =	simm.s32 $0x4;
	s30 =	simm.s32 $0x3;
	s24 =	smul.u32 $0x27000, s2  }
0xa: {  	s31 =	simm.s32 $0x6;
	[smem:$0x7FF] =	sst s4;
	s12 =	smul.u32 $0x9C4, s2  }
0xb: {  	s18 =	sand.u32 $0x1, s5;
	s10 =	smul.u32 $0x13800, s2;
	s8 =	sadd.s32 $0x9C000, s3  }
0xc: {  	p0 =	sne.s32 s2, $0xF;
	_ =	strace $0x80000047;
	s6 =	ssub.s32 $0x2, s18  }
0xd: {  	s15 =	sshll.u32 s18, $0x6;
	s26 =	sshll.u32 s18, $0x3;
	s7 =	sshrl.u32 s6, $0x1  }
0xe: {  	s5 =	sshrl.u32 s24, $0x2;
	s9 =	sadd.s32 s0, s12;
	s25 =	sor.u32 s15, s10  }
0xf: {  	s11 =	sadd.s32 s11, s12;
	s29 =	sadd.s32 s26, s13;
	s15 =	simm.s32 $0xEA60  }
0x10: {  	s24 =	simm.s32 $0x1E2A0;
	s14 =	ssub.s32 s6, s7;
	s5 =	sadd.s32 s5, s3  }
0x11: {  	s10 =	sadd.s32 $0x9E00, s9;
	s0 =	sshrl.u32 s25, $0x3;
	s25 =	simm.s32 $0x2  }
0x12: {  	s6 =	sadd.s32 $0x3400, s5;
	s7 =	sadd.s32 $0x6800, s5;
	s12 =	sadd.s32 s13, s0  }
0x13: {  	v1 =	vimm.f32 $0.0e+00;
	v0 =	vmov s18;
	s13 =	sadd.s32 $0x27000, s29;
	s14 =	smax.u32 s14, $0x1;
	s0 =	simm.s32 $0x5  }
.LBB2_1:
0x14: {  	s29 =	simm.s32 $0x100;
	s26 =	simm.s32 $0x0  }
.LBB2_2:
0x15: {  	p1 =	sne.s32 s29, $0xCF00;
	[tilespmem:s26+$0xEA90] =	vst v1;
	s18 =	smov.u32 s29;
	s29 =	sadd.s32 $0x100, s29  }
.Ltmp0:
0x16: {  	[tilespmem:s26+$0xEA80] =	vst v1;
	(pc) =	sbr.rel @p1 .LBB2_2-.Ltmp0, $3  }
0x17: {  	[tilespmem:s26+$0xEA60] =	vst v1  }
0x18: {  	[tilespmem:s26+$0xEA70] =	vst v1;
	_ =	sdelay $0x1  }
0x19: {  	s26 =	sshra.s32 s18, $0x2  }
0x1a: {  	[tilespmem:s26+$0xEA90] =	vst v1  }
0x1b: {  	[tilespmem:s26+$0xEA80] =	vst v1  }
0x1c: {  	[tilespmem:s26+$0xEA60] =	vst v1  }
0x1d: {  	[tilespmem:s26+$0xEA70] =	vst v1  }
0x1e: {  	[spmem:s5] =	stream.linear.scatter [tilespmem:s15], [sflag:$0x7], $0x3400, $0x38;
	[tilespmem:$0x1F6A0] =	vst v63  }
0x1f: {  	_ =	swait.ge [sflag:s16], $0x3400  }
0x20: {  	[sflag:s16] =	ssyncset.done $0x0  }
0x21: {  	[sflag:s16] =	ssyncadd.s32 $0xFFFFCC00  }
0x22: {  	[spmem:s6] =	stream.linear.scatter [tilespmem:s15], [sflag:$0x7], $0x3400, $0x38;
	[tilespmem:$0x1F6A0] =	vst v63  }
0x23: {  	_ =	swait.ge [sflag:s16], $0x3400  }
0x24: {  	[sflag:s16] =	ssyncset.done $0x0  }
0x25: {  	[sflag:s16] =	ssyncadd.s32 $0xFFFFCC00  }
0x26: {  	[spmem:s7] =	stream.linear.scatter [tilespmem:s15], [sflag:$0x7], $0x3400, $0x38;
	[tilespmem:$0x1F6A0] =	vst v63  }
0x27: {  	_ =	swait.ge [sflag:s16], $0x3400  }
0x28: {  	[sflag:s16] =	ssyncset.done $0x0  }
0x29: {  	s18 =	simm.s32 @!p0 $0xEA60;
	[sflag:s16] =	ssyncadd.s32 $0xFFFFCC00  }
0x2a: {  	[spmem:s8] =	stream.linear.scatter @!p0 [tilespmem:s18], [sflag:$0x7], $0x400, $0x38;
	[tilespmem:$0x1F6A0] =	vst v63  }
0x2b: {  	s18 =	simm.s32 @!p0 $0x7  }
0x2c: {  	_ =	swait.ge @!p0 [sflag:s18], $0x400  }
0x2d: {  	[sflag:s18] =	ssyncset.done @!p0 $0x0  }
0x2e: {  	[sflag:s18] =	ssyncadd.s32 @!p0 $0xFFFFFC00  }
0x2f: {  	s26 =	simm.s32 $0x0;
	[bflag:$0x0] =	sbarrier.arrive $0xFFFF  }
0x30: {  	[tilespmem:s26], [sflag:$0x7] =	stream.linear.gather [hbm4b:s10+s26], $0x4E20, $0x38;
	[tilespmem:$0x1F6A0] =	vst v63  }
0x31: {  	_ =	swait.ge [sflag:s16], $0x4E20  }
0x32: {  	[sflag:s16] =	ssyncset.done $0x0  }
0x33: {  	[sflag:s16] =	ssyncadd.s32 $0xFFFFB1E0  }
0x34: {  	[tilespmem:s17], [sflag:$0x7] =	stream.linear.gather [hbm4b:s9+s26], $0x4E20, $0x38;
	[tilespmem:$0x1F6A0] =	vst v63  }
0x35: {  	_ =	swait.ge [sflag:s16], $0x4E20  }
0x36: {  	[sflag:s16] =	ssyncset.done $0x0  }
0x37: {  	s2 =	simm.s32 $0x9C40;
	[sflag:s16] =	ssyncadd.s32 $0xFFFFB1E0  }
0x38: {  	[tilespmem:s2], [sflag:$0x7] =	stream.linear.gather [hbm4b:s11+s26], $0x4E20, $0x38;
	[tilespmem:$0x1F6A0] =	vst v63  }
0x39: {  	_ =	swait.ge [sflag:s16], $0x4E20  }
0x3a: {  	[sflag:s16] =	ssyncset.done $0x0  }
0x3b: {  	s26 =	simm.s32 $0x0;
	[sflag:s16] =	ssyncadd.s32 $0xFFFFB1E0  }
0x3c: {  	v4 =	vld [tilespmem:s26+$0x0]  }
0x3d: {  	v5 =	vld [tilespmem:s26+$0x10]  }
0x3e: {  	v3 =	vld [tilespmem:s26+$0x20]  }
0x3f: {  	s29 =	simm.s32 $0x140;
	v2 =	vld [tilespmem:s26+$0x30]  }
.LBB2_4:
0x40: {  	p1 =	sne.s32 s29, $0x13740;
	v6 =	vld [tilespmem:s26+$0x40]  }
0x41: {  	v4 =	vshll.u32 v4, $0x1  }
0x42: {  	v4 =	vor.u32 v0, v4;
	v5 =	vshll.u32 v5, $0x1  }
.Ltmp1:
0x43: {  	s18 =	sshra.s32 s29, $0x2;
	[tilespmem:s26+$0x0] =	vst v4;
	v5 =	vor.u32 v0, v5;
	v3 =	vshll.u32 v3, $0x1;
	(pc) =	sbr.rel @p1 .LBB2_4-.Ltmp1, $4  }
0x44: {  	v4 =	vld [tilespmem:s18+$0x0];
	[tilespmem:s26+$0x10] =	vst v5;
	v3 =	vor.u32 v0, v3;
	v2 =	vshll.u32 v2, $0x1  }
0x45: {  	v5 =	vld [tilespmem:s18+$0x10];
	[tilespmem:s26+$0x20] =	vst v3;
	v2 =	vor.u32 v0, v2;
	v6 =	vshll.u32 v6, $0x1  }
0x46: {  	v3 =	vld [tilespmem:s18+$0x20];
	[tilespmem:s26+$0x30] =	vst v2;
	v6 =	vor.u32 v0, v6  }
0x47: {  	s29 =	sadd.s32 $0x140, s29;
	v2 =	vld [tilespmem:s18+$0x30];
	[tilespmem:s26+$0x40] =	vst v6;
	s26 =	smov.u32 s18  }
0x48: {  	v6 =	vld [tilespmem:s26+$0x40]  }
0x49: {  	v4 =	vshll.u32 v4, $0x1  }
0x4a: {  	v4 =	vor.u32 v0, v4;
	v5 =	vshll.u32 v5, $0x1  }
0x4b: {  	[tilespmem:s26+$0x0] =	vst v4;
	v63 =	vor.u32 v0, v5;
	v3 =	vshll.u32 v3, $0x1  }
0x4c: {  	[tilespmem:s26+$0x10] =	vst v63;
	v3 =	vor.u32 v0, v3;
	v2 =	vshll.u32 v2, $0x1  }
0x4d: {  	[tilespmem:s26+$0x20] =	vst v3;
	v2 =	vor.u32 v0, v2;
	v3 =	vshll.u32 v6, $0x1  }
0x4e: {  	[tilespmem:s26+$0x30] =	vst v2;
	v2 =	vor.u32 v0, v3  }
0x4f: {  	[tilespmem:s26+$0x40] =	vst v2;
	s26 =	simm.s32 $0x0  }
0x50: {  	[tilespmem:s20], [sflag:$0x1] =	stream.indirect.gather [hbm4b:s1+s19], $0x40, s26, s19, $0xb8;
	[tilespmem:$0x1F6A0] =	vst v63  }
0x51: {  	_ = 	snop  }
0x52: {  	[tilespmem:s21], [sflag:$0x2] =	stream.indirect.gather [hbm4b:s1+s19], $0x40, s19, s19, $0xb8;
	[tilespmem:$0x1F6A0] =	vst v63  }
0x53: {  	_ =	swait.ge [sflag:s22], $0x1400  }
0x54: {  	[sflag:s22] =	ssyncset.done $0x0  }
0x55: {  	s29 =	simm.s32 $0x1BCA0;
	[sflag:s22] =	ssyncadd.s32 $0xFFFFEC00  }
.LBB2_6:
0x56: {  	s18 =	sshra.s32 s26, $0x2  }
0x57: {  	v2 =	vld [tilespmem:s18+$0x9C40];
	_ =	sdelay $0x1  }
0x58: {  	v3 =	vld [tilespmem:s29+$0xFFFFFE00];
	_ =	sdelay $0x2  }
0x59: {  	v4 =	vbroadcast v2, $0x0;
	_ =	sdelay $0x1  }
0x5a: {  	v3 =	vmul.f32 v4, v3;
	_ =	sdelay $0x1  }
0x5b: {  	[tilespmem:s29+$0xFFFFFE00] =	vst v3;
	v3 =	vld [tilespmem:s29+$0xFFFFFE10];
	_ =	sdelay $0x4  }
0x5c: {  	v3 =	vmul.f32 v3, v4;
	_ =	sdelay $0x1  }
0x5d: {  	[tilespmem:s29+$0xFFFFFE10] =	vst v3;
	v3 =	vld [tilespmem:s29+$0xFFFFFE20];
	_ =	sdelay $0x4  }
0x5e: {  	v3 =	vmul.f32 v3, v4;
	_ =	sdelay $0x1  }
0x5f: {  	[tilespmem:s29+$0xFFFFFE20] =	vst v3;
	v3 =	vld [tilespmem:s29+$0xFFFFFE30];
	_ =	sdelay $0x4  }
0x60: {  	v3 =	vmul.f32 v3, v4;
	_ =	sdelay $0x1  }
0x61: {  	[tilespmem:s29+$0xFFFFFE30] =	vst v3;
	v3 =	vld [tilespmem:s29+$0xFFFFFE40];
	_ =	sdelay $0x2  }
0x62: {  	v50 =	vbroadcast v2, $0x1;
	_ =	sdelay $0x1  }
0x63: {  	v3 =	vmul.f32 v3, v50;
	_ =	sdelay $0x1  }
0x64: {  	[tilespmem:s29+$0xFFFFFE40] =	vst v3;
	v3 =	vld [tilespmem:s29+$0xFFFFFE50];
	_ =	sdelay $0x4  }
0x65: {  	v3 =	vmul.f32 v3, v50;
	_ =	sdelay $0x1  }
0x66: {  	[tilespmem:s29+$0xFFFFFE50] =	vst v3;
	v3 =	vld [tilespmem:s29+$0xFFFFFE60];
	_ =	sdelay $0x4  }
0x67: {  	v3 =	vmul.f32 v3, v50;
	_ =	sdelay $0x1  }
0x68: {  	[tilespmem:s29+$0xFFFFFE60] =	vst v3;
	v3 =	vld [tilespmem:s29+$0xFFFFFE70];
	_ =	sdelay $0x4  }
0x69: {  	v3 =	vmul.f32 v3, v50;
	_ =	sdelay $0x1  }
0x6a: {  	[tilespmem:s29+$0xFFFFFE70] =	vst v3;
	v3 =	vld [tilespmem:s29+$0xFFFFFE80];
	_ =	sdelay $0x2  }
0x6b: {  	v51 =	vbroadcast v2, $0x2;
	_ =	sdelay $0x1  }
0x6c: {  	v3 =	vmul.f32 v3, v51;
	_ =	sdelay $0x1  }
0x6d: {  	[tilespmem:s29+$0xFFFFFE80] =	vst v3;
	v3 =	vld [tilespmem:s29+$0xFFFFFE90];
	_ =	sdelay $0x4  }
0x6e: {  	v3 =	vmul.f32 v3, v51;
	_ =	sdelay $0x1  }
0x6f: {  	[tilespmem:s29+$0xFFFFFE90] =	vst v3;
	v3 =	vld [tilespmem:s29+$0xFFFFFEA0];
	_ =	sdelay $0x4  }
0x70: {  	v3 =	vmul.f32 v3, v51;
	_ =	sdelay $0x1  }
0x71: {  	[tilespmem:s29+$0xFFFFFEA0] =	vst v3;
	v3 =	vld [tilespmem:s29+$0xFFFFFEB0];
	_ =	sdelay $0x4  }
0x72: {  	v3 =	vmul.f32 v3, v51;
	_ =	sdelay $0x1  }
0x73: {  	[tilespmem:s29+$0xFFFFFEB0] =	vst v3;
	v3 =	vld [tilespmem:s29+$0xFFFFFEC0];
	_ =	sdelay $0x2  }
0x74: {  	v52 =	vbroadcast v2, $0x3;
	_ =	sdelay $0x1  }
0x75: {  	v3 =	vmul.f32 v3, v52;
	_ =	sdelay $0x1  }
0x76: {  	[tilespmem:s29+$0xFFFFFEC0] =	vst v3;
	v3 =	vld [tilespmem:s29+$0xFFFFFED0];
	_ =	sdelay $0x4  }
0x77: {  	v3 =	vmul.f32 v3, v52;
	_ =	sdelay $0x1  }
0x78: {  	[tilespmem:s29+$0xFFFFFED0] =	vst v3;
	v3 =	vld [tilespmem:s29+$0xFFFFFEE0];
	_ =	sdelay $0x4  }
0x79: {  	v3 =	vmul.f32 v3, v52;
	_ =	sdelay $0x1  }
0x7a: {  	[tilespmem:s29+$0xFFFFFEE0] =	vst v3;
	v3 =	vld [tilespmem:s29+$0xFFFFFEF0];
	_ =	sdelay $0x4  }
0x7b: {  	v3 =	vmul.f32 v3, v52;
	_ =	sdelay $0x1  }
0x7c: {  	[tilespmem:s29+$0xFFFFFEF0] =	vst v3;
	v3 =	vld [tilespmem:s29+$0xFFFFFF00];
	_ =	sdelay $0x2  }
0x7d: {  	v53 =	vbroadcast v2, $0x4;
	_ =	sdelay $0x1  }
0x7e: {  	v3 =	vmul.f32 v3, v53;
	_ =	sdelay $0x1  }
0x7f: {  	[tilespmem:s29+$0xFFFFFF00] =	vst v3;
	v3 =	vld [tilespmem:s29+$0xFFFFFF10];
	_ =	sdelay $0x4  }
0x80: {  	v3 =	vmul.f32 v3, v53;
	_ =	sdelay $0x1  }
0x81: {  	[tilespmem:s29+$0xFFFFFF10] =	vst v3;
	v3 =	vld [tilespmem:s29+$0xFFFFFF20];
	_ =	sdelay $0x4  }
0x82: {  	v3 =	vmul.f32 v3, v53;
	_ =	sdelay $0x1  }
0x83: {  	[tilespmem:s29+$0xFFFFFF20] =	vst v3;
	v3 =	vld [tilespmem:s29+$0xFFFFFF30];
	_ =	sdelay $0x4  }
0x84: {  	v3 =	vmul.f32 v3, v53;
	_ =	sdelay $0x1  }
0x85: {  	[tilespmem:s29+$0xFFFFFF30] =	vst v3;
	v3 =	vld [tilespmem:s29+$0xFFFFFF40];
	_ =	sdelay $0x2  }
0x86: {  	v54 =	vbroadcast v2, $0x5;
	_ =	sdelay $0x1  }
0x87: {  	v3 =	vmul.f32 v3, v54;
	_ =	sdelay $0x1  }
0x88: {  	[tilespmem:s29+$0xFFFFFF40] =	vst v3;
	v3 =	vld [tilespmem:s29+$0xFFFFFF50];
	_ =	sdelay $0x4  }
0x89: {  	v3 =	vmul.f32 v3, v54;
	_ =	sdelay $0x1  }
0x8a: {  	[tilespmem:s29+$0xFFFFFF50] =	vst v3;
	v3 =	vld [tilespmem:s29+$0xFFFFFF60];
	_ =	sdelay $0x4  }
0x8b: {  	v3 =	vmul.f32 v3, v54;
	_ =	sdelay $0x1  }
0x8c: {  	[tilespmem:s29+$0xFFFFFF60] =	vst v3;
	v3 =	vld [tilespmem:s29+$0xFFFFFF70];
	_ =	sdelay $0x4  }
0x8d: {  	v3 =	vmul.f32 v3, v54;
	_ =	sdelay $0x1  }
0x8e: {  	[tilespmem:s29+$0xFFFFFF70] =	vst v3;
	v3 =	vld [tilespmem:s29+$0xFFFFFF80];
	_ =	sdelay $0x2  }
0x8f: {  	v55 =	vbroadcast v2, $0x6;
	_ =	sdelay $0x1  }
0x90: {  	v3 =	vmul.f32 v3, v55;
	_ =	sdelay $0x1  }
0x91: {  	[tilespmem:s29+$0xFFFFFF80] =	vst v3;
	v3 =	vld [tilespmem:s29+$0xFFFFFF90];
	_ =	sdelay $0x4  }
0x92: {  	v3 =	vmul.f32 v3, v55;
	_ =	sdelay $0x1  }
0x93: {  	[tilespmem:s29+$0xFFFFFF90] =	vst v3;
	v3 =	vld [tilespmem:s29+$0xFFFFFFA0];
	_ =	sdelay $0x4  }
0x94: {  	v3 =	vmul.f32 v3, v55;
	_ =	sdelay $0x1  }
0x95: {  	[tilespmem:s29+$0xFFFFFFA0] =	vst v3;
	v3 =	vld [tilespmem:s29+$0xFFFFFFB0];
	_ =	sdelay $0x4  }
0x96: {  	v3 =	vmul.f32 v3, v55;
	_ =	sdelay $0x1  }
0x97: {  	[tilespmem:s29+$0xFFFFFFB0] =	vst v3;
	v3 =	vld [tilespmem:s29+$0xFFFFFFC0];
	_ =	sdelay $0x2  }
0x98: {  	v56 =	vbroadcast v2, $0x7;
	_ =	sdelay $0x1  }
0x99: {  	v3 =	vmul.f32 v3, v56;
	_ =	sdelay $0x1  }
0x9a: {  	[tilespmem:s29+$0xFFFFFFC0] =	vst v3;
	v3 =	vld [tilespmem:s29+$0xFFFFFFD0];
	_ =	sdelay $0x4  }
0x9b: {  	v3 =	vmul.f32 v3, v56;
	_ =	sdelay $0x1  }
0x9c: {  	[tilespmem:s29+$0xFFFFFFD0] =	vst v3;
	v3 =	vld [tilespmem:s29+$0xFFFFFFE0];
	_ =	sdelay $0x4  }
0x9d: {  	v3 =	vmul.f32 v3, v56;
	_ =	sdelay $0x1  }
0x9e: {  	[tilespmem:s29+$0xFFFFFFE0] =	vst v3;
	v3 =	vld [tilespmem:s29+$0xFFFFFFF0];
	_ =	sdelay $0x4  }
0x9f: {  	v3 =	vmul.f32 v3, v56;
	_ =	sdelay $0x1  }
0xa0: {  	[tilespmem:s29+$0xFFFFFFF0] =	vst v3;
	v3 =	vld [tilespmem:s29+$0x0];
	_ =	sdelay $0x2  }
0xa1: {  	v57 =	vbroadcast v2, $0x8;
	_ =	sdelay $0x1  }
0xa2: {  	v3 =	vmul.f32 v3, v57;
	_ =	sdelay $0x1  }
0xa3: {  	[tilespmem:s29+$0x0] =	vst v3;
	v3 =	vld [tilespmem:s29+$0x10];
	_ =	sdelay $0x4  }
0xa4: {  	v3 =	vmul.f32 v3, v57;
	_ =	sdelay $0x1  }
0xa5: {  	[tilespmem:s29+$0x10] =	vst v3;
	v3 =	vld [tilespmem:s29+$0x20];
	_ =	sdelay $0x4  }
0xa6: {  	v3 =	vmul.f32 v3, v57;
	_ =	sdelay $0x1  }
0xa7: {  	[tilespmem:s29+$0x20] =	vst v3;
	v3 =	vld [tilespmem:s29+$0x30];
	_ =	sdelay $0x4  }
0xa8: {  	v3 =	vmul.f32 v3, v57;
	_ =	sdelay $0x1  }
0xa9: {  	[tilespmem:s29+$0x30] =	vst v3;
	v3 =	vld [tilespmem:s29+$0x40];
	_ =	sdelay $0x2  }
0xaa: {  	v58 =	vbroadcast v2, $0x9;
	_ =	sdelay $0x1  }
0xab: {  	v3 =	vmul.f32 v3, v58;
	_ =	sdelay $0x1  }
0xac: {  	[tilespmem:s29+$0x40] =	vst v3;
	v3 =	vld [tilespmem:s29+$0x50];
	_ =	sdelay $0x4  }
0xad: {  	v3 =	vmul.f32 v3, v58;
	_ =	sdelay $0x1  }
0xae: {  	[tilespmem:s29+$0x50] =	vst v3;
	v3 =	vld [tilespmem:s29+$0x60];
	_ =	sdelay $0x4  }
0xaf: {  	v3 =	vmul.f32 v3, v58;
	_ =	sdelay $0x1  }
0xb0: {  	[tilespmem:s29+$0x60] =	vst v3;
	v3 =	vld [tilespmem:s29+$0x70];
	_ =	sdelay $0x4  }
0xb1: {  	v3 =	vmul.f32 v3, v58;
	_ =	sdelay $0x1  }
0xb2: {  	[tilespmem:s29+$0x70] =	vst v3;
	v3 =	vld [tilespmem:s29+$0x80];
	_ =	sdelay $0x2  }
0xb3: {  	v59 =	vbroadcast v2, $0xA;
	_ =	sdelay $0x1  }
0xb4: {  	v3 =	vmul.f32 v3, v59;
	_ =	sdelay $0x1  }
0xb5: {  	[tilespmem:s29+$0x80] =	vst v3;
	v3 =	vld [tilespmem:s29+$0x90];
	_ =	sdelay $0x4  }
0xb6: {  	v3 =	vmul.f32 v3, v59;
	_ =	sdelay $0x1  }
0xb7: {  	[tilespmem:s29+$0x90] =	vst v3;
	v3 =	vld [tilespmem:s29+$0xA0];
	_ =	sdelay $0x4  }
0xb8: {  	v3 =	vmul.f32 v3, v59;
	_ =	sdelay $0x1  }
0xb9: {  	[tilespmem:s29+$0xA0] =	vst v3;
	v3 =	vld [tilespmem:s29+$0xB0];
	_ =	sdelay $0x4  }
0xba: {  	v3 =	vmul.f32 v3, v59;
	_ =	sdelay $0x1  }
0xbb: {  	[tilespmem:s29+$0xB0] =	vst v3;
	v3 =	vld [tilespmem:s29+$0xC0];
	_ =	sdelay $0x2  }
0xbc: {  	v60 =	vbroadcast v2, $0xB;
	_ =	sdelay $0x1  }
0xbd: {  	v3 =	vmul.f32 v3, v60;
	_ =	sdelay $0x1  }
0xbe: {  	[tilespmem:s29+$0xC0] =	vst v3;
	v3 =	vld [tilespmem:s29+$0xD0];
	_ =	sdelay $0x4  }
0xbf: {  	v3 =	vmul.f32 v3, v60;
	_ =	sdelay $0x1  }
0xc0: {  	[tilespmem:s29+$0xD0] =	vst v3;
	v3 =	vld [tilespmem:s29+$0xE0];
	_ =	sdelay $0x4  }
0xc1: {  	v3 =	vmul.f32 v3, v60;
	_ =	sdelay $0x1  }
0xc2: {  	[tilespmem:s29+$0xE0] =	vst v3;
	v3 =	vld [tilespmem:s29+$0xF0];
	_ =	sdelay $0x4  }
0xc3: {  	v3 =	vmul.f32 v3, v60;
	_ =	sdelay $0x1  }
0xc4: {  	[tilespmem:s29+$0xF0] =	vst v3;
	v3 =	vld [tilespmem:s29+$0x100];
	_ =	sdelay $0x2  }
0xc5: {  	v61 =	vbroadcast v2, $0xC;
	_ =	sdelay $0x1  }
0xc6: {  	v3 =	vmul.f32 v3, v61;
	_ =	sdelay $0x1  }
0xc7: {  	[tilespmem:s29+$0x100] =	vst v3;
	v3 =	vld [tilespmem:s29+$0x110];
	_ =	sdelay $0x4  }
0xc8: {  	v3 =	vmul.f32 v3, v61;
	_ =	sdelay $0x1  }
0xc9: {  	[tilespmem:s29+$0x110] =	vst v3;
	v3 =	vld [tilespmem:s29+$0x120];
	_ =	sdelay $0x4  }
0xca: {  	v3 =	vmul.f32 v3, v61;
	_ =	sdelay $0x1  }
0xcb: {  	[tilespmem:s29+$0x120] =	vst v3;
	v3 =	vld [tilespmem:s29+$0x130];
	_ =	sdelay $0x4  }
0xcc: {  	v3 =	vmul.f32 v3, v61;
	_ =	sdelay $0x1  }
0xcd: {  	[tilespmem:s29+$0x130] =	vst v3;
	v3 =	vld [tilespmem:s29+$0x140];
	_ =	sdelay $0x2  }
0xce: {  	v62 =	vbroadcast v2, $0xD;
	_ =	sdelay $0x1  }
0xcf: {  	v3 =	vmul.f32 v3, v62;
	_ =	sdelay $0x1  }
0xd0: {  	[tilespmem:s29+$0x140] =	vst v3;
	v3 =	vld [tilespmem:s29+$0x150];
	_ =	sdelay $0x4  }
0xd1: {  	v3 =	vmul.f32 v3, v62;
	_ =	sdelay $0x1  }
0xd2: {  	[tilespmem:s29+$0x150] =	vst v3;
	v3 =	vld [tilespmem:s29+$0x160];
	_ =	sdelay $0x4  }
0xd3: {  	v3 =	vmul.f32 v3, v62;
	_ =	sdelay $0x1  }
0xd4: {  	[tilespmem:s29+$0x160] =	vst v3;
	v3 =	vld [tilespmem:s29+$0x170];
	_ =	sdelay $0x4  }
0xd5: {  	v3 =	vmul.f32 v3, v62;
	_ =	sdelay $0x1  }
0xd6: {  	[tilespmem:s29+$0x170] =	vst v3;
	v3 =	vld [tilespmem:s29+$0x180];
	_ =	sdelay $0x2  }
0xd7: {  	v63 =	vbroadcast v2, $0xE;
	_ =	sdelay $0x1  }
0xd8: {  	v3 =	vmul.f32 v3, v63;
	_ =	sdelay $0x1  }
0xd9: {  	[tilespmem:s29+$0x180] =	vst v3;
	v3 =	vld [tilespmem:s29+$0x190];
	_ =	sdelay $0x4  }
0xda: {  	v3 =	vmul.f32 v3, v63;
	_ =	sdelay $0x1  }
0xdb: {  	[tilespmem:s29+$0x190] =	vst v3;
	v3 =	vld [tilespmem:s29+$0x1A0];
	_ =	sdelay $0x4  }
0xdc: {  	v3 =	vmul.f32 v3, v63;
	_ =	sdelay $0x1  }
0xdd: {  	[tilespmem:s29+$0x1A0] =	vst v3;
	v3 =	vld [tilespmem:s29+$0x1B0];
	_ =	sdelay $0x4  }
0xde: {  	v3 =	vmul.f32 v3, v63;
	_ =	sdelay $0x1  }
0xdf: {  	[tilespmem:s29+$0x1B0] =	vst v3;
	v3 =	vld [tilespmem:s29+$0x1C0];
	_ =	sdelay $0x2  }
0xe0: {  	v2 =	vbroadcast v2, $0xF;
	_ =	sdelay $0x1  }
0xe1: {  	v3 =	vmul.f32 v3, v2;
	_ =	sdelay $0x1  }
0xe2: {  	[tilespmem:s29+$0x1C0] =	vst v3;
	v3 =	vld [tilespmem:s29+$0x1D0];
	_ =	sdelay $0x4  }
0xe3: {  	v3 =	vmul.f32 v3, v2;
	_ =	sdelay $0x1  }
0xe4: {  	[tilespmem:s29+$0x1D0] =	vst v3;
	v3 =	vld [tilespmem:s29+$0x1E0];
	_ =	sdelay $0x4  }
0xe5: {  	v3 =	vmul.f32 v3, v2;
	_ =	sdelay $0x1  }
0xe6: {  	[tilespmem:s29+$0x1E0] =	vst v3;
	v3 =	vld [tilespmem:s29+$0x1F0];
	_ =	sdelay $0x1  }
0xe7: {  	p1 =	sne.s32 s26, $0x100  }
.Ltmp2:
0xe8: {  	_ = 	snop;
	(pc) =	sbr.rel @p1 .LBB2_6-.Ltmp2, $3  }
0xe9: {  	_ = 	snop  }
0xea: {  	v2 =	vmul.f32 v3, v2;
	_ =	sdelay $0x1  }
0xeb: {  	s26 =	sadd.s32 $0x40, s26;
	[tilespmem:s29+$0x1F0] =	vst v2;
	s29 =	sadd.s32 $0x400, s29  }
0xec: {  	[spmem:s3] =	stream.indirect.scatter.add.f32 [tilespmem:s20], [sflag:$0x4], $0x40, s17, s19, $0xb8;
	[tilespmem:$0x1F6A0] =	vst v63  }
0xed: {  	s2 =	simm.s32 $0xA0  }
0xee: {  	[tilespmem:s24], [sflag:$0x3] =	stream.indirect.gather [hbm4b:s1+s19], $0x40, s2, s19, $0xb8;
	[tilespmem:$0x1F6A0] =	vst v63  }
0xef: {  	_ =	swait.ge [sflag:s25], $0x1400  }
0xf0: {  	[sflag:s25] =	ssyncset.done $0x0  }
0xf1: {  	s26 =	simm.s32 $0x0;
	s29 =	simm.s32 $0x1D0A0;
	[sflag:s25] =	ssyncadd.s32 $0xFFFFEC00  }
.LBB2_8:
0xf2: {  	s18 =	sshra.s32 s26, $0x2  }
0xf3: {  	v2 =	vld [tilespmem:s18+$0x9C90];
	_ =	sdelay $0x1  }
0xf4: {  	v3 =	vld [tilespmem:s29+$0xFFFFFE00];
	_ =	sdelay $0x2  }
0xf5: {  	v4 =	vbroadcast v2, $0x0;
	_ =	sdelay $0x1  }
0xf6: {  	v3 =	vmul.f32 v4, v3;
	_ =	sdelay $0x1  }
0xf7: {  	[tilespmem:s29+$0xFFFFFE00] =	vst v3;
	v3 =	vld [tilespmem:s29+$0xFFFFFE10];
	_ =	sdelay $0x4  }
0xf8: {  	v3 =	vmul.f32 v3, v4;
	_ =	sdelay $0x1  }
0xf9: {  	[tilespmem:s29+$0xFFFFFE10] =	vst v3;
	v3 =	vld [tilespmem:s29+$0xFFFFFE20];
	_ =	sdelay $0x4  }
0xfa: {  	v3 =	vmul.f32 v3, v4;
	_ =	sdelay $0x1  }
0xfb: {  	[tilespmem:s29+$0xFFFFFE20] =	vst v3;
	v3 =	vld [tilespmem:s29+$0xFFFFFE30];
	_ =	sdelay $0x4  }
0xfc: {  	v3 =	vmul.f32 v3, v4;
	_ =	sdelay $0x1  }
0xfd: {  	[tilespmem:s29+$0xFFFFFE30] =	vst v3;
	v3 =	vld [tilespmem:s29+$0xFFFFFE40];
	_ =	sdelay $0x2  }
0xfe: {  	v50 =	vbroadcast v2, $0x1;
	_ =	sdelay $0x1  }
0xff: {  	v3 =	vmul.f32 v3, v50;
	_ =	sdelay $0x1  }
0x100: {  	[tilespmem:s29+$0xFFFFFE40] =	vst v3;
	v3 =	vld [tilespmem:s29+$0xFFFFFE50];
	_ =	sdelay $0x4  }
0x101: {  	v3 =	vmul.f32 v3, v50;
	_ =	sdelay $0x1  }
0x102: {  	[tilespmem:s29+$0xFFFFFE50] =	vst v3;
	v3 =	vld [tilespmem:s29+$0xFFFFFE60];
	_ =	sdelay $0x4  }
0x103: {  	v3 =	vmul.f32 v3, v50;
	_ =	sdelay $0x1  }
0x104: {  	[tilespmem:s29+$0xFFFFFE60] =	vst v3;
	v3 =	vld [tilespmem:s29+$0xFFFFFE70];
	_ =	sdelay $0x4  }
0x105: {  	v3 =	vmul.f32 v3, v50;
	_ =	sdelay $0x1  }
0x106: {  	[tilespmem:s29+$0xFFFFFE70] =	vst v3;
	v3 =	vld [tilespmem:s29+$0xFFFFFE80];
	_ =	sdelay $0x2  }
0x107: {  	v51 =	vbroadcast v2, $0x2;
	_ =	sdelay $0x1  }
0x108: {  	v3 =	vmul.f32 v3, v51;
	_ =	sdelay $0x1  }
0x109: {  	[tilespmem:s29+$0xFFFFFE80] =	vst v3;
	v3 =	vld [tilespmem:s29+$0xFFFFFE90];
	_ =	sdelay $0x4  }
0x10a: {  	v3 =	vmul.f32 v3, v51;
	_ =	sdelay $0x1  }
0x10b: {  	[tilespmem:s29+$0xFFFFFE90] =	vst v3;
	v3 =	vld [tilespmem:s29+$0xFFFFFEA0];
	_ =	sdelay $0x4  }
0x10c: {  	v3 =	vmul.f32 v3, v51;
	_ =	sdelay $0x1  }
0x10d: {  	[tilespmem:s29+$0xFFFFFEA0] =	vst v3;
	v3 =	vld [tilespmem:s29+$0xFFFFFEB0];
	_ =	sdelay $0x4  }
0x10e: {  	v3 =	vmul.f32 v3, v51;
	_ =	sdelay $0x1  }
0x10f: {  	[tilespmem:s29+$0xFFFFFEB0] =	vst v3;
	v3 =	vld [tilespmem:s29+$0xFFFFFEC0];
	_ =	sdelay $0x2  }
0x110: {  	v52 =	vbroadcast v2, $0x3;
	_ =	sdelay $0x1  }
0x111: {  	v3 =	vmul.f32 v3, v52;
	_ =	sdelay $0x1  }
0x112: {  	[tilespmem:s29+$0xFFFFFEC0] =	vst v3;
	v3 =	vld [tilespmem:s29+$0xFFFFFED0];
	_ =	sdelay $0x4  }
0x113: {  	v3 =	vmul.f32 v3, v52;
	_ =	sdelay $0x1  }
0x114: {  	[tilespmem:s29+$0xFFFFFED0] =	vst v3;
	v3 =	vld [tilespmem:s29+$0xFFFFFEE0];
	_ =	sdelay $0x4  }
0x115: {  	v3 =	vmul.f32 v3, v52;
	_ =	sdelay $0x1  }
0x116: {  	[tilespmem:s29+$0xFFFFFEE0] =	vst v3;
	v3 =	vld [tilespmem:s29+$0xFFFFFEF0];
	_ =	sdelay $0x4  }
0x117: {  	v3 =	vmul.f32 v3, v52;
	_ =	sdelay $0x1  }
0x118: {  	[tilespmem:s29+$0xFFFFFEF0] =	vst v3;
	v3 =	vld [tilespmem:s29+$0xFFFFFF00];
	_ =	sdelay $0x2  }
0x119: {  	v53 =	vbroadcast v2, $0x4;
	_ =	sdelay $0x1  }
0x11a: {  	v3 =	vmul.f32 v3, v53;
	_ =	sdelay $0x1  }
0x11b: {  	[tilespmem:s29+$0xFFFFFF00] =	vst v3;
	v3 =	vld [tilespmem:s29+$0xFFFFFF10];
	_ =	sdelay $0x4  }
0x11c: {  	v3 =	vmul.f32 v3, v53;
	_ =	sdelay $0x1  }
0x11d: {  	[tilespmem:s29+$0xFFFFFF10] =	vst v3;
	v3 =	vld [tilespmem:s29+$0xFFFFFF20];
	_ =	sdelay $0x4  }
0x11e: {  	v3 =	vmul.f32 v3, v53;
	_ =	sdelay $0x1  }
0x11f: {  	[tilespmem:s29+$0xFFFFFF20] =	vst v3;
	v3 =	vld [tilespmem:s29+$0xFFFFFF30];
	_ =	sdelay $0x4  }
0x120: {  	v3 =	vmul.f32 v3, v53;
	_ =	sdelay $0x1  }
0x121: {  	[tilespmem:s29+$0xFFFFFF30] =	vst v3;
	v3 =	vld [tilespmem:s29+$0xFFFFFF40];
	_ =	sdelay $0x2  }
0x122: {  	v54 =	vbroadcast v2, $0x5;
	_ =	sdelay $0x1  }
0x123: {  	v3 =	vmul.f32 v3, v54;
	_ =	sdelay $0x1  }
0x124: {  	[tilespmem:s29+$0xFFFFFF40] =	vst v3;
	v3 =	vld [tilespmem:s29+$0xFFFFFF50];
	_ =	sdelay $0x4  }
0x125: {  	v3 =	vmul.f32 v3, v54;
	_ =	sdelay $0x1  }
0x126: {  	[tilespmem:s29+$0xFFFFFF50] =	vst v3;
	v3 =	vld [tilespmem:s29+$0xFFFFFF60];
	_ =	sdelay $0x4  }
0x127: {  	v3 =	vmul.f32 v3, v54;
	_ =	sdelay $0x1  }
0x128: {  	[tilespmem:s29+$0xFFFFFF60] =	vst v3;
	v3 =	vld [tilespmem:s29+$0xFFFFFF70];
	_ =	sdelay $0x4  }
0x129: {  	v3 =	vmul.f32 v3, v54;
	_ =	sdelay $0x1  }
0x12a: {  	[tilespmem:s29+$0xFFFFFF70] =	vst v3;
	v3 =	vld [tilespmem:s29+$0xFFFFFF80];
	_ =	sdelay $0x2  }
0x12b: {  	v55 =	vbroadcast v2, $0x6;
	_ =	sdelay $0x1  }
0x12c: {  	v3 =	vmul.f32 v3, v55;
	_ =	sdelay $0x1  }
0x12d: {  	[tilespmem:s29+$0xFFFFFF80] =	vst v3;
	v3 =	vld [tilespmem:s29+$0xFFFFFF90];
	_ =	sdelay $0x4  }
0x12e: {  	v3 =	vmul.f32 v3, v55;
	_ =	sdelay $0x1  }
0x12f: {  	[tilespmem:s29+$0xFFFFFF90] =	vst v3;
	v3 =	vld [tilespmem:s29+$0xFFFFFFA0];
	_ =	sdelay $0x4  }
0x130: {  	v3 =	vmul.f32 v3, v55;
	_ =	sdelay $0x1  }
0x131: {  	[tilespmem:s29+$0xFFFFFFA0] =	vst v3;
	v3 =	vld [tilespmem:s29+$0xFFFFFFB0];
	_ =	sdelay $0x4  }
0x132: {  	v3 =	vmul.f32 v3, v55;
	_ =	sdelay $0x1  }
0x133: {  	[tilespmem:s29+$0xFFFFFFB0] =	vst v3;
	v3 =	vld [tilespmem:s29+$0xFFFFFFC0];
	_ =	sdelay $0x2  }
0x134: {  	v56 =	vbroadcast v2, $0x7;
	_ =	sdelay $0x1  }
0x135: {  	v3 =	vmul.f32 v3, v56;
	_ =	sdelay $0x1  }
0x136: {  	[tilespmem:s29+$0xFFFFFFC0] =	vst v3;
	v3 =	vld [tilespmem:s29+$0xFFFFFFD0];
	_ =	sdelay $0x4  }
0x137: {  	v3 =	vmul.f32 v3, v56;
	_ =	sdelay $0x1  }
0x138: {  	[tilespmem:s29+$0xFFFFFFD0] =	vst v3;
	v3 =	vld [tilespmem:s29+$0xFFFFFFE0];
	_ =	sdelay $0x4  }
0x139: {  	v3 =	vmul.f32 v3, v56;
	_ =	sdelay $0x1  }
0x13a: {  	[tilespmem:s29+$0xFFFFFFE0] =	vst v3;
	v3 =	vld [tilespmem:s29+$0xFFFFFFF0];
	_ =	sdelay $0x4  }
0x13b: {  	v3 =	vmul.f32 v3, v56;
	_ =	sdelay $0x1  }
0x13c: {  	[tilespmem:s29+$0xFFFFFFF0] =	vst v3;
	v3 =	vld [tilespmem:s29+$0x0];
	_ =	sdelay $0x2  }
0x13d: {  	v57 =	vbroadcast v2, $0x8;
	_ =	sdelay $0x1  }
0x13e: {  	v3 =	vmul.f32 v3, v57;
	_ =	sdelay $0x1  }
0x13f: {  	[tilespmem:s29+$0x0] =	vst v3;
	v3 =	vld [tilespmem:s29+$0x10];
	_ =	sdelay $0x4  }
0x140: {  	v3 =	vmul.f32 v3, v57;
	_ =	sdelay $0x1  }
0x141: {  	[tilespmem:s29+$0x10] =	vst v3;
	v3 =	vld [tilespmem:s29+$0x20];
	_ =	sdelay $0x4  }
0x142: {  	v3 =	vmul.f32 v3, v57;
	_ =	sdelay $0x1  }
0x143: {  	[tilespmem:s29+$0x20] =	vst v3;
	v3 =	vld [tilespmem:s29+$0x30];
	_ =	sdelay $0x4  }
0x144: {  	v3 =	vmul.f32 v3, v57;
	_ =	sdelay $0x1  }
0x145: {  	[tilespmem:s29+$0x30] =	vst v3;
	v3 =	vld [tilespmem:s29+$0x40];
	_ =	sdelay $0x2  }
0x146: {  	v58 =	vbroadcast v2, $0x9;
	_ =	sdelay $0x1  }
0x147: {  	v3 =	vmul.f32 v3, v58;
	_ =	sdelay $0x1  }
0x148: {  	[tilespmem:s29+$0x40] =	vst v3;
	v3 =	vld [tilespmem:s29+$0x50];
	_ =	sdelay $0x4  }
0x149: {  	v3 =	vmul.f32 v3, v58;
	_ =	sdelay $0x1  }
0x14a: {  	[tilespmem:s29+$0x50] =	vst v3;
	v3 =	vld [tilespmem:s29+$0x60];
	_ =	sdelay $0x4  }
0x14b: {  	v3 =	vmul.f32 v3, v58;
	_ =	sdelay $0x1  }
0x14c: {  	[tilespmem:s29+$0x60] =	vst v3;
	v3 =	vld [tilespmem:s29+$0x70];
	_ =	sdelay $0x4  }
0x14d: {  	v3 =	vmul.f32 v3, v58;
	_ =	sdelay $0x1  }
0x14e: {  	[tilespmem:s29+$0x70] =	vst v3;
	v3 =	vld [tilespmem:s29+$0x80];
	_ =	sdelay $0x2  }
0x14f: {  	v59 =	vbroadcast v2, $0xA;
	_ =	sdelay $0x1  }
0x150: {  	v3 =	vmul.f32 v3, v59;
	_ =	sdelay $0x1  }
0x151: {  	[tilespmem:s29+$0x80] =	vst v3;
	v3 =	vld [tilespmem:s29+$0x90];
	_ =	sdelay $0x4  }
0x152: {  	v3 =	vmul.f32 v3, v59;
	_ =	sdelay $0x1  }
0x153: {  	[tilespmem:s29+$0x90] =	vst v3;
	v3 =	vld [tilespmem:s29+$0xA0];
	_ =	sdelay $0x4  }
0x154: {  	v3 =	vmul.f32 v3, v59;
	_ =	sdelay $0x1  }
0x155: {  	[tilespmem:s29+$0xA0] =	vst v3;
	v3 =	vld [tilespmem:s29+$0xB0];
	_ =	sdelay $0x4  }
0x156: {  	v3 =	vmul.f32 v3, v59;
	_ =	sdelay $0x1  }
0x157: {  	[tilespmem:s29+$0xB0] =	vst v3;
	v3 =	vld [tilespmem:s29+$0xC0];
	_ =	sdelay $0x2  }
0x158: {  	v60 =	vbroadcast v2, $0xB;
	_ =	sdelay $0x1  }
0x159: {  	v3 =	vmul.f32 v3, v60;
	_ =	sdelay $0x1  }
0x15a: {  	[tilespmem:s29+$0xC0] =	vst v3;
	v3 =	vld [tilespmem:s29+$0xD0];
	_ =	sdelay $0x4  }
0x15b: {  	v3 =	vmul.f32 v3, v60;
	_ =	sdelay $0x1  }
0x15c: {  	[tilespmem:s29+$0xD0] =	vst v3;
	v3 =	vld [tilespmem:s29+$0xE0];
	_ =	sdelay $0x4  }
0x15d: {  	v3 =	vmul.f32 v3, v60;
	_ =	sdelay $0x1  }
0x15e: {  	[tilespmem:s29+$0xE0] =	vst v3;
	v3 =	vld [tilespmem:s29+$0xF0];
	_ =	sdelay $0x4  }
0x15f: {  	v3 =	vmul.f32 v3, v60;
	_ =	sdelay $0x1  }
0x160: {  	[tilespmem:s29+$0xF0] =	vst v3;
	v3 =	vld [tilespmem:s29+$0x100];
	_ =	sdelay $0x2  }
0x161: {  	v61 =	vbroadcast v2, $0xC;
	_ =	sdelay $0x1  }
0x162: {  	v3 =	vmul.f32 v3, v61;
	_ =	sdelay $0x1  }
0x163: {  	[tilespmem:s29+$0x100] =	vst v3;
	v3 =	vld [tilespmem:s29+$0x110];
	_ =	sdelay $0x4  }
0x164: {  	v3 =	vmul.f32 v3, v61;
	_ =	sdelay $0x1  }
0x165: {  	[tilespmem:s29+$0x110] =	vst v3;
	v3 =	vld [tilespmem:s29+$0x120];
	_ =	sdelay $0x4  }
0x166: {  	v3 =	vmul.f32 v3, v61;
	_ =	sdelay $0x1  }
0x167: {  	[tilespmem:s29+$0x120] =	vst v3;
	v3 =	vld [tilespmem:s29+$0x130];
	_ =	sdelay $0x4  }
0x168: {  	v3 =	vmul.f32 v3, v61;
	_ =	sdelay $0x1  }
0x169: {  	[tilespmem:s29+$0x130] =	vst v3;
	v3 =	vld [tilespmem:s29+$0x140];
	_ =	sdelay $0x2  }
0x16a: {  	v62 =	vbroadcast v2, $0xD;
	_ =	sdelay $0x1  }
0x16b: {  	v3 =	vmul.f32 v3, v62;
	_ =	sdelay $0x1  }
0x16c: {  	[tilespmem:s29+$0x140] =	vst v3;
	v3 =	vld [tilespmem:s29+$0x150];
	_ =	sdelay $0x4  }
0x16d: {  	v3 =	vmul.f32 v3, v62;
	_ =	sdelay $0x1  }
0x16e: {  	[tilespmem:s29+$0x150] =	vst v3;
	v3 =	vld [tilespmem:s29+$0x160];
	_ =	sdelay $0x4  }
0x16f: {  	v3 =	vmul.f32 v3, v62;
	_ =	sdelay $0x1  }
0x170: {  	[tilespmem:s29+$0x160] =	vst v3;
	v3 =	vld [tilespmem:s29+$0x170];
	_ =	sdelay $0x4  }
0x171: {  	v3 =	vmul.f32 v3, v62;
	_ =	sdelay $0x1  }
0x172: {  	[tilespmem:s29+$0x170] =	vst v3;
	v3 =	vld [tilespmem:s29+$0x180];
	_ =	sdelay $0x2  }
0x173: {  	v63 =	vbroadcast v2, $0xE;
	_ =	sdelay $0x1  }
0x174: {  	v3 =	vmul.f32 v3, v63;
	_ =	sdelay $0x1  }
0x175: {  	[tilespmem:s29+$0x180] =	vst v3;
	v3 =	vld [tilespmem:s29+$0x190];
	_ =	sdelay $0x4  }
0x176: {  	v3 =	vmul.f32 v3, v63;
	_ =	sdelay $0x1  }
0x177: {  	[tilespmem:s29+$0x190] =	vst v3;
	v3 =	vld [tilespmem:s29+$0x1A0];
	_ =	sdelay $0x4  }
0x178: {  	v3 =	vmul.f32 v3, v63;
	_ =	sdelay $0x1  }
0x179: {  	[tilespmem:s29+$0x1A0] =	vst v3;
	v3 =	vld [tilespmem:s29+$0x1B0];
	_ =	sdelay $0x4  }
0x17a: {  	v3 =	vmul.f32 v3, v63;
	_ =	sdelay $0x1  }
0x17b: {  	[tilespmem:s29+$0x1B0] =	vst v3;
	v3 =	vld [tilespmem:s29+$0x1C0];
	_ =	sdelay $0x2  }
0x17c: {  	v2 =	vbroadcast v2, $0xF;
	_ =	sdelay $0x1  }
0x17d: {  	v3 =	vmul.f32 v3, v2;
	_ =	sdelay $0x1  }
0x17e: {  	[tilespmem:s29+$0x1C0] =	vst v3;
	v3 =	vld [tilespmem:s29+$0x1D0];
	_ =	sdelay $0x4  }
0x17f: {  	v3 =	vmul.f32 v3, v2;
	_ =	sdelay $0x1  }
0x180: {  	[tilespmem:s29+$0x1D0] =	vst v3;
	v3 =	vld [tilespmem:s29+$0x1E0];
	_ =	sdelay $0x4  }
0x181: {  	v3 =	vmul.f32 v3, v2;
	_ =	sdelay $0x1  }
0x182: {  	[tilespmem:s29+$0x1E0] =	vst v3;
	v3 =	vld [tilespmem:s29+$0x1F0];
	_ =	sdelay $0x1  }
0x183: {  	p1 =	sne.s32 s26, $0x100  }
.Ltmp3:
0x184: {  	_ = 	snop;
	(pc) =	sbr.rel @p1 .LBB2_8-.Ltmp3, $3  }
0x185: {  	_ = 	snop  }
0x186: {  	v2 =	vmul.f32 v3, v2;
	_ =	sdelay $0x1  }
0x187: {  	s26 =	sadd.s32 $0x40, s26;
	[tilespmem:s29+$0x1F0] =	vst v2;
	s29 =	sadd.s32 $0x400, s29  }
0x188: {  	s2 =	simm.s32 $0x4E70  }
0x189: {  	[spmem:s3] =	stream.indirect.scatter.add.f32 [tilespmem:s21], [sflag:$0x5], $0x40, s2, s19, $0xb8;
	[tilespmem:$0x1F6A0] =	vst v63  }
0x18a: {  	_ =	swait.ge [sflag:s28], $0x1400  }
0x18b: {  	[sflag:s28] =	ssyncset.done $0x0  }
0x18c: {  	s26 =	simm.s32 $0xF0;
	[sflag:s28] =	ssyncadd.s32 $0xFFFFEC00  }
0x18d: {  	[tilespmem:s20], [sflag:$0x1] =	stream.indirect.gather [hbm4b:s1+s19], $0x40, s26, s19, $0xb8;
	[tilespmem:$0x1F6A0] =	vst v63  }
0x18e: {  	_ =	swait.ge [sflag:s30], $0x1400  }
0x18f: {  	[sflag:s30] =	ssyncset.done $0x0  }
0x190: {  	s29 =	simm.s32 $0x1E4A0;
	s26 =	simm.s32 $0x0;
	[sflag:s30] =	ssyncadd.s32 $0xFFFFEC00  }
.LBB2_10:
0x191: {  	s18 =	sshra.s32 s26, $0x2  }
0x192: {  	v2 =	vld [tilespmem:s18+$0x9CE0];
	_ =	sdelay $0x1  }
0x193: {  	v3 =	vld [tilespmem:s29+$0xFFFFFE00];
	_ =	sdelay $0x2  }
0x194: {  	v4 =	vbroadcast v2, $0x0;
	_ =	sdelay $0x1  }
0x195: {  	v3 =	vmul.f32 v4, v3;
	_ =	sdelay $0x1  }
0x196: {  	[tilespmem:s29+$0xFFFFFE00] =	vst v3;
	v3 =	vld [tilespmem:s29+$0xFFFFFE10];
	_ =	sdelay $0x4  }
0x197: {  	v3 =	vmul.f32 v3, v4;
	_ =	sdelay $0x1  }
0x198: {  	[tilespmem:s29+$0xFFFFFE10] =	vst v3;
	v3 =	vld [tilespmem:s29+$0xFFFFFE20];
	_ =	sdelay $0x4  }
0x199: {  	v3 =	vmul.f32 v3, v4;
	_ =	sdelay $0x1  }
0x19a: {  	[tilespmem:s29+$0xFFFFFE20] =	vst v3;
	v3 =	vld [tilespmem:s29+$0xFFFFFE30];
	_ =	sdelay $0x4  }
0x19b: {  	v3 =	vmul.f32 v3, v4;
	_ =	sdelay $0x1  }
0x19c: {  	[tilespmem:s29+$0xFFFFFE30] =	vst v3;
	v3 =	vld [tilespmem:s29+$0xFFFFFE40];
	_ =	sdelay $0x2  }
0x19d: {  	v50 =	vbroadcast v2, $0x1;
	_ =	sdelay $0x1  }
0x19e: {  	v3 =	vmul.f32 v3, v50;
	_ =	sdelay $0x1  }
0x19f: {  	[tilespmem:s29+$0xFFFFFE40] =	vst v3;
	v3 =	vld [tilespmem:s29+$0xFFFFFE50];
	_ =	sdelay $0x4  }
0x1a0: {  	v3 =	vmul.f32 v3, v50;
	_ =	sdelay $0x1  }
0x1a1: {  	[tilespmem:s29+$0xFFFFFE50] =	vst v3;
	v3 =	vld [tilespmem:s29+$0xFFFFFE60];
	_ =	sdelay $0x4  }
0x1a2: {  	v3 =	vmul.f32 v3, v50;
	_ =	sdelay $0x1  }
0x1a3: {  	[tilespmem:s29+$0xFFFFFE60] =	vst v3;
	v3 =	vld [tilespmem:s29+$0xFFFFFE70];
	_ =	sdelay $0x4  }
0x1a4: {  	v3 =	vmul.f32 v3, v50;
	_ =	sdelay $0x1  }
0x1a5: {  	[tilespmem:s29+$0xFFFFFE70] =	vst v3;
	v3 =	vld [tilespmem:s29+$0xFFFFFE80];
	_ =	sdelay $0x2  }
0x1a6: {  	v51 =	vbroadcast v2, $0x2;
	_ =	sdelay $0x1  }
0x1a7: {  	v3 =	vmul.f32 v3, v51;
	_ =	sdelay $0x1  }
0x1a8: {  	[tilespmem:s29+$0xFFFFFE80] =	vst v3;
	v3 =	vld [tilespmem:s29+$0xFFFFFE90];
	_ =	sdelay $0x4  }
0x1a9: {  	v3 =	vmul.f32 v3, v51;
	_ =	sdelay $0x1  }
0x1aa: {  	[tilespmem:s29+$0xFFFFFE90] =	vst v3;
	v3 =	vld [tilespmem:s29+$0xFFFFFEA0];
	_ =	sdelay $0x4  }
0x1ab: {  	v3 =	vmul.f32 v3, v51;
	_ =	sdelay $0x1  }
0x1ac: {  	[tilespmem:s29+$0xFFFFFEA0] =	vst v3;
	v3 =	vld [tilespmem:s29+$0xFFFFFEB0];
	_ =	sdelay $0x4  }
0x1ad: {  	v3 =	vmul.f32 v3, v51;
	_ =	sdelay $0x1  }
0x1ae: {  	[tilespmem:s29+$0xFFFFFEB0] =	vst v3;
	v3 =	vld [tilespmem:s29+$0xFFFFFEC0];
	_ =	sdelay $0x2  }
0x1af: {  	v52 =	vbroadcast v2, $0x3;
	_ =	sdelay $0x1  }
0x1b0: {  	v3 =	vmul.f32 v3, v52;
	_ =	sdelay $0x1  }
0x1b1: {  	[tilespmem:s29+$0xFFFFFEC0] =	vst v3;
	v3 =	vld [tilespmem:s29+$0xFFFFFED0];
	_ =	sdelay $0x4  }
0x1b2: {  	v3 =	vmul.f32 v3, v52;
	_ =	sdelay $0x1  }
0x1b3: {  	[tilespmem:s29+$0xFFFFFED0] =	vst v3;
	v3 =	vld [tilespmem:s29+$0xFFFFFEE0];
	_ =	sdelay $0x4  }
0x1b4: {  	v3 =	vmul.f32 v3, v52;
	_ =	sdelay $0x1  }
0x1b5: {  	[tilespmem:s29+$0xFFFFFEE0] =	vst v3;
	v3 =	vld [tilespmem:s29+$0xFFFFFEF0];
	_ =	sdelay $0x4  }
0x1b6: {  	v3 =	vmul.f32 v3, v52;
	_ =	sdelay $0x1  }
0x1b7: {  	[tilespmem:s29+$0xFFFFFEF0] =	vst v3;
	v3 =	vld [tilespmem:s29+$0xFFFFFF00];
	_ =	sdelay $0x2  }
0x1b8: {  	v53 =	vbroadcast v2, $0x4;
	_ =	sdelay $0x1  }
0x1b9: {  	v3 =	vmul.f32 v3, v53;
	_ =	sdelay $0x1  }
0x1ba: {  	[tilespmem:s29+$0xFFFFFF00] =	vst v3;
	v3 =	vld [tilespmem:s29+$0xFFFFFF10];
	_ =	sdelay $0x4  }
0x1bb: {  	v3 =	vmul.f32 v3, v53;
	_ =	sdelay $0x1  }
0x1bc: {  	[tilespmem:s29+$0xFFFFFF10] =	vst v3;
	v3 =	vld [tilespmem:s29+$0xFFFFFF20];
	_ =	sdelay $0x4  }
0x1bd: {  	v3 =	vmul.f32 v3, v53;
	_ =	sdelay $0x1  }
0x1be: {  	[tilespmem:s29+$0xFFFFFF20] =	vst v3;
	v3 =	vld [tilespmem:s29+$0xFFFFFF30];
	_ =	sdelay $0x4  }
0x1bf: {  	v3 =	vmul.f32 v3, v53;
	_ =	sdelay $0x1  }
0x1c0: {  	[tilespmem:s29+$0xFFFFFF30] =	vst v3;
	v3 =	vld [tilespmem:s29+$0xFFFFFF40];
	_ =	sdelay $0x2  }
0x1c1: {  	v54 =	vbroadcast v2, $0x5;
	_ =	sdelay $0x1  }
0x1c2: {  	v3 =	vmul.f32 v3, v54;
	_ =	sdelay $0x1  }
0x1c3: {  	[tilespmem:s29+$0xFFFFFF40] =	vst v3;
	v3 =	vld [tilespmem:s29+$0xFFFFFF50];
	_ =	sdelay $0x4  }
0x1c4: {  	v3 =	vmul.f32 v3, v54;
	_ =	sdelay $0x1  }
0x1c5: {  	[tilespmem:s29+$0xFFFFFF50] =	vst v3;
	v3 =	vld [tilespmem:s29+$0xFFFFFF60];
	_ =	sdelay $0x4  }
0x1c6: {  	v3 =	vmul.f32 v3, v54;
	_ =	sdelay $0x1  }
0x1c7: {  	[tilespmem:s29+$0xFFFFFF60] =	vst v3;
	v3 =	vld [tilespmem:s29+$0xFFFFFF70];
	_ =	sdelay $0x4  }
0x1c8: {  	v3 =	vmul.f32 v3, v54;
	_ =	sdelay $0x1  }
0x1c9: {  	[tilespmem:s29+$0xFFFFFF70] =	vst v3;
	v3 =	vld [tilespmem:s29+$0xFFFFFF80];
	_ =	sdelay $0x2  }
0x1ca: {  	v55 =	vbroadcast v2, $0x6;
	_ =	sdelay $0x1  }
0x1cb: {  	v3 =	vmul.f32 v3, v55;
	_ =	sdelay $0x1  }
0x1cc: {  	[tilespmem:s29+$0xFFFFFF80] =	vst v3;
	v3 =	vld [tilespmem:s29+$0xFFFFFF90];
	_ =	sdelay $0x4  }
0x1cd: {  	v3 =	vmul.f32 v3, v55;
	_ =	sdelay $0x1  }
0x1ce: {  	[tilespmem:s29+$0xFFFFFF90] =	vst v3;
	v3 =	vld [tilespmem:s29+$0xFFFFFFA0];
	_ =	sdelay $0x4  }
0x1cf: {  	v3 =	vmul.f32 v3, v55;
	_ =	sdelay $0x1  }
0x1d0: {  	[tilespmem:s29+$0xFFFFFFA0] =	vst v3;
	v3 =	vld [tilespmem:s29+$0xFFFFFFB0];
	_ =	sdelay $0x4  }
0x1d1: {  	v3 =	vmul.f32 v3, v55;
	_ =	sdelay $0x1  }
0x1d2: {  	[tilespmem:s29+$0xFFFFFFB0] =	vst v3;
	v3 =	vld [tilespmem:s29+$0xFFFFFFC0];
	_ =	sdelay $0x2  }
0x1d3: {  	v56 =	vbroadcast v2, $0x7;
	_ =	sdelay $0x1  }
0x1d4: {  	v3 =	vmul.f32 v3, v56;
	_ =	sdelay $0x1  }
0x1d5: {  	[tilespmem:s29+$0xFFFFFFC0] =	vst v3;
	v3 =	vld [tilespmem:s29+$0xFFFFFFD0];
	_ =	sdelay $0x4  }
0x1d6: {  	v3 =	vmul.f32 v3, v56;
	_ =	sdelay $0x1  }
0x1d7: {  	[tilespmem:s29+$0xFFFFFFD0] =	vst v3;
	v3 =	vld [tilespmem:s29+$0xFFFFFFE0];
	_ =	sdelay $0x4  }
0x1d8: {  	v3 =	vmul.f32 v3, v56;
	_ =	sdelay $0x1  }
0x1d9: {  	[tilespmem:s29+$0xFFFFFFE0] =	vst v3;
	v3 =	vld [tilespmem:s29+$0xFFFFFFF0];
	_ =	sdelay $0x4  }
0x1da: {  	v3 =	vmul.f32 v3, v56;
	_ =	sdelay $0x1  }
0x1db: {  	[tilespmem:s29+$0xFFFFFFF0] =	vst v3;
	v3 =	vld [tilespmem:s29+$0x0];
	_ =	sdelay $0x2  }
0x1dc: {  	v57 =	vbroadcast v2, $0x8;
	_ =	sdelay $0x1  }
0x1dd: {  	v3 =	vmul.f32 v3, v57;
	_ =	sdelay $0x1  }
0x1de: {  	[tilespmem:s29+$0x0] =	vst v3;
	v3 =	vld [tilespmem:s29+$0x10];
	_ =	sdelay $0x4  }
0x1df: {  	v3 =	vmul.f32 v3, v57;
	_ =	sdelay $0x1  }
0x1e0: {  	[tilespmem:s29+$0x10] =	vst v3;
	v3 =	vld [tilespmem:s29+$0x20];
	_ =	sdelay $0x4  }
0x1e1: {  	v3 =	vmul.f32 v3, v57;
	_ =	sdelay $0x1  }
0x1e2: {  	[tilespmem:s29+$0x20] =	vst v3;
	v3 =	vld [tilespmem:s29+$0x30];
	_ =	sdelay $0x4  }
0x1e3: {  	v3 =	vmul.f32 v3, v57;
	_ =	sdelay $0x1  }
0x1e4: {  	[tilespmem:s29+$0x30] =	vst v3;
	v3 =	vld [tilespmem:s29+$0x40];
	_ =	sdelay $0x2  }
0x1e5: {  	v58 =	vbroadcast v2, $0x9;
	_ =	sdelay $0x1  }
0x1e6: {  	v3 =	vmul.f32 v3, v58;
	_ =	sdelay $0x1  }
0x1e7: {  	[tilespmem:s29+$0x40] =	vst v3;
	v3 =	vld [tilespmem:s29+$0x50];
	_ =	sdelay $0x4  }
0x1e8: {  	v3 =	vmul.f32 v3, v58;
	_ =	sdelay $0x1  }
0x1e9: {  	[tilespmem:s29+$0x50] =	vst v3;
	v3 =	vld [tilespmem:s29+$0x60];
	_ =	sdelay $0x4  }
0x1ea: {  	v3 =	vmul.f32 v3, v58;
	_ =	sdelay $0x1  }
0x1eb: {  	[tilespmem:s29+$0x60] =	vst v3;
	v3 =	vld [tilespmem:s29+$0x70];
	_ =	sdelay $0x4  }
0x1ec: {  	v3 =	vmul.f32 v3, v58;
	_ =	sdelay $0x1  }
0x1ed: {  	[tilespmem:s29+$0x70] =	vst v3;
	v3 =	vld [tilespmem:s29+$0x80];
	_ =	sdelay $0x2  }
0x1ee: {  	v59 =	vbroadcast v2, $0xA;
	_ =	sdelay $0x1  }
0x1ef: {  	v3 =	vmul.f32 v3, v59;
	_ =	sdelay $0x1  }
0x1f0: {  	[tilespmem:s29+$0x80] =	vst v3;
	v3 =	vld [tilespmem:s29+$0x90];
	_ =	sdelay $0x4  }
0x1f1: {  	v3 =	vmul.f32 v3, v59;
	_ =	sdelay $0x1  }
0x1f2: {  	[tilespmem:s29+$0x90] =	vst v3;
	v3 =	vld [tilespmem:s29+$0xA0];
	_ =	sdelay $0x4  }
0x1f3: {  	v3 =	vmul.f32 v3, v59;
	_ =	sdelay $0x1  }
0x1f4: {  	[tilespmem:s29+$0xA0] =	vst v3;
	v3 =	vld [tilespmem:s29+$0xB0];
	_ =	sdelay $0x4  }
0x1f5: {  	v3 =	vmul.f32 v3, v59;
	_ =	sdelay $0x1  }
0x1f6: {  	[tilespmem:s29+$0xB0] =	vst v3;
	v3 =	vld [tilespmem:s29+$0xC0];
	_ =	sdelay $0x2  }
0x1f7: {  	v60 =	vbroadcast v2, $0xB;
	_ =	sdelay $0x1  }
0x1f8: {  	v3 =	vmul.f32 v3, v60;
	_ =	sdelay $0x1  }
0x1f9: {  	[tilespmem:s29+$0xC0] =	vst v3;
	v3 =	vld [tilespmem:s29+$0xD0];
	_ =	sdelay $0x4  }
0x1fa: {  	v3 =	vmul.f32 v3, v60;
	_ =	sdelay $0x1  }
0x1fb: {  	[tilespmem:s29+$0xD0] =	vst v3;
	v3 =	vld [tilespmem:s29+$0xE0];
	_ =	sdelay $0x4  }
0x1fc: {  	v3 =	vmul.f32 v3, v60;
	_ =	sdelay $0x1  }
0x1fd: {  	[tilespmem:s29+$0xE0] =	vst v3;
	v3 =	vld [tilespmem:s29+$0xF0];
	_ =	sdelay $0x4  }
0x1fe: {  	v3 =	vmul.f32 v3, v60;
	_ =	sdelay $0x1  }
0x1ff: {  	[tilespmem:s29+$0xF0] =	vst v3;
	v3 =	vld [tilespmem:s29+$0x100];
	_ =	sdelay $0x2  }
0x200: {  	v61 =	vbroadcast v2, $0xC;
	_ =	sdelay $0x1  }
0x201: {  	v3 =	vmul.f32 v3, v61;
	_ =	sdelay $0x1  }
0x202: {  	[tilespmem:s29+$0x100] =	vst v3;
	v3 =	vld [tilespmem:s29+$0x110];
	_ =	sdelay $0x4  }
0x203: {  	v3 =	vmul.f32 v3, v61;
	_ =	sdelay $0x1  }
0x204: {  	[tilespmem:s29+$0x110] =	vst v3;
	v3 =	vld [tilespmem:s29+$0x120];
	_ =	sdelay $0x4  }
0x205: {  	v3 =	vmul.f32 v3, v61;
	_ =	sdelay $0x1  }
0x206: {  	[tilespmem:s29+$0x120] =	vst v3;
	v3 =	vld [tilespmem:s29+$0x130];
	_ =	sdelay $0x4  }
0x207: {  	v3 =	vmul.f32 v3, v61;
	_ =	sdelay $0x1  }
0x208: {  	[tilespmem:s29+$0x130] =	vst v3;
	v3 =	vld [tilespmem:s29+$0x140];
	_ =	sdelay $0x2  }
0x209: {  	v62 =	vbroadcast v2, $0xD;
	_ =	sdelay $0x1  }
0x20a: {  	v3 =	vmul.f32 v3, v62;
	_ =	sdelay $0x1  }
0x20b: {  	[tilespmem:s29+$0x140] =	vst v3;
	v3 =	vld [tilespmem:s29+$0x150];
	_ =	sdelay $0x4  }
0x20c: {  	v3 =	vmul.f32 v3, v62;
	_ =	sdelay $0x1  }
0x20d: {  	[tilespmem:s29+$0x150] =	vst v3;
	v3 =	vld [tilespmem:s29+$0x160];
	_ =	sdelay $0x4  }
0x20e: {  	v3 =	vmul.f32 v3, v62;
	_ =	sdelay $0x1  }
0x20f: {  	[tilespmem:s29+$0x160] =	vst v3;
	v3 =	vld [tilespmem:s29+$0x170];
	_ =	sdelay $0x4  }
0x210: {  	v3 =	vmul.f32 v3, v62;
	_ =	sdelay $0x1  }
0x211: {  	[tilespmem:s29+$0x170] =	vst v3;
	v3 =	vld [tilespmem:s29+$0x180];
	_ =	sdelay $0x2  }
0x212: {  	v63 =	vbroadcast v2, $0xE;
	_ =	sdelay $0x1  }
0x213: {  	v3 =	vmul.f32 v3, v63;
	_ =	sdelay $0x1  }
0x214: {  	[tilespmem:s29+$0x180] =	vst v3;
	v3 =	vld [tilespmem:s29+$0x190];
	_ =	sdelay $0x4  }
0x215: {  	v3 =	vmul.f32 v3, v63;
	_ =	sdelay $0x1  }
0x216: {  	[tilespmem:s29+$0x190] =	vst v3;
	v3 =	vld [tilespmem:s29+$0x1A0];
	_ =	sdelay $0x4  }
0x217: {  	v3 =	vmul.f32 v3, v63;
	_ =	sdelay $0x1  }
0x218: {  	[tilespmem:s29+$0x1A0] =	vst v3;
	v3 =	vld [tilespmem:s29+$0x1B0];
	_ =	sdelay $0x4  }
0x219: {  	v3 =	vmul.f32 v3, v63;
	_ =	sdelay $0x1  }
0x21a: {  	[tilespmem:s29+$0x1B0] =	vst v3;
	v3 =	vld [tilespmem:s29+$0x1C0];
	_ =	sdelay $0x2  }
0x21b: {  	v2 =	vbroadcast v2, $0xF;
	_ =	sdelay $0x1  }
0x21c: {  	v3 =	vmul.f32 v3, v2;
	_ =	sdelay $0x1  }
0x21d: {  	[tilespmem:s29+$0x1C0] =	vst v3;
	v3 =	vld [tilespmem:s29+$0x1D0];
	_ =	sdelay $0x4  }
0x21e: {  	v3 =	vmul.f32 v3, v2;
	_ =	sdelay $0x1  }
0x21f: {  	[tilespmem:s29+$0x1D0] =	vst v3;
	v3 =	vld [tilespmem:s29+$0x1E0];
	_ =	sdelay $0x4  }
0x220: {  	v3 =	vmul.f32 v3, v2;
	_ =	sdelay $0x1  }
0x221: {  	[tilespmem:s29+$0x1E0] =	vst v3;
	v3 =	vld [tilespmem:s29+$0x1F0];
	_ =	sdelay $0x1  }
0x222: {  	p1 =	sne.s32 s26, $0x100  }
.Ltmp4:
0x223: {  	_ = 	snop;
	(pc) =	sbr.rel @p1 .LBB2_10-.Ltmp4, $3  }
0x224: {  	_ = 	snop  }
0x225: {  	v2 =	vmul.f32 v3, v2;
	_ =	sdelay $0x1  }
0x226: {  	s26 =	sadd.s32 $0x40, s26;
	[tilespmem:s29+$0x1F0] =	vst v2;
	s29 =	sadd.s32 $0x400, s29  }
0x227: {  	s2 =	simm.s32 $0x4EC0  }
0x228: {  	[spmem:s3] =	stream.indirect.scatter.add.f32 [tilespmem:s24], [sflag:$0x6], $0x40, s2, s19, $0xb8;
	[tilespmem:$0x1F6A0] =	vst v63  }
0x229: {  	_ =	swait.ge [sflag:s0], $0x1400  }
0x22a: {  	[sflag:s0] =	ssyncset.done $0x0  }
0x22b: {  	s23 =	simm.s32 $0x140;
	[sflag:s0] =	ssyncadd.s32 $0xFFFFEC00  }
0x22c: {  	[tilespmem:s21], [sflag:$0x2] =	stream.indirect.gather [hbm4b:s1+s19], $0x40, s23, s19, $0xb8;
	[tilespmem:$0x1F6A0] =	vst v63  }
0x22d: {  	_ =	swait.ge [sflag:s22], $0x1400  }
0x22e: {  	[sflag:s22] =	ssyncset.done $0x0  }
0x22f: {  	s18 =	simm.s32 $0x190;
	[sflag:s22] =	ssyncadd.s32 $0xFFFFEC00  }
0x230: {  	[tilespmem:s24], [sflag:$0x3] =	stream.indirect.gather [hbm4b:s1+s19], $0x40, s18, s19, $0xb8;
	[tilespmem:$0x1F6A0] =	vst v63  }
0x231: {  	_ =	swait.ge [sflag:s25], $0x1400  }
0x232: {  	[sflag:s25] =	ssyncset.done $0x0  }
0x233: {  	s26 =	simm.s32 $0x1E0;
	[sflag:s25] =	ssyncadd.s32 $0xFFFFEC00  }
0x234: {  	[tilespmem:s20], [sflag:$0x1] =	stream.indirect.gather [hbm4b:s1+s19], $0x40, s26, s19, $0xb8;
	[tilespmem:$0x1F6A0] =	vst v63  }
0x235: {  	_ =	swait.ge [sflag:s30], $0x1400  }
0x236: {  	[sflag:s30] =	ssyncset.done $0x0  }
0x237: {  	s29 =	simm.s32 $0x230;
	s26 =	simm.s32 $0xFFFED400;
	[sflag:s30] =	ssyncadd.s32 $0xFFFFEC00  }
.LBB2_12:
0x238: {  	[tilespmem:s21], [sflag:$0x2] =	stream.indirect.gather [hbm4b:s1+s19], $0x40, s29, s19, $0xb8;
	[tilespmem:$0x1F6A0] =	vst v63  }
0x239: {  	s18 =	smov.u32 s26  }
0x23a: {  	p1 =	sne.s32 s26, $0xFFFFFC40;
	s26 =	sadd.s32 $0x3C0, s26;
	_ =	swait.ge [sflag:s22], $0x1400  }
0x23b: {  	s18 =	sshra.s32 s18, $0x2;
	[sflag:s22] =	ssyncset.done $0x0  }
0x23c: {  	s29 =	sadd.s32 $0x4D80, s18;
	[sflag:s22] =	ssyncadd.s32 $0xFFFFEC00  }
0x23d: {  	[tilespmem:s24], [sflag:$0x3] =	stream.indirect.gather [hbm4b:s1+s19], $0x40, s29, s19, $0xb8;
	[tilespmem:$0x1F6A0] =	vst v63  }
0x23e: {  	_ =	swait.ge [sflag:s25], $0x1400  }
0x23f: {  	[sflag:s25] =	ssyncset.done $0x0  }
.Ltmp5:
0x240: {  	s29 =	sadd.s32 $0x4DD0, s18;
	[sflag:s25] =	ssyncadd.s32 $0xFFFFEC00;
	(pc) =	sbr.rel @p1 .LBB2_12-.Ltmp5, $4  }
0x241: {  	[tilespmem:s20], [sflag:$0x1] =	stream.indirect.gather [hbm4b:s1+s19], $0x40, s29, s19, $0xb8;
	[tilespmem:$0x1F6A0] =	vst v63  }
0x242: {  	_ =	swait.ge [sflag:s30], $0x1400  }
0x243: {  	[sflag:s30] =	ssyncset.done $0x0  }
0x244: {  	s29 =	sadd.s32 $0x4E20, s18;
	[sflag:s30] =	ssyncadd.s32 $0xFFFFEC00  }
0x245: {  	[tilespmem:s21], [sflag:$0x2] =	stream.indirect.gather [hbm4b:s1+s19], $0x40, s29, s19, $0xb8;
	[tilespmem:$0x1F6A0] =	vst v63  }
0x246: {  	_ =	swait.ge [sflag:s22], $0x1400  }
0x247: {  	[sflag:s22] =	ssyncset.done $0x0  }
0x248: {  	s2 =	simm.s32 $0x4D80;
	[sflag:s22] =	ssyncadd.s32 $0xFFFFEC00  }
0x249: {  	[tilespmem:s24], [sflag:$0x3] =	stream.indirect.gather [hbm4b:s1+s19], $0x40, s2, s19, $0xb8;
	[tilespmem:$0x1F6A0] =	vst v63  }
0x24a: {  	_ =	swait.ge [sflag:s25], $0x1400  }
0x24b: {  	[sflag:s25] =	ssyncset.done $0x0  }
0x24c: {  	s26 =	simm.s32 $0x4DD0;
	[sflag:s25] =	ssyncadd.s32 $0xFFFFEC00  }
0x24d: {  	[tilespmem:s20], [sflag:$0x1] =	stream.indirect.gather [hbm4b:s1+s19], $0x40, s26, s19, $0xb8;
	[tilespmem:$0x1F6A0] =	vst v63  }
0x24e: {  	_ =	swait.ge [sflag:s30], $0x1400  }
0x24f: {  	[sflag:s30] =	ssyncset.done $0x0  }
0x250: {  	[sflag:s30] =	ssyncadd.s32 $0xFFFFEC00  }
0x251: {  	_ =	swait.ge [sflag:s22], $0x1400  }
0x252: {  	[sflag:s22] =	ssyncset.done $0x0  }
0x253: {  	s29 =	simm.s32 $0x1BCA0;
	s26 =	simm.s32 $0x0;
	[sflag:s22] =	ssyncadd.s32 $0xFFFFEC00  }
.LBB2_14:
0x254: {  	s18 =	sshra.s32 s26, $0x2  }
0x255: {  	v2 =	vld [tilespmem:s18+$0xEA10];
	_ =	sdelay $0x1  }
0x256: {  	v3 =	vld [tilespmem:s29+$0xFFFFFE00];
	_ =	sdelay $0x2  }
0x257: {  	v4 =	vbroadcast v2, $0x0;
	_ =	sdelay $0x1  }
0x258: {  	v3 =	vmul.f32 v4, v3;
	_ =	sdelay $0x1  }
0x259: {  	[tilespmem:s29+$0xFFFFFE00] =	vst v3;
	v3 =	vld [tilespmem:s29+$0xFFFFFE10];
	_ =	sdelay $0x4  }
0x25a: {  	v3 =	vmul.f32 v3, v4;
	_ =	sdelay $0x1  }
0x25b: {  	[tilespmem:s29+$0xFFFFFE10] =	vst v3;
	v3 =	vld [tilespmem:s29+$0xFFFFFE20];
	_ =	sdelay $0x4  }
0x25c: {  	v3 =	vmul.f32 v3, v4;
	_ =	sdelay $0x1  }
0x25d: {  	[tilespmem:s29+$0xFFFFFE20] =	vst v3;
	v3 =	vld [tilespmem:s29+$0xFFFFFE30];
	_ =	sdelay $0x4  }
0x25e: {  	v3 =	vmul.f32 v3, v4;
	_ =	sdelay $0x1  }
0x25f: {  	[tilespmem:s29+$0xFFFFFE30] =	vst v3;
	v3 =	vld [tilespmem:s29+$0xFFFFFE40];
	_ =	sdelay $0x2  }
0x260: {  	v50 =	vbroadcast v2, $0x1;
	_ =	sdelay $0x1  }
0x261: {  	v3 =	vmul.f32 v3, v50;
	_ =	sdelay $0x1  }
0x262: {  	[tilespmem:s29+$0xFFFFFE40] =	vst v3;
	v3 =	vld [tilespmem:s29+$0xFFFFFE50];
	_ =	sdelay $0x4  }
0x263: {  	v3 =	vmul.f32 v3, v50;
	_ =	sdelay $0x1  }
0x264: {  	[tilespmem:s29+$0xFFFFFE50] =	vst v3;
	v3 =	vld [tilespmem:s29+$0xFFFFFE60];
	_ =	sdelay $0x4  }
0x265: {  	v3 =	vmul.f32 v3, v50;
	_ =	sdelay $0x1  }
0x266: {  	[tilespmem:s29+$0xFFFFFE60] =	vst v3;
	v3 =	vld [tilespmem:s29+$0xFFFFFE70];
	_ =	sdelay $0x4  }
0x267: {  	v3 =	vmul.f32 v3, v50;
	_ =	sdelay $0x1  }
0x268: {  	[tilespmem:s29+$0xFFFFFE70] =	vst v3;
	v3 =	vld [tilespmem:s29+$0xFFFFFE80];
	_ =	sdelay $0x2  }
0x269: {  	v51 =	vbroadcast v2, $0x2;
	_ =	sdelay $0x1  }
0x26a: {  	v3 =	vmul.f32 v3, v51;
	_ =	sdelay $0x1  }
0x26b: {  	[tilespmem:s29+$0xFFFFFE80] =	vst v3;
	v3 =	vld [tilespmem:s29+$0xFFFFFE90];
	_ =	sdelay $0x4  }
0x26c: {  	v3 =	vmul.f32 v3, v51;
	_ =	sdelay $0x1  }
0x26d: {  	[tilespmem:s29+$0xFFFFFE90] =	vst v3;
	v3 =	vld [tilespmem:s29+$0xFFFFFEA0];
	_ =	sdelay $0x4  }
0x26e: {  	v3 =	vmul.f32 v3, v51;
	_ =	sdelay $0x1  }
0x26f: {  	[tilespmem:s29+$0xFFFFFEA0] =	vst v3;
	v3 =	vld [tilespmem:s29+$0xFFFFFEB0];
	_ =	sdelay $0x4  }
0x270: {  	v3 =	vmul.f32 v3, v51;
	_ =	sdelay $0x1  }
0x271: {  	[tilespmem:s29+$0xFFFFFEB0] =	vst v3;
	v3 =	vld [tilespmem:s29+$0xFFFFFEC0];
	_ =	sdelay $0x2  }
0x272: {  	v52 =	vbroadcast v2, $0x3;
	_ =	sdelay $0x1  }
0x273: {  	v3 =	vmul.f32 v3, v52;
	_ =	sdelay $0x1  }
0x274: {  	[tilespmem:s29+$0xFFFFFEC0] =	vst v3;
	v3 =	vld [tilespmem:s29+$0xFFFFFED0];
	_ =	sdelay $0x4  }
0x275: {  	v3 =	vmul.f32 v3, v52;
	_ =	sdelay $0x1  }
0x276: {  	[tilespmem:s29+$0xFFFFFED0] =	vst v3;
	v3 =	vld [tilespmem:s29+$0xFFFFFEE0];
	_ =	sdelay $0x4  }
0x277: {  	v3 =	vmul.f32 v3, v52;
	_ =	sdelay $0x1  }
0x278: {  	[tilespmem:s29+$0xFFFFFEE0] =	vst v3;
	v3 =	vld [tilespmem:s29+$0xFFFFFEF0];
	_ =	sdelay $0x4  }
0x279: {  	v3 =	vmul.f32 v3, v52;
	_ =	sdelay $0x1  }
0x27a: {  	[tilespmem:s29+$0xFFFFFEF0] =	vst v3;
	v3 =	vld [tilespmem:s29+$0xFFFFFF00];
	_ =	sdelay $0x2  }
0x27b: {  	v53 =	vbroadcast v2, $0x4;
	_ =	sdelay $0x1  }
0x27c: {  	v3 =	vmul.f32 v3, v53;
	_ =	sdelay $0x1  }
0x27d: {  	[tilespmem:s29+$0xFFFFFF00] =	vst v3;
	v3 =	vld [tilespmem:s29+$0xFFFFFF10];
	_ =	sdelay $0x4  }
0x27e: {  	v3 =	vmul.f32 v3, v53;
	_ =	sdelay $0x1  }
0x27f: {  	[tilespmem:s29+$0xFFFFFF10] =	vst v3;
	v3 =	vld [tilespmem:s29+$0xFFFFFF20];
	_ =	sdelay $0x4  }
0x280: {  	v3 =	vmul.f32 v3, v53;
	_ =	sdelay $0x1  }
0x281: {  	[tilespmem:s29+$0xFFFFFF20] =	vst v3;
	v3 =	vld [tilespmem:s29+$0xFFFFFF30];
	_ =	sdelay $0x4  }
0x282: {  	v3 =	vmul.f32 v3, v53;
	_ =	sdelay $0x1  }
0x283: {  	[tilespmem:s29+$0xFFFFFF30] =	vst v3;
	v3 =	vld [tilespmem:s29+$0xFFFFFF40];
	_ =	sdelay $0x2  }
0x284: {  	v54 =	vbroadcast v2, $0x5;
	_ =	sdelay $0x1  }
0x285: {  	v3 =	vmul.f32 v3, v54;
	_ =	sdelay $0x1  }
0x286: {  	[tilespmem:s29+$0xFFFFFF40] =	vst v3;
	v3 =	vld [tilespmem:s29+$0xFFFFFF50];
	_ =	sdelay $0x4  }
0x287: {  	v3 =	vmul.f32 v3, v54;
	_ =	sdelay $0x1  }
0x288: {  	[tilespmem:s29+$0xFFFFFF50] =	vst v3;
	v3 =	vld [tilespmem:s29+$0xFFFFFF60];
	_ =	sdelay $0x4  }
0x289: {  	v3 =	vmul.f32 v3, v54;
	_ =	sdelay $0x1  }
0x28a: {  	[tilespmem:s29+$0xFFFFFF60] =	vst v3;
	v3 =	vld [tilespmem:s29+$0xFFFFFF70];
	_ =	sdelay $0x4  }
0x28b: {  	v3 =	vmul.f32 v3, v54;
	_ =	sdelay $0x1  }
0x28c: {  	[tilespmem:s29+$0xFFFFFF70] =	vst v3;
	v3 =	vld [tilespmem:s29+$0xFFFFFF80];
	_ =	sdelay $0x2  }
0x28d: {  	v55 =	vbroadcast v2, $0x6;
	_ =	sdelay $0x1  }
0x28e: {  	v3 =	vmul.f32 v3, v55;
	_ =	sdelay $0x1  }
0x28f: {  	[tilespmem:s29+$0xFFFFFF80] =	vst v3;
	v3 =	vld [tilespmem:s29+$0xFFFFFF90];
	_ =	sdelay $0x4  }
0x290: {  	v3 =	vmul.f32 v3, v55;
	_ =	sdelay $0x1  }
0x291: {  	[tilespmem:s29+$0xFFFFFF90] =	vst v3;
	v3 =	vld [tilespmem:s29+$0xFFFFFFA0];
	_ =	sdelay $0x4  }
0x292: {  	v3 =	vmul.f32 v3, v55;
	_ =	sdelay $0x1  }
0x293: {  	[tilespmem:s29+$0xFFFFFFA0] =	vst v3;
	v3 =	vld [tilespmem:s29+$0xFFFFFFB0];
	_ =	sdelay $0x4  }
0x294: {  	v3 =	vmul.f32 v3, v55;
	_ =	sdelay $0x1  }
0x295: {  	[tilespmem:s29+$0xFFFFFFB0] =	vst v3;
	v3 =	vld [tilespmem:s29+$0xFFFFFFC0];
	_ =	sdelay $0x2  }
0x296: {  	v56 =	vbroadcast v2, $0x7;
	_ =	sdelay $0x1  }
0x297: {  	v3 =	vmul.f32 v3, v56;
	_ =	sdelay $0x1  }
0x298: {  	[tilespmem:s29+$0xFFFFFFC0] =	vst v3;
	v3 =	vld [tilespmem:s29+$0xFFFFFFD0];
	_ =	sdelay $0x4  }
0x299: {  	v3 =	vmul.f32 v3, v56;
	_ =	sdelay $0x1  }
0x29a: {  	[tilespmem:s29+$0xFFFFFFD0] =	vst v3;
	v3 =	vld [tilespmem:s29+$0xFFFFFFE0];
	_ =	sdelay $0x4  }
0x29b: {  	v3 =	vmul.f32 v3, v56;
	_ =	sdelay $0x1  }
0x29c: {  	[tilespmem:s29+$0xFFFFFFE0] =	vst v3;
	v3 =	vld [tilespmem:s29+$0xFFFFFFF0];
	_ =	sdelay $0x4  }
0x29d: {  	v3 =	vmul.f32 v3, v56;
	_ =	sdelay $0x1  }
0x29e: {  	[tilespmem:s29+$0xFFFFFFF0] =	vst v3;
	v3 =	vld [tilespmem:s29+$0x0];
	_ =	sdelay $0x2  }
0x29f: {  	v57 =	vbroadcast v2, $0x8;
	_ =	sdelay $0x1  }
0x2a0: {  	v3 =	vmul.f32 v3, v57;
	_ =	sdelay $0x1  }
0x2a1: {  	[tilespmem:s29+$0x0] =	vst v3;
	v3 =	vld [tilespmem:s29+$0x10];
	_ =	sdelay $0x4  }
0x2a2: {  	v3 =	vmul.f32 v3, v57;
	_ =	sdelay $0x1  }
0x2a3: {  	[tilespmem:s29+$0x10] =	vst v3;
	v3 =	vld [tilespmem:s29+$0x20];
	_ =	sdelay $0x4  }
0x2a4: {  	v3 =	vmul.f32 v3, v57;
	_ =	sdelay $0x1  }
0x2a5: {  	[tilespmem:s29+$0x20] =	vst v3;
	v3 =	vld [tilespmem:s29+$0x30];
	_ =	sdelay $0x4  }
0x2a6: {  	v3 =	vmul.f32 v3, v57;
	_ =	sdelay $0x1  }
0x2a7: {  	[tilespmem:s29+$0x30] =	vst v3;
	v3 =	vld [tilespmem:s29+$0x40];
	_ =	sdelay $0x2  }
0x2a8: {  	v58 =	vbroadcast v2, $0x9;
	_ =	sdelay $0x1  }
0x2a9: {  	v3 =	vmul.f32 v3, v58;
	_ =	sdelay $0x1  }
0x2aa: {  	[tilespmem:s29+$0x40] =	vst v3;
	v3 =	vld [tilespmem:s29+$0x50];
	_ =	sdelay $0x4  }
0x2ab: {  	v3 =	vmul.f32 v3, v58;
	_ =	sdelay $0x1  }
0x2ac: {  	[tilespmem:s29+$0x50] =	vst v3;
	v3 =	vld [tilespmem:s29+$0x60];
	_ =	sdelay $0x4  }
0x2ad: {  	v3 =	vmul.f32 v3, v58;
	_ =	sdelay $0x1  }
0x2ae: {  	[tilespmem:s29+$0x60] =	vst v3;
	v3 =	vld [tilespmem:s29+$0x70];
	_ =	sdelay $0x4  }
0x2af: {  	v3 =	vmul.f32 v3, v58;
	_ =	sdelay $0x1  }
0x2b0: {  	[tilespmem:s29+$0x70] =	vst v3;
	v3 =	vld [tilespmem:s29+$0x80];
	_ =	sdelay $0x2  }
0x2b1: {  	v59 =	vbroadcast v2, $0xA;
	_ =	sdelay $0x1  }
0x2b2: {  	v3 =	vmul.f32 v3, v59;
	_ =	sdelay $0x1  }
0x2b3: {  	[tilespmem:s29+$0x80] =	vst v3;
	v3 =	vld [tilespmem:s29+$0x90];
	_ =	sdelay $0x4  }
0x2b4: {  	v3 =	vmul.f32 v3, v59;
	_ =	sdelay $0x1  }
0x2b5: {  	[tilespmem:s29+$0x90] =	vst v3;
	v3 =	vld [tilespmem:s29+$0xA0];
	_ =	sdelay $0x4  }
0x2b6: {  	v3 =	vmul.f32 v3, v59;
	_ =	sdelay $0x1  }
0x2b7: {  	[tilespmem:s29+$0xA0] =	vst v3;
	v3 =	vld [tilespmem:s29+$0xB0];
	_ =	sdelay $0x4  }
0x2b8: {  	v3 =	vmul.f32 v3, v59;
	_ =	sdelay $0x1  }
0x2b9: {  	[tilespmem:s29+$0xB0] =	vst v3;
	v3 =	vld [tilespmem:s29+$0xC0];
	_ =	sdelay $0x2  }
0x2ba: {  	v60 =	vbroadcast v2, $0xB;
	_ =	sdelay $0x1  }
0x2bb: {  	v3 =	vmul.f32 v3, v60;
	_ =	sdelay $0x1  }
0x2bc: {  	[tilespmem:s29+$0xC0] =	vst v3;
	v3 =	vld [tilespmem:s29+$0xD0];
	_ =	sdelay $0x4  }
0x2bd: {  	v3 =	vmul.f32 v3, v60;
	_ =	sdelay $0x1  }
0x2be: {  	[tilespmem:s29+$0xD0] =	vst v3;
	v3 =	vld [tilespmem:s29+$0xE0];
	_ =	sdelay $0x4  }
0x2bf: {  	v3 =	vmul.f32 v3, v60;
	_ =	sdelay $0x1  }
0x2c0: {  	[tilespmem:s29+$0xE0] =	vst v3;
	v3 =	vld [tilespmem:s29+$0xF0];
	_ =	sdelay $0x4  }
0x2c1: {  	v3 =	vmul.f32 v3, v60;
	_ =	sdelay $0x1  }
0x2c2: {  	[tilespmem:s29+$0xF0] =	vst v3;
	v3 =	vld [tilespmem:s29+$0x100];
	_ =	sdelay $0x2  }
0x2c3: {  	v61 =	vbroadcast v2, $0xC;
	_ =	sdelay $0x1  }
0x2c4: {  	v3 =	vmul.f32 v3, v61;
	_ =	sdelay $0x1  }
0x2c5: {  	[tilespmem:s29+$0x100] =	vst v3;
	v3 =	vld [tilespmem:s29+$0x110];
	_ =	sdelay $0x4  }
0x2c6: {  	v3 =	vmul.f32 v3, v61;
	_ =	sdelay $0x1  }
0x2c7: {  	[tilespmem:s29+$0x110] =	vst v3;
	v3 =	vld [tilespmem:s29+$0x120];
	_ =	sdelay $0x4  }
0x2c8: {  	v3 =	vmul.f32 v3, v61;
	_ =	sdelay $0x1  }
0x2c9: {  	[tilespmem:s29+$0x120] =	vst v3;
	v3 =	vld [tilespmem:s29+$0x130];
	_ =	sdelay $0x4  }
0x2ca: {  	v3 =	vmul.f32 v3, v61;
	_ =	sdelay $0x1  }
0x2cb: {  	[tilespmem:s29+$0x130] =	vst v3;
	v3 =	vld [tilespmem:s29+$0x140];
	_ =	sdelay $0x2  }
0x2cc: {  	v62 =	vbroadcast v2, $0xD;
	_ =	sdelay $0x1  }
0x2cd: {  	v3 =	vmul.f32 v3, v62;
	_ =	sdelay $0x1  }
0x2ce: {  	[tilespmem:s29+$0x140] =	vst v3;
	v3 =	vld [tilespmem:s29+$0x150];
	_ =	sdelay $0x4  }
0x2cf: {  	v3 =	vmul.f32 v3, v62;
	_ =	sdelay $0x1  }
0x2d0: {  	[tilespmem:s29+$0x150] =	vst v3;
	v3 =	vld [tilespmem:s29+$0x160];
	_ =	sdelay $0x4  }
0x2d1: {  	v3 =	vmul.f32 v3, v62;
	_ =	sdelay $0x1  }
0x2d2: {  	[tilespmem:s29+$0x160] =	vst v3;
	v3 =	vld [tilespmem:s29+$0x170];
	_ =	sdelay $0x4  }
0x2d3: {  	v3 =	vmul.f32 v3, v62;
	_ =	sdelay $0x1  }
0x2d4: {  	[tilespmem:s29+$0x170] =	vst v3;
	v3 =	vld [tilespmem:s29+$0x180];
	_ =	sdelay $0x2  }
0x2d5: {  	v63 =	vbroadcast v2, $0xE;
	_ =	sdelay $0x1  }
0x2d6: {  	v3 =	vmul.f32 v3, v63;
	_ =	sdelay $0x1  }
0x2d7: {  	[tilespmem:s29+$0x180] =	vst v3;
	v3 =	vld [tilespmem:s29+$0x190];
	_ =	sdelay $0x4  }
0x2d8: {  	v3 =	vmul.f32 v3, v63;
	_ =	sdelay $0x1  }
0x2d9: {  	[tilespmem:s29+$0x190] =	vst v3;
	v3 =	vld [tilespmem:s29+$0x1A0];
	_ =	sdelay $0x4  }
0x2da: {  	v3 =	vmul.f32 v3, v63;
	_ =	sdelay $0x1  }
0x2db: {  	[tilespmem:s29+$0x1A0] =	vst v3;
	v3 =	vld [tilespmem:s29+$0x1B0];
	_ =	sdelay $0x4  }
0x2dc: {  	v3 =	vmul.f32 v3, v63;
	_ =	sdelay $0x1  }
0x2dd: {  	[tilespmem:s29+$0x1B0] =	vst v3;
	v3 =	vld [tilespmem:s29+$0x1C0];
	_ =	sdelay $0x2  }
0x2de: {  	v2 =	vbroadcast v2, $0xF;
	_ =	sdelay $0x1  }
0x2df: {  	v3 =	vmul.f32 v3, v2;
	_ =	sdelay $0x1  }
0x2e0: {  	[tilespmem:s29+$0x1C0] =	vst v3;
	v3 =	vld [tilespmem:s29+$0x1D0];
	_ =	sdelay $0x4  }
0x2e1: {  	v3 =	vmul.f32 v3, v2;
	_ =	sdelay $0x1  }
0x2e2: {  	[tilespmem:s29+$0x1D0] =	vst v3;
	v3 =	vld [tilespmem:s29+$0x1E0];
	_ =	sdelay $0x4  }
0x2e3: {  	v3 =	vmul.f32 v3, v2;
	_ =	sdelay $0x1  }
0x2e4: {  	[tilespmem:s29+$0x1E0] =	vst v3;
	v3 =	vld [tilespmem:s29+$0x1F0];
	_ =	sdelay $0x1  }
0x2e5: {  	p1 =	sne.s32 s26, $0x100  }
.Ltmp6:
0x2e6: {  	_ = 	snop;
	(pc) =	sbr.rel @p1 .LBB2_14-.Ltmp6, $3  }
0x2e7: {  	_ = 	snop  }
0x2e8: {  	v2 =	vmul.f32 v3, v2;
	_ =	sdelay $0x1  }
0x2e9: {  	s26 =	sadd.s32 $0x40, s26;
	[tilespmem:s29+$0x1F0] =	vst v2;
	s29 =	sadd.s32 $0x400, s29  }
0x2ea: {  	s2 =	simm.s32 $0x9BF0  }
0x2eb: {  	[spmem:s3] =	stream.indirect.scatter.add.f32 [tilespmem:s20], [sflag:$0x4], $0x40, s2, s19, $0xb8;
	[tilespmem:$0x1F6A0] =	vst v63  }
0x2ec: {  	_ =	swait.ge [sflag:s31], $0x1400  }
0x2ed: {  	[sflag:s31] =	ssyncset.done $0x0  }
0x2ee: {  	[sflag:s31] =	ssyncadd.s32 $0xFFFFEC00  }
0x2ef: {  	_ =	swait.ge [sflag:s28], $0x1400  }
0x2f0: {  	s26 =	stileid.u32;
	s29 =	simm.s32 $0x10;
	[sflag:s28] =	ssyncset.done $0x0  }
0x2f1: {  	s23 =	simm.s32 $0x8;
	s18 =	sshll.u32 s26, $0x6;
	[sflag:s28] =	ssyncadd.s32 $0xFFFFEC00  }
0x2f2: {  	s26 =	sshrl.u32 s5, $0x3;
	s18 =	sor.u32 $0x1C07, s18;
	[bflag:$0x0] =	sbarrier.arrive $0xFFFF  }
0x2f3: {  	[hbm:s12@s29], [sflag:s18] =	dma.strided [spmem:s26@s23], $0x1380, s22, $0x8   }
0x2f4: {  	s4 =	sadd.s32 $0x1, s4;
	s2 =	simm.s32 @!p0 $0x8;
	_ =	swait.ge [sflag:s16], $0x1380  }
0x2f5: {  	p1 =	sne.s32 s4, s14;
	s26 =	sshrl.u32 @!p0 s8, $0x3;
	[sflag:s16] =	ssyncset.done $0x0  }
0x2f6: {  	s29 =	simm.s32 @!p0 $0x1;
	s23 =	simm.s32 @!p0 $0x10;
	[sflag:s16] =	ssyncadd.s32 $0xFFFFEC80  }
0x2f7: {  	[hbm:s13@s23], [sflag:s18] =	dma.strided @!p0 [spmem:s26@s2], $0x80, s29, $0x8   }
.Ltmp7:
0x2f8: {  	_ = 	snop;
	(pc) =	sbr.rel @p1 .LBB2_1-.Ltmp7, $4  }
0x2f9: {  	s2 =	simm.s32 @!p0 $0x7  }
0x2fa: {  	_ =	swait.ge @!p0 [sflag:s2], $0x80  }
0x2fb: {  	[sflag:s2] =	ssyncset.done @!p0 $0x0  }
0x2fc: {  	[sflag:s2] =	ssyncadd.s32 @!p0 $0xFFFFFF80  }
0x2fd: {  	_ =	sfence.sel $0x180000  }
0x2fe: {  	[bflag:$0x0] =	sbarrier.arrive $0xFFFF  }
0x2ff: {  	_ =	strace $0x90000047  }
0x300: {  	s0 =	stileid.u32;
	[bflag:$0x2] =	sbarrier.arrive $0xFFFF  }
0x301: {  	p0 =	sne.s32 s0, $0x0;
	s0 =	rddreg [dreg:$0x5]  }
0x302: {  	s0 =	sadd.s32 @!p0 $0x100000, s0  }
0x303: {  	[sflag:s0] =	ssyncadd.tile.s32 @!p0 $0x1;
	_ =	shalt  }
.Lfunc_end2:
_tile_overlayer_lowered:
.L_overlay_start_2:
0x304: {  	(tag) =	ssettag $0x2  }
0x305: {  	s0 =	rddreg [dreg:$0x0];
	s2 =	stileid.u32  }
0x306: {  	s1 =	rddreg [dreg:$0x1];
	p0 =	sne.s32 s2, $0x0  }
0x307: {  	s3 =	rddreg [dreg:$0x2];
	[bflag:$0x3] =	sbarrier.arrive $0xFFFF;
	s2 =	simm.s32 @!p0 $0x1C07  }
0x308: {  	[timem:s3], [sflag:s2] =	dma.local @!p0 [hbm:s0], s1  }
0x309: {  	s0 =	simm.s32 @!p0 $0x7  }
0x30a: {  	_ =	swait.ge @!p0 [sflag:s0], s1  }
0x30b: {  	s1 =	ssub.s32 @!p0 $0x0, s1;
	[sflag:s0] =	ssyncset.done @!p0 $0x0  }
0x30c: {  	[sflag:s0] =	ssyncadd.s32 @!p0 s1  }
0x30d: {  	[bflag:$0x3] =	sbarrier.arrive $0xFFFF  }
0x30e: {  	_ =	shalt  }

</sc_bundles>
